<compile_context>
chip_gen: v7x
topology: tpu7x:2x2x1
jax: 0.10.2.dev20260603
libtpu: 0.0.44.dev20260713+nightly
codegen_flags: <defaults>
</compile_context>

<pallas_src>
import jax
import jax.numpy as jnp
from jax import lax
from jax.experimental import pallas as pl
from jax.experimental.pallas import tpu as pltpu
from jax.experimental.pallas import tpu_sc as plsc

_NUM_EMBEDDINGS = 1000000
_DIM = 64
_BATCH = 16384
_HIST = 50

_B = _BATCH * _HIST
_NC = 2
_NS = 16
_NW = _NC * _NS
_BPW = _B // _NW
_CB = 8
_C = _CB * _HIST
_NBUF = 4
_NCHUNKS = _BPW // _C
_ROUNDS = _NCHUNKS // _NBUF


def _gather_body(x_hbm, table_hbm, out3_hbm, idx_all,
                 rows0, rows1, rows2, rows3,
                 g0, g1, g2, g3, o0, o1, o2, o3):
    rows = (rows0, rows1, rows2, rows3)
    gsem = (g0, g1, g2, g3)
    osem = (o0, o1, o2, o3)
    wid = lax.axis_index("s") * _NC + lax.axis_index("c")
    base = wid * _BPW
    bbase = wid * (_BPW // _HIST)

    pltpu.sync_copy(x_hbm.at[pl.ds(base, _BPW)], idx_all)

    def start_gather(i, b):
        pltpu.async_copy(table_hbm.at[idx_all.at[pl.ds(i * _C, _C)]],
                         rows[b], gsem[b])

    def wait_gather(i, b):
        pltpu.make_async_copy(table_hbm.at[idx_all.at[pl.ds(i * _C, _C)]],
                              rows[b], gsem[b]).wait()

    def start_wb(i, b):
        for k in range(_CB):
            pltpu.async_copy(rows[b].at[pl.ds(k * _HIST, _HIST)],
                             out3_hbm.at[bbase + i * _CB + k],
                             osem[b])

    def wait_wb(b):
        for k in range(_CB):
            pltpu.make_async_copy(rows[b].at[pl.ds(k * _HIST, _HIST)],
                                  out3_hbm.at[bbase + k],
                                  osem[b]).wait()

    for b in range(_NBUF - 1):
        start_gather(b, b)

    for b in range(_NBUF):
        wait_gather(b, b)
        start_wb(b, b)
        b2 = (b + _NBUF - 1) % _NBUF
        if b == 0:
            start_gather(_NBUF - 1, b2)
        else:
            wait_wb(b2)
            start_gather(b + _NBUF - 1, b2)

    def round_body(r, carry):
        i0 = r * _NBUF
        for b in range(_NBUF):
            i = i0 + b
            wait_gather(i, b)
            start_wb(i, b)
            b2 = (b + _NBUF - 1) % _NBUF
            ip = i + _NBUF - 1

            @pl.when(ip < _NCHUNKS)
            def _():
                wait_wb(b2)
                start_gather(ip, b2)

        return carry

    lax.fori_loop(1, _ROUNDS, round_body, 0)

    for b in range(_NBUF):
        wait_wb(b)


@jax.jit
def kernel(x, weight):
    xf = x.reshape(-1).astype(jnp.int32)
    mesh = plsc.VectorSubcoreMesh(core_axis_name="c", subcore_axis_name="s")
    out = pl.kernel(
        _gather_body,
        out_type=jax.ShapeDtypeStruct((_BATCH, _HIST, _DIM), jnp.float32),
        mesh=mesh,
        scratch_types=[
            pltpu.VMEM((_BPW,), jnp.int32),
            pltpu.VMEM((_C, _DIM), jnp.float32),
            pltpu.VMEM((_C, _DIM), jnp.float32),
            pltpu.VMEM((_C, _DIM), jnp.float32),
            pltpu.VMEM((_C, _DIM), jnp.float32),
            pltpu.SemaphoreType.DMA,
            pltpu.SemaphoreType.DMA,
            pltpu.SemaphoreType.DMA,
            pltpu.SemaphoreType.DMA,
            pltpu.SemaphoreType.DMA,
            pltpu.SemaphoreType.DMA,
            pltpu.SemaphoreType.DMA,
            pltpu.SemaphoreType.DMA,
        ],
        compiler_params=pltpu.CompilerParams(use_tc_tiling_on_sc=False),
    )(xf, weight)
    return out

# --- scband reference (transcript-rebuilt; emitter-appended) ---
"""Pipeline reference for scband-embedding-27650999451942 (READ-ONLY COPY).

The authoritative reference and input builder live on the scoring server;
editing this copy changes nothing except your own understanding.
"""

import jax, jax.numpy as jnp
import numpy as np

NUM_EMBEDDINGS = 1000000
EMBEDDING_DIM = 64
BATCH = 16384
HIST_LEN = 50

def setup_inputs(seed: int = 0) -> dict:
    key = jax.random.key(seed)
    k1, k2 = jax.random.split(key)
    x = jax.random.randint(k1, (BATCH, HIST_LEN), 0, NUM_EMBEDDINGS, dtype=jnp.int64 if jax.config.jax_enable_x64 else jnp.int32)
    weight = jax.random.normal(k2, (NUM_EMBEDDINGS, EMBEDDING_DIM), dtype=jnp.float32) * 0.02
    return {"x": x, "weight": weight}

def reference(x, weight):
    # inputs_embeds = self.weight.data[x]
    inputs_embeds = jnp.take(weight, x, axis=0)
    return inputs_embeds

if __name__ == "__main__":
    import jax
    _d = setup_inputs()
    print(jax.jit(kernel)(*tuple(_d.values())))

</pallas_src>

<mosaic_0001>
#map = affine_map<(d0, d1) -> (0)>
#map1 = affine_map<(d0, d1) -> (0, 0)>
#map2 = affine_map<(d0, d1) -> (0, 0, 0)>
module attributes {stable_mosaic.version = 14 : i64} {
  func.func @_gather_body(%arg0: i32, %arg1: i32, %arg2: memref<819200xi32, #tpu.memory_space<hbm>>, %arg3: memref<1000000x64xf32, #tpu.memory_space<hbm>>, %arg4: memref<16384x50x64xf32, #tpu.memory_space<hbm>>, %arg5: memref<25600xi32, #tpu.memory_space<vmem>>, %arg6: memref<400x64xf32, #tpu.memory_space<vmem>>, %arg7: memref<400x64xf32, #tpu.memory_space<vmem>>, %arg8: memref<400x64xf32, #tpu.memory_space<vmem>>, %arg9: memref<400x64xf32, #tpu.memory_space<vmem>>, %arg10: memref<!tpu.dma_semaphore, #tpu.memory_space<semaphore_mem>>, %arg11: memref<!tpu.dma_semaphore, #tpu.memory_space<semaphore_mem>>, %arg12: memref<!tpu.dma_semaphore, #tpu.memory_space<semaphore_mem>>, %arg13: memref<!tpu.dma_semaphore, #tpu.memory_space<semaphore_mem>>, %arg14: memref<!tpu.dma_semaphore, #tpu.memory_space<semaphore_mem>>, %arg15: memref<!tpu.dma_semaphore, #tpu.memory_space<semaphore_mem>>, %arg16: memref<!tpu.dma_semaphore, #tpu.memory_space<semaphore_mem>>, %arg17: memref<!tpu.dma_semaphore, #tpu.memory_space<semaphore_mem>>) attributes {dimension_semantics = [#tpu.dimension_semantics<core_parallel>, #tpu.dimension_semantics<subcore_parallel>], iteration_bounds = array<i64: 2, 16>, scalar_prefetch = 0 : i64, scratch_operands = 13 : i64, tpu.core_type = #tpu.core_type<sc_vector_subcore>, window_params = [{transform_indices = #map}, {transform_indices = #map1}, {transform_indices = #map2}]} {
    %mul3A = arith.constant 2 : i32
    %mul3A_0 = arith.muli %arg1, %mul3A : i32
    %add3A = arith.addi %mul3A_0, %arg0 : i32
    %mul3A_1 = arith.constant 25600 : i32
    %mul3A_2 = arith.muli %add3A, %mul3A_1 : i32
    %mul3A_3 = arith.constant 512 : i32
    %mul3A_4 = arith.muli %add3A, %mul3A_3 : i32
    "tpu.region"() ({
      %run_scoped3A = tpu.sem_alloc : memref<!tpu.dma_semaphore, #tpu.memory_space<semaphore_mem>>
      %dma_start3A_1535 = tpu.memref_slice %arg2[%mul3A_2] : memref<819200xi32, #tpu.memory_space<hbm>> -> memref<25600xi32, #tpu.memory_space<hbm>>
      %dma_start3A_1536 = tpu.memref_slice %arg2[%mul3A_2] : memref<819200xi32, #tpu.memory_space<hbm>> -> memref<25600xi32, #tpu.memory_space<hbm>>
      tpu.enqueue_dma source(%dma_start3A_1536 : memref<25600xi32, #tpu.memory_space<hbm>>) target(%arg5 : memref<25600xi32, #tpu.memory_space<vmem>>) target_semaphore(%run_scoped3A : memref<!tpu.dma_semaphore, #tpu.memory_space<semaphore_mem>>)
      %dma_wait3A_1537 = tpu.memref_slice %arg2[%mul3A_2] : memref<819200xi32, #tpu.memory_space<hbm>> -> memref<25600xi32, #tpu.memory_space<hbm>>
      %dma_wait3A_1538 = tpu.memref_slice %arg2[%mul3A_2] : memref<819200xi32, #tpu.memory_space<hbm>> -> memref<25600xi32, #tpu.memory_space<hbm>>
      tpu.wait_dma2 semaphore(%run_scoped3A : memref<!tpu.dma_semaphore, #tpu.memory_space<semaphore_mem>>) src(%dma_wait3A_1538 : memref<25600xi32, #tpu.memory_space<hbm>>) dst(%arg5 : memref<25600xi32, #tpu.memory_space<vmem>>)
      tpu.yield
    }) : () -> ()
    %dma_start3A = arith.constant 0 : i32
    %dma_start3A_5 = tpu.memref_slice %arg5[%dma_start3A] : memref<25600xi32, #tpu.memory_space<vmem>> -> memref<400xi32, #tpu.memory_space<vmem>>
    %dma_start3A_6 = arith.constant 0 : i32
    %dma_start3A_7 = arith.constant 0 : i32
    %dma_start3A_8 = tpu.memref_slice %arg3[%dma_start3A_6, %dma_start3A_7] : memref<1000000x64xf32, #tpu.memory_space<hbm>> -> memref<1000000x64xf32, #tpu.memory_space<hbm>>
    tpu.enqueue_indirect_dma source(%dma_start3A_8 : memref<1000000x64xf32, #tpu.memory_space<hbm>>) target(%arg6 : memref<400x64xf32, #tpu.memory_space<vmem>>) offsets(%dma_start3A_5 : memref<400xi32, #tpu.memory_space<vmem>>) semaphore(%arg10 : memref<!tpu.dma_semaphore, #tpu.memory_space<semaphore_mem>>)
    %dma_start3A_9 = arith.constant 400 : i32
    %dma_start3A_10 = tpu.memref_slice %arg5[%dma_start3A_9] : memref<25600xi32, #tpu.memory_space<vmem>> -> memref<400xi32, #tpu.memory_space<vmem>>
    %dma_start3A_11 = arith.constant 0 : i32
    %dma_start3A_12 = arith.constant 0 : i32
    %dma_start3A_13 = tpu.memref_slice %arg3[%dma_start3A_11, %dma_start3A_12] : memref<1000000x64xf32, #tpu.memory_space<hbm>> -> memref<1000000x64xf32, #tpu.memory_space<hbm>>
    tpu.enqueue_indirect_dma source(%dma_start3A_13 : memref<1000000x64xf32, #tpu.memory_space<hbm>>) target(%arg7 : memref<400x64xf32, #tpu.memory_space<vmem>>) offsets(%dma_start3A_10 : memref<400xi32, #tpu.memory_space<vmem>>) semaphore(%arg11 : memref<!tpu.dma_semaphore, #tpu.memory_space<semaphore_mem>>)
    %dma_start3A_14 = arith.constant 800 : i32
    %dma_start3A_15 = tpu.memref_slice %arg5[%dma_start3A_14] : memref<25600xi32, #tpu.memory_space<vmem>> -> memref<400xi32, #tpu.memory_space<vmem>>
    %dma_start3A_16 = arith.constant 0 : i32
    %dma_start3A_17 = arith.constant 0 : i32
    %dma_start3A_18 = tpu.memref_slice %arg3[%dma_start3A_16, %dma_start3A_17] : memref<1000000x64xf32, #tpu.memory_space<hbm>> -> memref<1000000x64xf32, #tpu.memory_space<hbm>>
    tpu.enqueue_indirect_dma source(%dma_start3A_18 : memref<1000000x64xf32, #tpu.memory_space<hbm>>) target(%arg8 : memref<400x64xf32, #tpu.memory_space<vmem>>) offsets(%dma_start3A_15 : memref<400xi32, #tpu.memory_space<vmem>>) semaphore(%arg12 : memref<!tpu.dma_semaphore, #tpu.memory_space<semaphore_mem>>)
    %dma_wait3A = arith.constant 0 : i32
    %dma_wait3A_19 = tpu.memref_slice %arg5[%dma_wait3A] : memref<25600xi32, #tpu.memory_space<vmem>> -> memref<400xi32, #tpu.memory_space<vmem>>
    %dma_wait3A_20 = arith.constant 0 : i32
    %dma_wait3A_21 = arith.constant 0 : i32
    %dma_wait3A_22 = tpu.memref_slice %arg3[%dma_wait3A_20, %dma_wait3A_21] : memref<1000000x64xf32, #tpu.memory_space<hbm>> -> memref<1000000x64xf32, #tpu.memory_space<hbm>>
    tpu.wait_indirect_dma semaphore(%arg10 : memref<!tpu.dma_semaphore, #tpu.memory_space<semaphore_mem>>) src(%dma_wait3A_22 : memref<1000000x64xf32, #tpu.memory_space<hbm>>) dst(%arg6 : memref<400x64xf32, #tpu.memory_space<vmem>>)
    %add3A_23 = arith.constant 0 : i32
    %add3A_24 = arith.addi %mul3A_4, %add3A_23 : i32
    %add3A_25 = arith.constant 0 : i32
    %add3A_26 = arith.addi %add3A_24, %add3A_25 : i32
    %dma_start3A_27 = arith.constant 0 : i32
    %dma_start3A_28 = arith.constant 0 : i32
    %dma_start3A_29 = tpu.memref_slice %arg6[%dma_start3A_27, %dma_start3A_28] : memref<400x64xf32, #tpu.memory_space<vmem>> -> memref<50x64xf32, #tpu.memory_space<vmem>>
    %dma_start3A_30 = arith.constant 0 : i32
    %dma_start3A_31 = arith.constant 0 : i32
    %dma_start3A_32 = tpu.memref_slice %arg4[%add3A_26, %dma_start3A_30, %dma_start3A_31] : memref<16384x50x64xf32, #tpu.memory_space<hbm>> -> memref<1x50x64xf32, #tpu.memory_space<hbm>>
    %dma_start3A_33 = tpu.memref_squeeze %dma_start3A_32 : memref<1x50x64xf32, #tpu.memory_space<hbm>> -> memref<50x64xf32, #tpu.memory_space<hbm>>
    %dma_start3A_34 = arith.constant 0 : i32
    %dma_start3A_35 = arith.constant 0 : i32
    %dma_start3A_36 = tpu.memref_slice %arg4[%add3A_26, %dma_start3A_34, %dma_start3A_35] : memref<16384x50x64xf32, #tpu.memory_space<hbm>> -> memref<1x50x64xf32, #tpu.memory_space<hbm>>
    %dma_start3A_37 = tpu.memref_squeeze %dma_start3A_36 : memref<1x50x64xf32, #tpu.memory_space<hbm>> -> memref<50x64xf32, #tpu.memory_space<hbm>>
    %dma_start3A_38 = arith.constant 0 : i32
    %dma_start3A_39 = arith.constant 0 : i32
    %dma_start3A_40 = tpu.memref_slice %arg6[%dma_start3A_38, %dma_start3A_39] : memref<400x64xf32, #tpu.memory_space<vmem>> -> memref<50x64xf32, #tpu.memory_space<vmem>>
    tpu.enqueue_dma source(%dma_start3A_40 : memref<50x64xf32, #tpu.memory_space<vmem>>) target(%dma_start3A_37 : memref<50x64xf32, #tpu.memory_space<hbm>>) target_semaphore(%arg14 : memref<!tpu.dma_semaphore, #tpu.memory_space<semaphore_mem>>)
    %add3A_41 = arith.constant 0 : i32
    %add3A_42 = arith.addi %mul3A_4, %add3A_41 : i32
    %add3A_43 = arith.constant 1 : i32
    %add3A_44 = arith.addi %add3A_42, %add3A_43 : i32
    %dma_start3A_45 = arith.constant 50 : i32
    %dma_start3A_46 = arith.constant 0 : i32
    %dma_start3A_47 = tpu.memref_slice %arg6[%dma_start3A_45, %dma_start3A_46] : memref<400x64xf32, #tpu.memory_space<vmem>> -> memref<50x64xf32, #tpu.memory_space<vmem>>
    %dma_start3A_48 = arith.constant 0 : i32
    %dma_start3A_49 = arith.constant 0 : i32
    %dma_start3A_50 = tpu.memref_slice %arg4[%add3A_44, %dma_start3A_48, %dma_start3A_49] : memref<16384x50x64xf32, #tpu.memory_space<hbm>> -> memref<1x50x64xf32, #tpu.memory_space<hbm>>
    %dma_start3A_51 = tpu.memref_squeeze %dma_start3A_50 : memref<1x50x64xf32, #tpu.memory_space<hbm>> -> memref<50x64xf32, #tpu.memory_space<hbm>>
    %dma_start3A_52 = arith.constant 0 : i32
    %dma_start3A_53 = arith.constant 0 : i32
    %dma_start3A_54 = tpu.memref_slice %arg4[%add3A_44, %dma_start3A_52, %dma_start3A_53] : memref<16384x50x64xf32, #tpu.memory_space<hbm>> -> memref<1x50x64xf32, #tpu.memory_space<hbm>>
    %dma_start3A_55 = tpu.memref_squeeze %dma_start3A_54 : memref<1x50x64xf32, #tpu.memory_space<hbm>> -> memref<50x64xf32, #tpu.memory_space<hbm>>
    %dma_start3A_56 = arith.constant 50 : i32
    %dma_start3A_57 = arith.constant 0 : i32
    %dma_start3A_58 = tpu.memref_slice %arg6[%dma_start3A_56, %dma_start3A_57] : memref<400x64xf32, #tpu.memory_space<vmem>> -> memref<50x64xf32, #tpu.memory_space<vmem>>
    tpu.enqueue_dma source(%dma_start3A_58 : memref<50x64xf32, #tpu.memory_space<vmem>>) target(%dma_start3A_55 : memref<50x64xf32, #tpu.memory_space<hbm>>) target_semaphore(%arg14 : memref<!tpu.dma_semaphore, #tpu.memory_space<semaphore_mem>>)
    %add3A_59 = arith.constant 0 : i32
    %add3A_60 = arith.addi %mul3A_4, %add3A_59 : i32
    %add3A_61 = arith.constant 2 : i32
    %add3A_62 = arith.addi %add3A_60, %add3A_61 : i32
    %dma_start3A_63 = arith.constant 100 : i32
    %dma_start3A_64 = arith.constant 0 : i32
    %dma_start3A_65 = tpu.memref_slice %arg6[%dma_start3A_63, %dma_start3A_64] : memref<400x64xf32, #tpu.memory_space<vmem>> -> memref<50x64xf32, #tpu.memory_space<vmem>>
    %dma_start3A_66 = arith.constant 0 : i32
    %dma_start3A_67 = arith.constant 0 : i32
    %dma_start3A_68 = tpu.memref_slice %arg4[%add3A_62, %dma_start3A_66, %dma_start3A_67] : memref<16384x50x64xf32, #tpu.memory_space<hbm>> -> memref<1x50x64xf32, #tpu.memory_space<hbm>>
    %dma_start3A_69 = tpu.memref_squeeze %dma_start3A_68 : memref<1x50x64xf32, #tpu.memory_space<hbm>> -> memref<50x64xf32, #tpu.memory_space<hbm>>
    %dma_start3A_70 = arith.constant 0 : i32
    %dma_start3A_71 = arith.constant 0 : i32
    %dma_start3A_72 = tpu.memref_slice %arg4[%add3A_62, %dma_start3A_70, %dma_start3A_71] : memref<16384x50x64xf32, #tpu.memory_space<hbm>> -> memref<1x50x64xf32, #tpu.memory_space<hbm>>
    %dma_start3A_73 = tpu.memref_squeeze %dma_start3A_72 : memref<1x50x64xf32, #tpu.memory_space<hbm>> -> memref<50x64xf32, #tpu.memory_space<hbm>>
    %dma_start3A_74 = arith.constant 100 : i32
    %dma_start3A_75 = arith.constant 0 : i32
    %dma_start3A_76 = tpu.memref_slice %arg6[%dma_start3A_74, %dma_start3A_75] : memref<400x64xf32, #tpu.memory_space<vmem>> -> memref<50x64xf32, #tpu.memory_space<vmem>>
    tpu.enqueue_dma source(%dma_start3A_76 : memref<50x64xf32, #tpu.memory_space<vmem>>) target(%dma_start3A_73 : memref<50x64xf32, #tpu.memory_space<hbm>>) target_semaphore(%arg14 : memref<!tpu.dma_semaphore, #tpu.memory_space<semaphore_mem>>)
    %add3A_77 = arith.constant 0 : i32
    %add3A_78 = arith.addi %mul3A_4, %add3A_77 : i32
    %add3A_79 = arith.constant 3 : i32
    %add3A_80 = arith.addi %add3A_78, %add3A_79 : i32
    %dma_start3A_81 = arith.constant 150 : i32
    %dma_start3A_82 = arith.constant 0 : i32
    %dma_start3A_83 = tpu.memref_slice %arg6[%dma_start3A_81, %dma_start3A_82] : memref<400x64xf32, #tpu.memory_space<vmem>> -> memref<50x64xf32, #tpu.memory_space<vmem>>
    %dma_start3A_84 = arith.constant 0 : i32
    %dma_start3A_85 = arith.constant 0 : i32
    %dma_start3A_86 = tpu.memref_slice %arg4[%add3A_80, %dma_start3A_84, %dma_start3A_85] : memref<16384x50x64xf32, #tpu.memory_space<hbm>> -> memref<1x50x64xf32, #tpu.memory_space<hbm>>
    %dma_start3A_87 = tpu.memref_squeeze %dma_start3A_86 : memref<1x50x64xf32, #tpu.memory_space<hbm>> -> memref<50x64xf32, #tpu.memory_space<hbm>>
    %dma_start3A_88 = arith.constant 0 : i32
    %dma_start3A_89 = arith.constant 0 : i32
    %dma_start3A_90 = tpu.memref_slice %arg4[%add3A_80, %dma_start3A_88, %dma_start3A_89] : memref<16384x50x64xf32, #tpu.memory_space<hbm>> -> memref<1x50x64xf32, #tpu.memory_space<hbm>>
    %dma_start3A_91 = tpu.memref_squeeze %dma_start3A_90 : memref<1x50x64xf32, #tpu.memory_space<hbm>> -> memref<50x64xf32, #tpu.memory_space<hbm>>
    %dma_start3A_92 = arith.constant 150 : i32
    %dma_start3A_93 = arith.constant 0 : i32
    %dma_start3A_94 = tpu.memref_slice %arg6[%dma_start3A_92, %dma_start3A_93] : memref<400x64xf32, #tpu.memory_space<vmem>> -> memref<50x64xf32, #tpu.memory_space<vmem>>
    tpu.enqueue_dma source(%dma_start3A_94 : memref<50x64xf32, #tpu.memory_space<vmem>>) target(%dma_start3A_91 : memref<50x64xf32, #tpu.memory_space<hbm>>) target_semaphore(%arg14 : memref<!tpu.dma_semaphore, #tpu.memory_space<semaphore_mem>>)
    %add3A_95 = arith.constant 0 : i32
    %add3A_96 = arith.addi %mul3A_4, %add3A_95 : i32
    %add3A_97 = arith.constant 4 : i32
    %add3A_98 = arith.addi %add3A_96, %add3A_97 : i32
    %dma_start3A_99 = arith.constant 200 : i32
    %dma_start3A_100 = arith.constant 0 : i32
    %dma_start3A_101 = tpu.memref_slice %arg6[%dma_start3A_99, %dma_start3A_100] : memref<400x64xf32, #tpu.memory_space<vmem>> -> memref<50x64xf32, #tpu.memory_space<vmem>>
    %dma_start3A_102 = arith.constant 0 : i32
    %dma_start3A_103 = arith.constant 0 : i32
    %dma_start3A_104 = tpu.memref_slice %arg4[%add3A_98, %dma_start3A_102, %dma_start3A_103] : memref<16384x50x64xf32, #tpu.memory_space<hbm>> -> memref<1x50x64xf32, #tpu.memory_space<hbm>>
    %dma_start3A_105 = tpu.memref_squeeze %dma_start3A_104 : memref<1x50x64xf32, #tpu.memory_space<hbm>> -> memref<50x64xf32, #tpu.memory_space<hbm>>
    %dma_start3A_106 = arith.constant 0 : i32
    %dma_start3A_107 = arith.constant 0 : i32
    %dma_start3A_108 = tpu.memref_slice %arg4[%add3A_98, %dma_start3A_106, %dma_start3A_107] : memref<16384x50x64xf32, #tpu.memory_space<hbm>> -> memref<1x50x64xf32, #tpu.memory_space<hbm>>
    %dma_start3A_109 = tpu.memref_squeeze %dma_start3A_108 : memref<1x50x64xf32, #tpu.memory_space<hbm>> -> memref<50x64xf32, #tpu.memory_space<hbm>>
    %dma_start3A_110 = arith.constant 200 : i32
    %dma_start3A_111 = arith.constant 0 : i32
    %dma_start3A_112 = tpu.memref_slice %arg6[%dma_start3A_110, %dma_start3A_111] : memref<400x64xf32, #tpu.memory_space<vmem>> -> memref<50x64xf32, #tpu.memory_space<vmem>>
    tpu.enqueue_dma source(%dma_start3A_112 : memref<50x64xf32, #tpu.memory_space<vmem>>) target(%dma_start3A_109 : memref<50x64xf32, #tpu.memory_space<hbm>>) target_semaphore(%arg14 : memref<!tpu.dma_semaphore, #tpu.memory_space<semaphore_mem>>)
    %add3A_113 = arith.constant 0 : i32
    %add3A_114 = arith.addi %mul3A_4, %add3A_113 : i32
    %add3A_115 = arith.constant 5 : i32
    %add3A_116 = arith.addi %add3A_114, %add3A_115 : i32
    %dma_start3A_117 = arith.constant 250 : i32
    %dma_start3A_118 = arith.constant 0 : i32
    %dma_start3A_119 = tpu.memref_slice %arg6[%dma_start3A_117, %dma_start3A_118] : memref<400x64xf32, #tpu.memory_space<vmem>> -> memref<50x64xf32, #tpu.memory_space<vmem>>
    %dma_start3A_120 = arith.constant 0 : i32
    %dma_start3A_121 = arith.constant 0 : i32
    %dma_start3A_122 = tpu.memref_slice %arg4[%add3A_116, %dma_start3A_120, %dma_start3A_121] : memref<16384x50x64xf32, #tpu.memory_space<hbm>> -> memref<1x50x64xf32, #tpu.memory_space<hbm>>
    %dma_start3A_123 = tpu.memref_squeeze %dma_start3A_122 : memref<1x50x64xf32, #tpu.memory_space<hbm>> -> memref<50x64xf32, #tpu.memory_space<hbm>>
    %dma_start3A_124 = arith.constant 0 : i32
    %dma_start3A_125 = arith.constant 0 : i32
    %dma_start3A_126 = tpu.memref_slice %arg4[%add3A_116, %dma_start3A_124, %dma_start3A_125] : memref<16384x50x64xf32, #tpu.memory_space<hbm>> -> memref<1x50x64xf32, #tpu.memory_space<hbm>>
    %dma_start3A_127 = tpu.memref_squeeze %dma_start3A_126 : memref<1x50x64xf32, #tpu.memory_space<hbm>> -> memref<50x64xf32, #tpu.memory_space<hbm>>
    %dma_start3A_128 = arith.constant 250 : i32
    %dma_start3A_129 = arith.constant 0 : i32
    %dma_start3A_130 = tpu.memref_slice %arg6[%dma_start3A_128, %dma_start3A_129] : memref<400x64xf32, #tpu.memory_space<vmem>> -> memref<50x64xf32, #tpu.memory_space<vmem>>
    tpu.enqueue_dma source(%dma_start3A_130 : memref<50x64xf32, #tpu.memory_space<vmem>>) target(%dma_start3A_127 : memref<50x64xf32, #tpu.memory_space<hbm>>) target_semaphore(%arg14 : memref<!tpu.dma_semaphore, #tpu.memory_space<semaphore_mem>>)
    %add3A_131 = arith.constant 0 : i32
    %add3A_132 = arith.addi %mul3A_4, %add3A_131 : i32
    %add3A_133 = arith.constant 6 : i32
    %add3A_134 = arith.addi %add3A_132, %add3A_133 : i32
    %dma_start3A_135 = arith.constant 300 : i32
    %dma_start3A_136 = arith.constant 0 : i32
    %dma_start3A_137 = tpu.memref_slice %arg6[%dma_start3A_135, %dma_start3A_136] : memref<400x64xf32, #tpu.memory_space<vmem>> -> memref<50x64xf32, #tpu.memory_space<vmem>>
    %dma_start3A_138 = arith.constant 0 : i32
    %dma_start3A_139 = arith.constant 0 : i32
    %dma_start3A_140 = tpu.memref_slice %arg4[%add3A_134, %dma_start3A_138, %dma_start3A_139] : memref<16384x50x64xf32, #tpu.memory_space<hbm>> -> memref<1x50x64xf32, #tpu.memory_space<hbm>>
    %dma_start3A_141 = tpu.memref_squeeze %dma_start3A_140 : memref<1x50x64xf32, #tpu.memory_space<hbm>> -> memref<50x64xf32, #tpu.memory_space<hbm>>
    %dma_start3A_142 = arith.constant 0 : i32
    %dma_start3A_143 = arith.constant 0 : i32
    %dma_start3A_144 = tpu.memref_slice %arg4[%add3A_134, %dma_start3A_142, %dma_start3A_143] : memref<16384x50x64xf32, #tpu.memory_space<hbm>> -> memref<1x50x64xf32, #tpu.memory_space<hbm>>
    %dma_start3A_145 = tpu.memref_squeeze %dma_start3A_144 : memref<1x50x64xf32, #tpu.memory_space<hbm>> -> memref<50x64xf32, #tpu.memory_space<hbm>>
    %dma_start3A_146 = arith.constant 300 : i32
    %dma_start3A_147 = arith.constant 0 : i32
    %dma_start3A_148 = tpu.memref_slice %arg6[%dma_start3A_146, %dma_start3A_147] : memref<400x64xf32, #tpu.memory_space<vmem>> -> memref<50x64xf32, #tpu.memory_space<vmem>>
    tpu.enqueue_dma source(%dma_start3A_148 : memref<50x64xf32, #tpu.memory_space<vmem>>) target(%dma_start3A_145 : memref<50x64xf32, #tpu.memory_space<hbm>>) target_semaphore(%arg14 : memref<!tpu.dma_semaphore, #tpu.memory_space<semaphore_mem>>)
    %add3A_149 = arith.constant 0 : i32
    %add3A_150 = arith.addi %mul3A_4, %add3A_149 : i32
    %add3A_151 = arith.constant 7 : i32
    %add3A_152 = arith.addi %add3A_150, %add3A_151 : i32
    %dma_start3A_153 = arith.constant 350 : i32
    %dma_start3A_154 = arith.constant 0 : i32
    %dma_start3A_155 = tpu.memref_slice %arg6[%dma_start3A_153, %dma_start3A_154] : memref<400x64xf32, #tpu.memory_space<vmem>> -> memref<50x64xf32, #tpu.memory_space<vmem>>
    %dma_start3A_156 = arith.constant 0 : i32
    %dma_start3A_157 = arith.constant 0 : i32
    %dma_start3A_158 = tpu.memref_slice %arg4[%add3A_152, %dma_start3A_156, %dma_start3A_157] : memref<16384x50x64xf32, #tpu.memory_space<hbm>> -> memref<1x50x64xf32, #tpu.memory_space<hbm>>
    %dma_start3A_159 = tpu.memref_squeeze %dma_start3A_158 : memref<1x50x64xf32, #tpu.memory_space<hbm>> -> memref<50x64xf32, #tpu.memory_space<hbm>>
    %dma_start3A_160 = arith.constant 0 : i32
    %dma_start3A_161 = arith.constant 0 : i32
    %dma_start3A_162 = tpu.memref_slice %arg4[%add3A_152, %dma_start3A_160, %dma_start3A_161] : memref<16384x50x64xf32, #tpu.memory_space<hbm>> -> memref<1x50x64xf32, #tpu.memory_space<hbm>>
    %dma_start3A_163 = tpu.memref_squeeze %dma_start3A_162 : memref<1x50x64xf32, #tpu.memory_space<hbm>> -> memref<50x64xf32, #tpu.memory_space<hbm>>
    %dma_start3A_164 = arith.constant 350 : i32
    %dma_start3A_165 = arith.constant 0 : i32
    %dma_start3A_166 = tpu.memref_slice %arg6[%dma_start3A_164, %dma_start3A_165] : memref<400x64xf32, #tpu.memory_space<vmem>> -> memref<50x64xf32, #tpu.memory_space<vmem>>
    tpu.enqueue_dma source(%dma_start3A_166 : memref<50x64xf32, #tpu.memory_space<vmem>>) target(%dma_start3A_163 : memref<50x64xf32, #tpu.memory_space<hbm>>) target_semaphore(%arg14 : memref<!tpu.dma_semaphore, #tpu.memory_space<semaphore_mem>>)
    %dma_start3A_167 = arith.constant 1200 : i32
    %dma_start3A_168 = tpu.memref_slice %arg5[%dma_start3A_167] : memref<25600xi32, #tpu.memory_space<vmem>> -> memref<400xi32, #tpu.memory_space<vmem>>
    %dma_start3A_169 = arith.constant 0 : i32
    %dma_start3A_170 = arith.constant 0 : i32
    %dma_start3A_171 = tpu.memref_slice %arg3[%dma_start3A_169, %dma_start3A_170] : memref<1000000x64xf32, #tpu.memory_space<hbm>> -> memref<1000000x64xf32, #tpu.memory_space<hbm>>
    tpu.enqueue_indirect_dma source(%dma_start3A_171 : memref<1000000x64xf32, #tpu.memory_space<hbm>>) target(%arg9 : memref<400x64xf32, #tpu.memory_space<vmem>>) offsets(%dma_start3A_168 : memref<400xi32, #tpu.memory_space<vmem>>) semaphore(%arg13 : memref<!tpu.dma_semaphore, #tpu.memory_space<semaphore_mem>>)
    %dma_wait3A_172 = arith.constant 400 : i32
    %dma_wait3A_173 = tpu.memref_slice %arg5[%dma_wait3A_172] : memref<25600xi32, #tpu.memory_space<vmem>> -> memref<400xi32, #tpu.memory_space<vmem>>
    %dma_wait3A_174 = arith.constant 0 : i32
    %dma_wait3A_175 = arith.constant 0 : i32
    %dma_wait3A_176 = tpu.memref_slice %arg3[%dma_wait3A_174, %dma_wait3A_175] : memref<1000000x64xf32, #tpu.memory_space<hbm>> -> memref<1000000x64xf32, #tpu.memory_space<hbm>>
    tpu.wait_indirect_dma semaphore(%arg11 : memref<!tpu.dma_semaphore, #tpu.memory_space<semaphore_mem>>) src(%dma_wait3A_176 : memref<1000000x64xf32, #tpu.memory_space<hbm>>) dst(%arg7 : memref<400x64xf32, #tpu.memory_space<vmem>>)
    %add3A_177 = arith.constant 8 : i32
    %add3A_178 = arith.addi %mul3A_4, %add3A_177 : i32
    %add3A_179 = arith.constant 0 : i32
    %add3A_180 = arith.addi %add3A_178, %add3A_179 : i32
    %dma_start3A_181 = arith.constant 0 : i32
    %dma_start3A_182 = arith.constant 0 : i32
    %dma_start3A_183 = tpu.memref_slice %arg7[%dma_start3A_181, %dma_start3A_182] : memref<400x64xf32, #tpu.memory_space<vmem>> -> memref<50x64xf32, #tpu.memory_space<vmem>>
    %dma_start3A_184 = arith.constant 0 : i32
    %dma_start3A_185 = arith.constant 0 : i32
    %dma_start3A_186 = tpu.memref_slice %arg4[%add3A_180, %dma_start3A_184, %dma_start3A_185] : memref<16384x50x64xf32, #tpu.memory_space<hbm>> -> memref<1x50x64xf32, #tpu.memory_space<hbm>>
    %dma_start3A_187 = tpu.memref_squeeze %dma_start3A_186 : memref<1x50x64xf32, #tpu.memory_space<hbm>> -> memref<50x64xf32, #tpu.memory_space<hbm>>
    %dma_start3A_188 = arith.constant 0 : i32
    %dma_start3A_189 = arith.constant 0 : i32
    %dma_start3A_190 = tpu.memref_slice %arg4[%add3A_180, %dma_start3A_188, %dma_start3A_189] : memref<16384x50x64xf32, #tpu.memory_space<hbm>> -> memref<1x50x64xf32, #tpu.memory_space<hbm>>
    %dma_start3A_191 = tpu.memref_squeeze %dma_start3A_190 : memref<1x50x64xf32, #tpu.memory_space<hbm>> -> memref<50x64xf32, #tpu.memory_space<hbm>>
    %dma_start3A_192 = arith.constant 0 : i32
    %dma_start3A_193 = arith.constant 0 : i32
    %dma_start3A_194 = tpu.memref_slice %arg7[%dma_start3A_192, %dma_start3A_193] : memref<400x64xf32, #tpu.memory_space<vmem>> -> memref<50x64xf32, #tpu.memory_space<vmem>>
    tpu.enqueue_dma source(%dma_start3A_194 : memref<50x64xf32, #tpu.memory_space<vmem>>) target(%dma_start3A_191 : memref<50x64xf32, #tpu.memory_space<hbm>>) target_semaphore(%arg15 : memref<!tpu.dma_semaphore, #tpu.memory_space<semaphore_mem>>)
    %add3A_195 = arith.constant 8 : i32
    %add3A_196 = arith.addi %mul3A_4, %add3A_195 : i32
    %add3A_197 = arith.constant 1 : i32
    %add3A_198 = arith.addi %add3A_196, %add3A_197 : i32
    %dma_start3A_199 = arith.constant 50 : i32
    %dma_start3A_200 = arith.constant 0 : i32
    %dma_start3A_201 = tpu.memref_slice %arg7[%dma_start3A_199, %dma_start3A_200] : memref<400x64xf32, #tpu.memory_space<vmem>> -> memref<50x64xf32, #tpu.memory_space<vmem>>
    %dma_start3A_202 = arith.constant 0 : i32
    %dma_start3A_203 = arith.constant 0 : i32
    %dma_start3A_204 = tpu.memref_slice %arg4[%add3A_198, %dma_start3A_202, %dma_start3A_203] : memref<16384x50x64xf32, #tpu.memory_space<hbm>> -> memref<1x50x64xf32, #tpu.memory_space<hbm>>
    %dma_start3A_205 = tpu.memref_squeeze %dma_start3A_204 : memref<1x50x64xf32, #tpu.memory_space<hbm>> -> memref<50x64xf32, #tpu.memory_space<hbm>>
    %dma_start3A_206 = arith.constant 0 : i32
    %dma_start3A_207 = arith.constant 0 : i32
    %dma_start3A_208 = tpu.memref_slice %arg4[%add3A_198, %dma_start3A_206, %dma_start3A_207] : memref<16384x50x64xf32, #tpu.memory_space<hbm>> -> memref<1x50x64xf32, #tpu.memory_space<hbm>>
    %dma_start3A_209 = tpu.memref_squeeze %dma_start3A_208 : memref<1x50x64xf32, #tpu.memory_space<hbm>> -> memref<50x64xf32, #tpu.memory_space<hbm>>
    %dma_start3A_210 = arith.constant 50 : i32
    %dma_start3A_211 = arith.constant 0 : i32
    %dma_start3A_212 = tpu.memref_slice %arg7[%dma_start3A_210, %dma_start3A_211] : memref<400x64xf32, #tpu.memory_space<vmem>> -> memref<50x64xf32, #tpu.memory_space<vmem>>
    tpu.enqueue_dma source(%dma_start3A_212 : memref<50x64xf32, #tpu.memory_space<vmem>>) target(%dma_start3A_209 : memref<50x64xf32, #tpu.memory_space<hbm>>) target_semaphore(%arg15 : memref<!tpu.dma_semaphore, #tpu.memory_space<semaphore_mem>>)
    %add3A_213 = arith.constant 8 : i32
    %add3A_214 = arith.addi %mul3A_4, %add3A_213 : i32
    %add3A_215 = arith.constant 2 : i32
    %add3A_216 = arith.addi %add3A_214, %add3A_215 : i32
    %dma_start3A_217 = arith.constant 100 : i32
    %dma_start3A_218 = arith.constant 0 : i32
    %dma_start3A_219 = tpu.memref_slice %arg7[%dma_start3A_217, %dma_start3A_218] : memref<400x64xf32, #tpu.memory_space<vmem>> -> memref<50x64xf32, #tpu.memory_space<vmem>>
    %dma_start3A_220 = arith.constant 0 : i32
    %dma_start3A_221 = arith.constant 0 : i32
    %dma_start3A_222 = tpu.memref_slice %arg4[%add3A_216, %dma_start3A_220, %dma_start3A_221] : memref<16384x50x64xf32, #tpu.memory_space<hbm>> -> memref<1x50x64xf32, #tpu.memory_space<hbm>>
    %dma_start3A_223 = tpu.memref_squeeze %dma_start3A_222 : memref<1x50x64xf32, #tpu.memory_space<hbm>> -> memref<50x64xf32, #tpu.memory_space<hbm>>
    %dma_start3A_224 = arith.constant 0 : i32
    %dma_start3A_225 = arith.constant 0 : i32
    %dma_start3A_226 = tpu.memref_slice %arg4[%add3A_216, %dma_start3A_224, %dma_start3A_225] : memref<16384x50x64xf32, #tpu.memory_space<hbm>> -> memref<1x50x64xf32, #tpu.memory_space<hbm>>
    %dma_start3A_227 = tpu.memref_squeeze %dma_start3A_226 : memref<1x50x64xf32, #tpu.memory_space<hbm>> -> memref<50x64xf32, #tpu.memory_space<hbm>>
    %dma_start3A_228 = arith.constant 100 : i32
    %dma_start3A_229 = arith.constant 0 : i32
    %dma_start3A_230 = tpu.memref_slice %arg7[%dma_start3A_228, %dma_start3A_229] : memref<400x64xf32, #tpu.memory_space<vmem>> -> memref<50x64xf32, #tpu.memory_space<vmem>>
    tpu.enqueue_dma source(%dma_start3A_230 : memref<50x64xf32, #tpu.memory_space<vmem>>) target(%dma_start3A_227 : memref<50x64xf32, #tpu.memory_space<hbm>>) target_semaphore(%arg15 : memref<!tpu.dma_semaphore, #tpu.memory_space<semaphore_mem>>)
    %add3A_231 = arith.constant 8 : i32
    %add3A_232 = arith.addi %mul3A_4, %add3A_231 : i32
    %add3A_233 = arith.constant 3 : i32
    %add3A_234 = arith.addi %add3A_232, %add3A_233 : i32
    %dma_start3A_235 = arith.constant 150 : i32
    %dma_start3A_236 = arith.constant 0 : i32
    %dma_start3A_237 = tpu.memref_slice %arg7[%dma_start3A_235, %dma_start3A_236] : memref<400x64xf32, #tpu.memory_space<vmem>> -> memref<50x64xf32, #tpu.memory_space<vmem>>
    %dma_start3A_238 = arith.constant 0 : i32
    %dma_start3A_239 = arith.constant 0 : i32
    %dma_start3A_240 = tpu.memref_slice %arg4[%add3A_234, %dma_start3A_238, %dma_start3A_239] : memref<16384x50x64xf32, #tpu.memory_space<hbm>> -> memref<1x50x64xf32, #tpu.memory_space<hbm>>
    %dma_start3A_241 = tpu.memref_squeeze %dma_start3A_240 : memref<1x50x64xf32, #tpu.memory_space<hbm>> -> memref<50x64xf32, #tpu.memory_space<hbm>>
    %dma_start3A_242 = arith.constant 0 : i32
    %dma_start3A_243 = arith.constant 0 : i32
    %dma_start3A_244 = tpu.memref_slice %arg4[%add3A_234, %dma_start3A_242, %dma_start3A_243] : memref<16384x50x64xf32, #tpu.memory_space<hbm>> -> memref<1x50x64xf32, #tpu.memory_space<hbm>>
    %dma_start3A_245 = tpu.memref_squeeze %dma_start3A_244 : memref<1x50x64xf32, #tpu.memory_space<hbm>> -> memref<50x64xf32, #tpu.memory_space<hbm>>
    %dma_start3A_246 = arith.constant 150 : i32
    %dma_start3A_247 = arith.constant 0 : i32
    %dma_start3A_248 = tpu.memref_slice %arg7[%dma_start3A_246, %dma_start3A_247] : memref<400x64xf32, #tpu.memory_space<vmem>> -> memref<50x64xf32, #tpu.memory_space<vmem>>
    tpu.enqueue_dma source(%dma_start3A_248 : memref<50x64xf32, #tpu.memory_space<vmem>>) target(%dma_start3A_245 : memref<50x64xf32, #tpu.memory_space<hbm>>) target_semaphore(%arg15 : memref<!tpu.dma_semaphore, #tpu.memory_space<semaphore_mem>>)
    %add3A_249 = arith.constant 8 : i32
    %add3A_250 = arith.addi %mul3A_4, %add3A_249 : i32
    %add3A_251 = arith.constant 4 : i32
    %add3A_252 = arith.addi %add3A_250, %add3A_251 : i32
    %dma_start3A_253 = arith.constant 200 : i32
    %dma_start3A_254 = arith.constant 0 : i32
    %dma_start3A_255 = tpu.memref_slice %arg7[%dma_start3A_253, %dma_start3A_254] : memref<400x64xf32, #tpu.memory_space<vmem>> -> memref<50x64xf32, #tpu.memory_space<vmem>>
    %dma_start3A_256 = arith.constant 0 : i32
    %dma_start3A_257 = arith.constant 0 : i32
    %dma_start3A_258 = tpu.memref_slice %arg4[%add3A_252, %dma_start3A_256, %dma_start3A_257] : memref<16384x50x64xf32, #tpu.memory_space<hbm>> -> memref<1x50x64xf32, #tpu.memory_space<hbm>>
    %dma_start3A_259 = tpu.memref_squeeze %dma_start3A_258 : memref<1x50x64xf32, #tpu.memory_space<hbm>> -> memref<50x64xf32, #tpu.memory_space<hbm>>
    %dma_start3A_260 = arith.constant 0 : i32
    %dma_start3A_261 = arith.constant 0 : i32
    %dma_start3A_262 = tpu.memref_slice %arg4[%add3A_252, %dma_start3A_260, %dma_start3A_261] : memref<16384x50x64xf32, #tpu.memory_space<hbm>> -> memref<1x50x64xf32, #tpu.memory_space<hbm>>
    %dma_start3A_263 = tpu.memref_squeeze %dma_start3A_262 : memref<1x50x64xf32, #tpu.memory_space<hbm>> -> memref<50x64xf32, #tpu.memory_space<hbm>>
    %dma_start3A_264 = arith.constant 200 : i32
    %dma_start3A_265 = arith.constant 0 : i32
    %dma_start3A_266 = tpu.memref_slice %arg7[%dma_start3A_264, %dma_start3A_265] : memref<400x64xf32, #tpu.memory_space<vmem>> -> memref<50x64xf32, #tpu.memory_space<vmem>>
    tpu.enqueue_dma source(%dma_start3A_266 : memref<50x64xf32, #tpu.memory_space<vmem>>) target(%dma_start3A_263 : memref<50x64xf32, #tpu.memory_space<hbm>>) target_semaphore(%arg15 : memref<!tpu.dma_semaphore, #tpu.memory_space<semaphore_mem>>)
    %add3A_267 = arith.constant 8 : i32
    %add3A_268 = arith.addi %mul3A_4, %add3A_267 : i32
    %add3A_269 = arith.constant 5 : i32
    %add3A_270 = arith.addi %add3A_268, %add3A_269 : i32
    %dma_start3A_271 = arith.constant 250 : i32
    %dma_start3A_272 = arith.constant 0 : i32
    %dma_start3A_273 = tpu.memref_slice %arg7[%dma_start3A_271, %dma_start3A_272] : memref<400x64xf32, #tpu.memory_space<vmem>> -> memref<50x64xf32, #tpu.memory_space<vmem>>
    %dma_start3A_274 = arith.constant 0 : i32
    %dma_start3A_275 = arith.constant 0 : i32
    %dma_start3A_276 = tpu.memref_slice %arg4[%add3A_270, %dma_start3A_274, %dma_start3A_275] : memref<16384x50x64xf32, #tpu.memory_space<hbm>> -> memref<1x50x64xf32, #tpu.memory_space<hbm>>
    %dma_start3A_277 = tpu.memref_squeeze %dma_start3A_276 : memref<1x50x64xf32, #tpu.memory_space<hbm>> -> memref<50x64xf32, #tpu.memory_space<hbm>>
    %dma_start3A_278 = arith.constant 0 : i32
    %dma_start3A_279 = arith.constant 0 : i32
    %dma_start3A_280 = tpu.memref_slice %arg4[%add3A_270, %dma_start3A_278, %dma_start3A_279] : memref<16384x50x64xf32, #tpu.memory_space<hbm>> -> memref<1x50x64xf32, #tpu.memory_space<hbm>>
    %dma_start3A_281 = tpu.memref_squeeze %dma_start3A_280 : memref<1x50x64xf32, #tpu.memory_space<hbm>> -> memref<50x64xf32, #tpu.memory_space<hbm>>
    %dma_start3A_282 = arith.constant 250 : i32
    %dma_start3A_283 = arith.constant 0 : i32
    %dma_start3A_284 = tpu.memref_slice %arg7[%dma_start3A_282, %dma_start3A_283] : memref<400x64xf32, #tpu.memory_space<vmem>> -> memref<50x64xf32, #tpu.memory_space<vmem>>
    tpu.enqueue_dma source(%dma_start3A_284 : memref<50x64xf32, #tpu.memory_space<vmem>>) target(%dma_start3A_281 : memref<50x64xf32, #tpu.memory_space<hbm>>) target_semaphore(%arg15 : memref<!tpu.dma_semaphore, #tpu.memory_space<semaphore_mem>>)
    %add3A_285 = arith.constant 8 : i32
    %add3A_286 = arith.addi %mul3A_4, %add3A_285 : i32
    %add3A_287 = arith.constant 6 : i32
    %add3A_288 = arith.addi %add3A_286, %add3A_287 : i32
    %dma_start3A_289 = arith.constant 300 : i32
    %dma_start3A_290 = arith.constant 0 : i32
    %dma_start3A_291 = tpu.memref_slice %arg7[%dma_start3A_289, %dma_start3A_290] : memref<400x64xf32, #tpu.memory_space<vmem>> -> memref<50x64xf32, #tpu.memory_space<vmem>>
    %dma_start3A_292 = arith.constant 0 : i32
    %dma_start3A_293 = arith.constant 0 : i32
    %dma_start3A_294 = tpu.memref_slice %arg4[%add3A_288, %dma_start3A_292, %dma_start3A_293] : memref<16384x50x64xf32, #tpu.memory_space<hbm>> -> memref<1x50x64xf32, #tpu.memory_space<hbm>>
    %dma_start3A_295 = tpu.memref_squeeze %dma_start3A_294 : memref<1x50x64xf32, #tpu.memory_space<hbm>> -> memref<50x64xf32, #tpu.memory_space<hbm>>
    %dma_start3A_296 = arith.constant 0 : i32
    %dma_start3A_297 = arith.constant 0 : i32
    %dma_start3A_298 = tpu.memref_slice %arg4[%add3A_288, %dma_start3A_296, %dma_start3A_297] : memref<16384x50x64xf32, #tpu.memory_space<hbm>> -> memref<1x50x64xf32, #tpu.memory_space<hbm>>
    %dma_start3A_299 = tpu.memref_squeeze %dma_start3A_298 : memref<1x50x64xf32, #tpu.memory_space<hbm>> -> memref<50x64xf32, #tpu.memory_space<hbm>>
    %dma_start3A_300 = arith.constant 300 : i32
    %dma_start3A_301 = arith.constant 0 : i32
    %dma_start3A_302 = tpu.memref_slice %arg7[%dma_start3A_300, %dma_start3A_301] : memref<400x64xf32, #tpu.memory_space<vmem>> -> memref<50x64xf32, #tpu.memory_space<vmem>>
    tpu.enqueue_dma source(%dma_start3A_302 : memref<50x64xf32, #tpu.memory_space<vmem>>) target(%dma_start3A_299 : memref<50x64xf32, #tpu.memory_space<hbm>>) target_semaphore(%arg15 : memref<!tpu.dma_semaphore, #tpu.memory_space<semaphore_mem>>)
    %add3A_303 = arith.constant 8 : i32
    %add3A_304 = arith.addi %mul3A_4, %add3A_303 : i32
    %add3A_305 = arith.constant 7 : i32
    %add3A_306 = arith.addi %add3A_304, %add3A_305 : i32
    %dma_start3A_307 = arith.constant 350 : i32
    %dma_start3A_308 = arith.constant 0 : i32
    %dma_start3A_309 = tpu.memref_slice %arg7[%dma_start3A_307, %dma_start3A_308] : memref<400x64xf32, #tpu.memory_space<vmem>> -> memref<50x64xf32, #tpu.memory_space<vmem>>
    %dma_start3A_310 = arith.constant 0 : i32
    %dma_start3A_311 = arith.constant 0 : i32
    %dma_start3A_312 = tpu.memref_slice %arg4[%add3A_306, %dma_start3A_310, %dma_start3A_311] : memref<16384x50x64xf32, #tpu.memory_space<hbm>> -> memref<1x50x64xf32, #tpu.memory_space<hbm>>
    %dma_start3A_313 = tpu.memref_squeeze %dma_start3A_312 : memref<1x50x64xf32, #tpu.memory_space<hbm>> -> memref<50x64xf32, #tpu.memory_space<hbm>>
    %dma_start3A_314 = arith.constant 0 : i32
    %dma_start3A_315 = arith.constant 0 : i32
    %dma_start3A_316 = tpu.memref_slice %arg4[%add3A_306, %dma_start3A_314, %dma_start3A_315] : memref<16384x50x64xf32, #tpu.memory_space<hbm>> -> memref<1x50x64xf32, #tpu.memory_space<hbm>>
    %dma_start3A_317 = tpu.memref_squeeze %dma_start3A_316 : memref<1x50x64xf32, #tpu.memory_space<hbm>> -> memref<50x64xf32, #tpu.memory_space<hbm>>
    %dma_start3A_318 = arith.constant 350 : i32
    %dma_start3A_319 = arith.constant 0 : i32
    %dma_start3A_320 = tpu.memref_slice %arg7[%dma_start3A_318, %dma_start3A_319] : memref<400x64xf32, #tpu.memory_space<vmem>> -> memref<50x64xf32, #tpu.memory_space<vmem>>
    tpu.enqueue_dma source(%dma_start3A_320 : memref<50x64xf32, #tpu.memory_space<vmem>>) target(%dma_start3A_317 : memref<50x64xf32, #tpu.memory_space<hbm>>) target_semaphore(%arg15 : memref<!tpu.dma_semaphore, #tpu.memory_space<semaphore_mem>>)
    %add3A_321 = arith.constant 0 : i32
    %add3A_322 = arith.addi %mul3A_4, %add3A_321 : i32
    %dma_wait3A_323 = arith.constant 0 : i32
    %dma_wait3A_324 = arith.constant 0 : i32
    %dma_wait3A_325 = tpu.memref_slice %arg6[%dma_wait3A_323, %dma_wait3A_324] : memref<400x64xf32, #tpu.memory_space<vmem>> -> memref<50x64xf32, #tpu.memory_space<vmem>>
    %dma_wait3A_326 = arith.constant 0 : i32
    %dma_wait3A_327 = arith.constant 0 : i32
    %dma_wait3A_328 = tpu.memref_slice %arg4[%add3A_322, %dma_wait3A_326, %dma_wait3A_327] : memref<16384x50x64xf32, #tpu.memory_space<hbm>> -> memref<1x50x64xf32, #tpu.memory_space<hbm>>
    %dma_wait3A_329 = tpu.memref_squeeze %dma_wait3A_328 : memref<1x50x64xf32, #tpu.memory_space<hbm>> -> memref<50x64xf32, #tpu.memory_space<hbm>>
    %dma_wait3A_330 = arith.constant 0 : i32
    %dma_wait3A_331 = arith.constant 0 : i32
    %dma_wait3A_332 = tpu.memref_slice %arg4[%add3A_322, %dma_wait3A_330, %dma_wait3A_331] : memref<16384x50x64xf32, #tpu.memory_space<hbm>> -> memref<1x50x64xf32, #tpu.memory_space<hbm>>
    %dma_wait3A_333 = tpu.memref_squeeze %dma_wait3A_332 : memref<1x50x64xf32, #tpu.memory_space<hbm>> -> memref<50x64xf32, #tpu.memory_space<hbm>>
    %dma_wait3A_334 = arith.constant 0 : i32
    %dma_wait3A_335 = arith.constant 0 : i32
    %dma_wait3A_336 = tpu.memref_slice %arg6[%dma_wait3A_334, %dma_wait3A_335] : memref<400x64xf32, #tpu.memory_space<vmem>> -> memref<50x64xf32, #tpu.memory_space<vmem>>
    tpu.wait_dma2 semaphore(%arg14 : memref<!tpu.dma_semaphore, #tpu.memory_space<semaphore_mem>>) src(%dma_wait3A_336 : memref<50x64xf32, #tpu.memory_space<vmem>>) dst(%dma_wait3A_333 : memref<50x64xf32, #tpu.memory_space<hbm>>)
    %add3A_337 = arith.constant 1 : i32
    %add3A_338 = arith.addi %mul3A_4, %add3A_337 : i32
    %dma_wait3A_339 = arith.constant 50 : i32
    %dma_wait3A_340 = arith.constant 0 : i32
    %dma_wait3A_341 = tpu.memref_slice %arg6[%dma_wait3A_339, %dma_wait3A_340] : memref<400x64xf32, #tpu.memory_space<vmem>> -> memref<50x64xf32, #tpu.memory_space<vmem>>
    %dma_wait3A_342 = arith.constant 0 : i32
    %dma_wait3A_343 = arith.constant 0 : i32
    %dma_wait3A_344 = tpu.memref_slice %arg4[%add3A_338, %dma_wait3A_342, %dma_wait3A_343] : memref<16384x50x64xf32, #tpu.memory_space<hbm>> -> memref<1x50x64xf32, #tpu.memory_space<hbm>>
    %dma_wait3A_345 = tpu.memref_squeeze %dma_wait3A_344 : memref<1x50x64xf32, #tpu.memory_space<hbm>> -> memref<50x64xf32, #tpu.memory_space<hbm>>
    %dma_wait3A_346 = arith.constant 0 : i32
    %dma_wait3A_347 = arith.constant 0 : i32
    %dma_wait3A_348 = tpu.memref_slice %arg4[%add3A_338, %dma_wait3A_346, %dma_wait3A_347] : memref<16384x50x64xf32, #tpu.memory_space<hbm>> -> memref<1x50x64xf32, #tpu.memory_space<hbm>>
    %dma_wait3A_349 = tpu.memref_squeeze %dma_wait3A_348 : memref<1x50x64xf32, #tpu.memory_space<hbm>> -> memref<50x64xf32, #tpu.memory_space<hbm>>
    %dma_wait3A_350 = arith.constant 50 : i32
    %dma_wait3A_351 = arith.constant 0 : i32
    %dma_wait3A_352 = tpu.memref_slice %arg6[%dma_wait3A_350, %dma_wait3A_351] : memref<400x64xf32, #tpu.memory_space<vmem>> -> memref<50x64xf32, #tpu.memory_space<vmem>>
    tpu.wait_dma2 semaphore(%arg14 : memref<!tpu.dma_semaphore, #tpu.memory_space<semaphore_mem>>) src(%dma_wait3A_352 : memref<50x64xf32, #tpu.memory_space<vmem>>) dst(%dma_wait3A_349 : memref<50x64xf32, #tpu.memory_space<hbm>>)
    %add3A_353 = arith.constant 2 : i32
    %add3A_354 = arith.addi %mul3A_4, %add3A_353 : i32
    %dma_wait3A_355 = arith.constant 100 : i32
    %dma_wait3A_356 = arith.constant 0 : i32
    %dma_wait3A_357 = tpu.memref_slice %arg6[%dma_wait3A_355, %dma_wait3A_356] : memref<400x64xf32, #tpu.memory_space<vmem>> -> memref<50x64xf32, #tpu.memory_space<vmem>>
    %dma_wait3A_358 = arith.constant 0 : i32
    %dma_wait3A_359 = arith.constant 0 : i32
    %dma_wait3A_360 = tpu.memref_slice %arg4[%add3A_354, %dma_wait3A_358, %dma_wait3A_359] : memref<16384x50x64xf32, #tpu.memory_space<hbm>> -> memref<1x50x64xf32, #tpu.memory_space<hbm>>
    %dma_wait3A_361 = tpu.memref_squeeze %dma_wait3A_360 : memref<1x50x64xf32, #tpu.memory_space<hbm>> -> memref<50x64xf32, #tpu.memory_space<hbm>>
    %dma_wait3A_362 = arith.constant 0 : i32
    %dma_wait3A_363 = arith.constant 0 : i32
    %dma_wait3A_364 = tpu.memref_slice %arg4[%add3A_354, %dma_wait3A_362, %dma_wait3A_363] : memref<16384x50x64xf32, #tpu.memory_space<hbm>> -> memref<1x50x64xf32, #tpu.memory_space<hbm>>
    %dma_wait3A_365 = tpu.memref_squeeze %dma_wait3A_364 : memref<1x50x64xf32, #tpu.memory_space<hbm>> -> memref<50x64xf32, #tpu.memory_space<hbm>>
    %dma_wait3A_366 = arith.constant 100 : i32
    %dma_wait3A_367 = arith.constant 0 : i32
    %dma_wait3A_368 = tpu.memref_slice %arg6[%dma_wait3A_366, %dma_wait3A_367] : memref<400x64xf32, #tpu.memory_space<vmem>> -> memref<50x64xf32, #tpu.memory_space<vmem>>
    tpu.wait_dma2 semaphore(%arg14 : memref<!tpu.dma_semaphore, #tpu.memory_space<semaphore_mem>>) src(%dma_wait3A_368 : memref<50x64xf32, #tpu.memory_space<vmem>>) dst(%dma_wait3A_365 : memref<50x64xf32, #tpu.memory_space<hbm>>)
    %add3A_369 = arith.constant 3 : i32
    %add3A_370 = arith.addi %mul3A_4, %add3A_369 : i32
    %dma_wait3A_371 = arith.constant 150 : i32
    %dma_wait3A_372 = arith.constant 0 : i32
    %dma_wait3A_373 = tpu.memref_slice %arg6[%dma_wait3A_371, %dma_wait3A_372] : memref<400x64xf32, #tpu.memory_space<vmem>> -> memref<50x64xf32, #tpu.memory_space<vmem>>
    %dma_wait3A_374 = arith.constant 0 : i32
    %dma_wait3A_375 = arith.constant 0 : i32
    %dma_wait3A_376 = tpu.memref_slice %arg4[%add3A_370, %dma_wait3A_374, %dma_wait3A_375] : memref<16384x50x64xf32, #tpu.memory_space<hbm>> -> memref<1x50x64xf32, #tpu.memory_space<hbm>>
    %dma_wait3A_377 = tpu.memref_squeeze %dma_wait3A_376 : memref<1x50x64xf32, #tpu.memory_space<hbm>> -> memref<50x64xf32, #tpu.memory_space<hbm>>
    %dma_wait3A_378 = arith.constant 0 : i32
    %dma_wait3A_379 = arith.constant 0 : i32
    %dma_wait3A_380 = tpu.memref_slice %arg4[%add3A_370, %dma_wait3A_378, %dma_wait3A_379] : memref<16384x50x64xf32, #tpu.memory_space<hbm>> -> memref<1x50x64xf32, #tpu.memory_space<hbm>>
    %dma_wait3A_381 = tpu.memref_squeeze %dma_wait3A_380 : memref<1x50x64xf32, #tpu.memory_space<hbm>> -> memref<50x64xf32, #tpu.memory_space<hbm>>
    %dma_wait3A_382 = arith.constant 150 : i32
    %dma_wait3A_383 = arith.constant 0 : i32
    %dma_wait3A_384 = tpu.memref_slice %arg6[%dma_wait3A_382, %dma_wait3A_383] : memref<400x64xf32, #tpu.memory_space<vmem>> -> memref<50x64xf32, #tpu.memory_space<vmem>>
    tpu.wait_dma2 semaphore(%arg14 : memref<!tpu.dma_semaphore, #tpu.memory_space<semaphore_mem>>) src(%dma_wait3A_384 : memref<50x64xf32, #tpu.memory_space<vmem>>) dst(%dma_wait3A_381 : memref<50x64xf32, #tpu.memory_space<hbm>>)
    %add3A_385 = arith.constant 4 : i32
    %add3A_386 = arith.addi %mul3A_4, %add3A_385 : i32
    %dma_wait3A_387 = arith.constant 200 : i32
    %dma_wait3A_388 = arith.constant 0 : i32
    %dma_wait3A_389 = tpu.memref_slice %arg6[%dma_wait3A_387, %dma_wait3A_388] : memref<400x64xf32, #tpu.memory_space<vmem>> -> memref<50x64xf32, #tpu.memory_space<vmem>>
    %dma_wait3A_390 = arith.constant 0 : i32
    %dma_wait3A_391 = arith.constant 0 : i32
    %dma_wait3A_392 = tpu.memref_slice %arg4[%add3A_386, %dma_wait3A_390, %dma_wait3A_391] : memref<16384x50x64xf32, #tpu.memory_space<hbm>> -> memref<1x50x64xf32, #tpu.memory_space<hbm>>
    %dma_wait3A_393 = tpu.memref_squeeze %dma_wait3A_392 : memref<1x50x64xf32, #tpu.memory_space<hbm>> -> memref<50x64xf32, #tpu.memory_space<hbm>>
    %dma_wait3A_394 = arith.constant 0 : i32
    %dma_wait3A_395 = arith.constant 0 : i32
    %dma_wait3A_396 = tpu.memref_slice %arg4[%add3A_386, %dma_wait3A_394, %dma_wait3A_395] : memref<16384x50x64xf32, #tpu.memory_space<hbm>> -> memref<1x50x64xf32, #tpu.memory_space<hbm>>
    %dma_wait3A_397 = tpu.memref_squeeze %dma_wait3A_396 : memref<1x50x64xf32, #tpu.memory_space<hbm>> -> memref<50x64xf32, #tpu.memory_space<hbm>>
    %dma_wait3A_398 = arith.constant 200 : i32
    %dma_wait3A_399 = arith.constant 0 : i32
    %dma_wait3A_400 = tpu.memref_slice %arg6[%dma_wait3A_398, %dma_wait3A_399] : memref<400x64xf32, #tpu.memory_space<vmem>> -> memref<50x64xf32, #tpu.memory_space<vmem>>
    tpu.wait_dma2 semaphore(%arg14 : memref<!tpu.dma_semaphore, #tpu.memory_space<semaphore_mem>>) src(%dma_wait3A_400 : memref<50x64xf32, #tpu.memory_space<vmem>>) dst(%dma_wait3A_397 : memref<50x64xf32, #tpu.memory_space<hbm>>)
    %add3A_401 = arith.constant 5 : i32
    %add3A_402 = arith.addi %mul3A_4, %add3A_401 : i32
    %dma_wait3A_403 = arith.constant 250 : i32
    %dma_wait3A_404 = arith.constant 0 : i32
    %dma_wait3A_405 = tpu.memref_slice %arg6[%dma_wait3A_403, %dma_wait3A_404] : memref<400x64xf32, #tpu.memory_space<vmem>> -> memref<50x64xf32, #tpu.memory_space<vmem>>
    %dma_wait3A_406 = arith.constant 0 : i32
    %dma_wait3A_407 = arith.constant 0 : i32
    %dma_wait3A_408 = tpu.memref_slice %arg4[%add3A_402, %dma_wait3A_406, %dma_wait3A_407] : memref<16384x50x64xf32, #tpu.memory_space<hbm>> -> memref<1x50x64xf32, #tpu.memory_space<hbm>>
    %dma_wait3A_409 = tpu.memref_squeeze %dma_wait3A_408 : memref<1x50x64xf32, #tpu.memory_space<hbm>> -> memref<50x64xf32, #tpu.memory_space<hbm>>
    %dma_wait3A_410 = arith.constant 0 : i32
    %dma_wait3A_411 = arith.constant 0 : i32
    %dma_wait3A_412 = tpu.memref_slice %arg4[%add3A_402, %dma_wait3A_410, %dma_wait3A_411] : memref<16384x50x64xf32, #tpu.memory_space<hbm>> -> memref<1x50x64xf32, #tpu.memory_space<hbm>>
    %dma_wait3A_413 = tpu.memref_squeeze %dma_wait3A_412 : memref<1x50x64xf32, #tpu.memory_space<hbm>> -> memref<50x64xf32, #tpu.memory_space<hbm>>
    %dma_wait3A_414 = arith.constant 250 : i32
    %dma_wait3A_415 = arith.constant 0 : i32
    %dma_wait3A_416 = tpu.memref_slice %arg6[%dma_wait3A_414, %dma_wait3A_415] : memref<400x64xf32, #tpu.memory_space<vmem>> -> memref<50x64xf32, #tpu.memory_space<vmem>>
    tpu.wait_dma2 semaphore(%arg14 : memref<!tpu.dma_semaphore, #tpu.memory_space<semaphore_mem>>) src(%dma_wait3A_416 : memref<50x64xf32, #tpu.memory_space<vmem>>) dst(%dma_wait3A_413 : memref<50x64xf32, #tpu.memory_space<hbm>>)
    %add3A_417 = arith.constant 6 : i32
    %add3A_418 = arith.addi %mul3A_4, %add3A_417 : i32
    %dma_wait3A_419 = arith.constant 300 : i32
    %dma_wait3A_420 = arith.constant 0 : i32
    %dma_wait3A_421 = tpu.memref_slice %arg6[%dma_wait3A_419, %dma_wait3A_420] : memref<400x64xf32, #tpu.memory_space<vmem>> -> memref<50x64xf32, #tpu.memory_space<vmem>>
    %dma_wait3A_422 = arith.constant 0 : i32
    %dma_wait3A_423 = arith.constant 0 : i32
    %dma_wait3A_424 = tpu.memref_slice %arg4[%add3A_418, %dma_wait3A_422, %dma_wait3A_423] : memref<16384x50x64xf32, #tpu.memory_space<hbm>> -> memref<1x50x64xf32, #tpu.memory_space<hbm>>
    %dma_wait3A_425 = tpu.memref_squeeze %dma_wait3A_424 : memref<1x50x64xf32, #tpu.memory_space<hbm>> -> memref<50x64xf32, #tpu.memory_space<hbm>>
    %dma_wait3A_426 = arith.constant 0 : i32
    %dma_wait3A_427 = arith.constant 0 : i32
    %dma_wait3A_428 = tpu.memref_slice %arg4[%add3A_418, %dma_wait3A_426, %dma_wait3A_427] : memref<16384x50x64xf32, #tpu.memory_space<hbm>> -> memref<1x50x64xf32, #tpu.memory_space<hbm>>
    %dma_wait3A_429 = tpu.memref_squeeze %dma_wait3A_428 : memref<1x50x64xf32, #tpu.memory_space<hbm>> -> memref<50x64xf32, #tpu.memory_space<hbm>>
    %dma_wait3A_430 = arith.constant 300 : i32
    %dma_wait3A_431 = arith.constant 0 : i32
    %dma_wait3A_432 = tpu.memref_slice %arg6[%dma_wait3A_430, %dma_wait3A_431] : memref<400x64xf32, #tpu.memory_space<vmem>> -> memref<50x64xf32, #tpu.memory_space<vmem>>
    tpu.wait_dma2 semaphore(%arg14 : memref<!tpu.dma_semaphore, #tpu.memory_space<semaphore_mem>>) src(%dma_wait3A_432 : memref<50x64xf32, #tpu.memory_space<vmem>>) dst(%dma_wait3A_429 : memref<50x64xf32, #tpu.memory_space<hbm>>)
    %add3A_433 = arith.constant 7 : i32
    %add3A_434 = arith.addi %mul3A_4, %add3A_433 : i32
    %dma_wait3A_435 = arith.constant 350 : i32
    %dma_wait3A_436 = arith.constant 0 : i32
    %dma_wait3A_437 = tpu.memref_slice %arg6[%dma_wait3A_435, %dma_wait3A_436] : memref<400x64xf32, #tpu.memory_space<vmem>> -> memref<50x64xf32, #tpu.memory_space<vmem>>
    %dma_wait3A_438 = arith.constant 0 : i32
    %dma_wait3A_439 = arith.constant 0 : i32
    %dma_wait3A_440 = tpu.memref_slice %arg4[%add3A_434, %dma_wait3A_438, %dma_wait3A_439] : memref<16384x50x64xf32, #tpu.memory_space<hbm>> -> memref<1x50x64xf32, #tpu.memory_space<hbm>>
    %dma_wait3A_441 = tpu.memref_squeeze %dma_wait3A_440 : memref<1x50x64xf32, #tpu.memory_space<hbm>> -> memref<50x64xf32, #tpu.memory_space<hbm>>
    %dma_wait3A_442 = arith.constant 0 : i32
    %dma_wait3A_443 = arith.constant 0 : i32
    %dma_wait3A_444 = tpu.memref_slice %arg4[%add3A_434, %dma_wait3A_442, %dma_wait3A_443] : memref<16384x50x64xf32, #tpu.memory_space<hbm>> -> memref<1x50x64xf32, #tpu.memory_space<hbm>>
    %dma_wait3A_445 = tpu.memref_squeeze %dma_wait3A_444 : memref<1x50x64xf32, #tpu.memory_space<hbm>> -> memref<50x64xf32, #tpu.memory_space<hbm>>
    %dma_wait3A_446 = arith.constant 350 : i32
    %dma_wait3A_447 = arith.constant 0 : i32
    %dma_wait3A_448 = tpu.memref_slice %arg6[%dma_wait3A_446, %dma_wait3A_447] : memref<400x64xf32, #tpu.memory_space<vmem>> -> memref<50x64xf32, #tpu.memory_space<vmem>>
    tpu.wait_dma2 semaphore(%arg14 : memref<!tpu.dma_semaphore, #tpu.memory_space<semaphore_mem>>) src(%dma_wait3A_448 : memref<50x64xf32, #tpu.memory_space<vmem>>) dst(%dma_wait3A_445 : memref<50x64xf32, #tpu.memory_space<hbm>>)
    %dma_start3A_449 = arith.constant 1600 : i32
    %dma_start3A_450 = tpu.memref_slice %arg5[%dma_start3A_449] : memref<25600xi32, #tpu.memory_space<vmem>> -> memref<400xi32, #tpu.memory_space<vmem>>
    %dma_start3A_451 = arith.constant 0 : i32
    %dma_start3A_452 = arith.constant 0 : i32
    %dma_start3A_453 = tpu.memref_slice %arg3[%dma_start3A_451, %dma_start3A_452] : memref<1000000x64xf32, #tpu.memory_space<hbm>> -> memref<1000000x64xf32, #tpu.memory_space<hbm>>
    tpu.enqueue_indirect_dma source(%dma_start3A_453 : memref<1000000x64xf32, #tpu.memory_space<hbm>>) target(%arg6 : memref<400x64xf32, #tpu.memory_space<vmem>>) offsets(%dma_start3A_450 : memref<400xi32, #tpu.memory_space<vmem>>) semaphore(%arg10 : memref<!tpu.dma_semaphore, #tpu.memory_space<semaphore_mem>>)
    %dma_wait3A_454 = arith.constant 800 : i32
    %dma_wait3A_455 = tpu.memref_slice %arg5[%dma_wait3A_454] : memref<25600xi32, #tpu.memory_space<vmem>> -> memref<400xi32, #tpu.memory_space<vmem>>
    %dma_wait3A_456 = arith.constant 0 : i32
    %dma_wait3A_457 = arith.constant 0 : i32
    %dma_wait3A_458 = tpu.memref_slice %arg3[%dma_wait3A_456, %dma_wait3A_457] : memref<1000000x64xf32, #tpu.memory_space<hbm>> -> memref<1000000x64xf32, #tpu.memory_space<hbm>>
    tpu.wait_indirect_dma semaphore(%arg12 : memref<!tpu.dma_semaphore, #tpu.memory_space<semaphore_mem>>) src(%dma_wait3A_458 : memref<1000000x64xf32, #tpu.memory_space<hbm>>) dst(%arg8 : memref<400x64xf32, #tpu.memory_space<vmem>>)
    %add3A_459 = arith.constant 16 : i32
    %add3A_460 = arith.addi %mul3A_4, %add3A_459 : i32
    %add3A_461 = arith.constant 0 : i32
    %add3A_462 = arith.addi %add3A_460, %add3A_461 : i32
    %dma_start3A_463 = arith.constant 0 : i32
    %dma_start3A_464 = arith.constant 0 : i32
    %dma_start3A_465 = tpu.memref_slice %arg8[%dma_start3A_463, %dma_start3A_464] : memref<400x64xf32, #tpu.memory_space<vmem>> -> memref<50x64xf32, #tpu.memory_space<vmem>>
    %dma_start3A_466 = arith.constant 0 : i32
    %dma_start3A_467 = arith.constant 0 : i32
    %dma_start3A_468 = tpu.memref_slice %arg4[%add3A_462, %dma_start3A_466, %dma_start3A_467] : memref<16384x50x64xf32, #tpu.memory_space<hbm>> -> memref<1x50x64xf32, #tpu.memory_space<hbm>>
    %dma_start3A_469 = tpu.memref_squeeze %dma_start3A_468 : memref<1x50x64xf32, #tpu.memory_space<hbm>> -> memref<50x64xf32, #tpu.memory_space<hbm>>
    %dma_start3A_470 = arith.constant 0 : i32
    %dma_start3A_471 = arith.constant 0 : i32
    %dma_start3A_472 = tpu.memref_slice %arg4[%add3A_462, %dma_start3A_470, %dma_start3A_471] : memref<16384x50x64xf32, #tpu.memory_space<hbm>> -> memref<1x50x64xf32, #tpu.memory_space<hbm>>
    %dma_start3A_473 = tpu.memref_squeeze %dma_start3A_472 : memref<1x50x64xf32, #tpu.memory_space<hbm>> -> memref<50x64xf32, #tpu.memory_space<hbm>>
    %dma_start3A_474 = arith.constant 0 : i32
    %dma_start3A_475 = arith.constant 0 : i32
    %dma_start3A_476 = tpu.memref_slice %arg8[%dma_start3A_474, %dma_start3A_475] : memref<400x64xf32, #tpu.memory_space<vmem>> -> memref<50x64xf32, #tpu.memory_space<vmem>>
    tpu.enqueue_dma source(%dma_start3A_476 : memref<50x64xf32, #tpu.memory_space<vmem>>) target(%dma_start3A_473 : memref<50x64xf32, #tpu.memory_space<hbm>>) target_semaphore(%arg16 : memref<!tpu.dma_semaphore, #tpu.memory_space<semaphore_mem>>)
    %add3A_477 = arith.constant 16 : i32
    %add3A_478 = arith.addi %mul3A_4, %add3A_477 : i32
    %add3A_479 = arith.constant 1 : i32
    %add3A_480 = arith.addi %add3A_478, %add3A_479 : i32
    %dma_start3A_481 = arith.constant 50 : i32
    %dma_start3A_482 = arith.constant 0 : i32
    %dma_start3A_483 = tpu.memref_slice %arg8[%dma_start3A_481, %dma_start3A_482] : memref<400x64xf32, #tpu.memory_space<vmem>> -> memref<50x64xf32, #tpu.memory_space<vmem>>
    %dma_start3A_484 = arith.constant 0 : i32
    %dma_start3A_485 = arith.constant 0 : i32
    %dma_start3A_486 = tpu.memref_slice %arg4[%add3A_480, %dma_start3A_484, %dma_start3A_485] : memref<16384x50x64xf32, #tpu.memory_space<hbm>> -> memref<1x50x64xf32, #tpu.memory_space<hbm>>
    %dma_start3A_487 = tpu.memref_squeeze %dma_start3A_486 : memref<1x50x64xf32, #tpu.memory_space<hbm>> -> memref<50x64xf32, #tpu.memory_space<hbm>>
    %dma_start3A_488 = arith.constant 0 : i32
    %dma_start3A_489 = arith.constant 0 : i32
    %dma_start3A_490 = tpu.memref_slice %arg4[%add3A_480, %dma_start3A_488, %dma_start3A_489] : memref<16384x50x64xf32, #tpu.memory_space<hbm>> -> memref<1x50x64xf32, #tpu.memory_space<hbm>>
    %dma_start3A_491 = tpu.memref_squeeze %dma_start3A_490 : memref<1x50x64xf32, #tpu.memory_space<hbm>> -> memref<50x64xf32, #tpu.memory_space<hbm>>
    %dma_start3A_492 = arith.constant 50 : i32
    %dma_start3A_493 = arith.constant 0 : i32
    %dma_start3A_494 = tpu.memref_slice %arg8[%dma_start3A_492, %dma_start3A_493] : memref<400x64xf32, #tpu.memory_space<vmem>> -> memref<50x64xf32, #tpu.memory_space<vmem>>
    tpu.enqueue_dma source(%dma_start3A_494 : memref<50x64xf32, #tpu.memory_space<vmem>>) target(%dma_start3A_491 : memref<50x64xf32, #tpu.memory_space<hbm>>) target_semaphore(%arg16 : memref<!tpu.dma_semaphore, #tpu.memory_space<semaphore_mem>>)
    %add3A_495 = arith.constant 16 : i32
    %add3A_496 = arith.addi %mul3A_4, %add3A_495 : i32
    %add3A_497 = arith.constant 2 : i32
    %add3A_498 = arith.addi %add3A_496, %add3A_497 : i32
    %dma_start3A_499 = arith.constant 100 : i32
    %dma_start3A_500 = arith.constant 0 : i32
    %dma_start3A_501 = tpu.memref_slice %arg8[%dma_start3A_499, %dma_start3A_500] : memref<400x64xf32, #tpu.memory_space<vmem>> -> memref<50x64xf32, #tpu.memory_space<vmem>>
    %dma_start3A_502 = arith.constant 0 : i32
    %dma_start3A_503 = arith.constant 0 : i32
    %dma_start3A_504 = tpu.memref_slice %arg4[%add3A_498, %dma_start3A_502, %dma_start3A_503] : memref<16384x50x64xf32, #tpu.memory_space<hbm>> -> memref<1x50x64xf32, #tpu.memory_space<hbm>>
    %dma_start3A_505 = tpu.memref_squeeze %dma_start3A_504 : memref<1x50x64xf32, #tpu.memory_space<hbm>> -> memref<50x64xf32, #tpu.memory_space<hbm>>
    %dma_start3A_506 = arith.constant 0 : i32
    %dma_start3A_507 = arith.constant 0 : i32
    %dma_start3A_508 = tpu.memref_slice %arg4[%add3A_498, %dma_start3A_506, %dma_start3A_507] : memref<16384x50x64xf32, #tpu.memory_space<hbm>> -> memref<1x50x64xf32, #tpu.memory_space<hbm>>
    %dma_start3A_509 = tpu.memref_squeeze %dma_start3A_508 : memref<1x50x64xf32, #tpu.memory_space<hbm>> -> memref<50x64xf32, #tpu.memory_space<hbm>>
    %dma_start3A_510 = arith.constant 100 : i32
    %dma_start3A_511 = arith.constant 0 : i32
    %dma_start3A_512 = tpu.memref_slice %arg8[%dma_start3A_510, %dma_start3A_511] : memref<400x64xf32, #tpu.memory_space<vmem>> -> memref<50x64xf32, #tpu.memory_space<vmem>>
    tpu.enqueue_dma source(%dma_start3A_512 : memref<50x64xf32, #tpu.memory_space<vmem>>) target(%dma_start3A_509 : memref<50x64xf32, #tpu.memory_space<hbm>>) target_semaphore(%arg16 : memref<!tpu.dma_semaphore, #tpu.memory_space<semaphore_mem>>)
    %add3A_513 = arith.constant 16 : i32
    %add3A_514 = arith.addi %mul3A_4, %add3A_513 : i32
    %add3A_515 = arith.constant 3 : i32
    %add3A_516 = arith.addi %add3A_514, %add3A_515 : i32
    %dma_start3A_517 = arith.constant 150 : i32
    %dma_start3A_518 = arith.constant 0 : i32
    %dma_start3A_519 = tpu.memref_slice %arg8[%dma_start3A_517, %dma_start3A_518] : memref<400x64xf32, #tpu.memory_space<vmem>> -> memref<50x64xf32, #tpu.memory_space<vmem>>
    %dma_start3A_520 = arith.constant 0 : i32
    %dma_start3A_521 = arith.constant 0 : i32
    %dma_start3A_522 = tpu.memref_slice %arg4[%add3A_516, %dma_start3A_520, %dma_start3A_521] : memref<16384x50x64xf32, #tpu.memory_space<hbm>> -> memref<1x50x64xf32, #tpu.memory_space<hbm>>
    %dma_start3A_523 = tpu.memref_squeeze %dma_start3A_522 : memref<1x50x64xf32, #tpu.memory_space<hbm>> -> memref<50x64xf32, #tpu.memory_space<hbm>>
    %dma_start3A_524 = arith.constant 0 : i32
    %dma_start3A_525 = arith.constant 0 : i32
    %dma_start3A_526 = tpu.memref_slice %arg4[%add3A_516, %dma_start3A_524, %dma_start3A_525] : memref<16384x50x64xf32, #tpu.memory_space<hbm>> -> memref<1x50x64xf32, #tpu.memory_space<hbm>>
    %dma_start3A_527 = tpu.memref_squeeze %dma_start3A_526 : memref<1x50x64xf32, #tpu.memory_space<hbm>> -> memref<50x64xf32, #tpu.memory_space<hbm>>
    %dma_start3A_528 = arith.constant 150 : i32
    %dma_start3A_529 = arith.constant 0 : i32
    %dma_start3A_530 = tpu.memref_slice %arg8[%dma_start3A_528, %dma_start3A_529] : memref<400x64xf32, #tpu.memory_space<vmem>> -> memref<50x64xf32, #tpu.memory_space<vmem>>
    tpu.enqueue_dma source(%dma_start3A_530 : memref<50x64xf32, #tpu.memory_space<vmem>>) target(%dma_start3A_527 : memref<50x64xf32, #tpu.memory_space<hbm>>) target_semaphore(%arg16 : memref<!tpu.dma_semaphore, #tpu.memory_space<semaphore_mem>>)
    %add3A_531 = arith.constant 16 : i32
    %add3A_532 = arith.addi %mul3A_4, %add3A_531 : i32
    %add3A_533 = arith.constant 4 : i32
    %add3A_534 = arith.addi %add3A_532, %add3A_533 : i32
    %dma_start3A_535 = arith.constant 200 : i32
    %dma_start3A_536 = arith.constant 0 : i32
    %dma_start3A_537 = tpu.memref_slice %arg8[%dma_start3A_535, %dma_start3A_536] : memref<400x64xf32, #tpu.memory_space<vmem>> -> memref<50x64xf32, #tpu.memory_space<vmem>>
    %dma_start3A_538 = arith.constant 0 : i32
    %dma_start3A_539 = arith.constant 0 : i32
    %dma_start3A_540 = tpu.memref_slice %arg4[%add3A_534, %dma_start3A_538, %dma_start3A_539] : memref<16384x50x64xf32, #tpu.memory_space<hbm>> -> memref<1x50x64xf32, #tpu.memory_space<hbm>>
    %dma_start3A_541 = tpu.memref_squeeze %dma_start3A_540 : memref<1x50x64xf32, #tpu.memory_space<hbm>> -> memref<50x64xf32, #tpu.memory_space<hbm>>
    %dma_start3A_542 = arith.constant 0 : i32
    %dma_start3A_543 = arith.constant 0 : i32
    %dma_start3A_544 = tpu.memref_slice %arg4[%add3A_534, %dma_start3A_542, %dma_start3A_543] : memref<16384x50x64xf32, #tpu.memory_space<hbm>> -> memref<1x50x64xf32, #tpu.memory_space<hbm>>
    %dma_start3A_545 = tpu.memref_squeeze %dma_start3A_544 : memref<1x50x64xf32, #tpu.memory_space<hbm>> -> memref<50x64xf32, #tpu.memory_space<hbm>>
    %dma_start3A_546 = arith.constant 200 : i32
    %dma_start3A_547 = arith.constant 0 : i32
    %dma_start3A_548 = tpu.memref_slice %arg8[%dma_start3A_546, %dma_start3A_547] : memref<400x64xf32, #tpu.memory_space<vmem>> -> memref<50x64xf32, #tpu.memory_space<vmem>>
    tpu.enqueue_dma source(%dma_start3A_548 : memref<50x64xf32, #tpu.memory_space<vmem>>) target(%dma_start3A_545 : memref<50x64xf32, #tpu.memory_space<hbm>>) target_semaphore(%arg16 : memref<!tpu.dma_semaphore, #tpu.memory_space<semaphore_mem>>)
    %add3A_549 = arith.constant 16 : i32
    %add3A_550 = arith.addi %mul3A_4, %add3A_549 : i32
    %add3A_551 = arith.constant 5 : i32
    %add3A_552 = arith.addi %add3A_550, %add3A_551 : i32
    %dma_start3A_553 = arith.constant 250 : i32
    %dma_start3A_554 = arith.constant 0 : i32
    %dma_start3A_555 = tpu.memref_slice %arg8[%dma_start3A_553, %dma_start3A_554] : memref<400x64xf32, #tpu.memory_space<vmem>> -> memref<50x64xf32, #tpu.memory_space<vmem>>
    %dma_start3A_556 = arith.constant 0 : i32
    %dma_start3A_557 = arith.constant 0 : i32
    %dma_start3A_558 = tpu.memref_slice %arg4[%add3A_552, %dma_start3A_556, %dma_start3A_557] : memref<16384x50x64xf32, #tpu.memory_space<hbm>> -> memref<1x50x64xf32, #tpu.memory_space<hbm>>
    %dma_start3A_559 = tpu.memref_squeeze %dma_start3A_558 : memref<1x50x64xf32, #tpu.memory_space<hbm>> -> memref<50x64xf32, #tpu.memory_space<hbm>>
    %dma_start3A_560 = arith.constant 0 : i32
    %dma_start3A_561 = arith.constant 0 : i32
    %dma_start3A_562 = tpu.memref_slice %arg4[%add3A_552, %dma_start3A_560, %dma_start3A_561] : memref<16384x50x64xf32, #tpu.memory_space<hbm>> -> memref<1x50x64xf32, #tpu.memory_space<hbm>>
    %dma_start3A_563 = tpu.memref_squeeze %dma_start3A_562 : memref<1x50x64xf32, #tpu.memory_space<hbm>> -> memref<50x64xf32, #tpu.memory_space<hbm>>
    %dma_start3A_564 = arith.constant 250 : i32
    %dma_start3A_565 = arith.constant 0 : i32
    %dma_start3A_566 = tpu.memref_slice %arg8[%dma_start3A_564, %dma_start3A_565] : memref<400x64xf32, #tpu.memory_space<vmem>> -> memref<50x64xf32, #tpu.memory_space<vmem>>
    tpu.enqueue_dma source(%dma_start3A_566 : memref<50x64xf32, #tpu.memory_space<vmem>>) target(%dma_start3A_563 : memref<50x64xf32, #tpu.memory_space<hbm>>) target_semaphore(%arg16 : memref<!tpu.dma_semaphore, #tpu.memory_space<semaphore_mem>>)
    %add3A_567 = arith.constant 16 : i32
    %add3A_568 = arith.addi %mul3A_4, %add3A_567 : i32
    %add3A_569 = arith.constant 6 : i32
    %add3A_570 = arith.addi %add3A_568, %add3A_569 : i32
    %dma_start3A_571 = arith.constant 300 : i32
    %dma_start3A_572 = arith.constant 0 : i32
    %dma_start3A_573 = tpu.memref_slice %arg8[%dma_start3A_571, %dma_start3A_572] : memref<400x64xf32, #tpu.memory_space<vmem>> -> memref<50x64xf32, #tpu.memory_space<vmem>>
    %dma_start3A_574 = arith.constant 0 : i32
    %dma_start3A_575 = arith.constant 0 : i32
    %dma_start3A_576 = tpu.memref_slice %arg4[%add3A_570, %dma_start3A_574, %dma_start3A_575] : memref<16384x50x64xf32, #tpu.memory_space<hbm>> -> memref<1x50x64xf32, #tpu.memory_space<hbm>>
    %dma_start3A_577 = tpu.memref_squeeze %dma_start3A_576 : memref<1x50x64xf32, #tpu.memory_space<hbm>> -> memref<50x64xf32, #tpu.memory_space<hbm>>
    %dma_start3A_578 = arith.constant 0 : i32
    %dma_start3A_579 = arith.constant 0 : i32
    %dma_start3A_580 = tpu.memref_slice %arg4[%add3A_570, %dma_start3A_578, %dma_start3A_579] : memref<16384x50x64xf32, #tpu.memory_space<hbm>> -> memref<1x50x64xf32, #tpu.memory_space<hbm>>
    %dma_start3A_581 = tpu.memref_squeeze %dma_start3A_580 : memref<1x50x64xf32, #tpu.memory_space<hbm>> -> memref<50x64xf32, #tpu.memory_space<hbm>>
    %dma_start3A_582 = arith.constant 300 : i32
    %dma_start3A_583 = arith.constant 0 : i32
    %dma_start3A_584 = tpu.memref_slice %arg8[%dma_start3A_582, %dma_start3A_583] : memref<400x64xf32, #tpu.memory_space<vmem>> -> memref<50x64xf32, #tpu.memory_space<vmem>>
    tpu.enqueue_dma source(%dma_start3A_584 : memref<50x64xf32, #tpu.memory_space<vmem>>) target(%dma_start3A_581 : memref<50x64xf32, #tpu.memory_space<hbm>>) target_semaphore(%arg16 : memref<!tpu.dma_semaphore, #tpu.memory_space<semaphore_mem>>)
    %add3A_585 = arith.constant 16 : i32
    %add3A_586 = arith.addi %mul3A_4, %add3A_585 : i32
    %add3A_587 = arith.constant 7 : i32
    %add3A_588 = arith.addi %add3A_586, %add3A_587 : i32
    %dma_start3A_589 = arith.constant 350 : i32
    %dma_start3A_590 = arith.constant 0 : i32
    %dma_start3A_591 = tpu.memref_slice %arg8[%dma_start3A_589, %dma_start3A_590] : memref<400x64xf32, #tpu.memory_space<vmem>> -> memref<50x64xf32, #tpu.memory_space<vmem>>
    %dma_start3A_592 = arith.constant 0 : i32
    %dma_start3A_593 = arith.constant 0 : i32
    %dma_start3A_594 = tpu.memref_slice %arg4[%add3A_588, %dma_start3A_592, %dma_start3A_593] : memref<16384x50x64xf32, #tpu.memory_space<hbm>> -> memref<1x50x64xf32, #tpu.memory_space<hbm>>
    %dma_start3A_595 = tpu.memref_squeeze %dma_start3A_594 : memref<1x50x64xf32, #tpu.memory_space<hbm>> -> memref<50x64xf32, #tpu.memory_space<hbm>>
    %dma_start3A_596 = arith.constant 0 : i32
    %dma_start3A_597 = arith.constant 0 : i32
    %dma_start3A_598 = tpu.memref_slice %arg4[%add3A_588, %dma_start3A_596, %dma_start3A_597] : memref<16384x50x64xf32, #tpu.memory_space<hbm>> -> memref<1x50x64xf32, #tpu.memory_space<hbm>>
    %dma_start3A_599 = tpu.memref_squeeze %dma_start3A_598 : memref<1x50x64xf32, #tpu.memory_space<hbm>> -> memref<50x64xf32, #tpu.memory_space<hbm>>
    %dma_start3A_600 = arith.constant 350 : i32
    %dma_start3A_601 = arith.constant 0 : i32
    %dma_start3A_602 = tpu.memref_slice %arg8[%dma_start3A_600, %dma_start3A_601] : memref<400x64xf32, #tpu.memory_space<vmem>> -> memref<50x64xf32, #tpu.memory_space<vmem>>
    tpu.enqueue_dma source(%dma_start3A_602 : memref<50x64xf32, #tpu.memory_space<vmem>>) target(%dma_start3A_599 : memref<50x64xf32, #tpu.memory_space<hbm>>) target_semaphore(%arg16 : memref<!tpu.dma_semaphore, #tpu.memory_space<semaphore_mem>>)
    %add3A_603 = arith.constant 0 : i32
    %add3A_604 = arith.addi %mul3A_4, %add3A_603 : i32
    %dma_wait3A_605 = arith.constant 0 : i32
    %dma_wait3A_606 = arith.constant 0 : i32
    %dma_wait3A_607 = tpu.memref_slice %arg7[%dma_wait3A_605, %dma_wait3A_606] : memref<400x64xf32, #tpu.memory_space<vmem>> -> memref<50x64xf32, #tpu.memory_space<vmem>>
    %dma_wait3A_608 = arith.constant 0 : i32
    %dma_wait3A_609 = arith.constant 0 : i32
    %dma_wait3A_610 = tpu.memref_slice %arg4[%add3A_604, %dma_wait3A_608, %dma_wait3A_609] : memref<16384x50x64xf32, #tpu.memory_space<hbm>> -> memref<1x50x64xf32, #tpu.memory_space<hbm>>
    %dma_wait3A_611 = tpu.memref_squeeze %dma_wait3A_610 : memref<1x50x64xf32, #tpu.memory_space<hbm>> -> memref<50x64xf32, #tpu.memory_space<hbm>>
    %dma_wait3A_612 = arith.constant 0 : i32
    %dma_wait3A_613 = arith.constant 0 : i32
    %dma_wait3A_614 = tpu.memref_slice %arg4[%add3A_604, %dma_wait3A_612, %dma_wait3A_613] : memref<16384x50x64xf32, #tpu.memory_space<hbm>> -> memref<1x50x64xf32, #tpu.memory_space<hbm>>
    %dma_wait3A_615 = tpu.memref_squeeze %dma_wait3A_614 : memref<1x50x64xf32, #tpu.memory_space<hbm>> -> memref<50x64xf32, #tpu.memory_space<hbm>>
    %dma_wait3A_616 = arith.constant 0 : i32
    %dma_wait3A_617 = arith.constant 0 : i32
    %dma_wait3A_618 = tpu.memref_slice %arg7[%dma_wait3A_616, %dma_wait3A_617] : memref<400x64xf32, #tpu.memory_space<vmem>> -> memref<50x64xf32, #tpu.memory_space<vmem>>
    tpu.wait_dma2 semaphore(%arg15 : memref<!tpu.dma_semaphore, #tpu.memory_space<semaphore_mem>>) src(%dma_wait3A_618 : memref<50x64xf32, #tpu.memory_space<vmem>>) dst(%dma_wait3A_615 : memref<50x64xf32, #tpu.memory_space<hbm>>)
    %add3A_619 = arith.constant 1 : i32
    %add3A_620 = arith.addi %mul3A_4, %add3A_619 : i32
    %dma_wait3A_621 = arith.constant 50 : i32
    %dma_wait3A_622 = arith.constant 0 : i32
    %dma_wait3A_623 = tpu.memref_slice %arg7[%dma_wait3A_621, %dma_wait3A_622] : memref<400x64xf32, #tpu.memory_space<vmem>> -> memref<50x64xf32, #tpu.memory_space<vmem>>
    %dma_wait3A_624 = arith.constant 0 : i32
    %dma_wait3A_625 = arith.constant 0 : i32
    %dma_wait3A_626 = tpu.memref_slice %arg4[%add3A_620, %dma_wait3A_624, %dma_wait3A_625] : memref<16384x50x64xf32, #tpu.memory_space<hbm>> -> memref<1x50x64xf32, #tpu.memory_space<hbm>>
    %dma_wait3A_627 = tpu.memref_squeeze %dma_wait3A_626 : memref<1x50x64xf32, #tpu.memory_space<hbm>> -> memref<50x64xf32, #tpu.memory_space<hbm>>
    %dma_wait3A_628 = arith.constant 0 : i32
    %dma_wait3A_629 = arith.constant 0 : i32
    %dma_wait3A_630 = tpu.memref_slice %arg4[%add3A_620, %dma_wait3A_628, %dma_wait3A_629] : memref<16384x50x64xf32, #tpu.memory_space<hbm>> -> memref<1x50x64xf32, #tpu.memory_space<hbm>>
    %dma_wait3A_631 = tpu.memref_squeeze %dma_wait3A_630 : memref<1x50x64xf32, #tpu.memory_space<hbm>> -> memref<50x64xf32, #tpu.memory_space<hbm>>
    %dma_wait3A_632 = arith.constant 50 : i32
    %dma_wait3A_633 = arith.constant 0 : i32
    %dma_wait3A_634 = tpu.memref_slice %arg7[%dma_wait3A_632, %dma_wait3A_633] : memref<400x64xf32, #tpu.memory_space<vmem>> -> memref<50x64xf32, #tpu.memory_space<vmem>>
    tpu.wait_dma2 semaphore(%arg15 : memref<!tpu.dma_semaphore, #tpu.memory_space<semaphore_mem>>) src(%dma_wait3A_634 : memref<50x64xf32, #tpu.memory_space<vmem>>) dst(%dma_wait3A_631 : memref<50x64xf32, #tpu.memory_space<hbm>>)
    %add3A_635 = arith.constant 2 : i32
    %add3A_636 = arith.addi %mul3A_4, %add3A_635 : i32
    %dma_wait3A_637 = arith.constant 100 : i32
    %dma_wait3A_638 = arith.constant 0 : i32
    %dma_wait3A_639 = tpu.memref_slice %arg7[%dma_wait3A_637, %dma_wait3A_638] : memref<400x64xf32, #tpu.memory_space<vmem>> -> memref<50x64xf32, #tpu.memory_space<vmem>>
    %dma_wait3A_640 = arith.constant 0 : i32
    %dma_wait3A_641 = arith.constant 0 : i32
    %dma_wait3A_642 = tpu.memref_slice %arg4[%add3A_636, %dma_wait3A_640, %dma_wait3A_641] : memref<16384x50x64xf32, #tpu.memory_space<hbm>> -> memref<1x50x64xf32, #tpu.memory_space<hbm>>
    %dma_wait3A_643 = tpu.memref_squeeze %dma_wait3A_642 : memref<1x50x64xf32, #tpu.memory_space<hbm>> -> memref<50x64xf32, #tpu.memory_space<hbm>>
    %dma_wait3A_644 = arith.constant 0 : i32
    %dma_wait3A_645 = arith.constant 0 : i32
    %dma_wait3A_646 = tpu.memref_slice %arg4[%add3A_636, %dma_wait3A_644, %dma_wait3A_645] : memref<16384x50x64xf32, #tpu.memory_space<hbm>> -> memref<1x50x64xf32, #tpu.memory_space<hbm>>
    %dma_wait3A_647 = tpu.memref_squeeze %dma_wait3A_646 : memref<1x50x64xf32, #tpu.memory_space<hbm>> -> memref<50x64xf32, #tpu.memory_space<hbm>>
    %dma_wait3A_648 = arith.constant 100 : i32
    %dma_wait3A_649 = arith.constant 0 : i32
    %dma_wait3A_650 = tpu.memref_slice %arg7[%dma_wait3A_648, %dma_wait3A_649] : memref<400x64xf32, #tpu.memory_space<vmem>> -> memref<50x64xf32, #tpu.memory_space<vmem>>
    tpu.wait_dma2 semaphore(%arg15 : memref<!tpu.dma_semaphore, #tpu.memory_space<semaphore_mem>>) src(%dma_wait3A_650 : memref<50x64xf32, #tpu.memory_space<vmem>>) dst(%dma_wait3A_647 : memref<50x64xf32, #tpu.memory_space<hbm>>)
    %add3A_651 = arith.constant 3 : i32
    %add3A_652 = arith.addi %mul3A_4, %add3A_651 : i32
    %dma_wait3A_653 = arith.constant 150 : i32
    %dma_wait3A_654 = arith.constant 0 : i32
    %dma_wait3A_655 = tpu.memref_slice %arg7[%dma_wait3A_653, %dma_wait3A_654] : memref<400x64xf32, #tpu.memory_space<vmem>> -> memref<50x64xf32, #tpu.memory_space<vmem>>
    %dma_wait3A_656 = arith.constant 0 : i32
    %dma_wait3A_657 = arith.constant 0 : i32
    %dma_wait3A_658 = tpu.memref_slice %arg4[%add3A_652, %dma_wait3A_656, %dma_wait3A_657] : memref<16384x50x64xf32, #tpu.memory_space<hbm>> -> memref<1x50x64xf32, #tpu.memory_space<hbm>>
    %dma_wait3A_659 = tpu.memref_squeeze %dma_wait3A_658 : memref<1x50x64xf32, #tpu.memory_space<hbm>> -> memref<50x64xf32, #tpu.memory_space<hbm>>
    %dma_wait3A_660 = arith.constant 0 : i32
    %dma_wait3A_661 = arith.constant 0 : i32
    %dma_wait3A_662 = tpu.memref_slice %arg4[%add3A_652, %dma_wait3A_660, %dma_wait3A_661] : memref<16384x50x64xf32, #tpu.memory_space<hbm>> -> memref<1x50x64xf32, #tpu.memory_space<hbm>>
    %dma_wait3A_663 = tpu.memref_squeeze %dma_wait3A_662 : memref<1x50x64xf32, #tpu.memory_space<hbm>> -> memref<50x64xf32, #tpu.memory_space<hbm>>
    %dma_wait3A_664 = arith.constant 150 : i32
    %dma_wait3A_665 = arith.constant 0 : i32
    %dma_wait3A_666 = tpu.memref_slice %arg7[%dma_wait3A_664, %dma_wait3A_665] : memref<400x64xf32, #tpu.memory_space<vmem>> -> memref<50x64xf32, #tpu.memory_space<vmem>>
    tpu.wait_dma2 semaphore(%arg15 : memref<!tpu.dma_semaphore, #tpu.memory_space<semaphore_mem>>) src(%dma_wait3A_666 : memref<50x64xf32, #tpu.memory_space<vmem>>) dst(%dma_wait3A_663 : memref<50x64xf32, #tpu.memory_space<hbm>>)
    %add3A_667 = arith.constant 4 : i32
    %add3A_668 = arith.addi %mul3A_4, %add3A_667 : i32
    %dma_wait3A_669 = arith.constant 200 : i32
    %dma_wait3A_670 = arith.constant 0 : i32
    %dma_wait3A_671 = tpu.memref_slice %arg7[%dma_wait3A_669, %dma_wait3A_670] : memref<400x64xf32, #tpu.memory_space<vmem>> -> memref<50x64xf32, #tpu.memory_space<vmem>>
    %dma_wait3A_672 = arith.constant 0 : i32
    %dma_wait3A_673 = arith.constant 0 : i32
    %dma_wait3A_674 = tpu.memref_slice %arg4[%add3A_668, %dma_wait3A_672, %dma_wait3A_673] : memref<16384x50x64xf32, #tpu.memory_space<hbm>> -> memref<1x50x64xf32, #tpu.memory_space<hbm>>
    %dma_wait3A_675 = tpu.memref_squeeze %dma_wait3A_674 : memref<1x50x64xf32, #tpu.memory_space<hbm>> -> memref<50x64xf32, #tpu.memory_space<hbm>>
    %dma_wait3A_676 = arith.constant 0 : i32
    %dma_wait3A_677 = arith.constant 0 : i32
    %dma_wait3A_678 = tpu.memref_slice %arg4[%add3A_668, %dma_wait3A_676, %dma_wait3A_677] : memref<16384x50x64xf32, #tpu.memory_space<hbm>> -> memref<1x50x64xf32, #tpu.memory_space<hbm>>
    %dma_wait3A_679 = tpu.memref_squeeze %dma_wait3A_678 : memref<1x50x64xf32, #tpu.memory_space<hbm>> -> memref<50x64xf32, #tpu.memory_space<hbm>>
    %dma_wait3A_680 = arith.constant 200 : i32
    %dma_wait3A_681 = arith.constant 0 : i32
    %dma_wait3A_682 = tpu.memref_slice %arg7[%dma_wait3A_680, %dma_wait3A_681] : memref<400x64xf32, #tpu.memory_space<vmem>> -> memref<50x64xf32, #tpu.memory_space<vmem>>
    tpu.wait_dma2 semaphore(%arg15 : memref<!tpu.dma_semaphore, #tpu.memory_space<semaphore_mem>>) src(%dma_wait3A_682 : memref<50x64xf32, #tpu.memory_space<vmem>>) dst(%dma_wait3A_679 : memref<50x64xf32, #tpu.memory_space<hbm>>)
    %add3A_683 = arith.constant 5 : i32
    %add3A_684 = arith.addi %mul3A_4, %add3A_683 : i32
    %dma_wait3A_685 = arith.constant 250 : i32
    %dma_wait3A_686 = arith.constant 0 : i32
    %dma_wait3A_687 = tpu.memref_slice %arg7[%dma_wait3A_685, %dma_wait3A_686] : memref<400x64xf32, #tpu.memory_space<vmem>> -> memref<50x64xf32, #tpu.memory_space<vmem>>
    %dma_wait3A_688 = arith.constant 0 : i32
    %dma_wait3A_689 = arith.constant 0 : i32
    %dma_wait3A_690 = tpu.memref_slice %arg4[%add3A_684, %dma_wait3A_688, %dma_wait3A_689] : memref<16384x50x64xf32, #tpu.memory_space<hbm>> -> memref<1x50x64xf32, #tpu.memory_space<hbm>>
    %dma_wait3A_691 = tpu.memref_squeeze %dma_wait3A_690 : memref<1x50x64xf32, #tpu.memory_space<hbm>> -> memref<50x64xf32, #tpu.memory_space<hbm>>
    %dma_wait3A_692 = arith.constant 0 : i32
    %dma_wait3A_693 = arith.constant 0 : i32
    %dma_wait3A_694 = tpu.memref_slice %arg4[%add3A_684, %dma_wait3A_692, %dma_wait3A_693] : memref<16384x50x64xf32, #tpu.memory_space<hbm>> -> memref<1x50x64xf32, #tpu.memory_space<hbm>>
    %dma_wait3A_695 = tpu.memref_squeeze %dma_wait3A_694 : memref<1x50x64xf32, #tpu.memory_space<hbm>> -> memref<50x64xf32, #tpu.memory_space<hbm>>
    %dma_wait3A_696 = arith.constant 250 : i32
    %dma_wait3A_697 = arith.constant 0 : i32
    %dma_wait3A_698 = tpu.memref_slice %arg7[%dma_wait3A_696, %dma_wait3A_697] : memref<400x64xf32, #tpu.memory_space<vmem>> -> memref<50x64xf32, #tpu.memory_space<vmem>>
    tpu.wait_dma2 semaphore(%arg15 : memref<!tpu.dma_semaphore, #tpu.memory_space<semaphore_mem>>) src(%dma_wait3A_698 : memref<50x64xf32, #tpu.memory_space<vmem>>) dst(%dma_wait3A_695 : memref<50x64xf32, #tpu.memory_space<hbm>>)
    %add3A_699 = arith.constant 6 : i32
    %add3A_700 = arith.addi %mul3A_4, %add3A_699 : i32
    %dma_wait3A_701 = arith.constant 300 : i32
    %dma_wait3A_702 = arith.constant 0 : i32
    %dma_wait3A_703 = tpu.memref_slice %arg7[%dma_wait3A_701, %dma_wait3A_702] : memref<400x64xf32, #tpu.memory_space<vmem>> -> memref<50x64xf32, #tpu.memory_space<vmem>>
    %dma_wait3A_704 = arith.constant 0 : i32
    %dma_wait3A_705 = arith.constant 0 : i32
    %dma_wait3A_706 = tpu.memref_slice %arg4[%add3A_700, %dma_wait3A_704, %dma_wait3A_705] : memref<16384x50x64xf32, #tpu.memory_space<hbm>> -> memref<1x50x64xf32, #tpu.memory_space<hbm>>
    %dma_wait3A_707 = tpu.memref_squeeze %dma_wait3A_706 : memref<1x50x64xf32, #tpu.memory_space<hbm>> -> memref<50x64xf32, #tpu.memory_space<hbm>>
    %dma_wait3A_708 = arith.constant 0 : i32
    %dma_wait3A_709 = arith.constant 0 : i32
    %dma_wait3A_710 = tpu.memref_slice %arg4[%add3A_700, %dma_wait3A_708, %dma_wait3A_709] : memref<16384x50x64xf32, #tpu.memory_space<hbm>> -> memref<1x50x64xf32, #tpu.memory_space<hbm>>
    %dma_wait3A_711 = tpu.memref_squeeze %dma_wait3A_710 : memref<1x50x64xf32, #tpu.memory_space<hbm>> -> memref<50x64xf32, #tpu.memory_space<hbm>>
    %dma_wait3A_712 = arith.constant 300 : i32
    %dma_wait3A_713 = arith.constant 0 : i32
    %dma_wait3A_714 = tpu.memref_slice %arg7[%dma_wait3A_712, %dma_wait3A_713] : memref<400x64xf32, #tpu.memory_space<vmem>> -> memref<50x64xf32, #tpu.memory_space<vmem>>
    tpu.wait_dma2 semaphore(%arg15 : memref<!tpu.dma_semaphore, #tpu.memory_space<semaphore_mem>>) src(%dma_wait3A_714 : memref<50x64xf32, #tpu.memory_space<vmem>>) dst(%dma_wait3A_711 : memref<50x64xf32, #tpu.memory_space<hbm>>)
    %add3A_715 = arith.constant 7 : i32
    %add3A_716 = arith.addi %mul3A_4, %add3A_715 : i32
    %dma_wait3A_717 = arith.constant 350 : i32
    %dma_wait3A_718 = arith.constant 0 : i32
    %dma_wait3A_719 = tpu.memref_slice %arg7[%dma_wait3A_717, %dma_wait3A_718] : memref<400x64xf32, #tpu.memory_space<vmem>> -> memref<50x64xf32, #tpu.memory_space<vmem>>
    %dma_wait3A_720 = arith.constant 0 : i32
    %dma_wait3A_721 = arith.constant 0 : i32
    %dma_wait3A_722 = tpu.memref_slice %arg4[%add3A_716, %dma_wait3A_720, %dma_wait3A_721] : memref<16384x50x64xf32, #tpu.memory_space<hbm>> -> memref<1x50x64xf32, #tpu.memory_space<hbm>>
    %dma_wait3A_723 = tpu.memref_squeeze %dma_wait3A_722 : memref<1x50x64xf32, #tpu.memory_space<hbm>> -> memref<50x64xf32, #tpu.memory_space<hbm>>
    %dma_wait3A_724 = arith.constant 0 : i32
    %dma_wait3A_725 = arith.constant 0 : i32
    %dma_wait3A_726 = tpu.memref_slice %arg4[%add3A_716, %dma_wait3A_724, %dma_wait3A_725] : memref<16384x50x64xf32, #tpu.memory_space<hbm>> -> memref<1x50x64xf32, #tpu.memory_space<hbm>>
    %dma_wait3A_727 = tpu.memref_squeeze %dma_wait3A_726 : memref<1x50x64xf32, #tpu.memory_space<hbm>> -> memref<50x64xf32, #tpu.memory_space<hbm>>
    %dma_wait3A_728 = arith.constant 350 : i32
    %dma_wait3A_729 = arith.constant 0 : i32
    %dma_wait3A_730 = tpu.memref_slice %arg7[%dma_wait3A_728, %dma_wait3A_729] : memref<400x64xf32, #tpu.memory_space<vmem>> -> memref<50x64xf32, #tpu.memory_space<vmem>>
    tpu.wait_dma2 semaphore(%arg15 : memref<!tpu.dma_semaphore, #tpu.memory_space<semaphore_mem>>) src(%dma_wait3A_730 : memref<50x64xf32, #tpu.memory_space<vmem>>) dst(%dma_wait3A_727 : memref<50x64xf32, #tpu.memory_space<hbm>>)
    %dma_start3A_731 = arith.constant 2000 : i32
    %dma_start3A_732 = tpu.memref_slice %arg5[%dma_start3A_731] : memref<25600xi32, #tpu.memory_space<vmem>> -> memref<400xi32, #tpu.memory_space<vmem>>
    %dma_start3A_733 = arith.constant 0 : i32
    %dma_start3A_734 = arith.constant 0 : i32
    %dma_start3A_735 = tpu.memref_slice %arg3[%dma_start3A_733, %dma_start3A_734] : memref<1000000x64xf32, #tpu.memory_space<hbm>> -> memref<1000000x64xf32, #tpu.memory_space<hbm>>
    tpu.enqueue_indirect_dma source(%dma_start3A_735 : memref<1000000x64xf32, #tpu.memory_space<hbm>>) target(%arg7 : memref<400x64xf32, #tpu.memory_space<vmem>>) offsets(%dma_start3A_732 : memref<400xi32, #tpu.memory_space<vmem>>) semaphore(%arg11 : memref<!tpu.dma_semaphore, #tpu.memory_space<semaphore_mem>>)
    %dma_wait3A_736 = arith.constant 1200 : i32
    %dma_wait3A_737 = tpu.memref_slice %arg5[%dma_wait3A_736] : memref<25600xi32, #tpu.memory_space<vmem>> -> memref<400xi32, #tpu.memory_space<vmem>>
    %dma_wait3A_738 = arith.constant 0 : i32
    %dma_wait3A_739 = arith.constant 0 : i32
    %dma_wait3A_740 = tpu.memref_slice %arg3[%dma_wait3A_738, %dma_wait3A_739] : memref<1000000x64xf32, #tpu.memory_space<hbm>> -> memref<1000000x64xf32, #tpu.memory_space<hbm>>
    tpu.wait_indirect_dma semaphore(%arg13 : memref<!tpu.dma_semaphore, #tpu.memory_space<semaphore_mem>>) src(%dma_wait3A_740 : memref<1000000x64xf32, #tpu.memory_space<hbm>>) dst(%arg9 : memref<400x64xf32, #tpu.memory_space<vmem>>)
    %add3A_741 = arith.constant 24 : i32
    %add3A_742 = arith.addi %mul3A_4, %add3A_741 : i32
    %add3A_743 = arith.constant 0 : i32
    %add3A_744 = arith.addi %add3A_742, %add3A_743 : i32
    %dma_start3A_745 = arith.constant 0 : i32
    %dma_start3A_746 = arith.constant 0 : i32
    %dma_start3A_747 = tpu.memref_slice %arg9[%dma_start3A_745, %dma_start3A_746] : memref<400x64xf32, #tpu.memory_space<vmem>> -> memref<50x64xf32, #tpu.memory_space<vmem>>
    %dma_start3A_748 = arith.constant 0 : i32
    %dma_start3A_749 = arith.constant 0 : i32
    %dma_start3A_750 = tpu.memref_slice %arg4[%add3A_744, %dma_start3A_748, %dma_start3A_749] : memref<16384x50x64xf32, #tpu.memory_space<hbm>> -> memref<1x50x64xf32, #tpu.memory_space<hbm>>
    %dma_start3A_751 = tpu.memref_squeeze %dma_start3A_750 : memref<1x50x64xf32, #tpu.memory_space<hbm>> -> memref<50x64xf32, #tpu.memory_space<hbm>>
    %dma_start3A_752 = arith.constant 0 : i32
    %dma_start3A_753 = arith.constant 0 : i32
    %dma_start3A_754 = tpu.memref_slice %arg4[%add3A_744, %dma_start3A_752, %dma_start3A_753] : memref<16384x50x64xf32, #tpu.memory_space<hbm>> -> memref<1x50x64xf32, #tpu.memory_space<hbm>>
    %dma_start3A_755 = tpu.memref_squeeze %dma_start3A_754 : memref<1x50x64xf32, #tpu.memory_space<hbm>> -> memref<50x64xf32, #tpu.memory_space<hbm>>
    %dma_start3A_756 = arith.constant 0 : i32
    %dma_start3A_757 = arith.constant 0 : i32
    %dma_start3A_758 = tpu.memref_slice %arg9[%dma_start3A_756, %dma_start3A_757] : memref<400x64xf32, #tpu.memory_space<vmem>> -> memref<50x64xf32, #tpu.memory_space<vmem>>
    tpu.enqueue_dma source(%dma_start3A_758 : memref<50x64xf32, #tpu.memory_space<vmem>>) target(%dma_start3A_755 : memref<50x64xf32, #tpu.memory_space<hbm>>) target_semaphore(%arg17 : memref<!tpu.dma_semaphore, #tpu.memory_space<semaphore_mem>>)
    %add3A_759 = arith.constant 24 : i32
    %add3A_760 = arith.addi %mul3A_4, %add3A_759 : i32
    %add3A_761 = arith.constant 1 : i32
    %add3A_762 = arith.addi %add3A_760, %add3A_761 : i32
    %dma_start3A_763 = arith.constant 50 : i32
    %dma_start3A_764 = arith.constant 0 : i32
    %dma_start3A_765 = tpu.memref_slice %arg9[%dma_start3A_763, %dma_start3A_764] : memref<400x64xf32, #tpu.memory_space<vmem>> -> memref<50x64xf32, #tpu.memory_space<vmem>>
    %dma_start3A_766 = arith.constant 0 : i32
    %dma_start3A_767 = arith.constant 0 : i32
    %dma_start3A_768 = tpu.memref_slice %arg4[%add3A_762, %dma_start3A_766, %dma_start3A_767] : memref<16384x50x64xf32, #tpu.memory_space<hbm>> -> memref<1x50x64xf32, #tpu.memory_space<hbm>>
    %dma_start3A_769 = tpu.memref_squeeze %dma_start3A_768 : memref<1x50x64xf32, #tpu.memory_space<hbm>> -> memref<50x64xf32, #tpu.memory_space<hbm>>
    %dma_start3A_770 = arith.constant 0 : i32
    %dma_start3A_771 = arith.constant 0 : i32
    %dma_start3A_772 = tpu.memref_slice %arg4[%add3A_762, %dma_start3A_770, %dma_start3A_771] : memref<16384x50x64xf32, #tpu.memory_space<hbm>> -> memref<1x50x64xf32, #tpu.memory_space<hbm>>
    %dma_start3A_773 = tpu.memref_squeeze %dma_start3A_772 : memref<1x50x64xf32, #tpu.memory_space<hbm>> -> memref<50x64xf32, #tpu.memory_space<hbm>>
    %dma_start3A_774 = arith.constant 50 : i32
    %dma_start3A_775 = arith.constant 0 : i32
    %dma_start3A_776 = tpu.memref_slice %arg9[%dma_start3A_774, %dma_start3A_775] : memref<400x64xf32, #tpu.memory_space<vmem>> -> memref<50x64xf32, #tpu.memory_space<vmem>>
    tpu.enqueue_dma source(%dma_start3A_776 : memref<50x64xf32, #tpu.memory_space<vmem>>) target(%dma_start3A_773 : memref<50x64xf32, #tpu.memory_space<hbm>>) target_semaphore(%arg17 : memref<!tpu.dma_semaphore, #tpu.memory_space<semaphore_mem>>)
    %add3A_777 = arith.constant 24 : i32
    %add3A_778 = arith.addi %mul3A_4, %add3A_777 : i32
    %add3A_779 = arith.constant 2 : i32
    %add3A_780 = arith.addi %add3A_778, %add3A_779 : i32
    %dma_start3A_781 = arith.constant 100 : i32
    %dma_start3A_782 = arith.constant 0 : i32
    %dma_start3A_783 = tpu.memref_slice %arg9[%dma_start3A_781, %dma_start3A_782] : memref<400x64xf32, #tpu.memory_space<vmem>> -> memref<50x64xf32, #tpu.memory_space<vmem>>
    %dma_start3A_784 = arith.constant 0 : i32
    %dma_start3A_785 = arith.constant 0 : i32
    %dma_start3A_786 = tpu.memref_slice %arg4[%add3A_780, %dma_start3A_784, %dma_start3A_785] : memref<16384x50x64xf32, #tpu.memory_space<hbm>> -> memref<1x50x64xf32, #tpu.memory_space<hbm>>
    %dma_start3A_787 = tpu.memref_squeeze %dma_start3A_786 : memref<1x50x64xf32, #tpu.memory_space<hbm>> -> memref<50x64xf32, #tpu.memory_space<hbm>>
    %dma_start3A_788 = arith.constant 0 : i32
    %dma_start3A_789 = arith.constant 0 : i32
    %dma_start3A_790 = tpu.memref_slice %arg4[%add3A_780, %dma_start3A_788, %dma_start3A_789] : memref<16384x50x64xf32, #tpu.memory_space<hbm>> -> memref<1x50x64xf32, #tpu.memory_space<hbm>>
    %dma_start3A_791 = tpu.memref_squeeze %dma_start3A_790 : memref<1x50x64xf32, #tpu.memory_space<hbm>> -> memref<50x64xf32, #tpu.memory_space<hbm>>
    %dma_start3A_792 = arith.constant 100 : i32
    %dma_start3A_793 = arith.constant 0 : i32
    %dma_start3A_794 = tpu.memref_slice %arg9[%dma_start3A_792, %dma_start3A_793] : memref<400x64xf32, #tpu.memory_space<vmem>> -> memref<50x64xf32, #tpu.memory_space<vmem>>
    tpu.enqueue_dma source(%dma_start3A_794 : memref<50x64xf32, #tpu.memory_space<vmem>>) target(%dma_start3A_791 : memref<50x64xf32, #tpu.memory_space<hbm>>) target_semaphore(%arg17 : memref<!tpu.dma_semaphore, #tpu.memory_space<semaphore_mem>>)
    %add3A_795 = arith.constant 24 : i32
    %add3A_796 = arith.addi %mul3A_4, %add3A_795 : i32
    %add3A_797 = arith.constant 3 : i32
    %add3A_798 = arith.addi %add3A_796, %add3A_797 : i32
    %dma_start3A_799 = arith.constant 150 : i32
    %dma_start3A_800 = arith.constant 0 : i32
    %dma_start3A_801 = tpu.memref_slice %arg9[%dma_start3A_799, %dma_start3A_800] : memref<400x64xf32, #tpu.memory_space<vmem>> -> memref<50x64xf32, #tpu.memory_space<vmem>>
    %dma_start3A_802 = arith.constant 0 : i32
    %dma_start3A_803 = arith.constant 0 : i32
    %dma_start3A_804 = tpu.memref_slice %arg4[%add3A_798, %dma_start3A_802, %dma_start3A_803] : memref<16384x50x64xf32, #tpu.memory_space<hbm>> -> memref<1x50x64xf32, #tpu.memory_space<hbm>>
    %dma_start3A_805 = tpu.memref_squeeze %dma_start3A_804 : memref<1x50x64xf32, #tpu.memory_space<hbm>> -> memref<50x64xf32, #tpu.memory_space<hbm>>
    %dma_start3A_806 = arith.constant 0 : i32
    %dma_start3A_807 = arith.constant 0 : i32
    %dma_start3A_808 = tpu.memref_slice %arg4[%add3A_798, %dma_start3A_806, %dma_start3A_807] : memref<16384x50x64xf32, #tpu.memory_space<hbm>> -> memref<1x50x64xf32, #tpu.memory_space<hbm>>
    %dma_start3A_809 = tpu.memref_squeeze %dma_start3A_808 : memref<1x50x64xf32, #tpu.memory_space<hbm>> -> memref<50x64xf32, #tpu.memory_space<hbm>>
    %dma_start3A_810 = arith.constant 150 : i32
    %dma_start3A_811 = arith.constant 0 : i32
    %dma_start3A_812 = tpu.memref_slice %arg9[%dma_start3A_810, %dma_start3A_811] : memref<400x64xf32, #tpu.memory_space<vmem>> -> memref<50x64xf32, #tpu.memory_space<vmem>>
    tpu.enqueue_dma source(%dma_start3A_812 : memref<50x64xf32, #tpu.memory_space<vmem>>) target(%dma_start3A_809 : memref<50x64xf32, #tpu.memory_space<hbm>>) target_semaphore(%arg17 : memref<!tpu.dma_semaphore, #tpu.memory_space<semaphore_mem>>)
    %add3A_813 = arith.constant 24 : i32
    %add3A_814 = arith.addi %mul3A_4, %add3A_813 : i32
    %add3A_815 = arith.constant 4 : i32
    %add3A_816 = arith.addi %add3A_814, %add3A_815 : i32
    %dma_start3A_817 = arith.constant 200 : i32
    %dma_start3A_818 = arith.constant 0 : i32
    %dma_start3A_819 = tpu.memref_slice %arg9[%dma_start3A_817, %dma_start3A_818] : memref<400x64xf32, #tpu.memory_space<vmem>> -> memref<50x64xf32, #tpu.memory_space<vmem>>
    %dma_start3A_820 = arith.constant 0 : i32
    %dma_start3A_821 = arith.constant 0 : i32
    %dma_start3A_822 = tpu.memref_slice %arg4[%add3A_816, %dma_start3A_820, %dma_start3A_821] : memref<16384x50x64xf32, #tpu.memory_space<hbm>> -> memref<1x50x64xf32, #tpu.memory_space<hbm>>
    %dma_start3A_823 = tpu.memref_squeeze %dma_start3A_822 : memref<1x50x64xf32, #tpu.memory_space<hbm>> -> memref<50x64xf32, #tpu.memory_space<hbm>>
    %dma_start3A_824 = arith.constant 0 : i32
    %dma_start3A_825 = arith.constant 0 : i32
    %dma_start3A_826 = tpu.memref_slice %arg4[%add3A_816, %dma_start3A_824, %dma_start3A_825] : memref<16384x50x64xf32, #tpu.memory_space<hbm>> -> memref<1x50x64xf32, #tpu.memory_space<hbm>>
    %dma_start3A_827 = tpu.memref_squeeze %dma_start3A_826 : memref<1x50x64xf32, #tpu.memory_space<hbm>> -> memref<50x64xf32, #tpu.memory_space<hbm>>
    %dma_start3A_828 = arith.constant 200 : i32
    %dma_start3A_829 = arith.constant 0 : i32
    %dma_start3A_830 = tpu.memref_slice %arg9[%dma_start3A_828, %dma_start3A_829] : memref<400x64xf32, #tpu.memory_space<vmem>> -> memref<50x64xf32, #tpu.memory_space<vmem>>
    tpu.enqueue_dma source(%dma_start3A_830 : memref<50x64xf32, #tpu.memory_space<vmem>>) target(%dma_start3A_827 : memref<50x64xf32, #tpu.memory_space<hbm>>) target_semaphore(%arg17 : memref<!tpu.dma_semaphore, #tpu.memory_space<semaphore_mem>>)
    %add3A_831 = arith.constant 24 : i32
    %add3A_832 = arith.addi %mul3A_4, %add3A_831 : i32
    %add3A_833 = arith.constant 5 : i32
    %add3A_834 = arith.addi %add3A_832, %add3A_833 : i32
    %dma_start3A_835 = arith.constant 250 : i32
    %dma_start3A_836 = arith.constant 0 : i32
    %dma_start3A_837 = tpu.memref_slice %arg9[%dma_start3A_835, %dma_start3A_836] : memref<400x64xf32, #tpu.memory_space<vmem>> -> memref<50x64xf32, #tpu.memory_space<vmem>>
    %dma_start3A_838 = arith.constant 0 : i32
    %dma_start3A_839 = arith.constant 0 : i32
    %dma_start3A_840 = tpu.memref_slice %arg4[%add3A_834, %dma_start3A_838, %dma_start3A_839] : memref<16384x50x64xf32, #tpu.memory_space<hbm>> -> memref<1x50x64xf32, #tpu.memory_space<hbm>>
    %dma_start3A_841 = tpu.memref_squeeze %dma_start3A_840 : memref<1x50x64xf32, #tpu.memory_space<hbm>> -> memref<50x64xf32, #tpu.memory_space<hbm>>
    %dma_start3A_842 = arith.constant 0 : i32
    %dma_start3A_843 = arith.constant 0 : i32
    %dma_start3A_844 = tpu.memref_slice %arg4[%add3A_834, %dma_start3A_842, %dma_start3A_843] : memref<16384x50x64xf32, #tpu.memory_space<hbm>> -> memref<1x50x64xf32, #tpu.memory_space<hbm>>
    %dma_start3A_845 = tpu.memref_squeeze %dma_start3A_844 : memref<1x50x64xf32, #tpu.memory_space<hbm>> -> memref<50x64xf32, #tpu.memory_space<hbm>>
    %dma_start3A_846 = arith.constant 250 : i32
    %dma_start3A_847 = arith.constant 0 : i32
    %dma_start3A_848 = tpu.memref_slice %arg9[%dma_start3A_846, %dma_start3A_847] : memref<400x64xf32, #tpu.memory_space<vmem>> -> memref<50x64xf32, #tpu.memory_space<vmem>>
    tpu.enqueue_dma source(%dma_start3A_848 : memref<50x64xf32, #tpu.memory_space<vmem>>) target(%dma_start3A_845 : memref<50x64xf32, #tpu.memory_space<hbm>>) target_semaphore(%arg17 : memref<!tpu.dma_semaphore, #tpu.memory_space<semaphore_mem>>)
    %add3A_849 = arith.constant 24 : i32
    %add3A_850 = arith.addi %mul3A_4, %add3A_849 : i32
    %add3A_851 = arith.constant 6 : i32
    %add3A_852 = arith.addi %add3A_850, %add3A_851 : i32
    %dma_start3A_853 = arith.constant 300 : i32
    %dma_start3A_854 = arith.constant 0 : i32
    %dma_start3A_855 = tpu.memref_slice %arg9[%dma_start3A_853, %dma_start3A_854] : memref<400x64xf32, #tpu.memory_space<vmem>> -> memref<50x64xf32, #tpu.memory_space<vmem>>
    %dma_start3A_856 = arith.constant 0 : i32
    %dma_start3A_857 = arith.constant 0 : i32
    %dma_start3A_858 = tpu.memref_slice %arg4[%add3A_852, %dma_start3A_856, %dma_start3A_857] : memref<16384x50x64xf32, #tpu.memory_space<hbm>> -> memref<1x50x64xf32, #tpu.memory_space<hbm>>
    %dma_start3A_859 = tpu.memref_squeeze %dma_start3A_858 : memref<1x50x64xf32, #tpu.memory_space<hbm>> -> memref<50x64xf32, #tpu.memory_space<hbm>>
    %dma_start3A_860 = arith.constant 0 : i32
    %dma_start3A_861 = arith.constant 0 : i32
    %dma_start3A_862 = tpu.memref_slice %arg4[%add3A_852, %dma_start3A_860, %dma_start3A_861] : memref<16384x50x64xf32, #tpu.memory_space<hbm>> -> memref<1x50x64xf32, #tpu.memory_space<hbm>>
    %dma_start3A_863 = tpu.memref_squeeze %dma_start3A_862 : memref<1x50x64xf32, #tpu.memory_space<hbm>> -> memref<50x64xf32, #tpu.memory_space<hbm>>
    %dma_start3A_864 = arith.constant 300 : i32
    %dma_start3A_865 = arith.constant 0 : i32
    %dma_start3A_866 = tpu.memref_slice %arg9[%dma_start3A_864, %dma_start3A_865] : memref<400x64xf32, #tpu.memory_space<vmem>> -> memref<50x64xf32, #tpu.memory_space<vmem>>
    tpu.enqueue_dma source(%dma_start3A_866 : memref<50x64xf32, #tpu.memory_space<vmem>>) target(%dma_start3A_863 : memref<50x64xf32, #tpu.memory_space<hbm>>) target_semaphore(%arg17 : memref<!tpu.dma_semaphore, #tpu.memory_space<semaphore_mem>>)
    %add3A_867 = arith.constant 24 : i32
    %add3A_868 = arith.addi %mul3A_4, %add3A_867 : i32
    %add3A_869 = arith.constant 7 : i32
    %add3A_870 = arith.addi %add3A_868, %add3A_869 : i32
    %dma_start3A_871 = arith.constant 350 : i32
    %dma_start3A_872 = arith.constant 0 : i32
    %dma_start3A_873 = tpu.memref_slice %arg9[%dma_start3A_871, %dma_start3A_872] : memref<400x64xf32, #tpu.memory_space<vmem>> -> memref<50x64xf32, #tpu.memory_space<vmem>>
    %dma_start3A_874 = arith.constant 0 : i32
    %dma_start3A_875 = arith.constant 0 : i32
    %dma_start3A_876 = tpu.memref_slice %arg4[%add3A_870, %dma_start3A_874, %dma_start3A_875] : memref<16384x50x64xf32, #tpu.memory_space<hbm>> -> memref<1x50x64xf32, #tpu.memory_space<hbm>>
    %dma_start3A_877 = tpu.memref_squeeze %dma_start3A_876 : memref<1x50x64xf32, #tpu.memory_space<hbm>> -> memref<50x64xf32, #tpu.memory_space<hbm>>
    %dma_start3A_878 = arith.constant 0 : i32
    %dma_start3A_879 = arith.constant 0 : i32
    %dma_start3A_880 = tpu.memref_slice %arg4[%add3A_870, %dma_start3A_878, %dma_start3A_879] : memref<16384x50x64xf32, #tpu.memory_space<hbm>> -> memref<1x50x64xf32, #tpu.memory_space<hbm>>
    %dma_start3A_881 = tpu.memref_squeeze %dma_start3A_880 : memref<1x50x64xf32, #tpu.memory_space<hbm>> -> memref<50x64xf32, #tpu.memory_space<hbm>>
    %dma_start3A_882 = arith.constant 350 : i32
    %dma_start3A_883 = arith.constant 0 : i32
    %dma_start3A_884 = tpu.memref_slice %arg9[%dma_start3A_882, %dma_start3A_883] : memref<400x64xf32, #tpu.memory_space<vmem>> -> memref<50x64xf32, #tpu.memory_space<vmem>>
    tpu.enqueue_dma source(%dma_start3A_884 : memref<50x64xf32, #tpu.memory_space<vmem>>) target(%dma_start3A_881 : memref<50x64xf32, #tpu.memory_space<hbm>>) target_semaphore(%arg17 : memref<!tpu.dma_semaphore, #tpu.memory_space<semaphore_mem>>)
    %add3A_885 = arith.constant 0 : i32
    %add3A_886 = arith.addi %mul3A_4, %add3A_885 : i32
    %dma_wait3A_887 = arith.constant 0 : i32
    %dma_wait3A_888 = arith.constant 0 : i32
    %dma_wait3A_889 = tpu.memref_slice %arg8[%dma_wait3A_887, %dma_wait3A_888] : memref<400x64xf32, #tpu.memory_space<vmem>> -> memref<50x64xf32, #tpu.memory_space<vmem>>
    %dma_wait3A_890 = arith.constant 0 : i32
    %dma_wait3A_891 = arith.constant 0 : i32
    %dma_wait3A_892 = tpu.memref_slice %arg4[%add3A_886, %dma_wait3A_890, %dma_wait3A_891] : memref<16384x50x64xf32, #tpu.memory_space<hbm>> -> memref<1x50x64xf32, #tpu.memory_space<hbm>>
    %dma_wait3A_893 = tpu.memref_squeeze %dma_wait3A_892 : memref<1x50x64xf32, #tpu.memory_space<hbm>> -> memref<50x64xf32, #tpu.memory_space<hbm>>
    %dma_wait3A_894 = arith.constant 0 : i32
    %dma_wait3A_895 = arith.constant 0 : i32
    %dma_wait3A_896 = tpu.memref_slice %arg4[%add3A_886, %dma_wait3A_894, %dma_wait3A_895] : memref<16384x50x64xf32, #tpu.memory_space<hbm>> -> memref<1x50x64xf32, #tpu.memory_space<hbm>>
    %dma_wait3A_897 = tpu.memref_squeeze %dma_wait3A_896 : memref<1x50x64xf32, #tpu.memory_space<hbm>> -> memref<50x64xf32, #tpu.memory_space<hbm>>
    %dma_wait3A_898 = arith.constant 0 : i32
    %dma_wait3A_899 = arith.constant 0 : i32
    %dma_wait3A_900 = tpu.memref_slice %arg8[%dma_wait3A_898, %dma_wait3A_899] : memref<400x64xf32, #tpu.memory_space<vmem>> -> memref<50x64xf32, #tpu.memory_space<vmem>>
    tpu.wait_dma2 semaphore(%arg16 : memref<!tpu.dma_semaphore, #tpu.memory_space<semaphore_mem>>) src(%dma_wait3A_900 : memref<50x64xf32, #tpu.memory_space<vmem>>) dst(%dma_wait3A_897 : memref<50x64xf32, #tpu.memory_space<hbm>>)
    %add3A_901 = arith.constant 1 : i32
    %add3A_902 = arith.addi %mul3A_4, %add3A_901 : i32
    %dma_wait3A_903 = arith.constant 50 : i32
    %dma_wait3A_904 = arith.constant 0 : i32
    %dma_wait3A_905 = tpu.memref_slice %arg8[%dma_wait3A_903, %dma_wait3A_904] : memref<400x64xf32, #tpu.memory_space<vmem>> -> memref<50x64xf32, #tpu.memory_space<vmem>>
    %dma_wait3A_906 = arith.constant 0 : i32
    %dma_wait3A_907 = arith.constant 0 : i32
    %dma_wait3A_908 = tpu.memref_slice %arg4[%add3A_902, %dma_wait3A_906, %dma_wait3A_907] : memref<16384x50x64xf32, #tpu.memory_space<hbm>> -> memref<1x50x64xf32, #tpu.memory_space<hbm>>
    %dma_wait3A_909 = tpu.memref_squeeze %dma_wait3A_908 : memref<1x50x64xf32, #tpu.memory_space<hbm>> -> memref<50x64xf32, #tpu.memory_space<hbm>>
    %dma_wait3A_910 = arith.constant 0 : i32
    %dma_wait3A_911 = arith.constant 0 : i32
    %dma_wait3A_912 = tpu.memref_slice %arg4[%add3A_902, %dma_wait3A_910, %dma_wait3A_911] : memref<16384x50x64xf32, #tpu.memory_space<hbm>> -> memref<1x50x64xf32, #tpu.memory_space<hbm>>
    %dma_wait3A_913 = tpu.memref_squeeze %dma_wait3A_912 : memref<1x50x64xf32, #tpu.memory_space<hbm>> -> memref<50x64xf32, #tpu.memory_space<hbm>>
    %dma_wait3A_914 = arith.constant 50 : i32
    %dma_wait3A_915 = arith.constant 0 : i32
    %dma_wait3A_916 = tpu.memref_slice %arg8[%dma_wait3A_914, %dma_wait3A_915] : memref<400x64xf32, #tpu.memory_space<vmem>> -> memref<50x64xf32, #tpu.memory_space<vmem>>
    tpu.wait_dma2 semaphore(%arg16 : memref<!tpu.dma_semaphore, #tpu.memory_space<semaphore_mem>>) src(%dma_wait3A_916 : memref<50x64xf32, #tpu.memory_space<vmem>>) dst(%dma_wait3A_913 : memref<50x64xf32, #tpu.memory_space<hbm>>)
    %add3A_917 = arith.constant 2 : i32
    %add3A_918 = arith.addi %mul3A_4, %add3A_917 : i32
    %dma_wait3A_919 = arith.constant 100 : i32
    %dma_wait3A_920 = arith.constant 0 : i32
    %dma_wait3A_921 = tpu.memref_slice %arg8[%dma_wait3A_919, %dma_wait3A_920] : memref<400x64xf32, #tpu.memory_space<vmem>> -> memref<50x64xf32, #tpu.memory_space<vmem>>
    %dma_wait3A_922 = arith.constant 0 : i32
    %dma_wait3A_923 = arith.constant 0 : i32
    %dma_wait3A_924 = tpu.memref_slice %arg4[%add3A_918, %dma_wait3A_922, %dma_wait3A_923] : memref<16384x50x64xf32, #tpu.memory_space<hbm>> -> memref<1x50x64xf32, #tpu.memory_space<hbm>>
    %dma_wait3A_925 = tpu.memref_squeeze %dma_wait3A_924 : memref<1x50x64xf32, #tpu.memory_space<hbm>> -> memref<50x64xf32, #tpu.memory_space<hbm>>
    %dma_wait3A_926 = arith.constant 0 : i32
    %dma_wait3A_927 = arith.constant 0 : i32
    %dma_wait3A_928 = tpu.memref_slice %arg4[%add3A_918, %dma_wait3A_926, %dma_wait3A_927] : memref<16384x50x64xf32, #tpu.memory_space<hbm>> -> memref<1x50x64xf32, #tpu.memory_space<hbm>>
    %dma_wait3A_929 = tpu.memref_squeeze %dma_wait3A_928 : memref<1x50x64xf32, #tpu.memory_space<hbm>> -> memref<50x64xf32, #tpu.memory_space<hbm>>
    %dma_wait3A_930 = arith.constant 100 : i32
    %dma_wait3A_931 = arith.constant 0 : i32
    %dma_wait3A_932 = tpu.memref_slice %arg8[%dma_wait3A_930, %dma_wait3A_931] : memref<400x64xf32, #tpu.memory_space<vmem>> -> memref<50x64xf32, #tpu.memory_space<vmem>>
    tpu.wait_dma2 semaphore(%arg16 : memref<!tpu.dma_semaphore, #tpu.memory_space<semaphore_mem>>) src(%dma_wait3A_932 : memref<50x64xf32, #tpu.memory_space<vmem>>) dst(%dma_wait3A_929 : memref<50x64xf32, #tpu.memory_space<hbm>>)
    %add3A_933 = arith.constant 3 : i32
    %add3A_934 = arith.addi %mul3A_4, %add3A_933 : i32
    %dma_wait3A_935 = arith.constant 150 : i32
    %dma_wait3A_936 = arith.constant 0 : i32
    %dma_wait3A_937 = tpu.memref_slice %arg8[%dma_wait3A_935, %dma_wait3A_936] : memref<400x64xf32, #tpu.memory_space<vmem>> -> memref<50x64xf32, #tpu.memory_space<vmem>>
    %dma_wait3A_938 = arith.constant 0 : i32
    %dma_wait3A_939 = arith.constant 0 : i32
    %dma_wait3A_940 = tpu.memref_slice %arg4[%add3A_934, %dma_wait3A_938, %dma_wait3A_939] : memref<16384x50x64xf32, #tpu.memory_space<hbm>> -> memref<1x50x64xf32, #tpu.memory_space<hbm>>
    %dma_wait3A_941 = tpu.memref_squeeze %dma_wait3A_940 : memref<1x50x64xf32, #tpu.memory_space<hbm>> -> memref<50x64xf32, #tpu.memory_space<hbm>>
    %dma_wait3A_942 = arith.constant 0 : i32
    %dma_wait3A_943 = arith.constant 0 : i32
    %dma_wait3A_944 = tpu.memref_slice %arg4[%add3A_934, %dma_wait3A_942, %dma_wait3A_943] : memref<16384x50x64xf32, #tpu.memory_space<hbm>> -> memref<1x50x64xf32, #tpu.memory_space<hbm>>
    %dma_wait3A_945 = tpu.memref_squeeze %dma_wait3A_944 : memref<1x50x64xf32, #tpu.memory_space<hbm>> -> memref<50x64xf32, #tpu.memory_space<hbm>>
    %dma_wait3A_946 = arith.constant 150 : i32
    %dma_wait3A_947 = arith.constant 0 : i32
    %dma_wait3A_948 = tpu.memref_slice %arg8[%dma_wait3A_946, %dma_wait3A_947] : memref<400x64xf32, #tpu.memory_space<vmem>> -> memref<50x64xf32, #tpu.memory_space<vmem>>
    tpu.wait_dma2 semaphore(%arg16 : memref<!tpu.dma_semaphore, #tpu.memory_space<semaphore_mem>>) src(%dma_wait3A_948 : memref<50x64xf32, #tpu.memory_space<vmem>>) dst(%dma_wait3A_945 : memref<50x64xf32, #tpu.memory_space<hbm>>)
    %add3A_949 = arith.constant 4 : i32
    %add3A_950 = arith.addi %mul3A_4, %add3A_949 : i32
    %dma_wait3A_951 = arith.constant 200 : i32
    %dma_wait3A_952 = arith.constant 0 : i32
    %dma_wait3A_953 = tpu.memref_slice %arg8[%dma_wait3A_951, %dma_wait3A_952] : memref<400x64xf32, #tpu.memory_space<vmem>> -> memref<50x64xf32, #tpu.memory_space<vmem>>
    %dma_wait3A_954 = arith.constant 0 : i32
    %dma_wait3A_955 = arith.constant 0 : i32
    %dma_wait3A_956 = tpu.memref_slice %arg4[%add3A_950, %dma_wait3A_954, %dma_wait3A_955] : memref<16384x50x64xf32, #tpu.memory_space<hbm>> -> memref<1x50x64xf32, #tpu.memory_space<hbm>>
    %dma_wait3A_957 = tpu.memref_squeeze %dma_wait3A_956 : memref<1x50x64xf32, #tpu.memory_space<hbm>> -> memref<50x64xf32, #tpu.memory_space<hbm>>
    %dma_wait3A_958 = arith.constant 0 : i32
    %dma_wait3A_959 = arith.constant 0 : i32
    %dma_wait3A_960 = tpu.memref_slice %arg4[%add3A_950, %dma_wait3A_958, %dma_wait3A_959] : memref<16384x50x64xf32, #tpu.memory_space<hbm>> -> memref<1x50x64xf32, #tpu.memory_space<hbm>>
    %dma_wait3A_961 = tpu.memref_squeeze %dma_wait3A_960 : memref<1x50x64xf32, #tpu.memory_space<hbm>> -> memref<50x64xf32, #tpu.memory_space<hbm>>
    %dma_wait3A_962 = arith.constant 200 : i32
    %dma_wait3A_963 = arith.constant 0 : i32
    %dma_wait3A_964 = tpu.memref_slice %arg8[%dma_wait3A_962, %dma_wait3A_963] : memref<400x64xf32, #tpu.memory_space<vmem>> -> memref<50x64xf32, #tpu.memory_space<vmem>>
    tpu.wait_dma2 semaphore(%arg16 : memref<!tpu.dma_semaphore, #tpu.memory_space<semaphore_mem>>) src(%dma_wait3A_964 : memref<50x64xf32, #tpu.memory_space<vmem>>) dst(%dma_wait3A_961 : memref<50x64xf32, #tpu.memory_space<hbm>>)
    %add3A_965 = arith.constant 5 : i32
    %add3A_966 = arith.addi %mul3A_4, %add3A_965 : i32
    %dma_wait3A_967 = arith.constant 250 : i32
    %dma_wait3A_968 = arith.constant 0 : i32
    %dma_wait3A_969 = tpu.memref_slice %arg8[%dma_wait3A_967, %dma_wait3A_968] : memref<400x64xf32, #tpu.memory_space<vmem>> -> memref<50x64xf32, #tpu.memory_space<vmem>>
    %dma_wait3A_970 = arith.constant 0 : i32
    %dma_wait3A_971 = arith.constant 0 : i32
    %dma_wait3A_972 = tpu.memref_slice %arg4[%add3A_966, %dma_wait3A_970, %dma_wait3A_971] : memref<16384x50x64xf32, #tpu.memory_space<hbm>> -> memref<1x50x64xf32, #tpu.memory_space<hbm>>
    %dma_wait3A_973 = tpu.memref_squeeze %dma_wait3A_972 : memref<1x50x64xf32, #tpu.memory_space<hbm>> -> memref<50x64xf32, #tpu.memory_space<hbm>>
    %dma_wait3A_974 = arith.constant 0 : i32
    %dma_wait3A_975 = arith.constant 0 : i32
    %dma_wait3A_976 = tpu.memref_slice %arg4[%add3A_966, %dma_wait3A_974, %dma_wait3A_975] : memref<16384x50x64xf32, #tpu.memory_space<hbm>> -> memref<1x50x64xf32, #tpu.memory_space<hbm>>
    %dma_wait3A_977 = tpu.memref_squeeze %dma_wait3A_976 : memref<1x50x64xf32, #tpu.memory_space<hbm>> -> memref<50x64xf32, #tpu.memory_space<hbm>>
    %dma_wait3A_978 = arith.constant 250 : i32
    %dma_wait3A_979 = arith.constant 0 : i32
    %dma_wait3A_980 = tpu.memref_slice %arg8[%dma_wait3A_978, %dma_wait3A_979] : memref<400x64xf32, #tpu.memory_space<vmem>> -> memref<50x64xf32, #tpu.memory_space<vmem>>
    tpu.wait_dma2 semaphore(%arg16 : memref<!tpu.dma_semaphore, #tpu.memory_space<semaphore_mem>>) src(%dma_wait3A_980 : memref<50x64xf32, #tpu.memory_space<vmem>>) dst(%dma_wait3A_977 : memref<50x64xf32, #tpu.memory_space<hbm>>)
    %add3A_981 = arith.constant 6 : i32
    %add3A_982 = arith.addi %mul3A_4, %add3A_981 : i32
    %dma_wait3A_983 = arith.constant 300 : i32
    %dma_wait3A_984 = arith.constant 0 : i32
    %dma_wait3A_985 = tpu.memref_slice %arg8[%dma_wait3A_983, %dma_wait3A_984] : memref<400x64xf32, #tpu.memory_space<vmem>> -> memref<50x64xf32, #tpu.memory_space<vmem>>
    %dma_wait3A_986 = arith.constant 0 : i32
    %dma_wait3A_987 = arith.constant 0 : i32
    %dma_wait3A_988 = tpu.memref_slice %arg4[%add3A_982, %dma_wait3A_986, %dma_wait3A_987] : memref<16384x50x64xf32, #tpu.memory_space<hbm>> -> memref<1x50x64xf32, #tpu.memory_space<hbm>>
    %dma_wait3A_989 = tpu.memref_squeeze %dma_wait3A_988 : memref<1x50x64xf32, #tpu.memory_space<hbm>> -> memref<50x64xf32, #tpu.memory_space<hbm>>
    %dma_wait3A_990 = arith.constant 0 : i32
    %dma_wait3A_991 = arith.constant 0 : i32
    %dma_wait3A_992 = tpu.memref_slice %arg4[%add3A_982, %dma_wait3A_990, %dma_wait3A_991] : memref<16384x50x64xf32, #tpu.memory_space<hbm>> -> memref<1x50x64xf32, #tpu.memory_space<hbm>>
    %dma_wait3A_993 = tpu.memref_squeeze %dma_wait3A_992 : memref<1x50x64xf32, #tpu.memory_space<hbm>> -> memref<50x64xf32, #tpu.memory_space<hbm>>
    %dma_wait3A_994 = arith.constant 300 : i32
    %dma_wait3A_995 = arith.constant 0 : i32
    %dma_wait3A_996 = tpu.memref_slice %arg8[%dma_wait3A_994, %dma_wait3A_995] : memref<400x64xf32, #tpu.memory_space<vmem>> -> memref<50x64xf32, #tpu.memory_space<vmem>>
    tpu.wait_dma2 semaphore(%arg16 : memref<!tpu.dma_semaphore, #tpu.memory_space<semaphore_mem>>) src(%dma_wait3A_996 : memref<50x64xf32, #tpu.memory_space<vmem>>) dst(%dma_wait3A_993 : memref<50x64xf32, #tpu.memory_space<hbm>>)
    %add3A_997 = arith.constant 7 : i32
    %add3A_998 = arith.addi %mul3A_4, %add3A_997 : i32
    %dma_wait3A_999 = arith.constant 350 : i32
    %dma_wait3A_1000 = arith.constant 0 : i32
    %dma_wait3A_1001 = tpu.memref_slice %arg8[%dma_wait3A_999, %dma_wait3A_1000] : memref<400x64xf32, #tpu.memory_space<vmem>> -> memref<50x64xf32, #tpu.memory_space<vmem>>
    %dma_wait3A_1002 = arith.constant 0 : i32
    %dma_wait3A_1003 = arith.constant 0 : i32
    %dma_wait3A_1004 = tpu.memref_slice %arg4[%add3A_998, %dma_wait3A_1002, %dma_wait3A_1003] : memref<16384x50x64xf32, #tpu.memory_space<hbm>> -> memref<1x50x64xf32, #tpu.memory_space<hbm>>
    %dma_wait3A_1005 = tpu.memref_squeeze %dma_wait3A_1004 : memref<1x50x64xf32, #tpu.memory_space<hbm>> -> memref<50x64xf32, #tpu.memory_space<hbm>>
    %dma_wait3A_1006 = arith.constant 0 : i32
    %dma_wait3A_1007 = arith.constant 0 : i32
    %dma_wait3A_1008 = tpu.memref_slice %arg4[%add3A_998, %dma_wait3A_1006, %dma_wait3A_1007] : memref<16384x50x64xf32, #tpu.memory_space<hbm>> -> memref<1x50x64xf32, #tpu.memory_space<hbm>>
    %dma_wait3A_1009 = tpu.memref_squeeze %dma_wait3A_1008 : memref<1x50x64xf32, #tpu.memory_space<hbm>> -> memref<50x64xf32, #tpu.memory_space<hbm>>
    %dma_wait3A_1010 = arith.constant 350 : i32
    %dma_wait3A_1011 = arith.constant 0 : i32
    %dma_wait3A_1012 = tpu.memref_slice %arg8[%dma_wait3A_1010, %dma_wait3A_1011] : memref<400x64xf32, #tpu.memory_space<vmem>> -> memref<50x64xf32, #tpu.memory_space<vmem>>
    tpu.wait_dma2 semaphore(%arg16 : memref<!tpu.dma_semaphore, #tpu.memory_space<semaphore_mem>>) src(%dma_wait3A_1012 : memref<50x64xf32, #tpu.memory_space<vmem>>) dst(%dma_wait3A_1009 : memref<50x64xf32, #tpu.memory_space<hbm>>)
    %dma_start3A_1013 = arith.constant 2400 : i32
    %dma_start3A_1014 = tpu.memref_slice %arg5[%dma_start3A_1013] : memref<25600xi32, #tpu.memory_space<vmem>> -> memref<400xi32, #tpu.memory_space<vmem>>
    %dma_start3A_1015 = arith.constant 0 : i32
    %dma_start3A_1016 = arith.constant 0 : i32
    %dma_start3A_1017 = tpu.memref_slice %arg3[%dma_start3A_1015, %dma_start3A_1016] : memref<1000000x64xf32, #tpu.memory_space<hbm>> -> memref<1000000x64xf32, #tpu.memory_space<hbm>>
    tpu.enqueue_indirect_dma source(%dma_start3A_1017 : memref<1000000x64xf32, #tpu.memory_space<hbm>>) target(%arg8 : memref<400x64xf32, #tpu.memory_space<vmem>>) offsets(%dma_start3A_1014 : memref<400xi32, #tpu.memory_space<vmem>>) semaphore(%arg12 : memref<!tpu.dma_semaphore, #tpu.memory_space<semaphore_mem>>)
    %scan3A = arith.constant 0 : i32
    %scan3A_1018 = arith.constant 1 : i32
    %scan3A_1019 = arith.constant 15 : i32
    %scan3A_1020 = arith.addi %scan3A_1018, %scan3A_1019 : i32
    %scan3A_1021 = arith.constant 1 : i32
    scf.for %scan3A_1535 = %scan3A_1018 to %scan3A_1020 step %scan3A_1021  : i32 {
      %mul3A_1536 = arith.constant 4 : i32
      %mul3A_1537 = arith.muli %scan3A_1535, %mul3A_1536 : i32
      %add3A_1538 = arith.constant 0 : i32
      %add3A_1539 = arith.addi %mul3A_1537, %add3A_1538 : i32
      %mul3A_1540 = arith.constant 400 : i32
      %mul3A_1541 = arith.muli %add3A_1539, %mul3A_1540 : i32
      %dma_wait3A_1542 = tpu.memref_slice %arg5[%mul3A_1541] : memref<25600xi32, #tpu.memory_space<vmem>> -> memref<400xi32, #tpu.memory_space<vmem>>
      %dma_wait3A_1543 = arith.constant 0 : i32
      %dma_wait3A_1544 = arith.constant 0 : i32
      %dma_wait3A_1545 = tpu.memref_slice %arg3[%dma_wait3A_1543, %dma_wait3A_1544] : memref<1000000x64xf32, #tpu.memory_space<hbm>> -> memref<1000000x64xf32, #tpu.memory_space<hbm>>
      tpu.wait_indirect_dma semaphore(%arg10 : memref<!tpu.dma_semaphore, #tpu.memory_space<semaphore_mem>>) src(%dma_wait3A_1545 : memref<1000000x64xf32, #tpu.memory_space<hbm>>) dst(%arg6 : memref<400x64xf32, #tpu.memory_space<vmem>>)
      %mul3A_1546 = arith.constant 8 : i32
      %mul3A_1547 = arith.muli %add3A_1539, %mul3A_1546 : i32
      %add3A_1548 = arith.addi %mul3A_4, %mul3A_1547 : i32
      %add3A_1549 = arith.constant 0 : i32
      %add3A_1550 = arith.addi %add3A_1548, %add3A_1549 : i32
      %dma_start3A_1551 = arith.constant 0 : i32
      %dma_start3A_1552 = arith.constant 0 : i32
      %dma_start3A_1553 = tpu.memref_slice %arg6[%dma_start3A_1551, %dma_start3A_1552] : memref<400x64xf32, #tpu.memory_space<vmem>> -> memref<50x64xf32, #tpu.memory_space<vmem>>
      %dma_start3A_1554 = arith.constant 0 : i32
      %dma_start3A_1555 = arith.constant 0 : i32
      %dma_start3A_1556 = tpu.memref_slice %arg4[%add3A_1550, %dma_start3A_1554, %dma_start3A_1555] : memref<16384x50x64xf32, #tpu.memory_space<hbm>> -> memref<1x50x64xf32, #tpu.memory_space<hbm>>
      %dma_start3A_1557 = tpu.memref_squeeze %dma_start3A_1556 : memref<1x50x64xf32, #tpu.memory_space<hbm>> -> memref<50x64xf32, #tpu.memory_space<hbm>>
      %dma_start3A_1558 = arith.constant 0 : i32
      %dma_start3A_1559 = arith.constant 0 : i32
      %dma_start3A_1560 = tpu.memref_slice %arg4[%add3A_1550, %dma_start3A_1558, %dma_start3A_1559] : memref<16384x50x64xf32, #tpu.memory_space<hbm>> -> memref<1x50x64xf32, #tpu.memory_space<hbm>>
      %dma_start3A_1561 = tpu.memref_squeeze %dma_start3A_1560 : memref<1x50x64xf32, #tpu.memory_space<hbm>> -> memref<50x64xf32, #tpu.memory_space<hbm>>
      %dma_start3A_1562 = arith.constant 0 : i32
      %dma_start3A_1563 = arith.constant 0 : i32
      %dma_start3A_1564 = tpu.memref_slice %arg6[%dma_start3A_1562, %dma_start3A_1563] : memref<400x64xf32, #tpu.memory_space<vmem>> -> memref<50x64xf32, #tpu.memory_space<vmem>>
      tpu.enqueue_dma source(%dma_start3A_1564 : memref<50x64xf32, #tpu.memory_space<vmem>>) target(%dma_start3A_1561 : memref<50x64xf32, #tpu.memory_space<hbm>>) target_semaphore(%arg14 : memref<!tpu.dma_semaphore, #tpu.memory_space<semaphore_mem>>)
      %mul3A_1565 = arith.constant 8 : i32
      %mul3A_1566 = arith.muli %add3A_1539, %mul3A_1565 : i32
      %add3A_1567 = arith.addi %mul3A_4, %mul3A_1566 : i32
      %add3A_1568 = arith.constant 1 : i32
      %add3A_1569 = arith.addi %add3A_1567, %add3A_1568 : i32
      %dma_start3A_1570 = arith.constant 50 : i32
      %dma_start3A_1571 = arith.constant 0 : i32
      %dma_start3A_1572 = tpu.memref_slice %arg6[%dma_start3A_1570, %dma_start3A_1571] : memref<400x64xf32, #tpu.memory_space<vmem>> -> memref<50x64xf32, #tpu.memory_space<vmem>>
      %dma_start3A_1573 = arith.constant 0 : i32
      %dma_start3A_1574 = arith.constant 0 : i32
      %dma_start3A_1575 = tpu.memref_slice %arg4[%add3A_1569, %dma_start3A_1573, %dma_start3A_1574] : memref<16384x50x64xf32, #tpu.memory_space<hbm>> -> memref<1x50x64xf32, #tpu.memory_space<hbm>>
      %dma_start3A_1576 = tpu.memref_squeeze %dma_start3A_1575 : memref<1x50x64xf32, #tpu.memory_space<hbm>> -> memref<50x64xf32, #tpu.memory_space<hbm>>
      %dma_start3A_1577 = arith.constant 0 : i32
      %dma_start3A_1578 = arith.constant 0 : i32
      %dma_start3A_1579 = tpu.memref_slice %arg4[%add3A_1569, %dma_start3A_1577, %dma_start3A_1578] : memref<16384x50x64xf32, #tpu.memory_space<hbm>> -> memref<1x50x64xf32, #tpu.memory_space<hbm>>
      %dma_start3A_1580 = tpu.memref_squeeze %dma_start3A_1579 : memref<1x50x64xf32, #tpu.memory_space<hbm>> -> memref<50x64xf32, #tpu.memory_space<hbm>>
      %dma_start3A_1581 = arith.constant 50 : i32
      %dma_start3A_1582 = arith.constant 0 : i32
      %dma_start3A_1583 = tpu.memref_slice %arg6[%dma_start3A_1581, %dma_start3A_1582] : memref<400x64xf32, #tpu.memory_space<vmem>> -> memref<50x64xf32, #tpu.memory_space<vmem>>
      tpu.enqueue_dma source(%dma_start3A_1583 : memref<50x64xf32, #tpu.memory_space<vmem>>) target(%dma_start3A_1580 : memref<50x64xf32, #tpu.memory_space<hbm>>) target_semaphore(%arg14 : memref<!tpu.dma_semaphore, #tpu.memory_space<semaphore_mem>>)
      %mul3A_1584 = arith.constant 8 : i32
      %mul3A_1585 = arith.muli %add3A_1539, %mul3A_1584 : i32
      %add3A_1586 = arith.addi %mul3A_4, %mul3A_1585 : i32
      %add3A_1587 = arith.constant 2 : i32
      %add3A_1588 = arith.addi %add3A_1586, %add3A_1587 : i32
      %dma_start3A_1589 = arith.constant 100 : i32
      %dma_start3A_1590 = arith.constant 0 : i32
      %dma_start3A_1591 = tpu.memref_slice %arg6[%dma_start3A_1589, %dma_start3A_1590] : memref<400x64xf32, #tpu.memory_space<vmem>> -> memref<50x64xf32, #tpu.memory_space<vmem>>
      %dma_start3A_1592 = arith.constant 0 : i32
      %dma_start3A_1593 = arith.constant 0 : i32
      %dma_start3A_1594 = tpu.memref_slice %arg4[%add3A_1588, %dma_start3A_1592, %dma_start3A_1593] : memref<16384x50x64xf32, #tpu.memory_space<hbm>> -> memref<1x50x64xf32, #tpu.memory_space<hbm>>
      %dma_start3A_1595 = tpu.memref_squeeze %dma_start3A_1594 : memref<1x50x64xf32, #tpu.memory_space<hbm>> -> memref<50x64xf32, #tpu.memory_space<hbm>>
      %dma_start3A_1596 = arith.constant 0 : i32
      %dma_start3A_1597 = arith.constant 0 : i32
      %dma_start3A_1598 = tpu.memref_slice %arg4[%add3A_1588, %dma_start3A_1596, %dma_start3A_1597] : memref<16384x50x64xf32, #tpu.memory_space<hbm>> -> memref<1x50x64xf32, #tpu.memory_space<hbm>>
      %dma_start3A_1599 = tpu.memref_squeeze %dma_start3A_1598 : memref<1x50x64xf32, #tpu.memory_space<hbm>> -> memref<50x64xf32, #tpu.memory_space<hbm>>
      %dma_start3A_1600 = arith.constant 100 : i32
      %dma_start3A_1601 = arith.constant 0 : i32
      %dma_start3A_1602 = tpu.memref_slice %arg6[%dma_start3A_1600, %dma_start3A_1601] : memref<400x64xf32, #tpu.memory_space<vmem>> -> memref<50x64xf32, #tpu.memory_space<vmem>>
      tpu.enqueue_dma source(%dma_start3A_1602 : memref<50x64xf32, #tpu.memory_space<vmem>>) target(%dma_start3A_1599 : memref<50x64xf32, #tpu.memory_space<hbm>>) target_semaphore(%arg14 : memref<!tpu.dma_semaphore, #tpu.memory_space<semaphore_mem>>)
      %mul3A_1603 = arith.constant 8 : i32
      %mul3A_1604 = arith.muli %add3A_1539, %mul3A_1603 : i32
      %add3A_1605 = arith.addi %mul3A_4, %mul3A_1604 : i32
      %add3A_1606 = arith.constant 3 : i32
      %add3A_1607 = arith.addi %add3A_1605, %add3A_1606 : i32
      %dma_start3A_1608 = arith.constant 150 : i32
      %dma_start3A_1609 = arith.constant 0 : i32
      %dma_start3A_1610 = tpu.memref_slice %arg6[%dma_start3A_1608, %dma_start3A_1609] : memref<400x64xf32, #tpu.memory_space<vmem>> -> memref<50x64xf32, #tpu.memory_space<vmem>>
      %dma_start3A_1611 = arith.constant 0 : i32
      %dma_start3A_1612 = arith.constant 0 : i32
      %dma_start3A_1613 = tpu.memref_slice %arg4[%add3A_1607, %dma_start3A_1611, %dma_start3A_1612] : memref<16384x50x64xf32, #tpu.memory_space<hbm>> -> memref<1x50x64xf32, #tpu.memory_space<hbm>>
      %dma_start3A_1614 = tpu.memref_squeeze %dma_start3A_1613 : memref<1x50x64xf32, #tpu.memory_space<hbm>> -> memref<50x64xf32, #tpu.memory_space<hbm>>
      %dma_start3A_1615 = arith.constant 0 : i32
      %dma_start3A_1616 = arith.constant 0 : i32
      %dma_start3A_1617 = tpu.memref_slice %arg4[%add3A_1607, %dma_start3A_1615, %dma_start3A_1616] : memref<16384x50x64xf32, #tpu.memory_space<hbm>> -> memref<1x50x64xf32, #tpu.memory_space<hbm>>
      %dma_start3A_1618 = tpu.memref_squeeze %dma_start3A_1617 : memref<1x50x64xf32, #tpu.memory_space<hbm>> -> memref<50x64xf32, #tpu.memory_space<hbm>>
      %dma_start3A_1619 = arith.constant 150 : i32
      %dma_start3A_1620 = arith.constant 0 : i32
      %dma_start3A_1621 = tpu.memref_slice %arg6[%dma_start3A_1619, %dma_start3A_1620] : memref<400x64xf32, #tpu.memory_space<vmem>> -> memref<50x64xf32, #tpu.memory_space<vmem>>
      tpu.enqueue_dma source(%dma_start3A_1621 : memref<50x64xf32, #tpu.memory_space<vmem>>) target(%dma_start3A_1618 : memref<50x64xf32, #tpu.memory_space<hbm>>) target_semaphore(%arg14 : memref<!tpu.dma_semaphore, #tpu.memory_space<semaphore_mem>>)
      %mul3A_1622 = arith.constant 8 : i32
      %mul3A_1623 = arith.muli %add3A_1539, %mul3A_1622 : i32
      %add3A_1624 = arith.addi %mul3A_4, %mul3A_1623 : i32
      %add3A_1625 = arith.constant 4 : i32
      %add3A_1626 = arith.addi %add3A_1624, %add3A_1625 : i32
      %dma_start3A_1627 = arith.constant 200 : i32
      %dma_start3A_1628 = arith.constant 0 : i32
      %dma_start3A_1629 = tpu.memref_slice %arg6[%dma_start3A_1627, %dma_start3A_1628] : memref<400x64xf32, #tpu.memory_space<vmem>> -> memref<50x64xf32, #tpu.memory_space<vmem>>
      %dma_start3A_1630 = arith.constant 0 : i32
      %dma_start3A_1631 = arith.constant 0 : i32
      %dma_start3A_1632 = tpu.memref_slice %arg4[%add3A_1626, %dma_start3A_1630, %dma_start3A_1631] : memref<16384x50x64xf32, #tpu.memory_space<hbm>> -> memref<1x50x64xf32, #tpu.memory_space<hbm>>
      %dma_start3A_1633 = tpu.memref_squeeze %dma_start3A_1632 : memref<1x50x64xf32, #tpu.memory_space<hbm>> -> memref<50x64xf32, #tpu.memory_space<hbm>>
      %dma_start3A_1634 = arith.constant 0 : i32
      %dma_start3A_1635 = arith.constant 0 : i32
      %dma_start3A_1636 = tpu.memref_slice %arg4[%add3A_1626, %dma_start3A_1634, %dma_start3A_1635] : memref<16384x50x64xf32, #tpu.memory_space<hbm>> -> memref<1x50x64xf32, #tpu.memory_space<hbm>>
      %dma_start3A_1637 = tpu.memref_squeeze %dma_start3A_1636 : memref<1x50x64xf32, #tpu.memory_space<hbm>> -> memref<50x64xf32, #tpu.memory_space<hbm>>
      %dma_start3A_1638 = arith.constant 200 : i32
      %dma_start3A_1639 = arith.constant 0 : i32
      %dma_start3A_1640 = tpu.memref_slice %arg6[%dma_start3A_1638, %dma_start3A_1639] : memref<400x64xf32, #tpu.memory_space<vmem>> -> memref<50x64xf32, #tpu.memory_space<vmem>>
      tpu.enqueue_dma source(%dma_start3A_1640 : memref<50x64xf32, #tpu.memory_space<vmem>>) target(%dma_start3A_1637 : memref<50x64xf32, #tpu.memory_space<hbm>>) target_semaphore(%arg14 : memref<!tpu.dma_semaphore, #tpu.memory_space<semaphore_mem>>)
      %mul3A_1641 = arith.constant 8 : i32
      %mul3A_1642 = arith.muli %add3A_1539, %mul3A_1641 : i32
      %add3A_1643 = arith.addi %mul3A_4, %mul3A_1642 : i32
      %add3A_1644 = arith.constant 5 : i32
      %add3A_1645 = arith.addi %add3A_1643, %add3A_1644 : i32
      %dma_start3A_1646 = arith.constant 250 : i32
      %dma_start3A_1647 = arith.constant 0 : i32
      %dma_start3A_1648 = tpu.memref_slice %arg6[%dma_start3A_1646, %dma_start3A_1647] : memref<400x64xf32, #tpu.memory_space<vmem>> -> memref<50x64xf32, #tpu.memory_space<vmem>>
      %dma_start3A_1649 = arith.constant 0 : i32
      %dma_start3A_1650 = arith.constant 0 : i32
      %dma_start3A_1651 = tpu.memref_slice %arg4[%add3A_1645, %dma_start3A_1649, %dma_start3A_1650] : memref<16384x50x64xf32, #tpu.memory_space<hbm>> -> memref<1x50x64xf32, #tpu.memory_space<hbm>>
      %dma_start3A_1652 = tpu.memref_squeeze %dma_start3A_1651 : memref<1x50x64xf32, #tpu.memory_space<hbm>> -> memref<50x64xf32, #tpu.memory_space<hbm>>
      %dma_start3A_1653 = arith.constant 0 : i32
      %dma_start3A_1654 = arith.constant 0 : i32
      %dma_start3A_1655 = tpu.memref_slice %arg4[%add3A_1645, %dma_start3A_1653, %dma_start3A_1654] : memref<16384x50x64xf32, #tpu.memory_space<hbm>> -> memref<1x50x64xf32, #tpu.memory_space<hbm>>
      %dma_start3A_1656 = tpu.memref_squeeze %dma_start3A_1655 : memref<1x50x64xf32, #tpu.memory_space<hbm>> -> memref<50x64xf32, #tpu.memory_space<hbm>>
      %dma_start3A_1657 = arith.constant 250 : i32
      %dma_start3A_1658 = arith.constant 0 : i32
      %dma_start3A_1659 = tpu.memref_slice %arg6[%dma_start3A_1657, %dma_start3A_1658] : memref<400x64xf32, #tpu.memory_space<vmem>> -> memref<50x64xf32, #tpu.memory_space<vmem>>
      tpu.enqueue_dma source(%dma_start3A_1659 : memref<50x64xf32, #tpu.memory_space<vmem>>) target(%dma_start3A_1656 : memref<50x64xf32, #tpu.memory_space<hbm>>) target_semaphore(%arg14 : memref<!tpu.dma_semaphore, #tpu.memory_space<semaphore_mem>>)
      %mul3A_1660 = arith.constant 8 : i32
      %mul3A_1661 = arith.muli %add3A_1539, %mul3A_1660 : i32
      %add3A_1662 = arith.addi %mul3A_4, %mul3A_1661 : i32
      %add3A_1663 = arith.constant 6 : i32
      %add3A_1664 = arith.addi %add3A_1662, %add3A_1663 : i32
      %dma_start3A_1665 = arith.constant 300 : i32
      %dma_start3A_1666 = arith.constant 0 : i32
      %dma_start3A_1667 = tpu.memref_slice %arg6[%dma_start3A_1665, %dma_start3A_1666] : memref<400x64xf32, #tpu.memory_space<vmem>> -> memref<50x64xf32, #tpu.memory_space<vmem>>
      %dma_start3A_1668 = arith.constant 0 : i32
      %dma_start3A_1669 = arith.constant 0 : i32
      %dma_start3A_1670 = tpu.memref_slice %arg4[%add3A_1664, %dma_start3A_1668, %dma_start3A_1669] : memref<16384x50x64xf32, #tpu.memory_space<hbm>> -> memref<1x50x64xf32, #tpu.memory_space<hbm>>
      %dma_start3A_1671 = tpu.memref_squeeze %dma_start3A_1670 : memref<1x50x64xf32, #tpu.memory_space<hbm>> -> memref<50x64xf32, #tpu.memory_space<hbm>>
      %dma_start3A_1672 = arith.constant 0 : i32
      %dma_start3A_1673 = arith.constant 0 : i32
      %dma_start3A_1674 = tpu.memref_slice %arg4[%add3A_1664, %dma_start3A_1672, %dma_start3A_1673] : memref<16384x50x64xf32, #tpu.memory_space<hbm>> -> memref<1x50x64xf32, #tpu.memory_space<hbm>>
      %dma_start3A_1675 = tpu.memref_squeeze %dma_start3A_1674 : memref<1x50x64xf32, #tpu.memory_space<hbm>> -> memref<50x64xf32, #tpu.memory_space<hbm>>
      %dma_start3A_1676 = arith.constant 300 : i32
      %dma_start3A_1677 = arith.constant 0 : i32
      %dma_start3A_1678 = tpu.memref_slice %arg6[%dma_start3A_1676, %dma_start3A_1677] : memref<400x64xf32, #tpu.memory_space<vmem>> -> memref<50x64xf32, #tpu.memory_space<vmem>>
      tpu.enqueue_dma source(%dma_start3A_1678 : memref<50x64xf32, #tpu.memory_space<vmem>>) target(%dma_start3A_1675 : memref<50x64xf32, #tpu.memory_space<hbm>>) target_semaphore(%arg14 : memref<!tpu.dma_semaphore, #tpu.memory_space<semaphore_mem>>)
      %mul3A_1679 = arith.constant 8 : i32
      %mul3A_1680 = arith.muli %add3A_1539, %mul3A_1679 : i32
      %add3A_1681 = arith.addi %mul3A_4, %mul3A_1680 : i32
      %add3A_1682 = arith.constant 7 : i32
      %add3A_1683 = arith.addi %add3A_1681, %add3A_1682 : i32
      %dma_start3A_1684 = arith.constant 350 : i32
      %dma_start3A_1685 = arith.constant 0 : i32
      %dma_start3A_1686 = tpu.memref_slice %arg6[%dma_start3A_1684, %dma_start3A_1685] : memref<400x64xf32, #tpu.memory_space<vmem>> -> memref<50x64xf32, #tpu.memory_space<vmem>>
      %dma_start3A_1687 = arith.constant 0 : i32
      %dma_start3A_1688 = arith.constant 0 : i32
      %dma_start3A_1689 = tpu.memref_slice %arg4[%add3A_1683, %dma_start3A_1687, %dma_start3A_1688] : memref<16384x50x64xf32, #tpu.memory_space<hbm>> -> memref<1x50x64xf32, #tpu.memory_space<hbm>>
      %dma_start3A_1690 = tpu.memref_squeeze %dma_start3A_1689 : memref<1x50x64xf32, #tpu.memory_space<hbm>> -> memref<50x64xf32, #tpu.memory_space<hbm>>
      %dma_start3A_1691 = arith.constant 0 : i32
      %dma_start3A_1692 = arith.constant 0 : i32
      %dma_start3A_1693 = tpu.memref_slice %arg4[%add3A_1683, %dma_start3A_1691, %dma_start3A_1692] : memref<16384x50x64xf32, #tpu.memory_space<hbm>> -> memref<1x50x64xf32, #tpu.memory_space<hbm>>
      %dma_start3A_1694 = tpu.memref_squeeze %dma_start3A_1693 : memref<1x50x64xf32, #tpu.memory_space<hbm>> -> memref<50x64xf32, #tpu.memory_space<hbm>>
      %dma_start3A_1695 = arith.constant 350 : i32
      %dma_start3A_1696 = arith.constant 0 : i32
      %dma_start3A_1697 = tpu.memref_slice %arg6[%dma_start3A_1695, %dma_start3A_1696] : memref<400x64xf32, #tpu.memory_space<vmem>> -> memref<50x64xf32, #tpu.memory_space<vmem>>
      tpu.enqueue_dma source(%dma_start3A_1697 : memref<50x64xf32, #tpu.memory_space<vmem>>) target(%dma_start3A_1694 : memref<50x64xf32, #tpu.memory_space<hbm>>) target_semaphore(%arg14 : memref<!tpu.dma_semaphore, #tpu.memory_space<semaphore_mem>>)
      %add3A_1698 = arith.constant 4 : i32
      %add3A_1699 = arith.addi %add3A_1539, %add3A_1698 : i32
      %sub3A = arith.constant 1 : i32
      %sub3A_1700 = arith.subi %add3A_1699, %sub3A : i32
      %lt3A = arith.constant 64 : i32
      %lt3A_1701 = arith.cmpi slt, %sub3A_1700, %lt3A : i32
      %convert_element_type3A = arith.extui %lt3A_1701 : i1 to i32
      %cond3A = arith.constant 0 : i32
      %cond3A_1702 = arith.cmpi ne, %convert_element_type3A, %cond3A : i32
      scf.if %cond3A_1702 {
        %add3A_2210 = arith.constant 0 : i32
        %add3A_2211 = arith.addi %mul3A_4, %add3A_2210 : i32
        %dma_wait3A_2212 = arith.constant 0 : i32
        %dma_wait3A_2213 = arith.constant 0 : i32
        %dma_wait3A_2214 = tpu.memref_slice %arg9[%dma_wait3A_2212, %dma_wait3A_2213] : memref<400x64xf32, #tpu.memory_space<vmem>> -> memref<50x64xf32, #tpu.memory_space<vmem>>
        %dma_wait3A_2215 = arith.constant 0 : i32
        %dma_wait3A_2216 = arith.constant 0 : i32
        %dma_wait3A_2217 = tpu.memref_slice %arg4[%add3A_2211, %dma_wait3A_2215, %dma_wait3A_2216] : memref<16384x50x64xf32, #tpu.memory_space<hbm>> -> memref<1x50x64xf32, #tpu.memory_space<hbm>>
        %dma_wait3A_2218 = tpu.memref_squeeze %dma_wait3A_2217 : memref<1x50x64xf32, #tpu.memory_space<hbm>> -> memref<50x64xf32, #tpu.memory_space<hbm>>
        %dma_wait3A_2219 = arith.constant 0 : i32
        %dma_wait3A_2220 = arith.constant 0 : i32
        %dma_wait3A_2221 = tpu.memref_slice %arg4[%add3A_2211, %dma_wait3A_2219, %dma_wait3A_2220] : memref<16384x50x64xf32, #tpu.memory_space<hbm>> -> memref<1x50x64xf32, #tpu.memory_space<hbm>>
        %dma_wait3A_2222 = tpu.memref_squeeze %dma_wait3A_2221 : memref<1x50x64xf32, #tpu.memory_space<hbm>> -> memref<50x64xf32, #tpu.memory_space<hbm>>
        %dma_wait3A_2223 = arith.constant 0 : i32
        %dma_wait3A_2224 = arith.constant 0 : i32
        %dma_wait3A_2225 = tpu.memref_slice %arg9[%dma_wait3A_2223, %dma_wait3A_2224] : memref<400x64xf32, #tpu.memory_space<vmem>> -> memref<50x64xf32, #tpu.memory_space<vmem>>
        tpu.wait_dma2 semaphore(%arg17 : memref<!tpu.dma_semaphore, #tpu.memory_space<semaphore_mem>>) src(%dma_wait3A_2225 : memref<50x64xf32, #tpu.memory_space<vmem>>) dst(%dma_wait3A_2222 : memref<50x64xf32, #tpu.memory_space<hbm>>)
        %add3A_2226 = arith.constant 1 : i32
        %add3A_2227 = arith.addi %mul3A_4, %add3A_2226 : i32
        %dma_wait3A_2228 = arith.constant 50 : i32
        %dma_wait3A_2229 = arith.constant 0 : i32
        %dma_wait3A_2230 = tpu.memref_slice %arg9[%dma_wait3A_2228, %dma_wait3A_2229] : memref<400x64xf32, #tpu.memory_space<vmem>> -> memref<50x64xf32, #tpu.memory_space<vmem>>
        %dma_wait3A_2231 = arith.constant 0 : i32
        %dma_wait3A_2232 = arith.constant 0 : i32
        %dma_wait3A_2233 = tpu.memref_slice %arg4[%add3A_2227, %dma_wait3A_2231, %dma_wait3A_2232] : memref<16384x50x64xf32, #tpu.memory_space<hbm>> -> memref<1x50x64xf32, #tpu.memory_space<hbm>>
        %dma_wait3A_2234 = tpu.memref_squeeze %dma_wait3A_2233 : memref<1x50x64xf32, #tpu.memory_space<hbm>> -> memref<50x64xf32, #tpu.memory_space<hbm>>
        %dma_wait3A_2235 = arith.constant 0 : i32
        %dma_wait3A_2236 = arith.constant 0 : i32
        %dma_wait3A_2237 = tpu.memref_slice %arg4[%add3A_2227, %dma_wait3A_2235, %dma_wait3A_2236] : memref<16384x50x64xf32, #tpu.memory_space<hbm>> -> memref<1x50x64xf32, #tpu.memory_space<hbm>>
        %dma_wait3A_2238 = tpu.memref_squeeze %dma_wait3A_2237 : memref<1x50x64xf32, #tpu.memory_space<hbm>> -> memref<50x64xf32, #tpu.memory_space<hbm>>
        %dma_wait3A_2239 = arith.constant 50 : i32
        %dma_wait3A_2240 = arith.constant 0 : i32
        %dma_wait3A_2241 = tpu.memref_slice %arg9[%dma_wait3A_2239, %dma_wait3A_2240] : memref<400x64xf32, #tpu.memory_space<vmem>> -> memref<50x64xf32, #tpu.memory_space<vmem>>
        tpu.wait_dma2 semaphore(%arg17 : memref<!tpu.dma_semaphore, #tpu.memory_space<semaphore_mem>>) src(%dma_wait3A_2241 : memref<50x64xf32, #tpu.memory_space<vmem>>) dst(%dma_wait3A_2238 : memref<50x64xf32, #tpu.memory_space<hbm>>)
        %add3A_2242 = arith.constant 2 : i32
        %add3A_2243 = arith.addi %mul3A_4, %add3A_2242 : i32
        %dma_wait3A_2244 = arith.constant 100 : i32
        %dma_wait3A_2245 = arith.constant 0 : i32
        %dma_wait3A_2246 = tpu.memref_slice %arg9[%dma_wait3A_2244, %dma_wait3A_2245] : memref<400x64xf32, #tpu.memory_space<vmem>> -> memref<50x64xf32, #tpu.memory_space<vmem>>
        %dma_wait3A_2247 = arith.constant 0 : i32
        %dma_wait3A_2248 = arith.constant 0 : i32
        %dma_wait3A_2249 = tpu.memref_slice %arg4[%add3A_2243, %dma_wait3A_2247, %dma_wait3A_2248] : memref<16384x50x64xf32, #tpu.memory_space<hbm>> -> memref<1x50x64xf32, #tpu.memory_space<hbm>>
        %dma_wait3A_2250 = tpu.memref_squeeze %dma_wait3A_2249 : memref<1x50x64xf32, #tpu.memory_space<hbm>> -> memref<50x64xf32, #tpu.memory_space<hbm>>
        %dma_wait3A_2251 = arith.constant 0 : i32
        %dma_wait3A_2252 = arith.constant 0 : i32
        %dma_wait3A_2253 = tpu.memref_slice %arg4[%add3A_2243, %dma_wait3A_2251, %dma_wait3A_2252] : memref<16384x50x64xf32, #tpu.memory_space<hbm>> -> memref<1x50x64xf32, #tpu.memory_space<hbm>>
        %dma_wait3A_2254 = tpu.memref_squeeze %dma_wait3A_2253 : memref<1x50x64xf32, #tpu.memory_space<hbm>> -> memref<50x64xf32, #tpu.memory_space<hbm>>
        %dma_wait3A_2255 = arith.constant 100 : i32
        %dma_wait3A_2256 = arith.constant 0 : i32
        %dma_wait3A_2257 = tpu.memref_slice %arg9[%dma_wait3A_2255, %dma_wait3A_2256] : memref<400x64xf32, #tpu.memory_space<vmem>> -> memref<50x64xf32, #tpu.memory_space<vmem>>
        tpu.wait_dma2 semaphore(%arg17 : memref<!tpu.dma_semaphore, #tpu.memory_space<semaphore_mem>>) src(%dma_wait3A_2257 : memref<50x64xf32, #tpu.memory_space<vmem>>) dst(%dma_wait3A_2254 : memref<50x64xf32, #tpu.memory_space<hbm>>)
        %add3A_2258 = arith.constant 3 : i32
        %add3A_2259 = arith.addi %mul3A_4, %add3A_2258 : i32
        %dma_wait3A_2260 = arith.constant 150 : i32
        %dma_wait3A_2261 = arith.constant 0 : i32
        %dma_wait3A_2262 = tpu.memref_slice %arg9[%dma_wait3A_2260, %dma_wait3A_2261] : memref<400x64xf32, #tpu.memory_space<vmem>> -> memref<50x64xf32, #tpu.memory_space<vmem>>
        %dma_wait3A_2263 = arith.constant 0 : i32
        %dma_wait3A_2264 = arith.constant 0 : i32
        %dma_wait3A_2265 = tpu.memref_slice %arg4[%add3A_2259, %dma_wait3A_2263, %dma_wait3A_2264] : memref<16384x50x64xf32, #tpu.memory_space<hbm>> -> memref<1x50x64xf32, #tpu.memory_space<hbm>>
        %dma_wait3A_2266 = tpu.memref_squeeze %dma_wait3A_2265 : memref<1x50x64xf32, #tpu.memory_space<hbm>> -> memref<50x64xf32, #tpu.memory_space<hbm>>
        %dma_wait3A_2267 = arith.constant 0 : i32
        %dma_wait3A_2268 = arith.constant 0 : i32
        %dma_wait3A_2269 = tpu.memref_slice %arg4[%add3A_2259, %dma_wait3A_2267, %dma_wait3A_2268] : memref<16384x50x64xf32, #tpu.memory_space<hbm>> -> memref<1x50x64xf32, #tpu.memory_space<hbm>>
        %dma_wait3A_2270 = tpu.memref_squeeze %dma_wait3A_2269 : memref<1x50x64xf32, #tpu.memory_space<hbm>> -> memref<50x64xf32, #tpu.memory_space<hbm>>
        %dma_wait3A_2271 = arith.constant 150 : i32
        %dma_wait3A_2272 = arith.constant 0 : i32
        %dma_wait3A_2273 = tpu.memref_slice %arg9[%dma_wait3A_2271, %dma_wait3A_2272] : memref<400x64xf32, #tpu.memory_space<vmem>> -> memref<50x64xf32, #tpu.memory_space<vmem>>
        tpu.wait_dma2 semaphore(%arg17 : memref<!tpu.dma_semaphore, #tpu.memory_space<semaphore_mem>>) src(%dma_wait3A_2273 : memref<50x64xf32, #tpu.memory_space<vmem>>) dst(%dma_wait3A_2270 : memref<50x64xf32, #tpu.memory_space<hbm>>)
        %add3A_2274 = arith.constant 4 : i32
        %add3A_2275 = arith.addi %mul3A_4, %add3A_2274 : i32
        %dma_wait3A_2276 = arith.constant 200 : i32
        %dma_wait3A_2277 = arith.constant 0 : i32
        %dma_wait3A_2278 = tpu.memref_slice %arg9[%dma_wait3A_2276, %dma_wait3A_2277] : memref<400x64xf32, #tpu.memory_space<vmem>> -> memref<50x64xf32, #tpu.memory_space<vmem>>
        %dma_wait3A_2279 = arith.constant 0 : i32
        %dma_wait3A_2280 = arith.constant 0 : i32
        %dma_wait3A_2281 = tpu.memref_slice %arg4[%add3A_2275, %dma_wait3A_2279, %dma_wait3A_2280] : memref<16384x50x64xf32, #tpu.memory_space<hbm>> -> memref<1x50x64xf32, #tpu.memory_space<hbm>>
        %dma_wait3A_2282 = tpu.memref_squeeze %dma_wait3A_2281 : memref<1x50x64xf32, #tpu.memory_space<hbm>> -> memref<50x64xf32, #tpu.memory_space<hbm>>
        %dma_wait3A_2283 = arith.constant 0 : i32
        %dma_wait3A_2284 = arith.constant 0 : i32
        %dma_wait3A_2285 = tpu.memref_slice %arg4[%add3A_2275, %dma_wait3A_2283, %dma_wait3A_2284] : memref<16384x50x64xf32, #tpu.memory_space<hbm>> -> memref<1x50x64xf32, #tpu.memory_space<hbm>>
        %dma_wait3A_2286 = tpu.memref_squeeze %dma_wait3A_2285 : memref<1x50x64xf32, #tpu.memory_space<hbm>> -> memref<50x64xf32, #tpu.memory_space<hbm>>
        %dma_wait3A_2287 = arith.constant 200 : i32
        %dma_wait3A_2288 = arith.constant 0 : i32
        %dma_wait3A_2289 = tpu.memref_slice %arg9[%dma_wait3A_2287, %dma_wait3A_2288] : memref<400x64xf32, #tpu.memory_space<vmem>> -> memref<50x64xf32, #tpu.memory_space<vmem>>
        tpu.wait_dma2 semaphore(%arg17 : memref<!tpu.dma_semaphore, #tpu.memory_space<semaphore_mem>>) src(%dma_wait3A_2289 : memref<50x64xf32, #tpu.memory_space<vmem>>) dst(%dma_wait3A_2286 : memref<50x64xf32, #tpu.memory_space<hbm>>)
        %add3A_2290 = arith.constant 5 : i32
        %add3A_2291 = arith.addi %mul3A_4, %add3A_2290 : i32
        %dma_wait3A_2292 = arith.constant 250 : i32
        %dma_wait3A_2293 = arith.constant 0 : i32
        %dma_wait3A_2294 = tpu.memref_slice %arg9[%dma_wait3A_2292, %dma_wait3A_2293] : memref<400x64xf32, #tpu.memory_space<vmem>> -> memref<50x64xf32, #tpu.memory_space<vmem>>
        %dma_wait3A_2295 = arith.constant 0 : i32
        %dma_wait3A_2296 = arith.constant 0 : i32
        %dma_wait3A_2297 = tpu.memref_slice %arg4[%add3A_2291, %dma_wait3A_2295, %dma_wait3A_2296] : memref<16384x50x64xf32, #tpu.memory_space<hbm>> -> memref<1x50x64xf32, #tpu.memory_space<hbm>>
        %dma_wait3A_2298 = tpu.memref_squeeze %dma_wait3A_2297 : memref<1x50x64xf32, #tpu.memory_space<hbm>> -> memref<50x64xf32, #tpu.memory_space<hbm>>
        %dma_wait3A_2299 = arith.constant 0 : i32
        %dma_wait3A_2300 = arith.constant 0 : i32
        %dma_wait3A_2301 = tpu.memref_slice %arg4[%add3A_2291, %dma_wait3A_2299, %dma_wait3A_2300] : memref<16384x50x64xf32, #tpu.memory_space<hbm>> -> memref<1x50x64xf32, #tpu.memory_space<hbm>>
        %dma_wait3A_2302 = tpu.memref_squeeze %dma_wait3A_2301 : memref<1x50x64xf32, #tpu.memory_space<hbm>> -> memref<50x64xf32, #tpu.memory_space<hbm>>
        %dma_wait3A_2303 = arith.constant 250 : i32
        %dma_wait3A_2304 = arith.constant 0 : i32
        %dma_wait3A_2305 = tpu.memref_slice %arg9[%dma_wait3A_2303, %dma_wait3A_2304] : memref<400x64xf32, #tpu.memory_space<vmem>> -> memref<50x64xf32, #tpu.memory_space<vmem>>
        tpu.wait_dma2 semaphore(%arg17 : memref<!tpu.dma_semaphore, #tpu.memory_space<semaphore_mem>>) src(%dma_wait3A_2305 : memref<50x64xf32, #tpu.memory_space<vmem>>) dst(%dma_wait3A_2302 : memref<50x64xf32, #tpu.memory_space<hbm>>)
        %add3A_2306 = arith.constant 6 : i32
        %add3A_2307 = arith.addi %mul3A_4, %add3A_2306 : i32
        %dma_wait3A_2308 = arith.constant 300 : i32
        %dma_wait3A_2309 = arith.constant 0 : i32
        %dma_wait3A_2310 = tpu.memref_slice %arg9[%dma_wait3A_2308, %dma_wait3A_2309] : memref<400x64xf32, #tpu.memory_space<vmem>> -> memref<50x64xf32, #tpu.memory_space<vmem>>
        %dma_wait3A_2311 = arith.constant 0 : i32
        %dma_wait3A_2312 = arith.constant 0 : i32
        %dma_wait3A_2313 = tpu.memref_slice %arg4[%add3A_2307, %dma_wait3A_2311, %dma_wait3A_2312] : memref<16384x50x64xf32, #tpu.memory_space<hbm>> -> memref<1x50x64xf32, #tpu.memory_space<hbm>>
        %dma_wait3A_2314 = tpu.memref_squeeze %dma_wait3A_2313 : memref<1x50x64xf32, #tpu.memory_space<hbm>> -> memref<50x64xf32, #tpu.memory_space<hbm>>
        %dma_wait3A_2315 = arith.constant 0 : i32
        %dma_wait3A_2316 = arith.constant 0 : i32
        %dma_wait3A_2317 = tpu.memref_slice %arg4[%add3A_2307, %dma_wait3A_2315, %dma_wait3A_2316] : memref<16384x50x64xf32, #tpu.memory_space<hbm>> -> memref<1x50x64xf32, #tpu.memory_space<hbm>>
        %dma_wait3A_2318 = tpu.memref_squeeze %dma_wait3A_2317 : memref<1x50x64xf32, #tpu.memory_space<hbm>> -> memref<50x64xf32, #tpu.memory_space<hbm>>
        %dma_wait3A_2319 = arith.constant 300 : i32
        %dma_wait3A_2320 = arith.constant 0 : i32
        %dma_wait3A_2321 = tpu.memref_slice %arg9[%dma_wait3A_2319, %dma_wait3A_2320] : memref<400x64xf32, #tpu.memory_space<vmem>> -> memref<50x64xf32, #tpu.memory_space<vmem>>
        tpu.wait_dma2 semaphore(%arg17 : memref<!tpu.dma_semaphore, #tpu.memory_space<semaphore_mem>>) src(%dma_wait3A_2321 : memref<50x64xf32, #tpu.memory_space<vmem>>) dst(%dma_wait3A_2318 : memref<50x64xf32, #tpu.memory_space<hbm>>)
        %add3A_2322 = arith.constant 7 : i32
        %add3A_2323 = arith.addi %mul3A_4, %add3A_2322 : i32
        %dma_wait3A_2324 = arith.constant 350 : i32
        %dma_wait3A_2325 = arith.constant 0 : i32
        %dma_wait3A_2326 = tpu.memref_slice %arg9[%dma_wait3A_2324, %dma_wait3A_2325] : memref<400x64xf32, #tpu.memory_space<vmem>> -> memref<50x64xf32, #tpu.memory_space<vmem>>
        %dma_wait3A_2327 = arith.constant 0 : i32
        %dma_wait3A_2328 = arith.constant 0 : i32
        %dma_wait3A_2329 = tpu.memref_slice %arg4[%add3A_2323, %dma_wait3A_2327, %dma_wait3A_2328] : memref<16384x50x64xf32, #tpu.memory_space<hbm>> -> memref<1x50x64xf32, #tpu.memory_space<hbm>>
        %dma_wait3A_2330 = tpu.memref_squeeze %dma_wait3A_2329 : memref<1x50x64xf32, #tpu.memory_space<hbm>> -> memref<50x64xf32, #tpu.memory_space<hbm>>
        %dma_wait3A_2331 = arith.constant 0 : i32
        %dma_wait3A_2332 = arith.constant 0 : i32
        %dma_wait3A_2333 = tpu.memref_slice %arg4[%add3A_2323, %dma_wait3A_2331, %dma_wait3A_2332] : memref<16384x50x64xf32, #tpu.memory_space<hbm>> -> memref<1x50x64xf32, #tpu.memory_space<hbm>>
        %dma_wait3A_2334 = tpu.memref_squeeze %dma_wait3A_2333 : memref<1x50x64xf32, #tpu.memory_space<hbm>> -> memref<50x64xf32, #tpu.memory_space<hbm>>
        %dma_wait3A_2335 = arith.constant 350 : i32
        %dma_wait3A_2336 = arith.constant 0 : i32
        %dma_wait3A_2337 = tpu.memref_slice %arg9[%dma_wait3A_2335, %dma_wait3A_2336] : memref<400x64xf32, #tpu.memory_space<vmem>> -> memref<50x64xf32, #tpu.memory_space<vmem>>
        tpu.wait_dma2 semaphore(%arg17 : memref<!tpu.dma_semaphore, #tpu.memory_space<semaphore_mem>>) src(%dma_wait3A_2337 : memref<50x64xf32, #tpu.memory_space<vmem>>) dst(%dma_wait3A_2334 : memref<50x64xf32, #tpu.memory_space<hbm>>)
        %mul3A_2338 = arith.constant 400 : i32
        %mul3A_2339 = arith.muli %sub3A_1700, %mul3A_2338 : i32
        %dma_start3A_2340 = tpu.memref_slice %arg5[%mul3A_2339] : memref<25600xi32, #tpu.memory_space<vmem>> -> memref<400xi32, #tpu.memory_space<vmem>>
        %dma_start3A_2341 = arith.constant 0 : i32
        %dma_start3A_2342 = arith.constant 0 : i32
        %dma_start3A_2343 = tpu.memref_slice %arg3[%dma_start3A_2341, %dma_start3A_2342] : memref<1000000x64xf32, #tpu.memory_space<hbm>> -> memref<1000000x64xf32, #tpu.memory_space<hbm>>
        tpu.enqueue_indirect_dma source(%dma_start3A_2343 : memref<1000000x64xf32, #tpu.memory_space<hbm>>) target(%arg9 : memref<400x64xf32, #tpu.memory_space<vmem>>) offsets(%dma_start3A_2340 : memref<400xi32, #tpu.memory_space<vmem>>) semaphore(%arg13 : memref<!tpu.dma_semaphore, #tpu.memory_space<semaphore_mem>>)
      } else {
      }
      %add3A_1703 = arith.constant 1 : i32
      %add3A_1704 = arith.addi %mul3A_1537, %add3A_1703 : i32
      %mul3A_1705 = arith.constant 400 : i32
      %mul3A_1706 = arith.muli %add3A_1704, %mul3A_1705 : i32
      %dma_wait3A_1707 = tpu.memref_slice %arg5[%mul3A_1706] : memref<25600xi32, #tpu.memory_space<vmem>> -> memref<400xi32, #tpu.memory_space<vmem>>
      %dma_wait3A_1708 = arith.constant 0 : i32
      %dma_wait3A_1709 = arith.constant 0 : i32
      %dma_wait3A_1710 = tpu.memref_slice %arg3[%dma_wait3A_1708, %dma_wait3A_1709] : memref<1000000x64xf32, #tpu.memory_space<hbm>> -> memref<1000000x64xf32, #tpu.memory_space<hbm>>
      tpu.wait_indirect_dma semaphore(%arg11 : memref<!tpu.dma_semaphore, #tpu.memory_space<semaphore_mem>>) src(%dma_wait3A_1710 : memref<1000000x64xf32, #tpu.memory_space<hbm>>) dst(%arg7 : memref<400x64xf32, #tpu.memory_space<vmem>>)
      %mul3A_1711 = arith.constant 8 : i32
      %mul3A_1712 = arith.muli %add3A_1704, %mul3A_1711 : i32
      %add3A_1713 = arith.addi %mul3A_4, %mul3A_1712 : i32
      %add3A_1714 = arith.constant 0 : i32
      %add3A_1715 = arith.addi %add3A_1713, %add3A_1714 : i32
      %dma_start3A_1716 = arith.constant 0 : i32
      %dma_start3A_1717 = arith.constant 0 : i32
      %dma_start3A_1718 = tpu.memref_slice %arg7[%dma_start3A_1716, %dma_start3A_1717] : memref<400x64xf32, #tpu.memory_space<vmem>> -> memref<50x64xf32, #tpu.memory_space<vmem>>
      %dma_start3A_1719 = arith.constant 0 : i32
      %dma_start3A_1720 = arith.constant 0 : i32
      %dma_start3A_1721 = tpu.memref_slice %arg4[%add3A_1715, %dma_start3A_1719, %dma_start3A_1720] : memref<16384x50x64xf32, #tpu.memory_space<hbm>> -> memref<1x50x64xf32, #tpu.memory_space<hbm>>
      %dma_start3A_1722 = tpu.memref_squeeze %dma_start3A_1721 : memref<1x50x64xf32, #tpu.memory_space<hbm>> -> memref<50x64xf32, #tpu.memory_space<hbm>>
      %dma_start3A_1723 = arith.constant 0 : i32
      %dma_start3A_1724 = arith.constant 0 : i32
      %dma_start3A_1725 = tpu.memref_slice %arg4[%add3A_1715, %dma_start3A_1723, %dma_start3A_1724] : memref<16384x50x64xf32, #tpu.memory_space<hbm>> -> memref<1x50x64xf32, #tpu.memory_space<hbm>>
      %dma_start3A_1726 = tpu.memref_squeeze %dma_start3A_1725 : memref<1x50x64xf32, #tpu.memory_space<hbm>> -> memref<50x64xf32, #tpu.memory_space<hbm>>
      %dma_start3A_1727 = arith.constant 0 : i32
      %dma_start3A_1728 = arith.constant 0 : i32
      %dma_start3A_1729 = tpu.memref_slice %arg7[%dma_start3A_1727, %dma_start3A_1728] : memref<400x64xf32, #tpu.memory_space<vmem>> -> memref<50x64xf32, #tpu.memory_space<vmem>>
      tpu.enqueue_dma source(%dma_start3A_1729 : memref<50x64xf32, #tpu.memory_space<vmem>>) target(%dma_start3A_1726 : memref<50x64xf32, #tpu.memory_space<hbm>>) target_semaphore(%arg15 : memref<!tpu.dma_semaphore, #tpu.memory_space<semaphore_mem>>)
      %mul3A_1730 = arith.constant 8 : i32
      %mul3A_1731 = arith.muli %add3A_1704, %mul3A_1730 : i32
      %add3A_1732 = arith.addi %mul3A_4, %mul3A_1731 : i32
      %add3A_1733 = arith.constant 1 : i32
      %add3A_1734 = arith.addi %add3A_1732, %add3A_1733 : i32
      %dma_start3A_1735 = arith.constant 50 : i32
      %dma_start3A_1736 = arith.constant 0 : i32
      %dma_start3A_1737 = tpu.memref_slice %arg7[%dma_start3A_1735, %dma_start3A_1736] : memref<400x64xf32, #tpu.memory_space<vmem>> -> memref<50x64xf32, #tpu.memory_space<vmem>>
      %dma_start3A_1738 = arith.constant 0 : i32
      %dma_start3A_1739 = arith.constant 0 : i32
      %dma_start3A_1740 = tpu.memref_slice %arg4[%add3A_1734, %dma_start3A_1738, %dma_start3A_1739] : memref<16384x50x64xf32, #tpu.memory_space<hbm>> -> memref<1x50x64xf32, #tpu.memory_space<hbm>>
      %dma_start3A_1741 = tpu.memref_squeeze %dma_start3A_1740 : memref<1x50x64xf32, #tpu.memory_space<hbm>> -> memref<50x64xf32, #tpu.memory_space<hbm>>
      %dma_start3A_1742 = arith.constant 0 : i32
      %dma_start3A_1743 = arith.constant 0 : i32
      %dma_start3A_1744 = tpu.memref_slice %arg4[%add3A_1734, %dma_start3A_1742, %dma_start3A_1743] : memref<16384x50x64xf32, #tpu.memory_space<hbm>> -> memref<1x50x64xf32, #tpu.memory_space<hbm>>
      %dma_start3A_1745 = tpu.memref_squeeze %dma_start3A_1744 : memref<1x50x64xf32, #tpu.memory_space<hbm>> -> memref<50x64xf32, #tpu.memory_space<hbm>>
      %dma_start3A_1746 = arith.constant 50 : i32
      %dma_start3A_1747 = arith.constant 0 : i32
      %dma_start3A_1748 = tpu.memref_slice %arg7[%dma_start3A_1746, %dma_start3A_1747] : memref<400x64xf32, #tpu.memory_space<vmem>> -> memref<50x64xf32, #tpu.memory_space<vmem>>
      tpu.enqueue_dma source(%dma_start3A_1748 : memref<50x64xf32, #tpu.memory_space<vmem>>) target(%dma_start3A_1745 : memref<50x64xf32, #tpu.memory_space<hbm>>) target_semaphore(%arg15 : memref<!tpu.dma_semaphore, #tpu.memory_space<semaphore_mem>>)
      %mul3A_1749 = arith.constant 8 : i32
      %mul3A_1750 = arith.muli %add3A_1704, %mul3A_1749 : i32
      %add3A_1751 = arith.addi %mul3A_4, %mul3A_1750 : i32
      %add3A_1752 = arith.constant 2 : i32
      %add3A_1753 = arith.addi %add3A_1751, %add3A_1752 : i32
      %dma_start3A_1754 = arith.constant 100 : i32
      %dma_start3A_1755 = arith.constant 0 : i32
      %dma_start3A_1756 = tpu.memref_slice %arg7[%dma_start3A_1754, %dma_start3A_1755] : memref<400x64xf32, #tpu.memory_space<vmem>> -> memref<50x64xf32, #tpu.memory_space<vmem>>
      %dma_start3A_1757 = arith.constant 0 : i32
      %dma_start3A_1758 = arith.constant 0 : i32
      %dma_start3A_1759 = tpu.memref_slice %arg4[%add3A_1753, %dma_start3A_1757, %dma_start3A_1758] : memref<16384x50x64xf32, #tpu.memory_space<hbm>> -> memref<1x50x64xf32, #tpu.memory_space<hbm>>
      %dma_start3A_1760 = tpu.memref_squeeze %dma_start3A_1759 : memref<1x50x64xf32, #tpu.memory_space<hbm>> -> memref<50x64xf32, #tpu.memory_space<hbm>>
      %dma_start3A_1761 = arith.constant 0 : i32
      %dma_start3A_1762 = arith.constant 0 : i32
      %dma_start3A_1763 = tpu.memref_slice %arg4[%add3A_1753, %dma_start3A_1761, %dma_start3A_1762] : memref<16384x50x64xf32, #tpu.memory_space<hbm>> -> memref<1x50x64xf32, #tpu.memory_space<hbm>>
      %dma_start3A_1764 = tpu.memref_squeeze %dma_start3A_1763 : memref<1x50x64xf32, #tpu.memory_space<hbm>> -> memref<50x64xf32, #tpu.memory_space<hbm>>
      %dma_start3A_1765 = arith.constant 100 : i32
      %dma_start3A_1766 = arith.constant 0 : i32
      %dma_start3A_1767 = tpu.memref_slice %arg7[%dma_start3A_1765, %dma_start3A_1766] : memref<400x64xf32, #tpu.memory_space<vmem>> -> memref<50x64xf32, #tpu.memory_space<vmem>>
      tpu.enqueue_dma source(%dma_start3A_1767 : memref<50x64xf32, #tpu.memory_space<vmem>>) target(%dma_start3A_1764 : memref<50x64xf32, #tpu.memory_space<hbm>>) target_semaphore(%arg15 : memref<!tpu.dma_semaphore, #tpu.memory_space<semaphore_mem>>)
      %mul3A_1768 = arith.constant 8 : i32
      %mul3A_1769 = arith.muli %add3A_1704, %mul3A_1768 : i32
      %add3A_1770 = arith.addi %mul3A_4, %mul3A_1769 : i32
      %add3A_1771 = arith.constant 3 : i32
      %add3A_1772 = arith.addi %add3A_1770, %add3A_1771 : i32
      %dma_start3A_1773 = arith.constant 150 : i32
      %dma_start3A_1774 = arith.constant 0 : i32
      %dma_start3A_1775 = tpu.memref_slice %arg7[%dma_start3A_1773, %dma_start3A_1774] : memref<400x64xf32, #tpu.memory_space<vmem>> -> memref<50x64xf32, #tpu.memory_space<vmem>>
      %dma_start3A_1776 = arith.constant 0 : i32
      %dma_start3A_1777 = arith.constant 0 : i32
      %dma_start3A_1778 = tpu.memref_slice %arg4[%add3A_1772, %dma_start3A_1776, %dma_start3A_1777] : memref<16384x50x64xf32, #tpu.memory_space<hbm>> -> memref<1x50x64xf32, #tpu.memory_space<hbm>>
      %dma_start3A_1779 = tpu.memref_squeeze %dma_start3A_1778 : memref<1x50x64xf32, #tpu.memory_space<hbm>> -> memref<50x64xf32, #tpu.memory_space<hbm>>
      %dma_start3A_1780 = arith.constant 0 : i32
      %dma_start3A_1781 = arith.constant 0 : i32
      %dma_start3A_1782 = tpu.memref_slice %arg4[%add3A_1772, %dma_start3A_1780, %dma_start3A_1781] : memref<16384x50x64xf32, #tpu.memory_space<hbm>> -> memref<1x50x64xf32, #tpu.memory_space<hbm>>
      %dma_start3A_1783 = tpu.memref_squeeze %dma_start3A_1782 : memref<1x50x64xf32, #tpu.memory_space<hbm>> -> memref<50x64xf32, #tpu.memory_space<hbm>>
      %dma_start3A_1784 = arith.constant 150 : i32
      %dma_start3A_1785 = arith.constant 0 : i32
      %dma_start3A_1786 = tpu.memref_slice %arg7[%dma_start3A_1784, %dma_start3A_1785] : memref<400x64xf32, #tpu.memory_space<vmem>> -> memref<50x64xf32, #tpu.memory_space<vmem>>
      tpu.enqueue_dma source(%dma_start3A_1786 : memref<50x64xf32, #tpu.memory_space<vmem>>) target(%dma_start3A_1783 : memref<50x64xf32, #tpu.memory_space<hbm>>) target_semaphore(%arg15 : memref<!tpu.dma_semaphore, #tpu.memory_space<semaphore_mem>>)
      %mul3A_1787 = arith.constant 8 : i32
      %mul3A_1788 = arith.muli %add3A_1704, %mul3A_1787 : i32
      %add3A_1789 = arith.addi %mul3A_4, %mul3A_1788 : i32
      %add3A_1790 = arith.constant 4 : i32
      %add3A_1791 = arith.addi %add3A_1789, %add3A_1790 : i32
      %dma_start3A_1792 = arith.constant 200 : i32
      %dma_start3A_1793 = arith.constant 0 : i32
      %dma_start3A_1794 = tpu.memref_slice %arg7[%dma_start3A_1792, %dma_start3A_1793] : memref<400x64xf32, #tpu.memory_space<vmem>> -> memref<50x64xf32, #tpu.memory_space<vmem>>
      %dma_start3A_1795 = arith.constant 0 : i32
      %dma_start3A_1796 = arith.constant 0 : i32
      %dma_start3A_1797 = tpu.memref_slice %arg4[%add3A_1791, %dma_start3A_1795, %dma_start3A_1796] : memref<16384x50x64xf32, #tpu.memory_space<hbm>> -> memref<1x50x64xf32, #tpu.memory_space<hbm>>
      %dma_start3A_1798 = tpu.memref_squeeze %dma_start3A_1797 : memref<1x50x64xf32, #tpu.memory_space<hbm>> -> memref<50x64xf32, #tpu.memory_space<hbm>>
      %dma_start3A_1799 = arith.constant 0 : i32
      %dma_start3A_1800 = arith.constant 0 : i32
      %dma_start3A_1801 = tpu.memref_slice %arg4[%add3A_1791, %dma_start3A_1799, %dma_start3A_1800] : memref<16384x50x64xf32, #tpu.memory_space<hbm>> -> memref<1x50x64xf32, #tpu.memory_space<hbm>>
      %dma_start3A_1802 = tpu.memref_squeeze %dma_start3A_1801 : memref<1x50x64xf32, #tpu.memory_space<hbm>> -> memref<50x64xf32, #tpu.memory_space<hbm>>
      %dma_start3A_1803 = arith.constant 200 : i32
      %dma_start3A_1804 = arith.constant 0 : i32
      %dma_start3A_1805 = tpu.memref_slice %arg7[%dma_start3A_1803, %dma_start3A_1804] : memref<400x64xf32, #tpu.memory_space<vmem>> -> memref<50x64xf32, #tpu.memory_space<vmem>>
      tpu.enqueue_dma source(%dma_start3A_1805 : memref<50x64xf32, #tpu.memory_space<vmem>>) target(%dma_start3A_1802 : memref<50x64xf32, #tpu.memory_space<hbm>>) target_semaphore(%arg15 : memref<!tpu.dma_semaphore, #tpu.memory_space<semaphore_mem>>)
      %mul3A_1806 = arith.constant 8 : i32
      %mul3A_1807 = arith.muli %add3A_1704, %mul3A_1806 : i32
      %add3A_1808 = arith.addi %mul3A_4, %mul3A_1807 : i32
      %add3A_1809 = arith.constant 5 : i32
      %add3A_1810 = arith.addi %add3A_1808, %add3A_1809 : i32
      %dma_start3A_1811 = arith.constant 250 : i32
      %dma_start3A_1812 = arith.constant 0 : i32
      %dma_start3A_1813 = tpu.memref_slice %arg7[%dma_start3A_1811, %dma_start3A_1812] : memref<400x64xf32, #tpu.memory_space<vmem>> -> memref<50x64xf32, #tpu.memory_space<vmem>>
      %dma_start3A_1814 = arith.constant 0 : i32
      %dma_start3A_1815 = arith.constant 0 : i32
      %dma_start3A_1816 = tpu.memref_slice %arg4[%add3A_1810, %dma_start3A_1814, %dma_start3A_1815] : memref<16384x50x64xf32, #tpu.memory_space<hbm>> -> memref<1x50x64xf32, #tpu.memory_space<hbm>>
      %dma_start3A_1817 = tpu.memref_squeeze %dma_start3A_1816 : memref<1x50x64xf32, #tpu.memory_space<hbm>> -> memref<50x64xf32, #tpu.memory_space<hbm>>
      %dma_start3A_1818 = arith.constant 0 : i32
      %dma_start3A_1819 = arith.constant 0 : i32
      %dma_start3A_1820 = tpu.memref_slice %arg4[%add3A_1810, %dma_start3A_1818, %dma_start3A_1819] : memref<16384x50x64xf32, #tpu.memory_space<hbm>> -> memref<1x50x64xf32, #tpu.memory_space<hbm>>
      %dma_start3A_1821 = tpu.memref_squeeze %dma_start3A_1820 : memref<1x50x64xf32, #tpu.memory_space<hbm>> -> memref<50x64xf32, #tpu.memory_space<hbm>>
      %dma_start3A_1822 = arith.constant 250 : i32
      %dma_start3A_1823 = arith.constant 0 : i32
      %dma_start3A_1824 = tpu.memref_slice %arg7[%dma_start3A_1822, %dma_start3A_1823] : memref<400x64xf32, #tpu.memory_space<vmem>> -> memref<50x64xf32, #tpu.memory_space<vmem>>
      tpu.enqueue_dma source(%dma_start3A_1824 : memref<50x64xf32, #tpu.memory_space<vmem>>) target(%dma_start3A_1821 : memref<50x64xf32, #tpu.memory_space<hbm>>) target_semaphore(%arg15 : memref<!tpu.dma_semaphore, #tpu.memory_space<semaphore_mem>>)
      %mul3A_1825 = arith.constant 8 : i32
      %mul3A_1826 = arith.muli %add3A_1704, %mul3A_1825 : i32
      %add3A_1827 = arith.addi %mul3A_4, %mul3A_1826 : i32
      %add3A_1828 = arith.constant 6 : i32
      %add3A_1829 = arith.addi %add3A_1827, %add3A_1828 : i32
      %dma_start3A_1830 = arith.constant 300 : i32
      %dma_start3A_1831 = arith.constant 0 : i32
      %dma_start3A_1832 = tpu.memref_slice %arg7[%dma_start3A_1830, %dma_start3A_1831] : memref<400x64xf32, #tpu.memory_space<vmem>> -> memref<50x64xf32, #tpu.memory_space<vmem>>
      %dma_start3A_1833 = arith.constant 0 : i32
      %dma_start3A_1834 = arith.constant 0 : i32
      %dma_start3A_1835 = tpu.memref_slice %arg4[%add3A_1829, %dma_start3A_1833, %dma_start3A_1834] : memref<16384x50x64xf32, #tpu.memory_space<hbm>> -> memref<1x50x64xf32, #tpu.memory_space<hbm>>
      %dma_start3A_1836 = tpu.memref_squeeze %dma_start3A_1835 : memref<1x50x64xf32, #tpu.memory_space<hbm>> -> memref<50x64xf32, #tpu.memory_space<hbm>>
      %dma_start3A_1837 = arith.constant 0 : i32
      %dma_start3A_1838 = arith.constant 0 : i32
      %dma_start3A_1839 = tpu.memref_slice %arg4[%add3A_1829, %dma_start3A_1837, %dma_start3A_1838] : memref<16384x50x64xf32, #tpu.memory_space<hbm>> -> memref<1x50x64xf32, #tpu.memory_space<hbm>>
      %dma_start3A_1840 = tpu.memref_squeeze %dma_start3A_1839 : memref<1x50x64xf32, #tpu.memory_space<hbm>> -> memref<50x64xf32, #tpu.memory_space<hbm>>
      %dma_start3A_1841 = arith.constant 300 : i32
      %dma_start3A_1842 = arith.constant 0 : i32
      %dma_start3A_1843 = tpu.memref_slice %arg7[%dma_start3A_1841, %dma_start3A_1842] : memref<400x64xf32, #tpu.memory_space<vmem>> -> memref<50x64xf32, #tpu.memory_space<vmem>>
      tpu.enqueue_dma source(%dma_start3A_1843 : memref<50x64xf32, #tpu.memory_space<vmem>>) target(%dma_start3A_1840 : memref<50x64xf32, #tpu.memory_space<hbm>>) target_semaphore(%arg15 : memref<!tpu.dma_semaphore, #tpu.memory_space<semaphore_mem>>)
      %mul3A_1844 = arith.constant 8 : i32
      %mul3A_1845 = arith.muli %add3A_1704, %mul3A_1844 : i32
      %add3A_1846 = arith.addi %mul3A_4, %mul3A_1845 : i32
      %add3A_1847 = arith.constant 7 : i32
      %add3A_1848 = arith.addi %add3A_1846, %add3A_1847 : i32
      %dma_start3A_1849 = arith.constant 350 : i32
      %dma_start3A_1850 = arith.constant 0 : i32
      %dma_start3A_1851 = tpu.memref_slice %arg7[%dma_start3A_1849, %dma_start3A_1850] : memref<400x64xf32, #tpu.memory_space<vmem>> -> memref<50x64xf32, #tpu.memory_space<vmem>>
      %dma_start3A_1852 = arith.constant 0 : i32
      %dma_start3A_1853 = arith.constant 0 : i32
      %dma_start3A_1854 = tpu.memref_slice %arg4[%add3A_1848, %dma_start3A_1852, %dma_start3A_1853] : memref<16384x50x64xf32, #tpu.memory_space<hbm>> -> memref<1x50x64xf32, #tpu.memory_space<hbm>>
      %dma_start3A_1855 = tpu.memref_squeeze %dma_start3A_1854 : memref<1x50x64xf32, #tpu.memory_space<hbm>> -> memref<50x64xf32, #tpu.memory_space<hbm>>
      %dma_start3A_1856 = arith.constant 0 : i32
      %dma_start3A_1857 = arith.constant 0 : i32
      %dma_start3A_1858 = tpu.memref_slice %arg4[%add3A_1848, %dma_start3A_1856, %dma_start3A_1857] : memref<16384x50x64xf32, #tpu.memory_space<hbm>> -> memref<1x50x64xf32, #tpu.memory_space<hbm>>
      %dma_start3A_1859 = tpu.memref_squeeze %dma_start3A_1858 : memref<1x50x64xf32, #tpu.memory_space<hbm>> -> memref<50x64xf32, #tpu.memory_space<hbm>>
      %dma_start3A_1860 = arith.constant 350 : i32
      %dma_start3A_1861 = arith.constant 0 : i32
      %dma_start3A_1862 = tpu.memref_slice %arg7[%dma_start3A_1860, %dma_start3A_1861] : memref<400x64xf32, #tpu.memory_space<vmem>> -> memref<50x64xf32, #tpu.memory_space<vmem>>
      tpu.enqueue_dma source(%dma_start3A_1862 : memref<50x64xf32, #tpu.memory_space<vmem>>) target(%dma_start3A_1859 : memref<50x64xf32, #tpu.memory_space<hbm>>) target_semaphore(%arg15 : memref<!tpu.dma_semaphore, #tpu.memory_space<semaphore_mem>>)
      %add3A_1863 = arith.constant 4 : i32
      %add3A_1864 = arith.addi %add3A_1704, %add3A_1863 : i32
      %sub3A_1865 = arith.constant 1 : i32
      %sub3A_1866 = arith.subi %add3A_1864, %sub3A_1865 : i32
      %lt3A_1867 = arith.constant 64 : i32
      %lt3A_1868 = arith.cmpi slt, %sub3A_1866, %lt3A_1867 : i32
      %convert_element_type3A_1869 = arith.extui %lt3A_1868 : i1 to i32
      %cond3A_1870 = arith.constant 0 : i32
      %cond3A_1871 = arith.cmpi ne, %convert_element_type3A_1869, %cond3A_1870 : i32
      scf.if %cond3A_1871 {
        %add3A_2210 = arith.constant 0 : i32
        %add3A_2211 = arith.addi %mul3A_4, %add3A_2210 : i32
        %dma_wait3A_2212 = arith.constant 0 : i32
        %dma_wait3A_2213 = arith.constant 0 : i32
        %dma_wait3A_2214 = tpu.memref_slice %arg6[%dma_wait3A_2212, %dma_wait3A_2213] : memref<400x64xf32, #tpu.memory_space<vmem>> -> memref<50x64xf32, #tpu.memory_space<vmem>>
        %dma_wait3A_2215 = arith.constant 0 : i32
        %dma_wait3A_2216 = arith.constant 0 : i32
        %dma_wait3A_2217 = tpu.memref_slice %arg4[%add3A_2211, %dma_wait3A_2215, %dma_wait3A_2216] : memref<16384x50x64xf32, #tpu.memory_space<hbm>> -> memref<1x50x64xf32, #tpu.memory_space<hbm>>
        %dma_wait3A_2218 = tpu.memref_squeeze %dma_wait3A_2217 : memref<1x50x64xf32, #tpu.memory_space<hbm>> -> memref<50x64xf32, #tpu.memory_space<hbm>>
        %dma_wait3A_2219 = arith.constant 0 : i32
        %dma_wait3A_2220 = arith.constant 0 : i32
        %dma_wait3A_2221 = tpu.memref_slice %arg4[%add3A_2211, %dma_wait3A_2219, %dma_wait3A_2220] : memref<16384x50x64xf32, #tpu.memory_space<hbm>> -> memref<1x50x64xf32, #tpu.memory_space<hbm>>
        %dma_wait3A_2222 = tpu.memref_squeeze %dma_wait3A_2221 : memref<1x50x64xf32, #tpu.memory_space<hbm>> -> memref<50x64xf32, #tpu.memory_space<hbm>>
        %dma_wait3A_2223 = arith.constant 0 : i32
        %dma_wait3A_2224 = arith.constant 0 : i32
        %dma_wait3A_2225 = tpu.memref_slice %arg6[%dma_wait3A_2223, %dma_wait3A_2224] : memref<400x64xf32, #tpu.memory_space<vmem>> -> memref<50x64xf32, #tpu.memory_space<vmem>>
        tpu.wait_dma2 semaphore(%arg14 : memref<!tpu.dma_semaphore, #tpu.memory_space<semaphore_mem>>) src(%dma_wait3A_2225 : memref<50x64xf32, #tpu.memory_space<vmem>>) dst(%dma_wait3A_2222 : memref<50x64xf32, #tpu.memory_space<hbm>>)
        %add3A_2226 = arith.constant 1 : i32
        %add3A_2227 = arith.addi %mul3A_4, %add3A_2226 : i32
        %dma_wait3A_2228 = arith.constant 50 : i32
        %dma_wait3A_2229 = arith.constant 0 : i32
        %dma_wait3A_2230 = tpu.memref_slice %arg6[%dma_wait3A_2228, %dma_wait3A_2229] : memref<400x64xf32, #tpu.memory_space<vmem>> -> memref<50x64xf32, #tpu.memory_space<vmem>>
        %dma_wait3A_2231 = arith.constant 0 : i32
        %dma_wait3A_2232 = arith.constant 0 : i32
        %dma_wait3A_2233 = tpu.memref_slice %arg4[%add3A_2227, %dma_wait3A_2231, %dma_wait3A_2232] : memref<16384x50x64xf32, #tpu.memory_space<hbm>> -> memref<1x50x64xf32, #tpu.memory_space<hbm>>
        %dma_wait3A_2234 = tpu.memref_squeeze %dma_wait3A_2233 : memref<1x50x64xf32, #tpu.memory_space<hbm>> -> memref<50x64xf32, #tpu.memory_space<hbm>>
        %dma_wait3A_2235 = arith.constant 0 : i32
        %dma_wait3A_2236 = arith.constant 0 : i32
        %dma_wait3A_2237 = tpu.memref_slice %arg4[%add3A_2227, %dma_wait3A_2235, %dma_wait3A_2236] : memref<16384x50x64xf32, #tpu.memory_space<hbm>> -> memref<1x50x64xf32, #tpu.memory_space<hbm>>
        %dma_wait3A_2238 = tpu.memref_squeeze %dma_wait3A_2237 : memref<1x50x64xf32, #tpu.memory_space<hbm>> -> memref<50x64xf32, #tpu.memory_space<hbm>>
        %dma_wait3A_2239 = arith.constant 50 : i32
        %dma_wait3A_2240 = arith.constant 0 : i32
        %dma_wait3A_2241 = tpu.memref_slice %arg6[%dma_wait3A_2239, %dma_wait3A_2240] : memref<400x64xf32, #tpu.memory_space<vmem>> -> memref<50x64xf32, #tpu.memory_space<vmem>>
        tpu.wait_dma2 semaphore(%arg14 : memref<!tpu.dma_semaphore, #tpu.memory_space<semaphore_mem>>) src(%dma_wait3A_2241 : memref<50x64xf32, #tpu.memory_space<vmem>>) dst(%dma_wait3A_2238 : memref<50x64xf32, #tpu.memory_space<hbm>>)
        %add3A_2242 = arith.constant 2 : i32
        %add3A_2243 = arith.addi %mul3A_4, %add3A_2242 : i32
        %dma_wait3A_2244 = arith.constant 100 : i32
        %dma_wait3A_2245 = arith.constant 0 : i32
        %dma_wait3A_2246 = tpu.memref_slice %arg6[%dma_wait3A_2244, %dma_wait3A_2245] : memref<400x64xf32, #tpu.memory_space<vmem>> -> memref<50x64xf32, #tpu.memory_space<vmem>>
        %dma_wait3A_2247 = arith.constant 0 : i32
        %dma_wait3A_2248 = arith.constant 0 : i32
        %dma_wait3A_2249 = tpu.memref_slice %arg4[%add3A_2243, %dma_wait3A_2247, %dma_wait3A_2248] : memref<16384x50x64xf32, #tpu.memory_space<hbm>> -> memref<1x50x64xf32, #tpu.memory_space<hbm>>
        %dma_wait3A_2250 = tpu.memref_squeeze %dma_wait3A_2249 : memref<1x50x64xf32, #tpu.memory_space<hbm>> -> memref<50x64xf32, #tpu.memory_space<hbm>>
        %dma_wait3A_2251 = arith.constant 0 : i32
        %dma_wait3A_2252 = arith.constant 0 : i32
        %dma_wait3A_2253 = tpu.memref_slice %arg4[%add3A_2243, %dma_wait3A_2251, %dma_wait3A_2252] : memref<16384x50x64xf32, #tpu.memory_space<hbm>> -> memref<1x50x64xf32, #tpu.memory_space<hbm>>
        %dma_wait3A_2254 = tpu.memref_squeeze %dma_wait3A_2253 : memref<1x50x64xf32, #tpu.memory_space<hbm>> -> memref<50x64xf32, #tpu.memory_space<hbm>>
        %dma_wait3A_2255 = arith.constant 100 : i32
        %dma_wait3A_2256 = arith.constant 0 : i32
        %dma_wait3A_2257 = tpu.memref_slice %arg6[%dma_wait3A_2255, %dma_wait3A_2256] : memref<400x64xf32, #tpu.memory_space<vmem>> -> memref<50x64xf32, #tpu.memory_space<vmem>>
        tpu.wait_dma2 semaphore(%arg14 : memref<!tpu.dma_semaphore, #tpu.memory_space<semaphore_mem>>) src(%dma_wait3A_2257 : memref<50x64xf32, #tpu.memory_space<vmem>>) dst(%dma_wait3A_2254 : memref<50x64xf32, #tpu.memory_space<hbm>>)
        %add3A_2258 = arith.constant 3 : i32
        %add3A_2259 = arith.addi %mul3A_4, %add3A_2258 : i32
        %dma_wait3A_2260 = arith.constant 150 : i32
        %dma_wait3A_2261 = arith.constant 0 : i32
        %dma_wait3A_2262 = tpu.memref_slice %arg6[%dma_wait3A_2260, %dma_wait3A_2261] : memref<400x64xf32, #tpu.memory_space<vmem>> -> memref<50x64xf32, #tpu.memory_space<vmem>>
        %dma_wait3A_2263 = arith.constant 0 : i32
        %dma_wait3A_2264 = arith.constant 0 : i32
        %dma_wait3A_2265 = tpu.memref_slice %arg4[%add3A_2259, %dma_wait3A_2263, %dma_wait3A_2264] : memref<16384x50x64xf32, #tpu.memory_space<hbm>> -> memref<1x50x64xf32, #tpu.memory_space<hbm>>
        %dma_wait3A_2266 = tpu.memref_squeeze %dma_wait3A_2265 : memref<1x50x64xf32, #tpu.memory_space<hbm>> -> memref<50x64xf32, #tpu.memory_space<hbm>>
        %dma_wait3A_2267 = arith.constant 0 : i32
        %dma_wait3A_2268 = arith.constant 0 : i32
        %dma_wait3A_2269 = tpu.memref_slice %arg4[%add3A_2259, %dma_wait3A_2267, %dma_wait3A_2268] : memref<16384x50x64xf32, #tpu.memory_space<hbm>> -> memref<1x50x64xf32, #tpu.memory_space<hbm>>
        %dma_wait3A_2270 = tpu.memref_squeeze %dma_wait3A_2269 : memref<1x50x64xf32, #tpu.memory_space<hbm>> -> memref<50x64xf32, #tpu.memory_space<hbm>>
        %dma_wait3A_2271 = arith.constant 150 : i32
        %dma_wait3A_2272 = arith.constant 0 : i32
        %dma_wait3A_2273 = tpu.memref_slice %arg6[%dma_wait3A_2271, %dma_wait3A_2272] : memref<400x64xf32, #tpu.memory_space<vmem>> -> memref<50x64xf32, #tpu.memory_space<vmem>>
        tpu.wait_dma2 semaphore(%arg14 : memref<!tpu.dma_semaphore, #tpu.memory_space<semaphore_mem>>) src(%dma_wait3A_2273 : memref<50x64xf32, #tpu.memory_space<vmem>>) dst(%dma_wait3A_2270 : memref<50x64xf32, #tpu.memory_space<hbm>>)
        %add3A_2274 = arith.constant 4 : i32
        %add3A_2275 = arith.addi %mul3A_4, %add3A_2274 : i32
        %dma_wait3A_2276 = arith.constant 200 : i32
        %dma_wait3A_2277 = arith.constant 0 : i32
        %dma_wait3A_2278 = tpu.memref_slice %arg6[%dma_wait3A_2276, %dma_wait3A_2277] : memref<400x64xf32, #tpu.memory_space<vmem>> -> memref<50x64xf32, #tpu.memory_space<vmem>>
        %dma_wait3A_2279 = arith.constant 0 : i32
        %dma_wait3A_2280 = arith.constant 0 : i32
        %dma_wait3A_2281 = tpu.memref_slice %arg4[%add3A_2275, %dma_wait3A_2279, %dma_wait3A_2280] : memref<16384x50x64xf32, #tpu.memory_space<hbm>> -> memref<1x50x64xf32, #tpu.memory_space<hbm>>
        %dma_wait3A_2282 = tpu.memref_squeeze %dma_wait3A_2281 : memref<1x50x64xf32, #tpu.memory_space<hbm>> -> memref<50x64xf32, #tpu.memory_space<hbm>>
        %dma_wait3A_2283 = arith.constant 0 : i32
        %dma_wait3A_2284 = arith.constant 0 : i32
        %dma_wait3A_2285 = tpu.memref_slice %arg4[%add3A_2275, %dma_wait3A_2283, %dma_wait3A_2284] : memref<16384x50x64xf32, #tpu.memory_space<hbm>> -> memref<1x50x64xf32, #tpu.memory_space<hbm>>
        %dma_wait3A_2286 = tpu.memref_squeeze %dma_wait3A_2285 : memref<1x50x64xf32, #tpu.memory_space<hbm>> -> memref<50x64xf32, #tpu.memory_space<hbm>>
        %dma_wait3A_2287 = arith.constant 200 : i32
        %dma_wait3A_2288 = arith.constant 0 : i32
        %dma_wait3A_2289 = tpu.memref_slice %arg6[%dma_wait3A_2287, %dma_wait3A_2288] : memref<400x64xf32, #tpu.memory_space<vmem>> -> memref<50x64xf32, #tpu.memory_space<vmem>>
        tpu.wait_dma2 semaphore(%arg14 : memref<!tpu.dma_semaphore, #tpu.memory_space<semaphore_mem>>) src(%dma_wait3A_2289 : memref<50x64xf32, #tpu.memory_space<vmem>>) dst(%dma_wait3A_2286 : memref<50x64xf32, #tpu.memory_space<hbm>>)
        %add3A_2290 = arith.constant 5 : i32
        %add3A_2291 = arith.addi %mul3A_4, %add3A_2290 : i32
        %dma_wait3A_2292 = arith.constant 250 : i32
        %dma_wait3A_2293 = arith.constant 0 : i32
        %dma_wait3A_2294 = tpu.memref_slice %arg6[%dma_wait3A_2292, %dma_wait3A_2293] : memref<400x64xf32, #tpu.memory_space<vmem>> -> memref<50x64xf32, #tpu.memory_space<vmem>>
        %dma_wait3A_2295 = arith.constant 0 : i32
        %dma_wait3A_2296 = arith.constant 0 : i32
        %dma_wait3A_2297 = tpu.memref_slice %arg4[%add3A_2291, %dma_wait3A_2295, %dma_wait3A_2296] : memref<16384x50x64xf32, #tpu.memory_space<hbm>> -> memref<1x50x64xf32, #tpu.memory_space<hbm>>
        %dma_wait3A_2298 = tpu.memref_squeeze %dma_wait3A_2297 : memref<1x50x64xf32, #tpu.memory_space<hbm>> -> memref<50x64xf32, #tpu.memory_space<hbm>>
        %dma_wait3A_2299 = arith.constant 0 : i32
        %dma_wait3A_2300 = arith.constant 0 : i32
        %dma_wait3A_2301 = tpu.memref_slice %arg4[%add3A_2291, %dma_wait3A_2299, %dma_wait3A_2300] : memref<16384x50x64xf32, #tpu.memory_space<hbm>> -> memref<1x50x64xf32, #tpu.memory_space<hbm>>
        %dma_wait3A_2302 = tpu.memref_squeeze %dma_wait3A_2301 : memref<1x50x64xf32, #tpu.memory_space<hbm>> -> memref<50x64xf32, #tpu.memory_space<hbm>>
        %dma_wait3A_2303 = arith.constant 250 : i32
        %dma_wait3A_2304 = arith.constant 0 : i32
        %dma_wait3A_2305 = tpu.memref_slice %arg6[%dma_wait3A_2303, %dma_wait3A_2304] : memref<400x64xf32, #tpu.memory_space<vmem>> -> memref<50x64xf32, #tpu.memory_space<vmem>>
        tpu.wait_dma2 semaphore(%arg14 : memref<!tpu.dma_semaphore, #tpu.memory_space<semaphore_mem>>) src(%dma_wait3A_2305 : memref<50x64xf32, #tpu.memory_space<vmem>>) dst(%dma_wait3A_2302 : memref<50x64xf32, #tpu.memory_space<hbm>>)
        %add3A_2306 = arith.constant 6 : i32
        %add3A_2307 = arith.addi %mul3A_4, %add3A_2306 : i32
        %dma_wait3A_2308 = arith.constant 300 : i32
        %dma_wait3A_2309 = arith.constant 0 : i32
        %dma_wait3A_2310 = tpu.memref_slice %arg6[%dma_wait3A_2308, %dma_wait3A_2309] : memref<400x64xf32, #tpu.memory_space<vmem>> -> memref<50x64xf32, #tpu.memory_space<vmem>>
        %dma_wait3A_2311 = arith.constant 0 : i32
        %dma_wait3A_2312 = arith.constant 0 : i32
        %dma_wait3A_2313 = tpu.memref_slice %arg4[%add3A_2307, %dma_wait3A_2311, %dma_wait3A_2312] : memref<16384x50x64xf32, #tpu.memory_space<hbm>> -> memref<1x50x64xf32, #tpu.memory_space<hbm>>
        %dma_wait3A_2314 = tpu.memref_squeeze %dma_wait3A_2313 : memref<1x50x64xf32, #tpu.memory_space<hbm>> -> memref<50x64xf32, #tpu.memory_space<hbm>>
        %dma_wait3A_2315 = arith.constant 0 : i32
        %dma_wait3A_2316 = arith.constant 0 : i32
        %dma_wait3A_2317 = tpu.memref_slice %arg4[%add3A_2307, %dma_wait3A_2315, %dma_wait3A_2316] : memref<16384x50x64xf32, #tpu.memory_space<hbm>> -> memref<1x50x64xf32, #tpu.memory_space<hbm>>
        %dma_wait3A_2318 = tpu.memref_squeeze %dma_wait3A_2317 : memref<1x50x64xf32, #tpu.memory_space<hbm>> -> memref<50x64xf32, #tpu.memory_space<hbm>>
        %dma_wait3A_2319 = arith.constant 300 : i32
        %dma_wait3A_2320 = arith.constant 0 : i32
        %dma_wait3A_2321 = tpu.memref_slice %arg6[%dma_wait3A_2319, %dma_wait3A_2320] : memref<400x64xf32, #tpu.memory_space<vmem>> -> memref<50x64xf32, #tpu.memory_space<vmem>>
        tpu.wait_dma2 semaphore(%arg14 : memref<!tpu.dma_semaphore, #tpu.memory_space<semaphore_mem>>) src(%dma_wait3A_2321 : memref<50x64xf32, #tpu.memory_space<vmem>>) dst(%dma_wait3A_2318 : memref<50x64xf32, #tpu.memory_space<hbm>>)
        %add3A_2322 = arith.constant 7 : i32
        %add3A_2323 = arith.addi %mul3A_4, %add3A_2322 : i32
        %dma_wait3A_2324 = arith.constant 350 : i32
        %dma_wait3A_2325 = arith.constant 0 : i32
        %dma_wait3A_2326 = tpu.memref_slice %arg6[%dma_wait3A_2324, %dma_wait3A_2325] : memref<400x64xf32, #tpu.memory_space<vmem>> -> memref<50x64xf32, #tpu.memory_space<vmem>>
        %dma_wait3A_2327 = arith.constant 0 : i32
        %dma_wait3A_2328 = arith.constant 0 : i32
        %dma_wait3A_2329 = tpu.memref_slice %arg4[%add3A_2323, %dma_wait3A_2327, %dma_wait3A_2328] : memref<16384x50x64xf32, #tpu.memory_space<hbm>> -> memref<1x50x64xf32, #tpu.memory_space<hbm>>
        %dma_wait3A_2330 = tpu.memref_squeeze %dma_wait3A_2329 : memref<1x50x64xf32, #tpu.memory_space<hbm>> -> memref<50x64xf32, #tpu.memory_space<hbm>>
        %dma_wait3A_2331 = arith.constant 0 : i32
        %dma_wait3A_2332 = arith.constant 0 : i32
        %dma_wait3A_2333 = tpu.memref_slice %arg4[%add3A_2323, %dma_wait3A_2331, %dma_wait3A_2332] : memref<16384x50x64xf32, #tpu.memory_space<hbm>> -> memref<1x50x64xf32, #tpu.memory_space<hbm>>
        %dma_wait3A_2334 = tpu.memref_squeeze %dma_wait3A_2333 : memref<1x50x64xf32, #tpu.memory_space<hbm>> -> memref<50x64xf32, #tpu.memory_space<hbm>>
        %dma_wait3A_2335 = arith.constant 350 : i32
        %dma_wait3A_2336 = arith.constant 0 : i32
        %dma_wait3A_2337 = tpu.memref_slice %arg6[%dma_wait3A_2335, %dma_wait3A_2336] : memref<400x64xf32, #tpu.memory_space<vmem>> -> memref<50x64xf32, #tpu.memory_space<vmem>>
        tpu.wait_dma2 semaphore(%arg14 : memref<!tpu.dma_semaphore, #tpu.memory_space<semaphore_mem>>) src(%dma_wait3A_2337 : memref<50x64xf32, #tpu.memory_space<vmem>>) dst(%dma_wait3A_2334 : memref<50x64xf32, #tpu.memory_space<hbm>>)
        %mul3A_2338 = arith.constant 400 : i32
        %mul3A_2339 = arith.muli %sub3A_1866, %mul3A_2338 : i32
        %dma_start3A_2340 = tpu.memref_slice %arg5[%mul3A_2339] : memref<25600xi32, #tpu.memory_space<vmem>> -> memref<400xi32, #tpu.memory_space<vmem>>
        %dma_start3A_2341 = arith.constant 0 : i32
        %dma_start3A_2342 = arith.constant 0 : i32
        %dma_start3A_2343 = tpu.memref_slice %arg3[%dma_start3A_2341, %dma_start3A_2342] : memref<1000000x64xf32, #tpu.memory_space<hbm>> -> memref<1000000x64xf32, #tpu.memory_space<hbm>>
        tpu.enqueue_indirect_dma source(%dma_start3A_2343 : memref<1000000x64xf32, #tpu.memory_space<hbm>>) target(%arg6 : memref<400x64xf32, #tpu.memory_space<vmem>>) offsets(%dma_start3A_2340 : memref<400xi32, #tpu.memory_space<vmem>>) semaphore(%arg10 : memref<!tpu.dma_semaphore, #tpu.memory_space<semaphore_mem>>)
      } else {
      }
      %add3A_1872 = arith.constant 2 : i32
      %add3A_1873 = arith.addi %mul3A_1537, %add3A_1872 : i32
      %mul3A_1874 = arith.constant 400 : i32
      %mul3A_1875 = arith.muli %add3A_1873, %mul3A_1874 : i32
      %dma_wait3A_1876 = tpu.memref_slice %arg5[%mul3A_1875] : memref<25600xi32, #tpu.memory_space<vmem>> -> memref<400xi32, #tpu.memory_space<vmem>>
      %dma_wait3A_1877 = arith.constant 0 : i32
      %dma_wait3A_1878 = arith.constant 0 : i32
      %dma_wait3A_1879 = tpu.memref_slice %arg3[%dma_wait3A_1877, %dma_wait3A_1878] : memref<1000000x64xf32, #tpu.memory_space<hbm>> -> memref<1000000x64xf32, #tpu.memory_space<hbm>>
      tpu.wait_indirect_dma semaphore(%arg12 : memref<!tpu.dma_semaphore, #tpu.memory_space<semaphore_mem>>) src(%dma_wait3A_1879 : memref<1000000x64xf32, #tpu.memory_space<hbm>>) dst(%arg8 : memref<400x64xf32, #tpu.memory_space<vmem>>)
      %mul3A_1880 = arith.constant 8 : i32
      %mul3A_1881 = arith.muli %add3A_1873, %mul3A_1880 : i32
      %add3A_1882 = arith.addi %mul3A_4, %mul3A_1881 : i32
      %add3A_1883 = arith.constant 0 : i32
      %add3A_1884 = arith.addi %add3A_1882, %add3A_1883 : i32
      %dma_start3A_1885 = arith.constant 0 : i32
      %dma_start3A_1886 = arith.constant 0 : i32
      %dma_start3A_1887 = tpu.memref_slice %arg8[%dma_start3A_1885, %dma_start3A_1886] : memref<400x64xf32, #tpu.memory_space<vmem>> -> memref<50x64xf32, #tpu.memory_space<vmem>>
      %dma_start3A_1888 = arith.constant 0 : i32
      %dma_start3A_1889 = arith.constant 0 : i32
      %dma_start3A_1890 = tpu.memref_slice %arg4[%add3A_1884, %dma_start3A_1888, %dma_start3A_1889] : memref<16384x50x64xf32, #tpu.memory_space<hbm>> -> memref<1x50x64xf32, #tpu.memory_space<hbm>>
      %dma_start3A_1891 = tpu.memref_squeeze %dma_start3A_1890 : memref<1x50x64xf32, #tpu.memory_space<hbm>> -> memref<50x64xf32, #tpu.memory_space<hbm>>
      %dma_start3A_1892 = arith.constant 0 : i32
      %dma_start3A_1893 = arith.constant 0 : i32
      %dma_start3A_1894 = tpu.memref_slice %arg4[%add3A_1884, %dma_start3A_1892, %dma_start3A_1893] : memref<16384x50x64xf32, #tpu.memory_space<hbm>> -> memref<1x50x64xf32, #tpu.memory_space<hbm>>
      %dma_start3A_1895 = tpu.memref_squeeze %dma_start3A_1894 : memref<1x50x64xf32, #tpu.memory_space<hbm>> -> memref<50x64xf32, #tpu.memory_space<hbm>>
      %dma_start3A_1896 = arith.constant 0 : i32
      %dma_start3A_1897 = arith.constant 0 : i32
      %dma_start3A_1898 = tpu.memref_slice %arg8[%dma_start3A_1896, %dma_start3A_1897] : memref<400x64xf32, #tpu.memory_space<vmem>> -> memref<50x64xf32, #tpu.memory_space<vmem>>
      tpu.enqueue_dma source(%dma_start3A_1898 : memref<50x64xf32, #tpu.memory_space<vmem>>) target(%dma_start3A_1895 : memref<50x64xf32, #tpu.memory_space<hbm>>) target_semaphore(%arg16 : memref<!tpu.dma_semaphore, #tpu.memory_space<semaphore_mem>>)
      %mul3A_1899 = arith.constant 8 : i32
      %mul3A_1900 = arith.muli %add3A_1873, %mul3A_1899 : i32
      %add3A_1901 = arith.addi %mul3A_4, %mul3A_1900 : i32
      %add3A_1902 = arith.constant 1 : i32
      %add3A_1903 = arith.addi %add3A_1901, %add3A_1902 : i32
      %dma_start3A_1904 = arith.constant 50 : i32
      %dma_start3A_1905 = arith.constant 0 : i32
      %dma_start3A_1906 = tpu.memref_slice %arg8[%dma_start3A_1904, %dma_start3A_1905] : memref<400x64xf32, #tpu.memory_space<vmem>> -> memref<50x64xf32, #tpu.memory_space<vmem>>
      %dma_start3A_1907 = arith.constant 0 : i32
      %dma_start3A_1908 = arith.constant 0 : i32
      %dma_start3A_1909 = tpu.memref_slice %arg4[%add3A_1903, %dma_start3A_1907, %dma_start3A_1908] : memref<16384x50x64xf32, #tpu.memory_space<hbm>> -> memref<1x50x64xf32, #tpu.memory_space<hbm>>
      %dma_start3A_1910 = tpu.memref_squeeze %dma_start3A_1909 : memref<1x50x64xf32, #tpu.memory_space<hbm>> -> memref<50x64xf32, #tpu.memory_space<hbm>>
      %dma_start3A_1911 = arith.constant 0 : i32
      %dma_start3A_1912 = arith.constant 0 : i32
      %dma_start3A_1913 = tpu.memref_slice %arg4[%add3A_1903, %dma_start3A_1911, %dma_start3A_1912] : memref<16384x50x64xf32, #tpu.memory_space<hbm>> -> memref<1x50x64xf32, #tpu.memory_space<hbm>>
      %dma_start3A_1914 = tpu.memref_squeeze %dma_start3A_1913 : memref<1x50x64xf32, #tpu.memory_space<hbm>> -> memref<50x64xf32, #tpu.memory_space<hbm>>
      %dma_start3A_1915 = arith.constant 50 : i32
      %dma_start3A_1916 = arith.constant 0 : i32
      %dma_start3A_1917 = tpu.memref_slice %arg8[%dma_start3A_1915, %dma_start3A_1916] : memref<400x64xf32, #tpu.memory_space<vmem>> -> memref<50x64xf32, #tpu.memory_space<vmem>>
      tpu.enqueue_dma source(%dma_start3A_1917 : memref<50x64xf32, #tpu.memory_space<vmem>>) target(%dma_start3A_1914 : memref<50x64xf32, #tpu.memory_space<hbm>>) target_semaphore(%arg16 : memref<!tpu.dma_semaphore, #tpu.memory_space<semaphore_mem>>)
      %mul3A_1918 = arith.constant 8 : i32
      %mul3A_1919 = arith.muli %add3A_1873, %mul3A_1918 : i32
      %add3A_1920 = arith.addi %mul3A_4, %mul3A_1919 : i32
      %add3A_1921 = arith.constant 2 : i32
      %add3A_1922 = arith.addi %add3A_1920, %add3A_1921 : i32
      %dma_start3A_1923 = arith.constant 100 : i32
      %dma_start3A_1924 = arith.constant 0 : i32
      %dma_start3A_1925 = tpu.memref_slice %arg8[%dma_start3A_1923, %dma_start3A_1924] : memref<400x64xf32, #tpu.memory_space<vmem>> -> memref<50x64xf32, #tpu.memory_space<vmem>>
      %dma_start3A_1926 = arith.constant 0 : i32
      %dma_start3A_1927 = arith.constant 0 : i32
      %dma_start3A_1928 = tpu.memref_slice %arg4[%add3A_1922, %dma_start3A_1926, %dma_start3A_1927] : memref<16384x50x64xf32, #tpu.memory_space<hbm>> -> memref<1x50x64xf32, #tpu.memory_space<hbm>>
      %dma_start3A_1929 = tpu.memref_squeeze %dma_start3A_1928 : memref<1x50x64xf32, #tpu.memory_space<hbm>> -> memref<50x64xf32, #tpu.memory_space<hbm>>
      %dma_start3A_1930 = arith.constant 0 : i32
      %dma_start3A_1931 = arith.constant 0 : i32
      %dma_start3A_1932 = tpu.memref_slice %arg4[%add3A_1922, %dma_start3A_1930, %dma_start3A_1931] : memref<16384x50x64xf32, #tpu.memory_space<hbm>> -> memref<1x50x64xf32, #tpu.memory_space<hbm>>
      %dma_start3A_1933 = tpu.memref_squeeze %dma_start3A_1932 : memref<1x50x64xf32, #tpu.memory_space<hbm>> -> memref<50x64xf32, #tpu.memory_space<hbm>>
      %dma_start3A_1934 = arith.constant 100 : i32
      %dma_start3A_1935 = arith.constant 0 : i32
      %dma_start3A_1936 = tpu.memref_slice %arg8[%dma_start3A_1934, %dma_start3A_1935] : memref<400x64xf32, #tpu.memory_space<vmem>> -> memref<50x64xf32, #tpu.memory_space<vmem>>
      tpu.enqueue_dma source(%dma_start3A_1936 : memref<50x64xf32, #tpu.memory_space<vmem>>) target(%dma_start3A_1933 : memref<50x64xf32, #tpu.memory_space<hbm>>) target_semaphore(%arg16 : memref<!tpu.dma_semaphore, #tpu.memory_space<semaphore_mem>>)
      %mul3A_1937 = arith.constant 8 : i32
      %mul3A_1938 = arith.muli %add3A_1873, %mul3A_1937 : i32
      %add3A_1939 = arith.addi %mul3A_4, %mul3A_1938 : i32
      %add3A_1940 = arith.constant 3 : i32
      %add3A_1941 = arith.addi %add3A_1939, %add3A_1940 : i32
      %dma_start3A_1942 = arith.constant 150 : i32
      %dma_start3A_1943 = arith.constant 0 : i32
      %dma_start3A_1944 = tpu.memref_slice %arg8[%dma_start3A_1942, %dma_start3A_1943] : memref<400x64xf32, #tpu.memory_space<vmem>> -> memref<50x64xf32, #tpu.memory_space<vmem>>
      %dma_start3A_1945 = arith.constant 0 : i32
      %dma_start3A_1946 = arith.constant 0 : i32
      %dma_start3A_1947 = tpu.memref_slice %arg4[%add3A_1941, %dma_start3A_1945, %dma_start3A_1946] : memref<16384x50x64xf32, #tpu.memory_space<hbm>> -> memref<1x50x64xf32, #tpu.memory_space<hbm>>
      %dma_start3A_1948 = tpu.memref_squeeze %dma_start3A_1947 : memref<1x50x64xf32, #tpu.memory_space<hbm>> -> memref<50x64xf32, #tpu.memory_space<hbm>>
      %dma_start3A_1949 = arith.constant 0 : i32
      %dma_start3A_1950 = arith.constant 0 : i32
      %dma_start3A_1951 = tpu.memref_slice %arg4[%add3A_1941, %dma_start3A_1949, %dma_start3A_1950] : memref<16384x50x64xf32, #tpu.memory_space<hbm>> -> memref<1x50x64xf32, #tpu.memory_space<hbm>>
      %dma_start3A_1952 = tpu.memref_squeeze %dma_start3A_1951 : memref<1x50x64xf32, #tpu.memory_space<hbm>> -> memref<50x64xf32, #tpu.memory_space<hbm>>
      %dma_start3A_1953 = arith.constant 150 : i32
      %dma_start3A_1954 = arith.constant 0 : i32
      %dma_start3A_1955 = tpu.memref_slice %arg8[%dma_start3A_1953, %dma_start3A_1954] : memref<400x64xf32, #tpu.memory_space<vmem>> -> memref<50x64xf32, #tpu.memory_space<vmem>>
      tpu.enqueue_dma source(%dma_start3A_1955 : memref<50x64xf32, #tpu.memory_space<vmem>>) target(%dma_start3A_1952 : memref<50x64xf32, #tpu.memory_space<hbm>>) target_semaphore(%arg16 : memref<!tpu.dma_semaphore, #tpu.memory_space<semaphore_mem>>)
      %mul3A_1956 = arith.constant 8 : i32
      %mul3A_1957 = arith.muli %add3A_1873, %mul3A_1956 : i32
      %add3A_1958 = arith.addi %mul3A_4, %mul3A_1957 : i32
      %add3A_1959 = arith.constant 4 : i32
      %add3A_1960 = arith.addi %add3A_1958, %add3A_1959 : i32
      %dma_start3A_1961 = arith.constant 200 : i32
      %dma_start3A_1962 = arith.constant 0 : i32
      %dma_start3A_1963 = tpu.memref_slice %arg8[%dma_start3A_1961, %dma_start3A_1962] : memref<400x64xf32, #tpu.memory_space<vmem>> -> memref<50x64xf32, #tpu.memory_space<vmem>>
      %dma_start3A_1964 = arith.constant 0 : i32
      %dma_start3A_1965 = arith.constant 0 : i32
      %dma_start3A_1966 = tpu.memref_slice %arg4[%add3A_1960, %dma_start3A_1964, %dma_start3A_1965] : memref<16384x50x64xf32, #tpu.memory_space<hbm>> -> memref<1x50x64xf32, #tpu.memory_space<hbm>>
      %dma_start3A_1967 = tpu.memref_squeeze %dma_start3A_1966 : memref<1x50x64xf32, #tpu.memory_space<hbm>> -> memref<50x64xf32, #tpu.memory_space<hbm>>
      %dma_start3A_1968 = arith.constant 0 : i32
      %dma_start3A_1969 = arith.constant 0 : i32
      %dma_start3A_1970 = tpu.memref_slice %arg4[%add3A_1960, %dma_start3A_1968, %dma_start3A_1969] : memref<16384x50x64xf32, #tpu.memory_space<hbm>> -> memref<1x50x64xf32, #tpu.memory_space<hbm>>
      %dma_start3A_1971 = tpu.memref_squeeze %dma_start3A_1970 : memref<1x50x64xf32, #tpu.memory_space<hbm>> -> memref<50x64xf32, #tpu.memory_space<hbm>>
      %dma_start3A_1972 = arith.constant 200 : i32
      %dma_start3A_1973 = arith.constant 0 : i32
      %dma_start3A_1974 = tpu.memref_slice %arg8[%dma_start3A_1972, %dma_start3A_1973] : memref<400x64xf32, #tpu.memory_space<vmem>> -> memref<50x64xf32, #tpu.memory_space<vmem>>
      tpu.enqueue_dma source(%dma_start3A_1974 : memref<50x64xf32, #tpu.memory_space<vmem>>) target(%dma_start3A_1971 : memref<50x64xf32, #tpu.memory_space<hbm>>) target_semaphore(%arg16 : memref<!tpu.dma_semaphore, #tpu.memory_space<semaphore_mem>>)
      %mul3A_1975 = arith.constant 8 : i32
      %mul3A_1976 = arith.muli %add3A_1873, %mul3A_1975 : i32
      %add3A_1977 = arith.addi %mul3A_4, %mul3A_1976 : i32
      %add3A_1978 = arith.constant 5 : i32
      %add3A_1979 = arith.addi %add3A_1977, %add3A_1978 : i32
      %dma_start3A_1980 = arith.constant 250 : i32
      %dma_start3A_1981 = arith.constant 0 : i32
      %dma_start3A_1982 = tpu.memref_slice %arg8[%dma_start3A_1980, %dma_start3A_1981] : memref<400x64xf32, #tpu.memory_space<vmem>> -> memref<50x64xf32, #tpu.memory_space<vmem>>
      %dma_start3A_1983 = arith.constant 0 : i32
      %dma_start3A_1984 = arith.constant 0 : i32
      %dma_start3A_1985 = tpu.memref_slice %arg4[%add3A_1979, %dma_start3A_1983, %dma_start3A_1984] : memref<16384x50x64xf32, #tpu.memory_space<hbm>> -> memref<1x50x64xf32, #tpu.memory_space<hbm>>
      %dma_start3A_1986 = tpu.memref_squeeze %dma_start3A_1985 : memref<1x50x64xf32, #tpu.memory_space<hbm>> -> memref<50x64xf32, #tpu.memory_space<hbm>>
      %dma_start3A_1987 = arith.constant 0 : i32
      %dma_start3A_1988 = arith.constant 0 : i32
      %dma_start3A_1989 = tpu.memref_slice %arg4[%add3A_1979, %dma_start3A_1987, %dma_start3A_1988] : memref<16384x50x64xf32, #tpu.memory_space<hbm>> -> memref<1x50x64xf32, #tpu.memory_space<hbm>>
      %dma_start3A_1990 = tpu.memref_squeeze %dma_start3A_1989 : memref<1x50x64xf32, #tpu.memory_space<hbm>> -> memref<50x64xf32, #tpu.memory_space<hbm>>
      %dma_start3A_1991 = arith.constant 250 : i32
      %dma_start3A_1992 = arith.constant 0 : i32
      %dma_start3A_1993 = tpu.memref_slice %arg8[%dma_start3A_1991, %dma_start3A_1992] : memref<400x64xf32, #tpu.memory_space<vmem>> -> memref<50x64xf32, #tpu.memory_space<vmem>>
      tpu.enqueue_dma source(%dma_start3A_1993 : memref<50x64xf32, #tpu.memory_space<vmem>>) target(%dma_start3A_1990 : memref<50x64xf32, #tpu.memory_space<hbm>>) target_semaphore(%arg16 : memref<!tpu.dma_semaphore, #tpu.memory_space<semaphore_mem>>)
      %mul3A_1994 = arith.constant 8 : i32
      %mul3A_1995 = arith.muli %add3A_1873, %mul3A_1994 : i32
      %add3A_1996 = arith.addi %mul3A_4, %mul3A_1995 : i32
      %add3A_1997 = arith.constant 6 : i32
      %add3A_1998 = arith.addi %add3A_1996, %add3A_1997 : i32
      %dma_start3A_1999 = arith.constant 300 : i32
      %dma_start3A_2000 = arith.constant 0 : i32
      %dma_start3A_2001 = tpu.memref_slice %arg8[%dma_start3A_1999, %dma_start3A_2000] : memref<400x64xf32, #tpu.memory_space<vmem>> -> memref<50x64xf32, #tpu.memory_space<vmem>>
      %dma_start3A_2002 = arith.constant 0 : i32
      %dma_start3A_2003 = arith.constant 0 : i32
      %dma_start3A_2004 = tpu.memref_slice %arg4[%add3A_1998, %dma_start3A_2002, %dma_start3A_2003] : memref<16384x50x64xf32, #tpu.memory_space<hbm>> -> memref<1x50x64xf32, #tpu.memory_space<hbm>>
      %dma_start3A_2005 = tpu.memref_squeeze %dma_start3A_2004 : memref<1x50x64xf32, #tpu.memory_space<hbm>> -> memref<50x64xf32, #tpu.memory_space<hbm>>
      %dma_start3A_2006 = arith.constant 0 : i32
      %dma_start3A_2007 = arith.constant 0 : i32
      %dma_start3A_2008 = tpu.memref_slice %arg4[%add3A_1998, %dma_start3A_2006, %dma_start3A_2007] : memref<16384x50x64xf32, #tpu.memory_space<hbm>> -> memref<1x50x64xf32, #tpu.memory_space<hbm>>
      %dma_start3A_2009 = tpu.memref_squeeze %dma_start3A_2008 : memref<1x50x64xf32, #tpu.memory_space<hbm>> -> memref<50x64xf32, #tpu.memory_space<hbm>>
      %dma_start3A_2010 = arith.constant 300 : i32
      %dma_start3A_2011 = arith.constant 0 : i32
      %dma_start3A_2012 = tpu.memref_slice %arg8[%dma_start3A_2010, %dma_start3A_2011] : memref<400x64xf32, #tpu.memory_space<vmem>> -> memref<50x64xf32, #tpu.memory_space<vmem>>
      tpu.enqueue_dma source(%dma_start3A_2012 : memref<50x64xf32, #tpu.memory_space<vmem>>) target(%dma_start3A_2009 : memref<50x64xf32, #tpu.memory_space<hbm>>) target_semaphore(%arg16 : memref<!tpu.dma_semaphore, #tpu.memory_space<semaphore_mem>>)
      %mul3A_2013 = arith.constant 8 : i32
      %mul3A_2014 = arith.muli %add3A_1873, %mul3A_2013 : i32
      %add3A_2015 = arith.addi %mul3A_4, %mul3A_2014 : i32
      %add3A_2016 = arith.constant 7 : i32
      %add3A_2017 = arith.addi %add3A_2015, %add3A_2016 : i32
      %dma_start3A_2018 = arith.constant 350 : i32
      %dma_start3A_2019 = arith.constant 0 : i32
      %dma_start3A_2020 = tpu.memref_slice %arg8[%dma_start3A_2018, %dma_start3A_2019] : memref<400x64xf32, #tpu.memory_space<vmem>> -> memref<50x64xf32, #tpu.memory_space<vmem>>
      %dma_start3A_2021 = arith.constant 0 : i32
      %dma_start3A_2022 = arith.constant 0 : i32
      %dma_start3A_2023 = tpu.memref_slice %arg4[%add3A_2017, %dma_start3A_2021, %dma_start3A_2022] : memref<16384x50x64xf32, #tpu.memory_space<hbm>> -> memref<1x50x64xf32, #tpu.memory_space<hbm>>
      %dma_start3A_2024 = tpu.memref_squeeze %dma_start3A_2023 : memref<1x50x64xf32, #tpu.memory_space<hbm>> -> memref<50x64xf32, #tpu.memory_space<hbm>>
      %dma_start3A_2025 = arith.constant 0 : i32
      %dma_start3A_2026 = arith.constant 0 : i32
      %dma_start3A_2027 = tpu.memref_slice %arg4[%add3A_2017, %dma_start3A_2025, %dma_start3A_2026] : memref<16384x50x64xf32, #tpu.memory_space<hbm>> -> memref<1x50x64xf32, #tpu.memory_space<hbm>>
      %dma_start3A_2028 = tpu.memref_squeeze %dma_start3A_2027 : memref<1x50x64xf32, #tpu.memory_space<hbm>> -> memref<50x64xf32, #tpu.memory_space<hbm>>
      %dma_start3A_2029 = arith.constant 350 : i32
      %dma_start3A_2030 = arith.constant 0 : i32
      %dma_start3A_2031 = tpu.memref_slice %arg8[%dma_start3A_2029, %dma_start3A_2030] : memref<400x64xf32, #tpu.memory_space<vmem>> -> memref<50x64xf32, #tpu.memory_space<vmem>>
      tpu.enqueue_dma source(%dma_start3A_2031 : memref<50x64xf32, #tpu.memory_space<vmem>>) target(%dma_start3A_2028 : memref<50x64xf32, #tpu.memory_space<hbm>>) target_semaphore(%arg16 : memref<!tpu.dma_semaphore, #tpu.memory_space<semaphore_mem>>)
      %add3A_2032 = arith.constant 4 : i32
      %add3A_2033 = arith.addi %add3A_1873, %add3A_2032 : i32
      %sub3A_2034 = arith.constant 1 : i32
      %sub3A_2035 = arith.subi %add3A_2033, %sub3A_2034 : i32
      %lt3A_2036 = arith.constant 64 : i32
      %lt3A_2037 = arith.cmpi slt, %sub3A_2035, %lt3A_2036 : i32
      %convert_element_type3A_2038 = arith.extui %lt3A_2037 : i1 to i32
      %cond3A_2039 = arith.constant 0 : i32
      %cond3A_2040 = arith.cmpi ne, %convert_element_type3A_2038, %cond3A_2039 : i32
      scf.if %cond3A_2040 {
        %add3A_2210 = arith.constant 0 : i32
        %add3A_2211 = arith.addi %mul3A_4, %add3A_2210 : i32
        %dma_wait3A_2212 = arith.constant 0 : i32
        %dma_wait3A_2213 = arith.constant 0 : i32
        %dma_wait3A_2214 = tpu.memref_slice %arg7[%dma_wait3A_2212, %dma_wait3A_2213] : memref<400x64xf32, #tpu.memory_space<vmem>> -> memref<50x64xf32, #tpu.memory_space<vmem>>
        %dma_wait3A_2215 = arith.constant 0 : i32
        %dma_wait3A_2216 = arith.constant 0 : i32
        %dma_wait3A_2217 = tpu.memref_slice %arg4[%add3A_2211, %dma_wait3A_2215, %dma_wait3A_2216] : memref<16384x50x64xf32, #tpu.memory_space<hbm>> -> memref<1x50x64xf32, #tpu.memory_space<hbm>>
        %dma_wait3A_2218 = tpu.memref_squeeze %dma_wait3A_2217 : memref<1x50x64xf32, #tpu.memory_space<hbm>> -> memref<50x64xf32, #tpu.memory_space<hbm>>
        %dma_wait3A_2219 = arith.constant 0 : i32
        %dma_wait3A_2220 = arith.constant 0 : i32
        %dma_wait3A_2221 = tpu.memref_slice %arg4[%add3A_2211, %dma_wait3A_2219, %dma_wait3A_2220] : memref<16384x50x64xf32, #tpu.memory_space<hbm>> -> memref<1x50x64xf32, #tpu.memory_space<hbm>>
        %dma_wait3A_2222 = tpu.memref_squeeze %dma_wait3A_2221 : memref<1x50x64xf32, #tpu.memory_space<hbm>> -> memref<50x64xf32, #tpu.memory_space<hbm>>
        %dma_wait3A_2223 = arith.constant 0 : i32
        %dma_wait3A_2224 = arith.constant 0 : i32
        %dma_wait3A_2225 = tpu.memref_slice %arg7[%dma_wait3A_2223, %dma_wait3A_2224] : memref<400x64xf32, #tpu.memory_space<vmem>> -> memref<50x64xf32, #tpu.memory_space<vmem>>
        tpu.wait_dma2 semaphore(%arg15 : memref<!tpu.dma_semaphore, #tpu.memory_space<semaphore_mem>>) src(%dma_wait3A_2225 : memref<50x64xf32, #tpu.memory_space<vmem>>) dst(%dma_wait3A_2222 : memref<50x64xf32, #tpu.memory_space<hbm>>)
        %add3A_2226 = arith.constant 1 : i32
        %add3A_2227 = arith.addi %mul3A_4, %add3A_2226 : i32
        %dma_wait3A_2228 = arith.constant 50 : i32
        %dma_wait3A_2229 = arith.constant 0 : i32
        %dma_wait3A_2230 = tpu.memref_slice %arg7[%dma_wait3A_2228, %dma_wait3A_2229] : memref<400x64xf32, #tpu.memory_space<vmem>> -> memref<50x64xf32, #tpu.memory_space<vmem>>
        %dma_wait3A_2231 = arith.constant 0 : i32
        %dma_wait3A_2232 = arith.constant 0 : i32
        %dma_wait3A_2233 = tpu.memref_slice %arg4[%add3A_2227, %dma_wait3A_2231, %dma_wait3A_2232] : memref<16384x50x64xf32, #tpu.memory_space<hbm>> -> memref<1x50x64xf32, #tpu.memory_space<hbm>>
        %dma_wait3A_2234 = tpu.memref_squeeze %dma_wait3A_2233 : memref<1x50x64xf32, #tpu.memory_space<hbm>> -> memref<50x64xf32, #tpu.memory_space<hbm>>
        %dma_wait3A_2235 = arith.constant 0 : i32
        %dma_wait3A_2236 = arith.constant 0 : i32
        %dma_wait3A_2237 = tpu.memref_slice %arg4[%add3A_2227, %dma_wait3A_2235, %dma_wait3A_2236] : memref<16384x50x64xf32, #tpu.memory_space<hbm>> -> memref<1x50x64xf32, #tpu.memory_space<hbm>>
        %dma_wait3A_2238 = tpu.memref_squeeze %dma_wait3A_2237 : memref<1x50x64xf32, #tpu.memory_space<hbm>> -> memref<50x64xf32, #tpu.memory_space<hbm>>
        %dma_wait3A_2239 = arith.constant 50 : i32
        %dma_wait3A_2240 = arith.constant 0 : i32
        %dma_wait3A_2241 = tpu.memref_slice %arg7[%dma_wait3A_2239, %dma_wait3A_2240] : memref<400x64xf32, #tpu.memory_space<vmem>> -> memref<50x64xf32, #tpu.memory_space<vmem>>
        tpu.wait_dma2 semaphore(%arg15 : memref<!tpu.dma_semaphore, #tpu.memory_space<semaphore_mem>>) src(%dma_wait3A_2241 : memref<50x64xf32, #tpu.memory_space<vmem>>) dst(%dma_wait3A_2238 : memref<50x64xf32, #tpu.memory_space<hbm>>)
        %add3A_2242 = arith.constant 2 : i32
        %add3A_2243 = arith.addi %mul3A_4, %add3A_2242 : i32
        %dma_wait3A_2244 = arith.constant 100 : i32
        %dma_wait3A_2245 = arith.constant 0 : i32
        %dma_wait3A_2246 = tpu.memref_slice %arg7[%dma_wait3A_2244, %dma_wait3A_2245] : memref<400x64xf32, #tpu.memory_space<vmem>> -> memref<50x64xf32, #tpu.memory_space<vmem>>
        %dma_wait3A_2247 = arith.constant 0 : i32
        %dma_wait3A_2248 = arith.constant 0 : i32
        %dma_wait3A_2249 = tpu.memref_slice %arg4[%add3A_2243, %dma_wait3A_2247, %dma_wait3A_2248] : memref<16384x50x64xf32, #tpu.memory_space<hbm>> -> memref<1x50x64xf32, #tpu.memory_space<hbm>>
        %dma_wait3A_2250 = tpu.memref_squeeze %dma_wait3A_2249 : memref<1x50x64xf32, #tpu.memory_space<hbm>> -> memref<50x64xf32, #tpu.memory_space<hbm>>
        %dma_wait3A_2251 = arith.constant 0 : i32
        %dma_wait3A_2252 = arith.constant 0 : i32
        %dma_wait3A_2253 = tpu.memref_slice %arg4[%add3A_2243, %dma_wait3A_2251, %dma_wait3A_2252] : memref<16384x50x64xf32, #tpu.memory_space<hbm>> -> memref<1x50x64xf32, #tpu.memory_space<hbm>>
        %dma_wait3A_2254 = tpu.memref_squeeze %dma_wait3A_2253 : memref<1x50x64xf32, #tpu.memory_space<hbm>> -> memref<50x64xf32, #tpu.memory_space<hbm>>
        %dma_wait3A_2255 = arith.constant 100 : i32
        %dma_wait3A_2256 = arith.constant 0 : i32
        %dma_wait3A_2257 = tpu.memref_slice %arg7[%dma_wait3A_2255, %dma_wait3A_2256] : memref<400x64xf32, #tpu.memory_space<vmem>> -> memref<50x64xf32, #tpu.memory_space<vmem>>
        tpu.wait_dma2 semaphore(%arg15 : memref<!tpu.dma_semaphore, #tpu.memory_space<semaphore_mem>>) src(%dma_wait3A_2257 : memref<50x64xf32, #tpu.memory_space<vmem>>) dst(%dma_wait3A_2254 : memref<50x64xf32, #tpu.memory_space<hbm>>)
        %add3A_2258 = arith.constant 3 : i32
        %add3A_2259 = arith.addi %mul3A_4, %add3A_2258 : i32
        %dma_wait3A_2260 = arith.constant 150 : i32
        %dma_wait3A_2261 = arith.constant 0 : i32
        %dma_wait3A_2262 = tpu.memref_slice %arg7[%dma_wait3A_2260, %dma_wait3A_2261] : memref<400x64xf32, #tpu.memory_space<vmem>> -> memref<50x64xf32, #tpu.memory_space<vmem>>
        %dma_wait3A_2263 = arith.constant 0 : i32
        %dma_wait3A_2264 = arith.constant 0 : i32
        %dma_wait3A_2265 = tpu.memref_slice %arg4[%add3A_2259, %dma_wait3A_2263, %dma_wait3A_2264] : memref<16384x50x64xf32, #tpu.memory_space<hbm>> -> memref<1x50x64xf32, #tpu.memory_space<hbm>>
        %dma_wait3A_2266 = tpu.memref_squeeze %dma_wait3A_2265 : memref<1x50x64xf32, #tpu.memory_space<hbm>> -> memref<50x64xf32, #tpu.memory_space<hbm>>
        %dma_wait3A_2267 = arith.constant 0 : i32
        %dma_wait3A_2268 = arith.constant 0 : i32
        %dma_wait3A_2269 = tpu.memref_slice %arg4[%add3A_2259, %dma_wait3A_2267, %dma_wait3A_2268] : memref<16384x50x64xf32, #tpu.memory_space<hbm>> -> memref<1x50x64xf32, #tpu.memory_space<hbm>>
        %dma_wait3A_2270 = tpu.memref_squeeze %dma_wait3A_2269 : memref<1x50x64xf32, #tpu.memory_space<hbm>> -> memref<50x64xf32, #tpu.memory_space<hbm>>
        %dma_wait3A_2271 = arith.constant 150 : i32
        %dma_wait3A_2272 = arith.constant 0 : i32
        %dma_wait3A_2273 = tpu.memref_slice %arg7[%dma_wait3A_2271, %dma_wait3A_2272] : memref<400x64xf32, #tpu.memory_space<vmem>> -> memref<50x64xf32, #tpu.memory_space<vmem>>
        tpu.wait_dma2 semaphore(%arg15 : memref<!tpu.dma_semaphore, #tpu.memory_space<semaphore_mem>>) src(%dma_wait3A_2273 : memref<50x64xf32, #tpu.memory_space<vmem>>) dst(%dma_wait3A_2270 : memref<50x64xf32, #tpu.memory_space<hbm>>)
        %add3A_2274 = arith.constant 4 : i32
        %add3A_2275 = arith.addi %mul3A_4, %add3A_2274 : i32
        %dma_wait3A_2276 = arith.constant 200 : i32
        %dma_wait3A_2277 = arith.constant 0 : i32
        %dma_wait3A_2278 = tpu.memref_slice %arg7[%dma_wait3A_2276, %dma_wait3A_2277] : memref<400x64xf32, #tpu.memory_space<vmem>> -> memref<50x64xf32, #tpu.memory_space<vmem>>
        %dma_wait3A_2279 = arith.constant 0 : i32
        %dma_wait3A_2280 = arith.constant 0 : i32
        %dma_wait3A_2281 = tpu.memref_slice %arg4[%add3A_2275, %dma_wait3A_2279, %dma_wait3A_2280] : memref<16384x50x64xf32, #tpu.memory_space<hbm>> -> memref<1x50x64xf32, #tpu.memory_space<hbm>>
        %dma_wait3A_2282 = tpu.memref_squeeze %dma_wait3A_2281 : memref<1x50x64xf32, #tpu.memory_space<hbm>> -> memref<50x64xf32, #tpu.memory_space<hbm>>
        %dma_wait3A_2283 = arith.constant 0 : i32
        %dma_wait3A_2284 = arith.constant 0 : i32
        %dma_wait3A_2285 = tpu.memref_slice %arg4[%add3A_2275, %dma_wait3A_2283, %dma_wait3A_2284] : memref<16384x50x64xf32, #tpu.memory_space<hbm>> -> memref<1x50x64xf32, #tpu.memory_space<hbm>>
        %dma_wait3A_2286 = tpu.memref_squeeze %dma_wait3A_2285 : memref<1x50x64xf32, #tpu.memory_space<hbm>> -> memref<50x64xf32, #tpu.memory_space<hbm>>
        %dma_wait3A_2287 = arith.constant 200 : i32
        %dma_wait3A_2288 = arith.constant 0 : i32
        %dma_wait3A_2289 = tpu.memref_slice %arg7[%dma_wait3A_2287, %dma_wait3A_2288] : memref<400x64xf32, #tpu.memory_space<vmem>> -> memref<50x64xf32, #tpu.memory_space<vmem>>
        tpu.wait_dma2 semaphore(%arg15 : memref<!tpu.dma_semaphore, #tpu.memory_space<semaphore_mem>>) src(%dma_wait3A_2289 : memref<50x64xf32, #tpu.memory_space<vmem>>) dst(%dma_wait3A_2286 : memref<50x64xf32, #tpu.memory_space<hbm>>)
        %add3A_2290 = arith.constant 5 : i32
        %add3A_2291 = arith.addi %mul3A_4, %add3A_2290 : i32
        %dma_wait3A_2292 = arith.constant 250 : i32
        %dma_wait3A_2293 = arith.constant 0 : i32
        %dma_wait3A_2294 = tpu.memref_slice %arg7[%dma_wait3A_2292, %dma_wait3A_2293] : memref<400x64xf32, #tpu.memory_space<vmem>> -> memref<50x64xf32, #tpu.memory_space<vmem>>
        %dma_wait3A_2295 = arith.constant 0 : i32
        %dma_wait3A_2296 = arith.constant 0 : i32
        %dma_wait3A_2297 = tpu.memref_slice %arg4[%add3A_2291, %dma_wait3A_2295, %dma_wait3A_2296] : memref<16384x50x64xf32, #tpu.memory_space<hbm>> -> memref<1x50x64xf32, #tpu.memory_space<hbm>>
        %dma_wait3A_2298 = tpu.memref_squeeze %dma_wait3A_2297 : memref<1x50x64xf32, #tpu.memory_space<hbm>> -> memref<50x64xf32, #tpu.memory_space<hbm>>
        %dma_wait3A_2299 = arith.constant 0 : i32
        %dma_wait3A_2300 = arith.constant 0 : i32
        %dma_wait3A_2301 = tpu.memref_slice %arg4[%add3A_2291, %dma_wait3A_2299, %dma_wait3A_2300] : memref<16384x50x64xf32, #tpu.memory_space<hbm>> -> memref<1x50x64xf32, #tpu.memory_space<hbm>>
        %dma_wait3A_2302 = tpu.memref_squeeze %dma_wait3A_2301 : memref<1x50x64xf32, #tpu.memory_space<hbm>> -> memref<50x64xf32, #tpu.memory_space<hbm>>
        %dma_wait3A_2303 = arith.constant 250 : i32
        %dma_wait3A_2304 = arith.constant 0 : i32
        %dma_wait3A_2305 = tpu.memref_slice %arg7[%dma_wait3A_2303, %dma_wait3A_2304] : memref<400x64xf32, #tpu.memory_space<vmem>> -> memref<50x64xf32, #tpu.memory_space<vmem>>
        tpu.wait_dma2 semaphore(%arg15 : memref<!tpu.dma_semaphore, #tpu.memory_space<semaphore_mem>>) src(%dma_wait3A_2305 : memref<50x64xf32, #tpu.memory_space<vmem>>) dst(%dma_wait3A_2302 : memref<50x64xf32, #tpu.memory_space<hbm>>)
        %add3A_2306 = arith.constant 6 : i32
        %add3A_2307 = arith.addi %mul3A_4, %add3A_2306 : i32
        %dma_wait3A_2308 = arith.constant 300 : i32
        %dma_wait3A_2309 = arith.constant 0 : i32
        %dma_wait3A_2310 = tpu.memref_slice %arg7[%dma_wait3A_2308, %dma_wait3A_2309] : memref<400x64xf32, #tpu.memory_space<vmem>> -> memref<50x64xf32, #tpu.memory_space<vmem>>
        %dma_wait3A_2311 = arith.constant 0 : i32
        %dma_wait3A_2312 = arith.constant 0 : i32
        %dma_wait3A_2313 = tpu.memref_slice %arg4[%add3A_2307, %dma_wait3A_2311, %dma_wait3A_2312] : memref<16384x50x64xf32, #tpu.memory_space<hbm>> -> memref<1x50x64xf32, #tpu.memory_space<hbm>>
        %dma_wait3A_2314 = tpu.memref_squeeze %dma_wait3A_2313 : memref<1x50x64xf32, #tpu.memory_space<hbm>> -> memref<50x64xf32, #tpu.memory_space<hbm>>
        %dma_wait3A_2315 = arith.constant 0 : i32
        %dma_wait3A_2316 = arith.constant 0 : i32
        %dma_wait3A_2317 = tpu.memref_slice %arg4[%add3A_2307, %dma_wait3A_2315, %dma_wait3A_2316] : memref<16384x50x64xf32, #tpu.memory_space<hbm>> -> memref<1x50x64xf32, #tpu.memory_space<hbm>>
        %dma_wait3A_2318 = tpu.memref_squeeze %dma_wait3A_2317 : memref<1x50x64xf32, #tpu.memory_space<hbm>> -> memref<50x64xf32, #tpu.memory_space<hbm>>
        %dma_wait3A_2319 = arith.constant 300 : i32
        %dma_wait3A_2320 = arith.constant 0 : i32
        %dma_wait3A_2321 = tpu.memref_slice %arg7[%dma_wait3A_2319, %dma_wait3A_2320] : memref<400x64xf32, #tpu.memory_space<vmem>> -> memref<50x64xf32, #tpu.memory_space<vmem>>
        tpu.wait_dma2 semaphore(%arg15 : memref<!tpu.dma_semaphore, #tpu.memory_space<semaphore_mem>>) src(%dma_wait3A_2321 : memref<50x64xf32, #tpu.memory_space<vmem>>) dst(%dma_wait3A_2318 : memref<50x64xf32, #tpu.memory_space<hbm>>)
        %add3A_2322 = arith.constant 7 : i32
        %add3A_2323 = arith.addi %mul3A_4, %add3A_2322 : i32
        %dma_wait3A_2324 = arith.constant 350 : i32
        %dma_wait3A_2325 = arith.constant 0 : i32
        %dma_wait3A_2326 = tpu.memref_slice %arg7[%dma_wait3A_2324, %dma_wait3A_2325] : memref<400x64xf32, #tpu.memory_space<vmem>> -> memref<50x64xf32, #tpu.memory_space<vmem>>
        %dma_wait3A_2327 = arith.constant 0 : i32
        %dma_wait3A_2328 = arith.constant 0 : i32
        %dma_wait3A_2329 = tpu.memref_slice %arg4[%add3A_2323, %dma_wait3A_2327, %dma_wait3A_2328] : memref<16384x50x64xf32, #tpu.memory_space<hbm>> -> memref<1x50x64xf32, #tpu.memory_space<hbm>>
        %dma_wait3A_2330 = tpu.memref_squeeze %dma_wait3A_2329 : memref<1x50x64xf32, #tpu.memory_space<hbm>> -> memref<50x64xf32, #tpu.memory_space<hbm>>
        %dma_wait3A_2331 = arith.constant 0 : i32
        %dma_wait3A_2332 = arith.constant 0 : i32
        %dma_wait3A_2333 = tpu.memref_slice %arg4[%add3A_2323, %dma_wait3A_2331, %dma_wait3A_2332] : memref<16384x50x64xf32, #tpu.memory_space<hbm>> -> memref<1x50x64xf32, #tpu.memory_space<hbm>>
        %dma_wait3A_2334 = tpu.memref_squeeze %dma_wait3A_2333 : memref<1x50x64xf32, #tpu.memory_space<hbm>> -> memref<50x64xf32, #tpu.memory_space<hbm>>
        %dma_wait3A_2335 = arith.constant 350 : i32
        %dma_wait3A_2336 = arith.constant 0 : i32
        %dma_wait3A_2337 = tpu.memref_slice %arg7[%dma_wait3A_2335, %dma_wait3A_2336] : memref<400x64xf32, #tpu.memory_space<vmem>> -> memref<50x64xf32, #tpu.memory_space<vmem>>
        tpu.wait_dma2 semaphore(%arg15 : memref<!tpu.dma_semaphore, #tpu.memory_space<semaphore_mem>>) src(%dma_wait3A_2337 : memref<50x64xf32, #tpu.memory_space<vmem>>) dst(%dma_wait3A_2334 : memref<50x64xf32, #tpu.memory_space<hbm>>)
        %mul3A_2338 = arith.constant 400 : i32
        %mul3A_2339 = arith.muli %sub3A_2035, %mul3A_2338 : i32
        %dma_start3A_2340 = tpu.memref_slice %arg5[%mul3A_2339] : memref<25600xi32, #tpu.memory_space<vmem>> -> memref<400xi32, #tpu.memory_space<vmem>>
        %dma_start3A_2341 = arith.constant 0 : i32
        %dma_start3A_2342 = arith.constant 0 : i32
        %dma_start3A_2343 = tpu.memref_slice %arg3[%dma_start3A_2341, %dma_start3A_2342] : memref<1000000x64xf32, #tpu.memory_space<hbm>> -> memref<1000000x64xf32, #tpu.memory_space<hbm>>
        tpu.enqueue_indirect_dma source(%dma_start3A_2343 : memref<1000000x64xf32, #tpu.memory_space<hbm>>) target(%arg7 : memref<400x64xf32, #tpu.memory_space<vmem>>) offsets(%dma_start3A_2340 : memref<400xi32, #tpu.memory_space<vmem>>) semaphore(%arg11 : memref<!tpu.dma_semaphore, #tpu.memory_space<semaphore_mem>>)
      } else {
      }
      %add3A_2041 = arith.constant 3 : i32
      %add3A_2042 = arith.addi %mul3A_1537, %add3A_2041 : i32
      %mul3A_2043 = arith.constant 400 : i32
      %mul3A_2044 = arith.muli %add3A_2042, %mul3A_2043 : i32
      %dma_wait3A_2045 = tpu.memref_slice %arg5[%mul3A_2044] : memref<25600xi32, #tpu.memory_space<vmem>> -> memref<400xi32, #tpu.memory_space<vmem>>
      %dma_wait3A_2046 = arith.constant 0 : i32
      %dma_wait3A_2047 = arith.constant 0 : i32
      %dma_wait3A_2048 = tpu.memref_slice %arg3[%dma_wait3A_2046, %dma_wait3A_2047] : memref<1000000x64xf32, #tpu.memory_space<hbm>> -> memref<1000000x64xf32, #tpu.memory_space<hbm>>
      tpu.wait_indirect_dma semaphore(%arg13 : memref<!tpu.dma_semaphore, #tpu.memory_space<semaphore_mem>>) src(%dma_wait3A_2048 : memref<1000000x64xf32, #tpu.memory_space<hbm>>) dst(%arg9 : memref<400x64xf32, #tpu.memory_space<vmem>>)
      %mul3A_2049 = arith.constant 8 : i32
      %mul3A_2050 = arith.muli %add3A_2042, %mul3A_2049 : i32
      %add3A_2051 = arith.addi %mul3A_4, %mul3A_2050 : i32
      %add3A_2052 = arith.constant 0 : i32
      %add3A_2053 = arith.addi %add3A_2051, %add3A_2052 : i32
      %dma_start3A_2054 = arith.constant 0 : i32
      %dma_start3A_2055 = arith.constant 0 : i32
      %dma_start3A_2056 = tpu.memref_slice %arg9[%dma_start3A_2054, %dma_start3A_2055] : memref<400x64xf32, #tpu.memory_space<vmem>> -> memref<50x64xf32, #tpu.memory_space<vmem>>
      %dma_start3A_2057 = arith.constant 0 : i32
      %dma_start3A_2058 = arith.constant 0 : i32
      %dma_start3A_2059 = tpu.memref_slice %arg4[%add3A_2053, %dma_start3A_2057, %dma_start3A_2058] : memref<16384x50x64xf32, #tpu.memory_space<hbm>> -> memref<1x50x64xf32, #tpu.memory_space<hbm>>
      %dma_start3A_2060 = tpu.memref_squeeze %dma_start3A_2059 : memref<1x50x64xf32, #tpu.memory_space<hbm>> -> memref<50x64xf32, #tpu.memory_space<hbm>>
      %dma_start3A_2061 = arith.constant 0 : i32
      %dma_start3A_2062 = arith.constant 0 : i32
      %dma_start3A_2063 = tpu.memref_slice %arg4[%add3A_2053, %dma_start3A_2061, %dma_start3A_2062] : memref<16384x50x64xf32, #tpu.memory_space<hbm>> -> memref<1x50x64xf32, #tpu.memory_space<hbm>>
      %dma_start3A_2064 = tpu.memref_squeeze %dma_start3A_2063 : memref<1x50x64xf32, #tpu.memory_space<hbm>> -> memref<50x64xf32, #tpu.memory_space<hbm>>
      %dma_start3A_2065 = arith.constant 0 : i32
      %dma_start3A_2066 = arith.constant 0 : i32
      %dma_start3A_2067 = tpu.memref_slice %arg9[%dma_start3A_2065, %dma_start3A_2066] : memref<400x64xf32, #tpu.memory_space<vmem>> -> memref<50x64xf32, #tpu.memory_space<vmem>>
      tpu.enqueue_dma source(%dma_start3A_2067 : memref<50x64xf32, #tpu.memory_space<vmem>>) target(%dma_start3A_2064 : memref<50x64xf32, #tpu.memory_space<hbm>>) target_semaphore(%arg17 : memref<!tpu.dma_semaphore, #tpu.memory_space<semaphore_mem>>)
      %mul3A_2068 = arith.constant 8 : i32
      %mul3A_2069 = arith.muli %add3A_2042, %mul3A_2068 : i32
      %add3A_2070 = arith.addi %mul3A_4, %mul3A_2069 : i32
      %add3A_2071 = arith.constant 1 : i32
      %add3A_2072 = arith.addi %add3A_2070, %add3A_2071 : i32
      %dma_start3A_2073 = arith.constant 50 : i32
      %dma_start3A_2074 = arith.constant 0 : i32
      %dma_start3A_2075 = tpu.memref_slice %arg9[%dma_start3A_2073, %dma_start3A_2074] : memref<400x64xf32, #tpu.memory_space<vmem>> -> memref<50x64xf32, #tpu.memory_space<vmem>>
      %dma_start3A_2076 = arith.constant 0 : i32
      %dma_start3A_2077 = arith.constant 0 : i32
      %dma_start3A_2078 = tpu.memref_slice %arg4[%add3A_2072, %dma_start3A_2076, %dma_start3A_2077] : memref<16384x50x64xf32, #tpu.memory_space<hbm>> -> memref<1x50x64xf32, #tpu.memory_space<hbm>>
      %dma_start3A_2079 = tpu.memref_squeeze %dma_start3A_2078 : memref<1x50x64xf32, #tpu.memory_space<hbm>> -> memref<50x64xf32, #tpu.memory_space<hbm>>
      %dma_start3A_2080 = arith.constant 0 : i32
      %dma_start3A_2081 = arith.constant 0 : i32
      %dma_start3A_2082 = tpu.memref_slice %arg4[%add3A_2072, %dma_start3A_2080, %dma_start3A_2081] : memref<16384x50x64xf32, #tpu.memory_space<hbm>> -> memref<1x50x64xf32, #tpu.memory_space<hbm>>
      %dma_start3A_2083 = tpu.memref_squeeze %dma_start3A_2082 : memref<1x50x64xf32, #tpu.memory_space<hbm>> -> memref<50x64xf32, #tpu.memory_space<hbm>>
      %dma_start3A_2084 = arith.constant 50 : i32
      %dma_start3A_2085 = arith.constant 0 : i32
      %dma_start3A_2086 = tpu.memref_slice %arg9[%dma_start3A_2084, %dma_start3A_2085] : memref<400x64xf32, #tpu.memory_space<vmem>> -> memref<50x64xf32, #tpu.memory_space<vmem>>
      tpu.enqueue_dma source(%dma_start3A_2086 : memref<50x64xf32, #tpu.memory_space<vmem>>) target(%dma_start3A_2083 : memref<50x64xf32, #tpu.memory_space<hbm>>) target_semaphore(%arg17 : memref<!tpu.dma_semaphore, #tpu.memory_space<semaphore_mem>>)
      %mul3A_2087 = arith.constant 8 : i32
      %mul3A_2088 = arith.muli %add3A_2042, %mul3A_2087 : i32
      %add3A_2089 = arith.addi %mul3A_4, %mul3A_2088 : i32
      %add3A_2090 = arith.constant 2 : i32
      %add3A_2091 = arith.addi %add3A_2089, %add3A_2090 : i32
      %dma_start3A_2092 = arith.constant 100 : i32
      %dma_start3A_2093 = arith.constant 0 : i32
      %dma_start3A_2094 = tpu.memref_slice %arg9[%dma_start3A_2092, %dma_start3A_2093] : memref<400x64xf32, #tpu.memory_space<vmem>> -> memref<50x64xf32, #tpu.memory_space<vmem>>
      %dma_start3A_2095 = arith.constant 0 : i32
      %dma_start3A_2096 = arith.constant 0 : i32
      %dma_start3A_2097 = tpu.memref_slice %arg4[%add3A_2091, %dma_start3A_2095, %dma_start3A_2096] : memref<16384x50x64xf32, #tpu.memory_space<hbm>> -> memref<1x50x64xf32, #tpu.memory_space<hbm>>
      %dma_start3A_2098 = tpu.memref_squeeze %dma_start3A_2097 : memref<1x50x64xf32, #tpu.memory_space<hbm>> -> memref<50x64xf32, #tpu.memory_space<hbm>>
      %dma_start3A_2099 = arith.constant 0 : i32
      %dma_start3A_2100 = arith.constant 0 : i32
      %dma_start3A_2101 = tpu.memref_slice %arg4[%add3A_2091, %dma_start3A_2099, %dma_start3A_2100] : memref<16384x50x64xf32, #tpu.memory_space<hbm>> -> memref<1x50x64xf32, #tpu.memory_space<hbm>>
      %dma_start3A_2102 = tpu.memref_squeeze %dma_start3A_2101 : memref<1x50x64xf32, #tpu.memory_space<hbm>> -> memref<50x64xf32, #tpu.memory_space<hbm>>
      %dma_start3A_2103 = arith.constant 100 : i32
      %dma_start3A_2104 = arith.constant 0 : i32
      %dma_start3A_2105 = tpu.memref_slice %arg9[%dma_start3A_2103, %dma_start3A_2104] : memref<400x64xf32, #tpu.memory_space<vmem>> -> memref<50x64xf32, #tpu.memory_space<vmem>>
      tpu.enqueue_dma source(%dma_start3A_2105 : memref<50x64xf32, #tpu.memory_space<vmem>>) target(%dma_start3A_2102 : memref<50x64xf32, #tpu.memory_space<hbm>>) target_semaphore(%arg17 : memref<!tpu.dma_semaphore, #tpu.memory_space<semaphore_mem>>)
      %mul3A_2106 = arith.constant 8 : i32
      %mul3A_2107 = arith.muli %add3A_2042, %mul3A_2106 : i32
      %add3A_2108 = arith.addi %mul3A_4, %mul3A_2107 : i32
      %add3A_2109 = arith.constant 3 : i32
      %add3A_2110 = arith.addi %add3A_2108, %add3A_2109 : i32
      %dma_start3A_2111 = arith.constant 150 : i32
      %dma_start3A_2112 = arith.constant 0 : i32
      %dma_start3A_2113 = tpu.memref_slice %arg9[%dma_start3A_2111, %dma_start3A_2112] : memref<400x64xf32, #tpu.memory_space<vmem>> -> memref<50x64xf32, #tpu.memory_space<vmem>>
      %dma_start3A_2114 = arith.constant 0 : i32
      %dma_start3A_2115 = arith.constant 0 : i32
      %dma_start3A_2116 = tpu.memref_slice %arg4[%add3A_2110, %dma_start3A_2114, %dma_start3A_2115] : memref<16384x50x64xf32, #tpu.memory_space<hbm>> -> memref<1x50x64xf32, #tpu.memory_space<hbm>>
      %dma_start3A_2117 = tpu.memref_squeeze %dma_start3A_2116 : memref<1x50x64xf32, #tpu.memory_space<hbm>> -> memref<50x64xf32, #tpu.memory_space<hbm>>
      %dma_start3A_2118 = arith.constant 0 : i32
      %dma_start3A_2119 = arith.constant 0 : i32
      %dma_start3A_2120 = tpu.memref_slice %arg4[%add3A_2110, %dma_start3A_2118, %dma_start3A_2119] : memref<16384x50x64xf32, #tpu.memory_space<hbm>> -> memref<1x50x64xf32, #tpu.memory_space<hbm>>
      %dma_start3A_2121 = tpu.memref_squeeze %dma_start3A_2120 : memref<1x50x64xf32, #tpu.memory_space<hbm>> -> memref<50x64xf32, #tpu.memory_space<hbm>>
      %dma_start3A_2122 = arith.constant 150 : i32
      %dma_start3A_2123 = arith.constant 0 : i32
      %dma_start3A_2124 = tpu.memref_slice %arg9[%dma_start3A_2122, %dma_start3A_2123] : memref<400x64xf32, #tpu.memory_space<vmem>> -> memref<50x64xf32, #tpu.memory_space<vmem>>
      tpu.enqueue_dma source(%dma_start3A_2124 : memref<50x64xf32, #tpu.memory_space<vmem>>) target(%dma_start3A_2121 : memref<50x64xf32, #tpu.memory_space<hbm>>) target_semaphore(%arg17 : memref<!tpu.dma_semaphore, #tpu.memory_space<semaphore_mem>>)
      %mul3A_2125 = arith.constant 8 : i32
      %mul3A_2126 = arith.muli %add3A_2042, %mul3A_2125 : i32
      %add3A_2127 = arith.addi %mul3A_4, %mul3A_2126 : i32
      %add3A_2128 = arith.constant 4 : i32
      %add3A_2129 = arith.addi %add3A_2127, %add3A_2128 : i32
      %dma_start3A_2130 = arith.constant 200 : i32
      %dma_start3A_2131 = arith.constant 0 : i32
      %dma_start3A_2132 = tpu.memref_slice %arg9[%dma_start3A_2130, %dma_start3A_2131] : memref<400x64xf32, #tpu.memory_space<vmem>> -> memref<50x64xf32, #tpu.memory_space<vmem>>
      %dma_start3A_2133 = arith.constant 0 : i32
      %dma_start3A_2134 = arith.constant 0 : i32
      %dma_start3A_2135 = tpu.memref_slice %arg4[%add3A_2129, %dma_start3A_2133, %dma_start3A_2134] : memref<16384x50x64xf32, #tpu.memory_space<hbm>> -> memref<1x50x64xf32, #tpu.memory_space<hbm>>
      %dma_start3A_2136 = tpu.memref_squeeze %dma_start3A_2135 : memref<1x50x64xf32, #tpu.memory_space<hbm>> -> memref<50x64xf32, #tpu.memory_space<hbm>>
      %dma_start3A_2137 = arith.constant 0 : i32
      %dma_start3A_2138 = arith.constant 0 : i32
      %dma_start3A_2139 = tpu.memref_slice %arg4[%add3A_2129, %dma_start3A_2137, %dma_start3A_2138] : memref<16384x50x64xf32, #tpu.memory_space<hbm>> -> memref<1x50x64xf32, #tpu.memory_space<hbm>>
      %dma_start3A_2140 = tpu.memref_squeeze %dma_start3A_2139 : memref<1x50x64xf32, #tpu.memory_space<hbm>> -> memref<50x64xf32, #tpu.memory_space<hbm>>
      %dma_start3A_2141 = arith.constant 200 : i32
      %dma_start3A_2142 = arith.constant 0 : i32
      %dma_start3A_2143 = tpu.memref_slice %arg9[%dma_start3A_2141, %dma_start3A_2142] : memref<400x64xf32, #tpu.memory_space<vmem>> -> memref<50x64xf32, #tpu.memory_space<vmem>>
      tpu.enqueue_dma source(%dma_start3A_2143 : memref<50x64xf32, #tpu.memory_space<vmem>>) target(%dma_start3A_2140 : memref<50x64xf32, #tpu.memory_space<hbm>>) target_semaphore(%arg17 : memref<!tpu.dma_semaphore, #tpu.memory_space<semaphore_mem>>)
      %mul3A_2144 = arith.constant 8 : i32
      %mul3A_2145 = arith.muli %add3A_2042, %mul3A_2144 : i32
      %add3A_2146 = arith.addi %mul3A_4, %mul3A_2145 : i32
      %add3A_2147 = arith.constant 5 : i32
      %add3A_2148 = arith.addi %add3A_2146, %add3A_2147 : i32
      %dma_start3A_2149 = arith.constant 250 : i32
      %dma_start3A_2150 = arith.constant 0 : i32
      %dma_start3A_2151 = tpu.memref_slice %arg9[%dma_start3A_2149, %dma_start3A_2150] : memref<400x64xf32, #tpu.memory_space<vmem>> -> memref<50x64xf32, #tpu.memory_space<vmem>>
      %dma_start3A_2152 = arith.constant 0 : i32
      %dma_start3A_2153 = arith.constant 0 : i32
      %dma_start3A_2154 = tpu.memref_slice %arg4[%add3A_2148, %dma_start3A_2152, %dma_start3A_2153] : memref<16384x50x64xf32, #tpu.memory_space<hbm>> -> memref<1x50x64xf32, #tpu.memory_space<hbm>>
      %dma_start3A_2155 = tpu.memref_squeeze %dma_start3A_2154 : memref<1x50x64xf32, #tpu.memory_space<hbm>> -> memref<50x64xf32, #tpu.memory_space<hbm>>
      %dma_start3A_2156 = arith.constant 0 : i32
      %dma_start3A_2157 = arith.constant 0 : i32
      %dma_start3A_2158 = tpu.memref_slice %arg4[%add3A_2148, %dma_start3A_2156, %dma_start3A_2157] : memref<16384x50x64xf32, #tpu.memory_space<hbm>> -> memref<1x50x64xf32, #tpu.memory_space<hbm>>
      %dma_start3A_2159 = tpu.memref_squeeze %dma_start3A_2158 : memref<1x50x64xf32, #tpu.memory_space<hbm>> -> memref<50x64xf32, #tpu.memory_space<hbm>>
      %dma_start3A_2160 = arith.constant 250 : i32
      %dma_start3A_2161 = arith.constant 0 : i32
      %dma_start3A_2162 = tpu.memref_slice %arg9[%dma_start3A_2160, %dma_start3A_2161] : memref<400x64xf32, #tpu.memory_space<vmem>> -> memref<50x64xf32, #tpu.memory_space<vmem>>
      tpu.enqueue_dma source(%dma_start3A_2162 : memref<50x64xf32, #tpu.memory_space<vmem>>) target(%dma_start3A_2159 : memref<50x64xf32, #tpu.memory_space<hbm>>) target_semaphore(%arg17 : memref<!tpu.dma_semaphore, #tpu.memory_space<semaphore_mem>>)
      %mul3A_2163 = arith.constant 8 : i32
      %mul3A_2164 = arith.muli %add3A_2042, %mul3A_2163 : i32
      %add3A_2165 = arith.addi %mul3A_4, %mul3A_2164 : i32
      %add3A_2166 = arith.constant 6 : i32
      %add3A_2167 = arith.addi %add3A_2165, %add3A_2166 : i32
      %dma_start3A_2168 = arith.constant 300 : i32
      %dma_start3A_2169 = arith.constant 0 : i32
      %dma_start3A_2170 = tpu.memref_slice %arg9[%dma_start3A_2168, %dma_start3A_2169] : memref<400x64xf32, #tpu.memory_space<vmem>> -> memref<50x64xf32, #tpu.memory_space<vmem>>
      %dma_start3A_2171 = arith.constant 0 : i32
      %dma_start3A_2172 = arith.constant 0 : i32
      %dma_start3A_2173 = tpu.memref_slice %arg4[%add3A_2167, %dma_start3A_2171, %dma_start3A_2172] : memref<16384x50x64xf32, #tpu.memory_space<hbm>> -> memref<1x50x64xf32, #tpu.memory_space<hbm>>
      %dma_start3A_2174 = tpu.memref_squeeze %dma_start3A_2173 : memref<1x50x64xf32, #tpu.memory_space<hbm>> -> memref<50x64xf32, #tpu.memory_space<hbm>>
      %dma_start3A_2175 = arith.constant 0 : i32
      %dma_start3A_2176 = arith.constant 0 : i32
      %dma_start3A_2177 = tpu.memref_slice %arg4[%add3A_2167, %dma_start3A_2175, %dma_start3A_2176] : memref<16384x50x64xf32, #tpu.memory_space<hbm>> -> memref<1x50x64xf32, #tpu.memory_space<hbm>>
      %dma_start3A_2178 = tpu.memref_squeeze %dma_start3A_2177 : memref<1x50x64xf32, #tpu.memory_space<hbm>> -> memref<50x64xf32, #tpu.memory_space<hbm>>
      %dma_start3A_2179 = arith.constant 300 : i32
      %dma_start3A_2180 = arith.constant 0 : i32
      %dma_start3A_2181 = tpu.memref_slice %arg9[%dma_start3A_2179, %dma_start3A_2180] : memref<400x64xf32, #tpu.memory_space<vmem>> -> memref<50x64xf32, #tpu.memory_space<vmem>>
      tpu.enqueue_dma source(%dma_start3A_2181 : memref<50x64xf32, #tpu.memory_space<vmem>>) target(%dma_start3A_2178 : memref<50x64xf32, #tpu.memory_space<hbm>>) target_semaphore(%arg17 : memref<!tpu.dma_semaphore, #tpu.memory_space<semaphore_mem>>)
      %mul3A_2182 = arith.constant 8 : i32
      %mul3A_2183 = arith.muli %add3A_2042, %mul3A_2182 : i32
      %add3A_2184 = arith.addi %mul3A_4, %mul3A_2183 : i32
      %add3A_2185 = arith.constant 7 : i32
      %add3A_2186 = arith.addi %add3A_2184, %add3A_2185 : i32
      %dma_start3A_2187 = arith.constant 350 : i32
      %dma_start3A_2188 = arith.constant 0 : i32
      %dma_start3A_2189 = tpu.memref_slice %arg9[%dma_start3A_2187, %dma_start3A_2188] : memref<400x64xf32, #tpu.memory_space<vmem>> -> memref<50x64xf32, #tpu.memory_space<vmem>>
      %dma_start3A_2190 = arith.constant 0 : i32
      %dma_start3A_2191 = arith.constant 0 : i32
      %dma_start3A_2192 = tpu.memref_slice %arg4[%add3A_2186, %dma_start3A_2190, %dma_start3A_2191] : memref<16384x50x64xf32, #tpu.memory_space<hbm>> -> memref<1x50x64xf32, #tpu.memory_space<hbm>>
      %dma_start3A_2193 = tpu.memref_squeeze %dma_start3A_2192 : memref<1x50x64xf32, #tpu.memory_space<hbm>> -> memref<50x64xf32, #tpu.memory_space<hbm>>
      %dma_start3A_2194 = arith.constant 0 : i32
      %dma_start3A_2195 = arith.constant 0 : i32
      %dma_start3A_2196 = tpu.memref_slice %arg4[%add3A_2186, %dma_start3A_2194, %dma_start3A_2195] : memref<16384x50x64xf32, #tpu.memory_space<hbm>> -> memref<1x50x64xf32, #tpu.memory_space<hbm>>
      %dma_start3A_2197 = tpu.memref_squeeze %dma_start3A_2196 : memref<1x50x64xf32, #tpu.memory_space<hbm>> -> memref<50x64xf32, #tpu.memory_space<hbm>>
      %dma_start3A_2198 = arith.constant 350 : i32
      %dma_start3A_2199 = arith.constant 0 : i32
      %dma_start3A_2200 = tpu.memref_slice %arg9[%dma_start3A_2198, %dma_start3A_2199] : memref<400x64xf32, #tpu.memory_space<vmem>> -> memref<50x64xf32, #tpu.memory_space<vmem>>
      tpu.enqueue_dma source(%dma_start3A_2200 : memref<50x64xf32, #tpu.memory_space<vmem>>) target(%dma_start3A_2197 : memref<50x64xf32, #tpu.memory_space<hbm>>) target_semaphore(%arg17 : memref<!tpu.dma_semaphore, #tpu.memory_space<semaphore_mem>>)
      %add3A_2201 = arith.constant 4 : i32
      %add3A_2202 = arith.addi %add3A_2042, %add3A_2201 : i32
      %sub3A_2203 = arith.constant 1 : i32
      %sub3A_2204 = arith.subi %add3A_2202, %sub3A_2203 : i32
      %lt3A_2205 = arith.constant 64 : i32
      %lt3A_2206 = arith.cmpi slt, %sub3A_2204, %lt3A_2205 : i32
      %convert_element_type3A_2207 = arith.extui %lt3A_2206 : i1 to i32
      %cond3A_2208 = arith.constant 0 : i32
      %cond3A_2209 = arith.cmpi ne, %convert_element_type3A_2207, %cond3A_2208 : i32
      scf.if %cond3A_2209 {
        %add3A_2210 = arith.constant 0 : i32
        %add3A_2211 = arith.addi %mul3A_4, %add3A_2210 : i32
        %dma_wait3A_2212 = arith.constant 0 : i32
        %dma_wait3A_2213 = arith.constant 0 : i32
        %dma_wait3A_2214 = tpu.memref_slice %arg8[%dma_wait3A_2212, %dma_wait3A_2213] : memref<400x64xf32, #tpu.memory_space<vmem>> -> memref<50x64xf32, #tpu.memory_space<vmem>>
        %dma_wait3A_2215 = arith.constant 0 : i32
        %dma_wait3A_2216 = arith.constant 0 : i32
        %dma_wait3A_2217 = tpu.memref_slice %arg4[%add3A_2211, %dma_wait3A_2215, %dma_wait3A_2216] : memref<16384x50x64xf32, #tpu.memory_space<hbm>> -> memref<1x50x64xf32, #tpu.memory_space<hbm>>
        %dma_wait3A_2218 = tpu.memref_squeeze %dma_wait3A_2217 : memref<1x50x64xf32, #tpu.memory_space<hbm>> -> memref<50x64xf32, #tpu.memory_space<hbm>>
        %dma_wait3A_2219 = arith.constant 0 : i32
        %dma_wait3A_2220 = arith.constant 0 : i32
        %dma_wait3A_2221 = tpu.memref_slice %arg4[%add3A_2211, %dma_wait3A_2219, %dma_wait3A_2220] : memref<16384x50x64xf32, #tpu.memory_space<hbm>> -> memref<1x50x64xf32, #tpu.memory_space<hbm>>
        %dma_wait3A_2222 = tpu.memref_squeeze %dma_wait3A_2221 : memref<1x50x64xf32, #tpu.memory_space<hbm>> -> memref<50x64xf32, #tpu.memory_space<hbm>>
        %dma_wait3A_2223 = arith.constant 0 : i32
        %dma_wait3A_2224 = arith.constant 0 : i32
        %dma_wait3A_2225 = tpu.memref_slice %arg8[%dma_wait3A_2223, %dma_wait3A_2224] : memref<400x64xf32, #tpu.memory_space<vmem>> -> memref<50x64xf32, #tpu.memory_space<vmem>>
        tpu.wait_dma2 semaphore(%arg16 : memref<!tpu.dma_semaphore, #tpu.memory_space<semaphore_mem>>) src(%dma_wait3A_2225 : memref<50x64xf32, #tpu.memory_space<vmem>>) dst(%dma_wait3A_2222 : memref<50x64xf32, #tpu.memory_space<hbm>>)
        %add3A_2226 = arith.constant 1 : i32
        %add3A_2227 = arith.addi %mul3A_4, %add3A_2226 : i32
        %dma_wait3A_2228 = arith.constant 50 : i32
        %dma_wait3A_2229 = arith.constant 0 : i32
        %dma_wait3A_2230 = tpu.memref_slice %arg8[%dma_wait3A_2228, %dma_wait3A_2229] : memref<400x64xf32, #tpu.memory_space<vmem>> -> memref<50x64xf32, #tpu.memory_space<vmem>>
        %dma_wait3A_2231 = arith.constant 0 : i32
        %dma_wait3A_2232 = arith.constant 0 : i32
        %dma_wait3A_2233 = tpu.memref_slice %arg4[%add3A_2227, %dma_wait3A_2231, %dma_wait3A_2232] : memref<16384x50x64xf32, #tpu.memory_space<hbm>> -> memref<1x50x64xf32, #tpu.memory_space<hbm>>
        %dma_wait3A_2234 = tpu.memref_squeeze %dma_wait3A_2233 : memref<1x50x64xf32, #tpu.memory_space<hbm>> -> memref<50x64xf32, #tpu.memory_space<hbm>>
        %dma_wait3A_2235 = arith.constant 0 : i32
        %dma_wait3A_2236 = arith.constant 0 : i32
        %dma_wait3A_2237 = tpu.memref_slice %arg4[%add3A_2227, %dma_wait3A_2235, %dma_wait3A_2236] : memref<16384x50x64xf32, #tpu.memory_space<hbm>> -> memref<1x50x64xf32, #tpu.memory_space<hbm>>
        %dma_wait3A_2238 = tpu.memref_squeeze %dma_wait3A_2237 : memref<1x50x64xf32, #tpu.memory_space<hbm>> -> memref<50x64xf32, #tpu.memory_space<hbm>>
        %dma_wait3A_2239 = arith.constant 50 : i32
        %dma_wait3A_2240 = arith.constant 0 : i32
        %dma_wait3A_2241 = tpu.memref_slice %arg8[%dma_wait3A_2239, %dma_wait3A_2240] : memref<400x64xf32, #tpu.memory_space<vmem>> -> memref<50x64xf32, #tpu.memory_space<vmem>>
        tpu.wait_dma2 semaphore(%arg16 : memref<!tpu.dma_semaphore, #tpu.memory_space<semaphore_mem>>) src(%dma_wait3A_2241 : memref<50x64xf32, #tpu.memory_space<vmem>>) dst(%dma_wait3A_2238 : memref<50x64xf32, #tpu.memory_space<hbm>>)
        %add3A_2242 = arith.constant 2 : i32
        %add3A_2243 = arith.addi %mul3A_4, %add3A_2242 : i32
        %dma_wait3A_2244 = arith.constant 100 : i32
        %dma_wait3A_2245 = arith.constant 0 : i32
        %dma_wait3A_2246 = tpu.memref_slice %arg8[%dma_wait3A_2244, %dma_wait3A_2245] : memref<400x64xf32, #tpu.memory_space<vmem>> -> memref<50x64xf32, #tpu.memory_space<vmem>>
        %dma_wait3A_2247 = arith.constant 0 : i32
        %dma_wait3A_2248 = arith.constant 0 : i32
        %dma_wait3A_2249 = tpu.memref_slice %arg4[%add3A_2243, %dma_wait3A_2247, %dma_wait3A_2248] : memref<16384x50x64xf32, #tpu.memory_space<hbm>> -> memref<1x50x64xf32, #tpu.memory_space<hbm>>
        %dma_wait3A_2250 = tpu.memref_squeeze %dma_wait3A_2249 : memref<1x50x64xf32, #tpu.memory_space<hbm>> -> memref<50x64xf32, #tpu.memory_space<hbm>>
        %dma_wait3A_2251 = arith.constant 0 : i32
        %dma_wait3A_2252 = arith.constant 0 : i32
        %dma_wait3A_2253 = tpu.memref_slice %arg4[%add3A_2243, %dma_wait3A_2251, %dma_wait3A_2252] : memref<16384x50x64xf32, #tpu.memory_space<hbm>> -> memref<1x50x64xf32, #tpu.memory_space<hbm>>
        %dma_wait3A_2254 = tpu.memref_squeeze %dma_wait3A_2253 : memref<1x50x64xf32, #tpu.memory_space<hbm>> -> memref<50x64xf32, #tpu.memory_space<hbm>>
        %dma_wait3A_2255 = arith.constant 100 : i32
        %dma_wait3A_2256 = arith.constant 0 : i32
        %dma_wait3A_2257 = tpu.memref_slice %arg8[%dma_wait3A_2255, %dma_wait3A_2256] : memref<400x64xf32, #tpu.memory_space<vmem>> -> memref<50x64xf32, #tpu.memory_space<vmem>>
        tpu.wait_dma2 semaphore(%arg16 : memref<!tpu.dma_semaphore, #tpu.memory_space<semaphore_mem>>) src(%dma_wait3A_2257 : memref<50x64xf32, #tpu.memory_space<vmem>>) dst(%dma_wait3A_2254 : memref<50x64xf32, #tpu.memory_space<hbm>>)
        %add3A_2258 = arith.constant 3 : i32
        %add3A_2259 = arith.addi %mul3A_4, %add3A_2258 : i32
        %dma_wait3A_2260 = arith.constant 150 : i32
        %dma_wait3A_2261 = arith.constant 0 : i32
        %dma_wait3A_2262 = tpu.memref_slice %arg8[%dma_wait3A_2260, %dma_wait3A_2261] : memref<400x64xf32, #tpu.memory_space<vmem>> -> memref<50x64xf32, #tpu.memory_space<vmem>>
        %dma_wait3A_2263 = arith.constant 0 : i32
        %dma_wait3A_2264 = arith.constant 0 : i32
        %dma_wait3A_2265 = tpu.memref_slice %arg4[%add3A_2259, %dma_wait3A_2263, %dma_wait3A_2264] : memref<16384x50x64xf32, #tpu.memory_space<hbm>> -> memref<1x50x64xf32, #tpu.memory_space<hbm>>
        %dma_wait3A_2266 = tpu.memref_squeeze %dma_wait3A_2265 : memref<1x50x64xf32, #tpu.memory_space<hbm>> -> memref<50x64xf32, #tpu.memory_space<hbm>>
        %dma_wait3A_2267 = arith.constant 0 : i32
        %dma_wait3A_2268 = arith.constant 0 : i32
        %dma_wait3A_2269 = tpu.memref_slice %arg4[%add3A_2259, %dma_wait3A_2267, %dma_wait3A_2268] : memref<16384x50x64xf32, #tpu.memory_space<hbm>> -> memref<1x50x64xf32, #tpu.memory_space<hbm>>
        %dma_wait3A_2270 = tpu.memref_squeeze %dma_wait3A_2269 : memref<1x50x64xf32, #tpu.memory_space<hbm>> -> memref<50x64xf32, #tpu.memory_space<hbm>>
        %dma_wait3A_2271 = arith.constant 150 : i32
        %dma_wait3A_2272 = arith.constant 0 : i32
        %dma_wait3A_2273 = tpu.memref_slice %arg8[%dma_wait3A_2271, %dma_wait3A_2272] : memref<400x64xf32, #tpu.memory_space<vmem>> -> memref<50x64xf32, #tpu.memory_space<vmem>>
        tpu.wait_dma2 semaphore(%arg16 : memref<!tpu.dma_semaphore, #tpu.memory_space<semaphore_mem>>) src(%dma_wait3A_2273 : memref<50x64xf32, #tpu.memory_space<vmem>>) dst(%dma_wait3A_2270 : memref<50x64xf32, #tpu.memory_space<hbm>>)
        %add3A_2274 = arith.constant 4 : i32
        %add3A_2275 = arith.addi %mul3A_4, %add3A_2274 : i32
        %dma_wait3A_2276 = arith.constant 200 : i32
        %dma_wait3A_2277 = arith.constant 0 : i32
        %dma_wait3A_2278 = tpu.memref_slice %arg8[%dma_wait3A_2276, %dma_wait3A_2277] : memref<400x64xf32, #tpu.memory_space<vmem>> -> memref<50x64xf32, #tpu.memory_space<vmem>>
        %dma_wait3A_2279 = arith.constant 0 : i32
        %dma_wait3A_2280 = arith.constant 0 : i32
        %dma_wait3A_2281 = tpu.memref_slice %arg4[%add3A_2275, %dma_wait3A_2279, %dma_wait3A_2280] : memref<16384x50x64xf32, #tpu.memory_space<hbm>> -> memref<1x50x64xf32, #tpu.memory_space<hbm>>
        %dma_wait3A_2282 = tpu.memref_squeeze %dma_wait3A_2281 : memref<1x50x64xf32, #tpu.memory_space<hbm>> -> memref<50x64xf32, #tpu.memory_space<hbm>>
        %dma_wait3A_2283 = arith.constant 0 : i32
        %dma_wait3A_2284 = arith.constant 0 : i32
        %dma_wait3A_2285 = tpu.memref_slice %arg4[%add3A_2275, %dma_wait3A_2283, %dma_wait3A_2284] : memref<16384x50x64xf32, #tpu.memory_space<hbm>> -> memref<1x50x64xf32, #tpu.memory_space<hbm>>
        %dma_wait3A_2286 = tpu.memref_squeeze %dma_wait3A_2285 : memref<1x50x64xf32, #tpu.memory_space<hbm>> -> memref<50x64xf32, #tpu.memory_space<hbm>>
        %dma_wait3A_2287 = arith.constant 200 : i32
        %dma_wait3A_2288 = arith.constant 0 : i32
        %dma_wait3A_2289 = tpu.memref_slice %arg8[%dma_wait3A_2287, %dma_wait3A_2288] : memref<400x64xf32, #tpu.memory_space<vmem>> -> memref<50x64xf32, #tpu.memory_space<vmem>>
        tpu.wait_dma2 semaphore(%arg16 : memref<!tpu.dma_semaphore, #tpu.memory_space<semaphore_mem>>) src(%dma_wait3A_2289 : memref<50x64xf32, #tpu.memory_space<vmem>>) dst(%dma_wait3A_2286 : memref<50x64xf32, #tpu.memory_space<hbm>>)
        %add3A_2290 = arith.constant 5 : i32
        %add3A_2291 = arith.addi %mul3A_4, %add3A_2290 : i32
        %dma_wait3A_2292 = arith.constant 250 : i32
        %dma_wait3A_2293 = arith.constant 0 : i32
        %dma_wait3A_2294 = tpu.memref_slice %arg8[%dma_wait3A_2292, %dma_wait3A_2293] : memref<400x64xf32, #tpu.memory_space<vmem>> -> memref<50x64xf32, #tpu.memory_space<vmem>>
        %dma_wait3A_2295 = arith.constant 0 : i32
        %dma_wait3A_2296 = arith.constant 0 : i32
        %dma_wait3A_2297 = tpu.memref_slice %arg4[%add3A_2291, %dma_wait3A_2295, %dma_wait3A_2296] : memref<16384x50x64xf32, #tpu.memory_space<hbm>> -> memref<1x50x64xf32, #tpu.memory_space<hbm>>
        %dma_wait3A_2298 = tpu.memref_squeeze %dma_wait3A_2297 : memref<1x50x64xf32, #tpu.memory_space<hbm>> -> memref<50x64xf32, #tpu.memory_space<hbm>>
        %dma_wait3A_2299 = arith.constant 0 : i32
        %dma_wait3A_2300 = arith.constant 0 : i32
        %dma_wait3A_2301 = tpu.memref_slice %arg4[%add3A_2291, %dma_wait3A_2299, %dma_wait3A_2300] : memref<16384x50x64xf32, #tpu.memory_space<hbm>> -> memref<1x50x64xf32, #tpu.memory_space<hbm>>
        %dma_wait3A_2302 = tpu.memref_squeeze %dma_wait3A_2301 : memref<1x50x64xf32, #tpu.memory_space<hbm>> -> memref<50x64xf32, #tpu.memory_space<hbm>>
        %dma_wait3A_2303 = arith.constant 250 : i32
        %dma_wait3A_2304 = arith.constant 0 : i32
        %dma_wait3A_2305 = tpu.memref_slice %arg8[%dma_wait3A_2303, %dma_wait3A_2304] : memref<400x64xf32, #tpu.memory_space<vmem>> -> memref<50x64xf32, #tpu.memory_space<vmem>>
        tpu.wait_dma2 semaphore(%arg16 : memref<!tpu.dma_semaphore, #tpu.memory_space<semaphore_mem>>) src(%dma_wait3A_2305 : memref<50x64xf32, #tpu.memory_space<vmem>>) dst(%dma_wait3A_2302 : memref<50x64xf32, #tpu.memory_space<hbm>>)
        %add3A_2306 = arith.constant 6 : i32
        %add3A_2307 = arith.addi %mul3A_4, %add3A_2306 : i32
        %dma_wait3A_2308 = arith.constant 300 : i32
        %dma_wait3A_2309 = arith.constant 0 : i32
        %dma_wait3A_2310 = tpu.memref_slice %arg8[%dma_wait3A_2308, %dma_wait3A_2309] : memref<400x64xf32, #tpu.memory_space<vmem>> -> memref<50x64xf32, #tpu.memory_space<vmem>>
        %dma_wait3A_2311 = arith.constant 0 : i32
        %dma_wait3A_2312 = arith.constant 0 : i32
        %dma_wait3A_2313 = tpu.memref_slice %arg4[%add3A_2307, %dma_wait3A_2311, %dma_wait3A_2312] : memref<16384x50x64xf32, #tpu.memory_space<hbm>> -> memref<1x50x64xf32, #tpu.memory_space<hbm>>
        %dma_wait3A_2314 = tpu.memref_squeeze %dma_wait3A_2313 : memref<1x50x64xf32, #tpu.memory_space<hbm>> -> memref<50x64xf32, #tpu.memory_space<hbm>>
        %dma_wait3A_2315 = arith.constant 0 : i32
        %dma_wait3A_2316 = arith.constant 0 : i32
        %dma_wait3A_2317 = tpu.memref_slice %arg4[%add3A_2307, %dma_wait3A_2315, %dma_wait3A_2316] : memref<16384x50x64xf32, #tpu.memory_space<hbm>> -> memref<1x50x64xf32, #tpu.memory_space<hbm>>
        %dma_wait3A_2318 = tpu.memref_squeeze %dma_wait3A_2317 : memref<1x50x64xf32, #tpu.memory_space<hbm>> -> memref<50x64xf32, #tpu.memory_space<hbm>>
        %dma_wait3A_2319 = arith.constant 300 : i32
        %dma_wait3A_2320 = arith.constant 0 : i32
        %dma_wait3A_2321 = tpu.memref_slice %arg8[%dma_wait3A_2319, %dma_wait3A_2320] : memref<400x64xf32, #tpu.memory_space<vmem>> -> memref<50x64xf32, #tpu.memory_space<vmem>>
        tpu.wait_dma2 semaphore(%arg16 : memref<!tpu.dma_semaphore, #tpu.memory_space<semaphore_mem>>) src(%dma_wait3A_2321 : memref<50x64xf32, #tpu.memory_space<vmem>>) dst(%dma_wait3A_2318 : memref<50x64xf32, #tpu.memory_space<hbm>>)
        %add3A_2322 = arith.constant 7 : i32
        %add3A_2323 = arith.addi %mul3A_4, %add3A_2322 : i32
        %dma_wait3A_2324 = arith.constant 350 : i32
        %dma_wait3A_2325 = arith.constant 0 : i32
        %dma_wait3A_2326 = tpu.memref_slice %arg8[%dma_wait3A_2324, %dma_wait3A_2325] : memref<400x64xf32, #tpu.memory_space<vmem>> -> memref<50x64xf32, #tpu.memory_space<vmem>>
        %dma_wait3A_2327 = arith.constant 0 : i32
        %dma_wait3A_2328 = arith.constant 0 : i32
        %dma_wait3A_2329 = tpu.memref_slice %arg4[%add3A_2323, %dma_wait3A_2327, %dma_wait3A_2328] : memref<16384x50x64xf32, #tpu.memory_space<hbm>> -> memref<1x50x64xf32, #tpu.memory_space<hbm>>
        %dma_wait3A_2330 = tpu.memref_squeeze %dma_wait3A_2329 : memref<1x50x64xf32, #tpu.memory_space<hbm>> -> memref<50x64xf32, #tpu.memory_space<hbm>>
        %dma_wait3A_2331 = arith.constant 0 : i32
        %dma_wait3A_2332 = arith.constant 0 : i32
        %dma_wait3A_2333 = tpu.memref_slice %arg4[%add3A_2323, %dma_wait3A_2331, %dma_wait3A_2332] : memref<16384x50x64xf32, #tpu.memory_space<hbm>> -> memref<1x50x64xf32, #tpu.memory_space<hbm>>
        %dma_wait3A_2334 = tpu.memref_squeeze %dma_wait3A_2333 : memref<1x50x64xf32, #tpu.memory_space<hbm>> -> memref<50x64xf32, #tpu.memory_space<hbm>>
        %dma_wait3A_2335 = arith.constant 350 : i32
        %dma_wait3A_2336 = arith.constant 0 : i32
        %dma_wait3A_2337 = tpu.memref_slice %arg8[%dma_wait3A_2335, %dma_wait3A_2336] : memref<400x64xf32, #tpu.memory_space<vmem>> -> memref<50x64xf32, #tpu.memory_space<vmem>>
        tpu.wait_dma2 semaphore(%arg16 : memref<!tpu.dma_semaphore, #tpu.memory_space<semaphore_mem>>) src(%dma_wait3A_2337 : memref<50x64xf32, #tpu.memory_space<vmem>>) dst(%dma_wait3A_2334 : memref<50x64xf32, #tpu.memory_space<hbm>>)
        %mul3A_2338 = arith.constant 400 : i32
        %mul3A_2339 = arith.muli %sub3A_2204, %mul3A_2338 : i32
        %dma_start3A_2340 = tpu.memref_slice %arg5[%mul3A_2339] : memref<25600xi32, #tpu.memory_space<vmem>> -> memref<400xi32, #tpu.memory_space<vmem>>
        %dma_start3A_2341 = arith.constant 0 : i32
        %dma_start3A_2342 = arith.constant 0 : i32
        %dma_start3A_2343 = tpu.memref_slice %arg3[%dma_start3A_2341, %dma_start3A_2342] : memref<1000000x64xf32, #tpu.memory_space<hbm>> -> memref<1000000x64xf32, #tpu.memory_space<hbm>>
        tpu.enqueue_indirect_dma source(%dma_start3A_2343 : memref<1000000x64xf32, #tpu.memory_space<hbm>>) target(%arg8 : memref<400x64xf32, #tpu.memory_space<vmem>>) offsets(%dma_start3A_2340 : memref<400xi32, #tpu.memory_space<vmem>>) semaphore(%arg12 : memref<!tpu.dma_semaphore, #tpu.memory_space<semaphore_mem>>)
      } else {
      }
    }
    %scan3A_1022 = arith.constant 15 : i32
    %add3A_1023 = arith.constant 0 : i32
    %add3A_1024 = arith.addi %mul3A_4, %add3A_1023 : i32
    %dma_wait3A_1025 = arith.constant 0 : i32
    %dma_wait3A_1026 = arith.constant 0 : i32
    %dma_wait3A_1027 = tpu.memref_slice %arg6[%dma_wait3A_1025, %dma_wait3A_1026] : memref<400x64xf32, #tpu.memory_space<vmem>> -> memref<50x64xf32, #tpu.memory_space<vmem>>
    %dma_wait3A_1028 = arith.constant 0 : i32
    %dma_wait3A_1029 = arith.constant 0 : i32
    %dma_wait3A_1030 = tpu.memref_slice %arg4[%add3A_1024, %dma_wait3A_1028, %dma_wait3A_1029] : memref<16384x50x64xf32, #tpu.memory_space<hbm>> -> memref<1x50x64xf32, #tpu.memory_space<hbm>>
    %dma_wait3A_1031 = tpu.memref_squeeze %dma_wait3A_1030 : memref<1x50x64xf32, #tpu.memory_space<hbm>> -> memref<50x64xf32, #tpu.memory_space<hbm>>
    %dma_wait3A_1032 = arith.constant 0 : i32
    %dma_wait3A_1033 = arith.constant 0 : i32
    %dma_wait3A_1034 = tpu.memref_slice %arg4[%add3A_1024, %dma_wait3A_1032, %dma_wait3A_1033] : memref<16384x50x64xf32, #tpu.memory_space<hbm>> -> memref<1x50x64xf32, #tpu.memory_space<hbm>>
    %dma_wait3A_1035 = tpu.memref_squeeze %dma_wait3A_1034 : memref<1x50x64xf32, #tpu.memory_space<hbm>> -> memref<50x64xf32, #tpu.memory_space<hbm>>
    %dma_wait3A_1036 = arith.constant 0 : i32
    %dma_wait3A_1037 = arith.constant 0 : i32
    %dma_wait3A_1038 = tpu.memref_slice %arg6[%dma_wait3A_1036, %dma_wait3A_1037] : memref<400x64xf32, #tpu.memory_space<vmem>> -> memref<50x64xf32, #tpu.memory_space<vmem>>
    tpu.wait_dma2 semaphore(%arg14 : memref<!tpu.dma_semaphore, #tpu.memory_space<semaphore_mem>>) src(%dma_wait3A_1038 : memref<50x64xf32, #tpu.memory_space<vmem>>) dst(%dma_wait3A_1035 : memref<50x64xf32, #tpu.memory_space<hbm>>)
    %add3A_1039 = arith.constant 1 : i32
    %add3A_1040 = arith.addi %mul3A_4, %add3A_1039 : i32
    %dma_wait3A_1041 = arith.constant 50 : i32
    %dma_wait3A_1042 = arith.constant 0 : i32
    %dma_wait3A_1043 = tpu.memref_slice %arg6[%dma_wait3A_1041, %dma_wait3A_1042] : memref<400x64xf32, #tpu.memory_space<vmem>> -> memref<50x64xf32, #tpu.memory_space<vmem>>
    %dma_wait3A_1044 = arith.constant 0 : i32
    %dma_wait3A_1045 = arith.constant 0 : i32
    %dma_wait3A_1046 = tpu.memref_slice %arg4[%add3A_1040, %dma_wait3A_1044, %dma_wait3A_1045] : memref<16384x50x64xf32, #tpu.memory_space<hbm>> -> memref<1x50x64xf32, #tpu.memory_space<hbm>>
    %dma_wait3A_1047 = tpu.memref_squeeze %dma_wait3A_1046 : memref<1x50x64xf32, #tpu.memory_space<hbm>> -> memref<50x64xf32, #tpu.memory_space<hbm>>
    %dma_wait3A_1048 = arith.constant 0 : i32
    %dma_wait3A_1049 = arith.constant 0 : i32
    %dma_wait3A_1050 = tpu.memref_slice %arg4[%add3A_1040, %dma_wait3A_1048, %dma_wait3A_1049] : memref<16384x50x64xf32, #tpu.memory_space<hbm>> -> memref<1x50x64xf32, #tpu.memory_space<hbm>>
    %dma_wait3A_1051 = tpu.memref_squeeze %dma_wait3A_1050 : memref<1x50x64xf32, #tpu.memory_space<hbm>> -> memref<50x64xf32, #tpu.memory_space<hbm>>
    %dma_wait3A_1052 = arith.constant 50 : i32
    %dma_wait3A_1053 = arith.constant 0 : i32
    %dma_wait3A_1054 = tpu.memref_slice %arg6[%dma_wait3A_1052, %dma_wait3A_1053] : memref<400x64xf32, #tpu.memory_space<vmem>> -> memref<50x64xf32, #tpu.memory_space<vmem>>
    tpu.wait_dma2 semaphore(%arg14 : memref<!tpu.dma_semaphore, #tpu.memory_space<semaphore_mem>>) src(%dma_wait3A_1054 : memref<50x64xf32, #tpu.memory_space<vmem>>) dst(%dma_wait3A_1051 : memref<50x64xf32, #tpu.memory_space<hbm>>)
    %add3A_1055 = arith.constant 2 : i32
    %add3A_1056 = arith.addi %mul3A_4, %add3A_1055 : i32
    %dma_wait3A_1057 = arith.constant 100 : i32
    %dma_wait3A_1058 = arith.constant 0 : i32
    %dma_wait3A_1059 = tpu.memref_slice %arg6[%dma_wait3A_1057, %dma_wait3A_1058] : memref<400x64xf32, #tpu.memory_space<vmem>> -> memref<50x64xf32, #tpu.memory_space<vmem>>
    %dma_wait3A_1060 = arith.constant 0 : i32
    %dma_wait3A_1061 = arith.constant 0 : i32
    %dma_wait3A_1062 = tpu.memref_slice %arg4[%add3A_1056, %dma_wait3A_1060, %dma_wait3A_1061] : memref<16384x50x64xf32, #tpu.memory_space<hbm>> -> memref<1x50x64xf32, #tpu.memory_space<hbm>>
    %dma_wait3A_1063 = tpu.memref_squeeze %dma_wait3A_1062 : memref<1x50x64xf32, #tpu.memory_space<hbm>> -> memref<50x64xf32, #tpu.memory_space<hbm>>
    %dma_wait3A_1064 = arith.constant 0 : i32
    %dma_wait3A_1065 = arith.constant 0 : i32
    %dma_wait3A_1066 = tpu.memref_slice %arg4[%add3A_1056, %dma_wait3A_1064, %dma_wait3A_1065] : memref<16384x50x64xf32, #tpu.memory_space<hbm>> -> memref<1x50x64xf32, #tpu.memory_space<hbm>>
    %dma_wait3A_1067 = tpu.memref_squeeze %dma_wait3A_1066 : memref<1x50x64xf32, #tpu.memory_space<hbm>> -> memref<50x64xf32, #tpu.memory_space<hbm>>
    %dma_wait3A_1068 = arith.constant 100 : i32
    %dma_wait3A_1069 = arith.constant 0 : i32
    %dma_wait3A_1070 = tpu.memref_slice %arg6[%dma_wait3A_1068, %dma_wait3A_1069] : memref<400x64xf32, #tpu.memory_space<vmem>> -> memref<50x64xf32, #tpu.memory_space<vmem>>
    tpu.wait_dma2 semaphore(%arg14 : memref<!tpu.dma_semaphore, #tpu.memory_space<semaphore_mem>>) src(%dma_wait3A_1070 : memref<50x64xf32, #tpu.memory_space<vmem>>) dst(%dma_wait3A_1067 : memref<50x64xf32, #tpu.memory_space<hbm>>)
    %add3A_1071 = arith.constant 3 : i32
    %add3A_1072 = arith.addi %mul3A_4, %add3A_1071 : i32
    %dma_wait3A_1073 = arith.constant 150 : i32
    %dma_wait3A_1074 = arith.constant 0 : i32
    %dma_wait3A_1075 = tpu.memref_slice %arg6[%dma_wait3A_1073, %dma_wait3A_1074] : memref<400x64xf32, #tpu.memory_space<vmem>> -> memref<50x64xf32, #tpu.memory_space<vmem>>
    %dma_wait3A_1076 = arith.constant 0 : i32
    %dma_wait3A_1077 = arith.constant 0 : i32
    %dma_wait3A_1078 = tpu.memref_slice %arg4[%add3A_1072, %dma_wait3A_1076, %dma_wait3A_1077] : memref<16384x50x64xf32, #tpu.memory_space<hbm>> -> memref<1x50x64xf32, #tpu.memory_space<hbm>>
    %dma_wait3A_1079 = tpu.memref_squeeze %dma_wait3A_1078 : memref<1x50x64xf32, #tpu.memory_space<hbm>> -> memref<50x64xf32, #tpu.memory_space<hbm>>
    %dma_wait3A_1080 = arith.constant 0 : i32
    %dma_wait3A_1081 = arith.constant 0 : i32
    %dma_wait3A_1082 = tpu.memref_slice %arg4[%add3A_1072, %dma_wait3A_1080, %dma_wait3A_1081] : memref<16384x50x64xf32, #tpu.memory_space<hbm>> -> memref<1x50x64xf32, #tpu.memory_space<hbm>>
    %dma_wait3A_1083 = tpu.memref_squeeze %dma_wait3A_1082 : memref<1x50x64xf32, #tpu.memory_space<hbm>> -> memref<50x64xf32, #tpu.memory_space<hbm>>
    %dma_wait3A_1084 = arith.constant 150 : i32
    %dma_wait3A_1085 = arith.constant 0 : i32
    %dma_wait3A_1086 = tpu.memref_slice %arg6[%dma_wait3A_1084, %dma_wait3A_1085] : memref<400x64xf32, #tpu.memory_space<vmem>> -> memref<50x64xf32, #tpu.memory_space<vmem>>
    tpu.wait_dma2 semaphore(%arg14 : memref<!tpu.dma_semaphore, #tpu.memory_space<semaphore_mem>>) src(%dma_wait3A_1086 : memref<50x64xf32, #tpu.memory_space<vmem>>) dst(%dma_wait3A_1083 : memref<50x64xf32, #tpu.memory_space<hbm>>)
    %add3A_1087 = arith.constant 4 : i32
    %add3A_1088 = arith.addi %mul3A_4, %add3A_1087 : i32
    %dma_wait3A_1089 = arith.constant 200 : i32
    %dma_wait3A_1090 = arith.constant 0 : i32
    %dma_wait3A_1091 = tpu.memref_slice %arg6[%dma_wait3A_1089, %dma_wait3A_1090] : memref<400x64xf32, #tpu.memory_space<vmem>> -> memref<50x64xf32, #tpu.memory_space<vmem>>
    %dma_wait3A_1092 = arith.constant 0 : i32
    %dma_wait3A_1093 = arith.constant 0 : i32
    %dma_wait3A_1094 = tpu.memref_slice %arg4[%add3A_1088, %dma_wait3A_1092, %dma_wait3A_1093] : memref<16384x50x64xf32, #tpu.memory_space<hbm>> -> memref<1x50x64xf32, #tpu.memory_space<hbm>>
    %dma_wait3A_1095 = tpu.memref_squeeze %dma_wait3A_1094 : memref<1x50x64xf32, #tpu.memory_space<hbm>> -> memref<50x64xf32, #tpu.memory_space<hbm>>
    %dma_wait3A_1096 = arith.constant 0 : i32
    %dma_wait3A_1097 = arith.constant 0 : i32
    %dma_wait3A_1098 = tpu.memref_slice %arg4[%add3A_1088, %dma_wait3A_1096, %dma_wait3A_1097] : memref<16384x50x64xf32, #tpu.memory_space<hbm>> -> memref<1x50x64xf32, #tpu.memory_space<hbm>>
    %dma_wait3A_1099 = tpu.memref_squeeze %dma_wait3A_1098 : memref<1x50x64xf32, #tpu.memory_space<hbm>> -> memref<50x64xf32, #tpu.memory_space<hbm>>
    %dma_wait3A_1100 = arith.constant 200 : i32
    %dma_wait3A_1101 = arith.constant 0 : i32
    %dma_wait3A_1102 = tpu.memref_slice %arg6[%dma_wait3A_1100, %dma_wait3A_1101] : memref<400x64xf32, #tpu.memory_space<vmem>> -> memref<50x64xf32, #tpu.memory_space<vmem>>
    tpu.wait_dma2 semaphore(%arg14 : memref<!tpu.dma_semaphore, #tpu.memory_space<semaphore_mem>>) src(%dma_wait3A_1102 : memref<50x64xf32, #tpu.memory_space<vmem>>) dst(%dma_wait3A_1099 : memref<50x64xf32, #tpu.memory_space<hbm>>)
    %add3A_1103 = arith.constant 5 : i32
    %add3A_1104 = arith.addi %mul3A_4, %add3A_1103 : i32
    %dma_wait3A_1105 = arith.constant 250 : i32
    %dma_wait3A_1106 = arith.constant 0 : i32
    %dma_wait3A_1107 = tpu.memref_slice %arg6[%dma_wait3A_1105, %dma_wait3A_1106] : memref<400x64xf32, #tpu.memory_space<vmem>> -> memref<50x64xf32, #tpu.memory_space<vmem>>
    %dma_wait3A_1108 = arith.constant 0 : i32
    %dma_wait3A_1109 = arith.constant 0 : i32
    %dma_wait3A_1110 = tpu.memref_slice %arg4[%add3A_1104, %dma_wait3A_1108, %dma_wait3A_1109] : memref<16384x50x64xf32, #tpu.memory_space<hbm>> -> memref<1x50x64xf32, #tpu.memory_space<hbm>>
    %dma_wait3A_1111 = tpu.memref_squeeze %dma_wait3A_1110 : memref<1x50x64xf32, #tpu.memory_space<hbm>> -> memref<50x64xf32, #tpu.memory_space<hbm>>
    %dma_wait3A_1112 = arith.constant 0 : i32
    %dma_wait3A_1113 = arith.constant 0 : i32
    %dma_wait3A_1114 = tpu.memref_slice %arg4[%add3A_1104, %dma_wait3A_1112, %dma_wait3A_1113] : memref<16384x50x64xf32, #tpu.memory_space<hbm>> -> memref<1x50x64xf32, #tpu.memory_space<hbm>>
    %dma_wait3A_1115 = tpu.memref_squeeze %dma_wait3A_1114 : memref<1x50x64xf32, #tpu.memory_space<hbm>> -> memref<50x64xf32, #tpu.memory_space<hbm>>
    %dma_wait3A_1116 = arith.constant 250 : i32
    %dma_wait3A_1117 = arith.constant 0 : i32
    %dma_wait3A_1118 = tpu.memref_slice %arg6[%dma_wait3A_1116, %dma_wait3A_1117] : memref<400x64xf32, #tpu.memory_space<vmem>> -> memref<50x64xf32, #tpu.memory_space<vmem>>
    tpu.wait_dma2 semaphore(%arg14 : memref<!tpu.dma_semaphore, #tpu.memory_space<semaphore_mem>>) src(%dma_wait3A_1118 : memref<50x64xf32, #tpu.memory_space<vmem>>) dst(%dma_wait3A_1115 : memref<50x64xf32, #tpu.memory_space<hbm>>)
    %add3A_1119 = arith.constant 6 : i32
    %add3A_1120 = arith.addi %mul3A_4, %add3A_1119 : i32
    %dma_wait3A_1121 = arith.constant 300 : i32
    %dma_wait3A_1122 = arith.constant 0 : i32
    %dma_wait3A_1123 = tpu.memref_slice %arg6[%dma_wait3A_1121, %dma_wait3A_1122] : memref<400x64xf32, #tpu.memory_space<vmem>> -> memref<50x64xf32, #tpu.memory_space<vmem>>
    %dma_wait3A_1124 = arith.constant 0 : i32
    %dma_wait3A_1125 = arith.constant 0 : i32
    %dma_wait3A_1126 = tpu.memref_slice %arg4[%add3A_1120, %dma_wait3A_1124, %dma_wait3A_1125] : memref<16384x50x64xf32, #tpu.memory_space<hbm>> -> memref<1x50x64xf32, #tpu.memory_space<hbm>>
    %dma_wait3A_1127 = tpu.memref_squeeze %dma_wait3A_1126 : memref<1x50x64xf32, #tpu.memory_space<hbm>> -> memref<50x64xf32, #tpu.memory_space<hbm>>
    %dma_wait3A_1128 = arith.constant 0 : i32
    %dma_wait3A_1129 = arith.constant 0 : i32
    %dma_wait3A_1130 = tpu.memref_slice %arg4[%add3A_1120, %dma_wait3A_1128, %dma_wait3A_1129] : memref<16384x50x64xf32, #tpu.memory_space<hbm>> -> memref<1x50x64xf32, #tpu.memory_space<hbm>>
    %dma_wait3A_1131 = tpu.memref_squeeze %dma_wait3A_1130 : memref<1x50x64xf32, #tpu.memory_space<hbm>> -> memref<50x64xf32, #tpu.memory_space<hbm>>
    %dma_wait3A_1132 = arith.constant 300 : i32
    %dma_wait3A_1133 = arith.constant 0 : i32
    %dma_wait3A_1134 = tpu.memref_slice %arg6[%dma_wait3A_1132, %dma_wait3A_1133] : memref<400x64xf32, #tpu.memory_space<vmem>> -> memref<50x64xf32, #tpu.memory_space<vmem>>
    tpu.wait_dma2 semaphore(%arg14 : memref<!tpu.dma_semaphore, #tpu.memory_space<semaphore_mem>>) src(%dma_wait3A_1134 : memref<50x64xf32, #tpu.memory_space<vmem>>) dst(%dma_wait3A_1131 : memref<50x64xf32, #tpu.memory_space<hbm>>)
    %add3A_1135 = arith.constant 7 : i32
    %add3A_1136 = arith.addi %mul3A_4, %add3A_1135 : i32
    %dma_wait3A_1137 = arith.constant 350 : i32
    %dma_wait3A_1138 = arith.constant 0 : i32
    %dma_wait3A_1139 = tpu.memref_slice %arg6[%dma_wait3A_1137, %dma_wait3A_1138] : memref<400x64xf32, #tpu.memory_space<vmem>> -> memref<50x64xf32, #tpu.memory_space<vmem>>
    %dma_wait3A_1140 = arith.constant 0 : i32
    %dma_wait3A_1141 = arith.constant 0 : i32
    %dma_wait3A_1142 = tpu.memref_slice %arg4[%add3A_1136, %dma_wait3A_1140, %dma_wait3A_1141] : memref<16384x50x64xf32, #tpu.memory_space<hbm>> -> memref<1x50x64xf32, #tpu.memory_space<hbm>>
    %dma_wait3A_1143 = tpu.memref_squeeze %dma_wait3A_1142 : memref<1x50x64xf32, #tpu.memory_space<hbm>> -> memref<50x64xf32, #tpu.memory_space<hbm>>
    %dma_wait3A_1144 = arith.constant 0 : i32
    %dma_wait3A_1145 = arith.constant 0 : i32
    %dma_wait3A_1146 = tpu.memref_slice %arg4[%add3A_1136, %dma_wait3A_1144, %dma_wait3A_1145] : memref<16384x50x64xf32, #tpu.memory_space<hbm>> -> memref<1x50x64xf32, #tpu.memory_space<hbm>>
    %dma_wait3A_1147 = tpu.memref_squeeze %dma_wait3A_1146 : memref<1x50x64xf32, #tpu.memory_space<hbm>> -> memref<50x64xf32, #tpu.memory_space<hbm>>
    %dma_wait3A_1148 = arith.constant 350 : i32
    %dma_wait3A_1149 = arith.constant 0 : i32
    %dma_wait3A_1150 = tpu.memref_slice %arg6[%dma_wait3A_1148, %dma_wait3A_1149] : memref<400x64xf32, #tpu.memory_space<vmem>> -> memref<50x64xf32, #tpu.memory_space<vmem>>
    tpu.wait_dma2 semaphore(%arg14 : memref<!tpu.dma_semaphore, #tpu.memory_space<semaphore_mem>>) src(%dma_wait3A_1150 : memref<50x64xf32, #tpu.memory_space<vmem>>) dst(%dma_wait3A_1147 : memref<50x64xf32, #tpu.memory_space<hbm>>)
    %add3A_1151 = arith.constant 0 : i32
    %add3A_1152 = arith.addi %mul3A_4, %add3A_1151 : i32
    %dma_wait3A_1153 = arith.constant 0 : i32
    %dma_wait3A_1154 = arith.constant 0 : i32
    %dma_wait3A_1155 = tpu.memref_slice %arg7[%dma_wait3A_1153, %dma_wait3A_1154] : memref<400x64xf32, #tpu.memory_space<vmem>> -> memref<50x64xf32, #tpu.memory_space<vmem>>
    %dma_wait3A_1156 = arith.constant 0 : i32
    %dma_wait3A_1157 = arith.constant 0 : i32
    %dma_wait3A_1158 = tpu.memref_slice %arg4[%add3A_1152, %dma_wait3A_1156, %dma_wait3A_1157] : memref<16384x50x64xf32, #tpu.memory_space<hbm>> -> memref<1x50x64xf32, #tpu.memory_space<hbm>>
    %dma_wait3A_1159 = tpu.memref_squeeze %dma_wait3A_1158 : memref<1x50x64xf32, #tpu.memory_space<hbm>> -> memref<50x64xf32, #tpu.memory_space<hbm>>
    %dma_wait3A_1160 = arith.constant 0 : i32
    %dma_wait3A_1161 = arith.constant 0 : i32
    %dma_wait3A_1162 = tpu.memref_slice %arg4[%add3A_1152, %dma_wait3A_1160, %dma_wait3A_1161] : memref<16384x50x64xf32, #tpu.memory_space<hbm>> -> memref<1x50x64xf32, #tpu.memory_space<hbm>>
    %dma_wait3A_1163 = tpu.memref_squeeze %dma_wait3A_1162 : memref<1x50x64xf32, #tpu.memory_space<hbm>> -> memref<50x64xf32, #tpu.memory_space<hbm>>
    %dma_wait3A_1164 = arith.constant 0 : i32
    %dma_wait3A_1165 = arith.constant 0 : i32
    %dma_wait3A_1166 = tpu.memref_slice %arg7[%dma_wait3A_1164, %dma_wait3A_1165] : memref<400x64xf32, #tpu.memory_space<vmem>> -> memref<50x64xf32, #tpu.memory_space<vmem>>
    tpu.wait_dma2 semaphore(%arg15 : memref<!tpu.dma_semaphore, #tpu.memory_space<semaphore_mem>>) src(%dma_wait3A_1166 : memref<50x64xf32, #tpu.memory_space<vmem>>) dst(%dma_wait3A_1163 : memref<50x64xf32, #tpu.memory_space<hbm>>)
    %add3A_1167 = arith.constant 1 : i32
    %add3A_1168 = arith.addi %mul3A_4, %add3A_1167 : i32
    %dma_wait3A_1169 = arith.constant 50 : i32
    %dma_wait3A_1170 = arith.constant 0 : i32
    %dma_wait3A_1171 = tpu.memref_slice %arg7[%dma_wait3A_1169, %dma_wait3A_1170] : memref<400x64xf32, #tpu.memory_space<vmem>> -> memref<50x64xf32, #tpu.memory_space<vmem>>
    %dma_wait3A_1172 = arith.constant 0 : i32
    %dma_wait3A_1173 = arith.constant 0 : i32
    %dma_wait3A_1174 = tpu.memref_slice %arg4[%add3A_1168, %dma_wait3A_1172, %dma_wait3A_1173] : memref<16384x50x64xf32, #tpu.memory_space<hbm>> -> memref<1x50x64xf32, #tpu.memory_space<hbm>>
    %dma_wait3A_1175 = tpu.memref_squeeze %dma_wait3A_1174 : memref<1x50x64xf32, #tpu.memory_space<hbm>> -> memref<50x64xf32, #tpu.memory_space<hbm>>
    %dma_wait3A_1176 = arith.constant 0 : i32
    %dma_wait3A_1177 = arith.constant 0 : i32
    %dma_wait3A_1178 = tpu.memref_slice %arg4[%add3A_1168, %dma_wait3A_1176, %dma_wait3A_1177] : memref<16384x50x64xf32, #tpu.memory_space<hbm>> -> memref<1x50x64xf32, #tpu.memory_space<hbm>>
    %dma_wait3A_1179 = tpu.memref_squeeze %dma_wait3A_1178 : memref<1x50x64xf32, #tpu.memory_space<hbm>> -> memref<50x64xf32, #tpu.memory_space<hbm>>
    %dma_wait3A_1180 = arith.constant 50 : i32
    %dma_wait3A_1181 = arith.constant 0 : i32
    %dma_wait3A_1182 = tpu.memref_slice %arg7[%dma_wait3A_1180, %dma_wait3A_1181] : memref<400x64xf32, #tpu.memory_space<vmem>> -> memref<50x64xf32, #tpu.memory_space<vmem>>
    tpu.wait_dma2 semaphore(%arg15 : memref<!tpu.dma_semaphore, #tpu.memory_space<semaphore_mem>>) src(%dma_wait3A_1182 : memref<50x64xf32, #tpu.memory_space<vmem>>) dst(%dma_wait3A_1179 : memref<50x64xf32, #tpu.memory_space<hbm>>)
    %add3A_1183 = arith.constant 2 : i32
    %add3A_1184 = arith.addi %mul3A_4, %add3A_1183 : i32
    %dma_wait3A_1185 = arith.constant 100 : i32
    %dma_wait3A_1186 = arith.constant 0 : i32
    %dma_wait3A_1187 = tpu.memref_slice %arg7[%dma_wait3A_1185, %dma_wait3A_1186] : memref<400x64xf32, #tpu.memory_space<vmem>> -> memref<50x64xf32, #tpu.memory_space<vmem>>
    %dma_wait3A_1188 = arith.constant 0 : i32
    %dma_wait3A_1189 = arith.constant 0 : i32
    %dma_wait3A_1190 = tpu.memref_slice %arg4[%add3A_1184, %dma_wait3A_1188, %dma_wait3A_1189] : memref<16384x50x64xf32, #tpu.memory_space<hbm>> -> memref<1x50x64xf32, #tpu.memory_space<hbm>>
    %dma_wait3A_1191 = tpu.memref_squeeze %dma_wait3A_1190 : memref<1x50x64xf32, #tpu.memory_space<hbm>> -> memref<50x64xf32, #tpu.memory_space<hbm>>
    %dma_wait3A_1192 = arith.constant 0 : i32
    %dma_wait3A_1193 = arith.constant 0 : i32
    %dma_wait3A_1194 = tpu.memref_slice %arg4[%add3A_1184, %dma_wait3A_1192, %dma_wait3A_1193] : memref<16384x50x64xf32, #tpu.memory_space<hbm>> -> memref<1x50x64xf32, #tpu.memory_space<hbm>>
    %dma_wait3A_1195 = tpu.memref_squeeze %dma_wait3A_1194 : memref<1x50x64xf32, #tpu.memory_space<hbm>> -> memref<50x64xf32, #tpu.memory_space<hbm>>
    %dma_wait3A_1196 = arith.constant 100 : i32
    %dma_wait3A_1197 = arith.constant 0 : i32
    %dma_wait3A_1198 = tpu.memref_slice %arg7[%dma_wait3A_1196, %dma_wait3A_1197] : memref<400x64xf32, #tpu.memory_space<vmem>> -> memref<50x64xf32, #tpu.memory_space<vmem>>
    tpu.wait_dma2 semaphore(%arg15 : memref<!tpu.dma_semaphore, #tpu.memory_space<semaphore_mem>>) src(%dma_wait3A_1198 : memref<50x64xf32, #tpu.memory_space<vmem>>) dst(%dma_wait3A_1195 : memref<50x64xf32, #tpu.memory_space<hbm>>)
    %add3A_1199 = arith.constant 3 : i32
    %add3A_1200 = arith.addi %mul3A_4, %add3A_1199 : i32
    %dma_wait3A_1201 = arith.constant 150 : i32
    %dma_wait3A_1202 = arith.constant 0 : i32
    %dma_wait3A_1203 = tpu.memref_slice %arg7[%dma_wait3A_1201, %dma_wait3A_1202] : memref<400x64xf32, #tpu.memory_space<vmem>> -> memref<50x64xf32, #tpu.memory_space<vmem>>
    %dma_wait3A_1204 = arith.constant 0 : i32
    %dma_wait3A_1205 = arith.constant 0 : i32
    %dma_wait3A_1206 = tpu.memref_slice %arg4[%add3A_1200, %dma_wait3A_1204, %dma_wait3A_1205] : memref<16384x50x64xf32, #tpu.memory_space<hbm>> -> memref<1x50x64xf32, #tpu.memory_space<hbm>>
    %dma_wait3A_1207 = tpu.memref_squeeze %dma_wait3A_1206 : memref<1x50x64xf32, #tpu.memory_space<hbm>> -> memref<50x64xf32, #tpu.memory_space<hbm>>
    %dma_wait3A_1208 = arith.constant 0 : i32
    %dma_wait3A_1209 = arith.constant 0 : i32
    %dma_wait3A_1210 = tpu.memref_slice %arg4[%add3A_1200, %dma_wait3A_1208, %dma_wait3A_1209] : memref<16384x50x64xf32, #tpu.memory_space<hbm>> -> memref<1x50x64xf32, #tpu.memory_space<hbm>>
    %dma_wait3A_1211 = tpu.memref_squeeze %dma_wait3A_1210 : memref<1x50x64xf32, #tpu.memory_space<hbm>> -> memref<50x64xf32, #tpu.memory_space<hbm>>
    %dma_wait3A_1212 = arith.constant 150 : i32
    %dma_wait3A_1213 = arith.constant 0 : i32
    %dma_wait3A_1214 = tpu.memref_slice %arg7[%dma_wait3A_1212, %dma_wait3A_1213] : memref<400x64xf32, #tpu.memory_space<vmem>> -> memref<50x64xf32, #tpu.memory_space<vmem>>
    tpu.wait_dma2 semaphore(%arg15 : memref<!tpu.dma_semaphore, #tpu.memory_space<semaphore_mem>>) src(%dma_wait3A_1214 : memref<50x64xf32, #tpu.memory_space<vmem>>) dst(%dma_wait3A_1211 : memref<50x64xf32, #tpu.memory_space<hbm>>)
    %add3A_1215 = arith.constant 4 : i32
    %add3A_1216 = arith.addi %mul3A_4, %add3A_1215 : i32
    %dma_wait3A_1217 = arith.constant 200 : i32
    %dma_wait3A_1218 = arith.constant 0 : i32
    %dma_wait3A_1219 = tpu.memref_slice %arg7[%dma_wait3A_1217, %dma_wait3A_1218] : memref<400x64xf32, #tpu.memory_space<vmem>> -> memref<50x64xf32, #tpu.memory_space<vmem>>
    %dma_wait3A_1220 = arith.constant 0 : i32
    %dma_wait3A_1221 = arith.constant 0 : i32
    %dma_wait3A_1222 = tpu.memref_slice %arg4[%add3A_1216, %dma_wait3A_1220, %dma_wait3A_1221] : memref<16384x50x64xf32, #tpu.memory_space<hbm>> -> memref<1x50x64xf32, #tpu.memory_space<hbm>>
    %dma_wait3A_1223 = tpu.memref_squeeze %dma_wait3A_1222 : memref<1x50x64xf32, #tpu.memory_space<hbm>> -> memref<50x64xf32, #tpu.memory_space<hbm>>
    %dma_wait3A_1224 = arith.constant 0 : i32
    %dma_wait3A_1225 = arith.constant 0 : i32
    %dma_wait3A_1226 = tpu.memref_slice %arg4[%add3A_1216, %dma_wait3A_1224, %dma_wait3A_1225] : memref<16384x50x64xf32, #tpu.memory_space<hbm>> -> memref<1x50x64xf32, #tpu.memory_space<hbm>>
    %dma_wait3A_1227 = tpu.memref_squeeze %dma_wait3A_1226 : memref<1x50x64xf32, #tpu.memory_space<hbm>> -> memref<50x64xf32, #tpu.memory_space<hbm>>
    %dma_wait3A_1228 = arith.constant 200 : i32
    %dma_wait3A_1229 = arith.constant 0 : i32
    %dma_wait3A_1230 = tpu.memref_slice %arg7[%dma_wait3A_1228, %dma_wait3A_1229] : memref<400x64xf32, #tpu.memory_space<vmem>> -> memref<50x64xf32, #tpu.memory_space<vmem>>
    tpu.wait_dma2 semaphore(%arg15 : memref<!tpu.dma_semaphore, #tpu.memory_space<semaphore_mem>>) src(%dma_wait3A_1230 : memref<50x64xf32, #tpu.memory_space<vmem>>) dst(%dma_wait3A_1227 : memref<50x64xf32, #tpu.memory_space<hbm>>)
    %add3A_1231 = arith.constant 5 : i32
    %add3A_1232 = arith.addi %mul3A_4, %add3A_1231 : i32
    %dma_wait3A_1233 = arith.constant 250 : i32
    %dma_wait3A_1234 = arith.constant 0 : i32
    %dma_wait3A_1235 = tpu.memref_slice %arg7[%dma_wait3A_1233, %dma_wait3A_1234] : memref<400x64xf32, #tpu.memory_space<vmem>> -> memref<50x64xf32, #tpu.memory_space<vmem>>
    %dma_wait3A_1236 = arith.constant 0 : i32
    %dma_wait3A_1237 = arith.constant 0 : i32
    %dma_wait3A_1238 = tpu.memref_slice %arg4[%add3A_1232, %dma_wait3A_1236, %dma_wait3A_1237] : memref<16384x50x64xf32, #tpu.memory_space<hbm>> -> memref<1x50x64xf32, #tpu.memory_space<hbm>>
    %dma_wait3A_1239 = tpu.memref_squeeze %dma_wait3A_1238 : memref<1x50x64xf32, #tpu.memory_space<hbm>> -> memref<50x64xf32, #tpu.memory_space<hbm>>
    %dma_wait3A_1240 = arith.constant 0 : i32
    %dma_wait3A_1241 = arith.constant 0 : i32
    %dma_wait3A_1242 = tpu.memref_slice %arg4[%add3A_1232, %dma_wait3A_1240, %dma_wait3A_1241] : memref<16384x50x64xf32, #tpu.memory_space<hbm>> -> memref<1x50x64xf32, #tpu.memory_space<hbm>>
    %dma_wait3A_1243 = tpu.memref_squeeze %dma_wait3A_1242 : memref<1x50x64xf32, #tpu.memory_space<hbm>> -> memref<50x64xf32, #tpu.memory_space<hbm>>
    %dma_wait3A_1244 = arith.constant 250 : i32
    %dma_wait3A_1245 = arith.constant 0 : i32
    %dma_wait3A_1246 = tpu.memref_slice %arg7[%dma_wait3A_1244, %dma_wait3A_1245] : memref<400x64xf32, #tpu.memory_space<vmem>> -> memref<50x64xf32, #tpu.memory_space<vmem>>
    tpu.wait_dma2 semaphore(%arg15 : memref<!tpu.dma_semaphore, #tpu.memory_space<semaphore_mem>>) src(%dma_wait3A_1246 : memref<50x64xf32, #tpu.memory_space<vmem>>) dst(%dma_wait3A_1243 : memref<50x64xf32, #tpu.memory_space<hbm>>)
    %add3A_1247 = arith.constant 6 : i32
    %add3A_1248 = arith.addi %mul3A_4, %add3A_1247 : i32
    %dma_wait3A_1249 = arith.constant 300 : i32
    %dma_wait3A_1250 = arith.constant 0 : i32
    %dma_wait3A_1251 = tpu.memref_slice %arg7[%dma_wait3A_1249, %dma_wait3A_1250] : memref<400x64xf32, #tpu.memory_space<vmem>> -> memref<50x64xf32, #tpu.memory_space<vmem>>
    %dma_wait3A_1252 = arith.constant 0 : i32
    %dma_wait3A_1253 = arith.constant 0 : i32
    %dma_wait3A_1254 = tpu.memref_slice %arg4[%add3A_1248, %dma_wait3A_1252, %dma_wait3A_1253] : memref<16384x50x64xf32, #tpu.memory_space<hbm>> -> memref<1x50x64xf32, #tpu.memory_space<hbm>>
    %dma_wait3A_1255 = tpu.memref_squeeze %dma_wait3A_1254 : memref<1x50x64xf32, #tpu.memory_space<hbm>> -> memref<50x64xf32, #tpu.memory_space<hbm>>
    %dma_wait3A_1256 = arith.constant 0 : i32
    %dma_wait3A_1257 = arith.constant 0 : i32
    %dma_wait3A_1258 = tpu.memref_slice %arg4[%add3A_1248, %dma_wait3A_1256, %dma_wait3A_1257] : memref<16384x50x64xf32, #tpu.memory_space<hbm>> -> memref<1x50x64xf32, #tpu.memory_space<hbm>>
    %dma_wait3A_1259 = tpu.memref_squeeze %dma_wait3A_1258 : memref<1x50x64xf32, #tpu.memory_space<hbm>> -> memref<50x64xf32, #tpu.memory_space<hbm>>
    %dma_wait3A_1260 = arith.constant 300 : i32
    %dma_wait3A_1261 = arith.constant 0 : i32
    %dma_wait3A_1262 = tpu.memref_slice %arg7[%dma_wait3A_1260, %dma_wait3A_1261] : memref<400x64xf32, #tpu.memory_space<vmem>> -> memref<50x64xf32, #tpu.memory_space<vmem>>
    tpu.wait_dma2 semaphore(%arg15 : memref<!tpu.dma_semaphore, #tpu.memory_space<semaphore_mem>>) src(%dma_wait3A_1262 : memref<50x64xf32, #tpu.memory_space<vmem>>) dst(%dma_wait3A_1259 : memref<50x64xf32, #tpu.memory_space<hbm>>)
    %add3A_1263 = arith.constant 7 : i32
    %add3A_1264 = arith.addi %mul3A_4, %add3A_1263 : i32
    %dma_wait3A_1265 = arith.constant 350 : i32
    %dma_wait3A_1266 = arith.constant 0 : i32
    %dma_wait3A_1267 = tpu.memref_slice %arg7[%dma_wait3A_1265, %dma_wait3A_1266] : memref<400x64xf32, #tpu.memory_space<vmem>> -> memref<50x64xf32, #tpu.memory_space<vmem>>
    %dma_wait3A_1268 = arith.constant 0 : i32
    %dma_wait3A_1269 = arith.constant 0 : i32
    %dma_wait3A_1270 = tpu.memref_slice %arg4[%add3A_1264, %dma_wait3A_1268, %dma_wait3A_1269] : memref<16384x50x64xf32, #tpu.memory_space<hbm>> -> memref<1x50x64xf32, #tpu.memory_space<hbm>>
    %dma_wait3A_1271 = tpu.memref_squeeze %dma_wait3A_1270 : memref<1x50x64xf32, #tpu.memory_space<hbm>> -> memref<50x64xf32, #tpu.memory_space<hbm>>
    %dma_wait3A_1272 = arith.constant 0 : i32
    %dma_wait3A_1273 = arith.constant 0 : i32
    %dma_wait3A_1274 = tpu.memref_slice %arg4[%add3A_1264, %dma_wait3A_1272, %dma_wait3A_1273] : memref<16384x50x64xf32, #tpu.memory_space<hbm>> -> memref<1x50x64xf32, #tpu.memory_space<hbm>>
    %dma_wait3A_1275 = tpu.memref_squeeze %dma_wait3A_1274 : memref<1x50x64xf32, #tpu.memory_space<hbm>> -> memref<50x64xf32, #tpu.memory_space<hbm>>
    %dma_wait3A_1276 = arith.constant 350 : i32
    %dma_wait3A_1277 = arith.constant 0 : i32
    %dma_wait3A_1278 = tpu.memref_slice %arg7[%dma_wait3A_1276, %dma_wait3A_1277] : memref<400x64xf32, #tpu.memory_space<vmem>> -> memref<50x64xf32, #tpu.memory_space<vmem>>
    tpu.wait_dma2 semaphore(%arg15 : memref<!tpu.dma_semaphore, #tpu.memory_space<semaphore_mem>>) src(%dma_wait3A_1278 : memref<50x64xf32, #tpu.memory_space<vmem>>) dst(%dma_wait3A_1275 : memref<50x64xf32, #tpu.memory_space<hbm>>)
    %add3A_1279 = arith.constant 0 : i32
    %add3A_1280 = arith.addi %mul3A_4, %add3A_1279 : i32
    %dma_wait3A_1281 = arith.constant 0 : i32
    %dma_wait3A_1282 = arith.constant 0 : i32
    %dma_wait3A_1283 = tpu.memref_slice %arg8[%dma_wait3A_1281, %dma_wait3A_1282] : memref<400x64xf32, #tpu.memory_space<vmem>> -> memref<50x64xf32, #tpu.memory_space<vmem>>
    %dma_wait3A_1284 = arith.constant 0 : i32
    %dma_wait3A_1285 = arith.constant 0 : i32
    %dma_wait3A_1286 = tpu.memref_slice %arg4[%add3A_1280, %dma_wait3A_1284, %dma_wait3A_1285] : memref<16384x50x64xf32, #tpu.memory_space<hbm>> -> memref<1x50x64xf32, #tpu.memory_space<hbm>>
    %dma_wait3A_1287 = tpu.memref_squeeze %dma_wait3A_1286 : memref<1x50x64xf32, #tpu.memory_space<hbm>> -> memref<50x64xf32, #tpu.memory_space<hbm>>
    %dma_wait3A_1288 = arith.constant 0 : i32
    %dma_wait3A_1289 = arith.constant 0 : i32
    %dma_wait3A_1290 = tpu.memref_slice %arg4[%add3A_1280, %dma_wait3A_1288, %dma_wait3A_1289] : memref<16384x50x64xf32, #tpu.memory_space<hbm>> -> memref<1x50x64xf32, #tpu.memory_space<hbm>>
    %dma_wait3A_1291 = tpu.memref_squeeze %dma_wait3A_1290 : memref<1x50x64xf32, #tpu.memory_space<hbm>> -> memref<50x64xf32, #tpu.memory_space<hbm>>
    %dma_wait3A_1292 = arith.constant 0 : i32
    %dma_wait3A_1293 = arith.constant 0 : i32
    %dma_wait3A_1294 = tpu.memref_slice %arg8[%dma_wait3A_1292, %dma_wait3A_1293] : memref<400x64xf32, #tpu.memory_space<vmem>> -> memref<50x64xf32, #tpu.memory_space<vmem>>
    tpu.wait_dma2 semaphore(%arg16 : memref<!tpu.dma_semaphore, #tpu.memory_space<semaphore_mem>>) src(%dma_wait3A_1294 : memref<50x64xf32, #tpu.memory_space<vmem>>) dst(%dma_wait3A_1291 : memref<50x64xf32, #tpu.memory_space<hbm>>)
    %add3A_1295 = arith.constant 1 : i32
    %add3A_1296 = arith.addi %mul3A_4, %add3A_1295 : i32
    %dma_wait3A_1297 = arith.constant 50 : i32
    %dma_wait3A_1298 = arith.constant 0 : i32
    %dma_wait3A_1299 = tpu.memref_slice %arg8[%dma_wait3A_1297, %dma_wait3A_1298] : memref<400x64xf32, #tpu.memory_space<vmem>> -> memref<50x64xf32, #tpu.memory_space<vmem>>
    %dma_wait3A_1300 = arith.constant 0 : i32
    %dma_wait3A_1301 = arith.constant 0 : i32
    %dma_wait3A_1302 = tpu.memref_slice %arg4[%add3A_1296, %dma_wait3A_1300, %dma_wait3A_1301] : memref<16384x50x64xf32, #tpu.memory_space<hbm>> -> memref<1x50x64xf32, #tpu.memory_space<hbm>>
    %dma_wait3A_1303 = tpu.memref_squeeze %dma_wait3A_1302 : memref<1x50x64xf32, #tpu.memory_space<hbm>> -> memref<50x64xf32, #tpu.memory_space<hbm>>
    %dma_wait3A_1304 = arith.constant 0 : i32
    %dma_wait3A_1305 = arith.constant 0 : i32
    %dma_wait3A_1306 = tpu.memref_slice %arg4[%add3A_1296, %dma_wait3A_1304, %dma_wait3A_1305] : memref<16384x50x64xf32, #tpu.memory_space<hbm>> -> memref<1x50x64xf32, #tpu.memory_space<hbm>>
    %dma_wait3A_1307 = tpu.memref_squeeze %dma_wait3A_1306 : memref<1x50x64xf32, #tpu.memory_space<hbm>> -> memref<50x64xf32, #tpu.memory_space<hbm>>
    %dma_wait3A_1308 = arith.constant 50 : i32
    %dma_wait3A_1309 = arith.constant 0 : i32
    %dma_wait3A_1310 = tpu.memref_slice %arg8[%dma_wait3A_1308, %dma_wait3A_1309] : memref<400x64xf32, #tpu.memory_space<vmem>> -> memref<50x64xf32, #tpu.memory_space<vmem>>
    tpu.wait_dma2 semaphore(%arg16 : memref<!tpu.dma_semaphore, #tpu.memory_space<semaphore_mem>>) src(%dma_wait3A_1310 : memref<50x64xf32, #tpu.memory_space<vmem>>) dst(%dma_wait3A_1307 : memref<50x64xf32, #tpu.memory_space<hbm>>)
    %add3A_1311 = arith.constant 2 : i32
    %add3A_1312 = arith.addi %mul3A_4, %add3A_1311 : i32
    %dma_wait3A_1313 = arith.constant 100 : i32
    %dma_wait3A_1314 = arith.constant 0 : i32
    %dma_wait3A_1315 = tpu.memref_slice %arg8[%dma_wait3A_1313, %dma_wait3A_1314] : memref<400x64xf32, #tpu.memory_space<vmem>> -> memref<50x64xf32, #tpu.memory_space<vmem>>
    %dma_wait3A_1316 = arith.constant 0 : i32
    %dma_wait3A_1317 = arith.constant 0 : i32
    %dma_wait3A_1318 = tpu.memref_slice %arg4[%add3A_1312, %dma_wait3A_1316, %dma_wait3A_1317] : memref<16384x50x64xf32, #tpu.memory_space<hbm>> -> memref<1x50x64xf32, #tpu.memory_space<hbm>>
    %dma_wait3A_1319 = tpu.memref_squeeze %dma_wait3A_1318 : memref<1x50x64xf32, #tpu.memory_space<hbm>> -> memref<50x64xf32, #tpu.memory_space<hbm>>
    %dma_wait3A_1320 = arith.constant 0 : i32
    %dma_wait3A_1321 = arith.constant 0 : i32
    %dma_wait3A_1322 = tpu.memref_slice %arg4[%add3A_1312, %dma_wait3A_1320, %dma_wait3A_1321] : memref<16384x50x64xf32, #tpu.memory_space<hbm>> -> memref<1x50x64xf32, #tpu.memory_space<hbm>>
    %dma_wait3A_1323 = tpu.memref_squeeze %dma_wait3A_1322 : memref<1x50x64xf32, #tpu.memory_space<hbm>> -> memref<50x64xf32, #tpu.memory_space<hbm>>
    %dma_wait3A_1324 = arith.constant 100 : i32
    %dma_wait3A_1325 = arith.constant 0 : i32
    %dma_wait3A_1326 = tpu.memref_slice %arg8[%dma_wait3A_1324, %dma_wait3A_1325] : memref<400x64xf32, #tpu.memory_space<vmem>> -> memref<50x64xf32, #tpu.memory_space<vmem>>
    tpu.wait_dma2 semaphore(%arg16 : memref<!tpu.dma_semaphore, #tpu.memory_space<semaphore_mem>>) src(%dma_wait3A_1326 : memref<50x64xf32, #tpu.memory_space<vmem>>) dst(%dma_wait3A_1323 : memref<50x64xf32, #tpu.memory_space<hbm>>)
    %add3A_1327 = arith.constant 3 : i32
    %add3A_1328 = arith.addi %mul3A_4, %add3A_1327 : i32
    %dma_wait3A_1329 = arith.constant 150 : i32
    %dma_wait3A_1330 = arith.constant 0 : i32
    %dma_wait3A_1331 = tpu.memref_slice %arg8[%dma_wait3A_1329, %dma_wait3A_1330] : memref<400x64xf32, #tpu.memory_space<vmem>> -> memref<50x64xf32, #tpu.memory_space<vmem>>
    %dma_wait3A_1332 = arith.constant 0 : i32
    %dma_wait3A_1333 = arith.constant 0 : i32
    %dma_wait3A_1334 = tpu.memref_slice %arg4[%add3A_1328, %dma_wait3A_1332, %dma_wait3A_1333] : memref<16384x50x64xf32, #tpu.memory_space<hbm>> -> memref<1x50x64xf32, #tpu.memory_space<hbm>>
    %dma_wait3A_1335 = tpu.memref_squeeze %dma_wait3A_1334 : memref<1x50x64xf32, #tpu.memory_space<hbm>> -> memref<50x64xf32, #tpu.memory_space<hbm>>
    %dma_wait3A_1336 = arith.constant 0 : i32
    %dma_wait3A_1337 = arith.constant 0 : i32
    %dma_wait3A_1338 = tpu.memref_slice %arg4[%add3A_1328, %dma_wait3A_1336, %dma_wait3A_1337] : memref<16384x50x64xf32, #tpu.memory_space<hbm>> -> memref<1x50x64xf32, #tpu.memory_space<hbm>>
    %dma_wait3A_1339 = tpu.memref_squeeze %dma_wait3A_1338 : memref<1x50x64xf32, #tpu.memory_space<hbm>> -> memref<50x64xf32, #tpu.memory_space<hbm>>
    %dma_wait3A_1340 = arith.constant 150 : i32
    %dma_wait3A_1341 = arith.constant 0 : i32
    %dma_wait3A_1342 = tpu.memref_slice %arg8[%dma_wait3A_1340, %dma_wait3A_1341] : memref<400x64xf32, #tpu.memory_space<vmem>> -> memref<50x64xf32, #tpu.memory_space<vmem>>
    tpu.wait_dma2 semaphore(%arg16 : memref<!tpu.dma_semaphore, #tpu.memory_space<semaphore_mem>>) src(%dma_wait3A_1342 : memref<50x64xf32, #tpu.memory_space<vmem>>) dst(%dma_wait3A_1339 : memref<50x64xf32, #tpu.memory_space<hbm>>)
    %add3A_1343 = arith.constant 4 : i32
    %add3A_1344 = arith.addi %mul3A_4, %add3A_1343 : i32
    %dma_wait3A_1345 = arith.constant 200 : i32
    %dma_wait3A_1346 = arith.constant 0 : i32
    %dma_wait3A_1347 = tpu.memref_slice %arg8[%dma_wait3A_1345, %dma_wait3A_1346] : memref<400x64xf32, #tpu.memory_space<vmem>> -> memref<50x64xf32, #tpu.memory_space<vmem>>
    %dma_wait3A_1348 = arith.constant 0 : i32
    %dma_wait3A_1349 = arith.constant 0 : i32
    %dma_wait3A_1350 = tpu.memref_slice %arg4[%add3A_1344, %dma_wait3A_1348, %dma_wait3A_1349] : memref<16384x50x64xf32, #tpu.memory_space<hbm>> -> memref<1x50x64xf32, #tpu.memory_space<hbm>>
    %dma_wait3A_1351 = tpu.memref_squeeze %dma_wait3A_1350 : memref<1x50x64xf32, #tpu.memory_space<hbm>> -> memref<50x64xf32, #tpu.memory_space<hbm>>
    %dma_wait3A_1352 = arith.constant 0 : i32
    %dma_wait3A_1353 = arith.constant 0 : i32
    %dma_wait3A_1354 = tpu.memref_slice %arg4[%add3A_1344, %dma_wait3A_1352, %dma_wait3A_1353] : memref<16384x50x64xf32, #tpu.memory_space<hbm>> -> memref<1x50x64xf32, #tpu.memory_space<hbm>>
    %dma_wait3A_1355 = tpu.memref_squeeze %dma_wait3A_1354 : memref<1x50x64xf32, #tpu.memory_space<hbm>> -> memref<50x64xf32, #tpu.memory_space<hbm>>
    %dma_wait3A_1356 = arith.constant 200 : i32
    %dma_wait3A_1357 = arith.constant 0 : i32
    %dma_wait3A_1358 = tpu.memref_slice %arg8[%dma_wait3A_1356, %dma_wait3A_1357] : memref<400x64xf32, #tpu.memory_space<vmem>> -> memref<50x64xf32, #tpu.memory_space<vmem>>
    tpu.wait_dma2 semaphore(%arg16 : memref<!tpu.dma_semaphore, #tpu.memory_space<semaphore_mem>>) src(%dma_wait3A_1358 : memref<50x64xf32, #tpu.memory_space<vmem>>) dst(%dma_wait3A_1355 : memref<50x64xf32, #tpu.memory_space<hbm>>)
    %add3A_1359 = arith.constant 5 : i32
    %add3A_1360 = arith.addi %mul3A_4, %add3A_1359 : i32
    %dma_wait3A_1361 = arith.constant 250 : i32
    %dma_wait3A_1362 = arith.constant 0 : i32
    %dma_wait3A_1363 = tpu.memref_slice %arg8[%dma_wait3A_1361, %dma_wait3A_1362] : memref<400x64xf32, #tpu.memory_space<vmem>> -> memref<50x64xf32, #tpu.memory_space<vmem>>
    %dma_wait3A_1364 = arith.constant 0 : i32
    %dma_wait3A_1365 = arith.constant 0 : i32
    %dma_wait3A_1366 = tpu.memref_slice %arg4[%add3A_1360, %dma_wait3A_1364, %dma_wait3A_1365] : memref<16384x50x64xf32, #tpu.memory_space<hbm>> -> memref<1x50x64xf32, #tpu.memory_space<hbm>>
    %dma_wait3A_1367 = tpu.memref_squeeze %dma_wait3A_1366 : memref<1x50x64xf32, #tpu.memory_space<hbm>> -> memref<50x64xf32, #tpu.memory_space<hbm>>
    %dma_wait3A_1368 = arith.constant 0 : i32
    %dma_wait3A_1369 = arith.constant 0 : i32
    %dma_wait3A_1370 = tpu.memref_slice %arg4[%add3A_1360, %dma_wait3A_1368, %dma_wait3A_1369] : memref<16384x50x64xf32, #tpu.memory_space<hbm>> -> memref<1x50x64xf32, #tpu.memory_space<hbm>>
    %dma_wait3A_1371 = tpu.memref_squeeze %dma_wait3A_1370 : memref<1x50x64xf32, #tpu.memory_space<hbm>> -> memref<50x64xf32, #tpu.memory_space<hbm>>
    %dma_wait3A_1372 = arith.constant 250 : i32
    %dma_wait3A_1373 = arith.constant 0 : i32
    %dma_wait3A_1374 = tpu.memref_slice %arg8[%dma_wait3A_1372, %dma_wait3A_1373] : memref<400x64xf32, #tpu.memory_space<vmem>> -> memref<50x64xf32, #tpu.memory_space<vmem>>
    tpu.wait_dma2 semaphore(%arg16 : memref<!tpu.dma_semaphore, #tpu.memory_space<semaphore_mem>>) src(%dma_wait3A_1374 : memref<50x64xf32, #tpu.memory_space<vmem>>) dst(%dma_wait3A_1371 : memref<50x64xf32, #tpu.memory_space<hbm>>)
    %add3A_1375 = arith.constant 6 : i32
    %add3A_1376 = arith.addi %mul3A_4, %add3A_1375 : i32
    %dma_wait3A_1377 = arith.constant 300 : i32
    %dma_wait3A_1378 = arith.constant 0 : i32
    %dma_wait3A_1379 = tpu.memref_slice %arg8[%dma_wait3A_1377, %dma_wait3A_1378] : memref<400x64xf32, #tpu.memory_space<vmem>> -> memref<50x64xf32, #tpu.memory_space<vmem>>
    %dma_wait3A_1380 = arith.constant 0 : i32
    %dma_wait3A_1381 = arith.constant 0 : i32
    %dma_wait3A_1382 = tpu.memref_slice %arg4[%add3A_1376, %dma_wait3A_1380, %dma_wait3A_1381] : memref<16384x50x64xf32, #tpu.memory_space<hbm>> -> memref<1x50x64xf32, #tpu.memory_space<hbm>>
    %dma_wait3A_1383 = tpu.memref_squeeze %dma_wait3A_1382 : memref<1x50x64xf32, #tpu.memory_space<hbm>> -> memref<50x64xf32, #tpu.memory_space<hbm>>
    %dma_wait3A_1384 = arith.constant 0 : i32
    %dma_wait3A_1385 = arith.constant 0 : i32
    %dma_wait3A_1386 = tpu.memref_slice %arg4[%add3A_1376, %dma_wait3A_1384, %dma_wait3A_1385] : memref<16384x50x64xf32, #tpu.memory_space<hbm>> -> memref<1x50x64xf32, #tpu.memory_space<hbm>>
    %dma_wait3A_1387 = tpu.memref_squeeze %dma_wait3A_1386 : memref<1x50x64xf32, #tpu.memory_space<hbm>> -> memref<50x64xf32, #tpu.memory_space<hbm>>
    %dma_wait3A_1388 = arith.constant 300 : i32
    %dma_wait3A_1389 = arith.constant 0 : i32
    %dma_wait3A_1390 = tpu.memref_slice %arg8[%dma_wait3A_1388, %dma_wait3A_1389] : memref<400x64xf32, #tpu.memory_space<vmem>> -> memref<50x64xf32, #tpu.memory_space<vmem>>
    tpu.wait_dma2 semaphore(%arg16 : memref<!tpu.dma_semaphore, #tpu.memory_space<semaphore_mem>>) src(%dma_wait3A_1390 : memref<50x64xf32, #tpu.memory_space<vmem>>) dst(%dma_wait3A_1387 : memref<50x64xf32, #tpu.memory_space<hbm>>)
    %add3A_1391 = arith.constant 7 : i32
    %add3A_1392 = arith.addi %mul3A_4, %add3A_1391 : i32
    %dma_wait3A_1393 = arith.constant 350 : i32
    %dma_wait3A_1394 = arith.constant 0 : i32
    %dma_wait3A_1395 = tpu.memref_slice %arg8[%dma_wait3A_1393, %dma_wait3A_1394] : memref<400x64xf32, #tpu.memory_space<vmem>> -> memref<50x64xf32, #tpu.memory_space<vmem>>
    %dma_wait3A_1396 = arith.constant 0 : i32
    %dma_wait3A_1397 = arith.constant 0 : i32
    %dma_wait3A_1398 = tpu.memref_slice %arg4[%add3A_1392, %dma_wait3A_1396, %dma_wait3A_1397] : memref<16384x50x64xf32, #tpu.memory_space<hbm>> -> memref<1x50x64xf32, #tpu.memory_space<hbm>>
    %dma_wait3A_1399 = tpu.memref_squeeze %dma_wait3A_1398 : memref<1x50x64xf32, #tpu.memory_space<hbm>> -> memref<50x64xf32, #tpu.memory_space<hbm>>
    %dma_wait3A_1400 = arith.constant 0 : i32
    %dma_wait3A_1401 = arith.constant 0 : i32
    %dma_wait3A_1402 = tpu.memref_slice %arg4[%add3A_1392, %dma_wait3A_1400, %dma_wait3A_1401] : memref<16384x50x64xf32, #tpu.memory_space<hbm>> -> memref<1x50x64xf32, #tpu.memory_space<hbm>>
    %dma_wait3A_1403 = tpu.memref_squeeze %dma_wait3A_1402 : memref<1x50x64xf32, #tpu.memory_space<hbm>> -> memref<50x64xf32, #tpu.memory_space<hbm>>
    %dma_wait3A_1404 = arith.constant 350 : i32
    %dma_wait3A_1405 = arith.constant 0 : i32
    %dma_wait3A_1406 = tpu.memref_slice %arg8[%dma_wait3A_1404, %dma_wait3A_1405] : memref<400x64xf32, #tpu.memory_space<vmem>> -> memref<50x64xf32, #tpu.memory_space<vmem>>
    tpu.wait_dma2 semaphore(%arg16 : memref<!tpu.dma_semaphore, #tpu.memory_space<semaphore_mem>>) src(%dma_wait3A_1406 : memref<50x64xf32, #tpu.memory_space<vmem>>) dst(%dma_wait3A_1403 : memref<50x64xf32, #tpu.memory_space<hbm>>)
    %add3A_1407 = arith.constant 0 : i32
    %add3A_1408 = arith.addi %mul3A_4, %add3A_1407 : i32
    %dma_wait3A_1409 = arith.constant 0 : i32
    %dma_wait3A_1410 = arith.constant 0 : i32
    %dma_wait3A_1411 = tpu.memref_slice %arg9[%dma_wait3A_1409, %dma_wait3A_1410] : memref<400x64xf32, #tpu.memory_space<vmem>> -> memref<50x64xf32, #tpu.memory_space<vmem>>
    %dma_wait3A_1412 = arith.constant 0 : i32
    %dma_wait3A_1413 = arith.constant 0 : i32
    %dma_wait3A_1414 = tpu.memref_slice %arg4[%add3A_1408, %dma_wait3A_1412, %dma_wait3A_1413] : memref<16384x50x64xf32, #tpu.memory_space<hbm>> -> memref<1x50x64xf32, #tpu.memory_space<hbm>>
    %dma_wait3A_1415 = tpu.memref_squeeze %dma_wait3A_1414 : memref<1x50x64xf32, #tpu.memory_space<hbm>> -> memref<50x64xf32, #tpu.memory_space<hbm>>
    %dma_wait3A_1416 = arith.constant 0 : i32
    %dma_wait3A_1417 = arith.constant 0 : i32
    %dma_wait3A_1418 = tpu.memref_slice %arg4[%add3A_1408, %dma_wait3A_1416, %dma_wait3A_1417] : memref<16384x50x64xf32, #tpu.memory_space<hbm>> -> memref<1x50x64xf32, #tpu.memory_space<hbm>>
    %dma_wait3A_1419 = tpu.memref_squeeze %dma_wait3A_1418 : memref<1x50x64xf32, #tpu.memory_space<hbm>> -> memref<50x64xf32, #tpu.memory_space<hbm>>
    %dma_wait3A_1420 = arith.constant 0 : i32
    %dma_wait3A_1421 = arith.constant 0 : i32
    %dma_wait3A_1422 = tpu.memref_slice %arg9[%dma_wait3A_1420, %dma_wait3A_1421] : memref<400x64xf32, #tpu.memory_space<vmem>> -> memref<50x64xf32, #tpu.memory_space<vmem>>
    tpu.wait_dma2 semaphore(%arg17 : memref<!tpu.dma_semaphore, #tpu.memory_space<semaphore_mem>>) src(%dma_wait3A_1422 : memref<50x64xf32, #tpu.memory_space<vmem>>) dst(%dma_wait3A_1419 : memref<50x64xf32, #tpu.memory_space<hbm>>)
    %add3A_1423 = arith.constant 1 : i32
    %add3A_1424 = arith.addi %mul3A_4, %add3A_1423 : i32
    %dma_wait3A_1425 = arith.constant 50 : i32
    %dma_wait3A_1426 = arith.constant 0 : i32
    %dma_wait3A_1427 = tpu.memref_slice %arg9[%dma_wait3A_1425, %dma_wait3A_1426] : memref<400x64xf32, #tpu.memory_space<vmem>> -> memref<50x64xf32, #tpu.memory_space<vmem>>
    %dma_wait3A_1428 = arith.constant 0 : i32
    %dma_wait3A_1429 = arith.constant 0 : i32
    %dma_wait3A_1430 = tpu.memref_slice %arg4[%add3A_1424, %dma_wait3A_1428, %dma_wait3A_1429] : memref<16384x50x64xf32, #tpu.memory_space<hbm>> -> memref<1x50x64xf32, #tpu.memory_space<hbm>>
    %dma_wait3A_1431 = tpu.memref_squeeze %dma_wait3A_1430 : memref<1x50x64xf32, #tpu.memory_space<hbm>> -> memref<50x64xf32, #tpu.memory_space<hbm>>
    %dma_wait3A_1432 = arith.constant 0 : i32
    %dma_wait3A_1433 = arith.constant 0 : i32
    %dma_wait3A_1434 = tpu.memref_slice %arg4[%add3A_1424, %dma_wait3A_1432, %dma_wait3A_1433] : memref<16384x50x64xf32, #tpu.memory_space<hbm>> -> memref<1x50x64xf32, #tpu.memory_space<hbm>>
    %dma_wait3A_1435 = tpu.memref_squeeze %dma_wait3A_1434 : memref<1x50x64xf32, #tpu.memory_space<hbm>> -> memref<50x64xf32, #tpu.memory_space<hbm>>
    %dma_wait3A_1436 = arith.constant 50 : i32
    %dma_wait3A_1437 = arith.constant 0 : i32
    %dma_wait3A_1438 = tpu.memref_slice %arg9[%dma_wait3A_1436, %dma_wait3A_1437] : memref<400x64xf32, #tpu.memory_space<vmem>> -> memref<50x64xf32, #tpu.memory_space<vmem>>
    tpu.wait_dma2 semaphore(%arg17 : memref<!tpu.dma_semaphore, #tpu.memory_space<semaphore_mem>>) src(%dma_wait3A_1438 : memref<50x64xf32, #tpu.memory_space<vmem>>) dst(%dma_wait3A_1435 : memref<50x64xf32, #tpu.memory_space<hbm>>)
    %add3A_1439 = arith.constant 2 : i32
    %add3A_1440 = arith.addi %mul3A_4, %add3A_1439 : i32
    %dma_wait3A_1441 = arith.constant 100 : i32
    %dma_wait3A_1442 = arith.constant 0 : i32
    %dma_wait3A_1443 = tpu.memref_slice %arg9[%dma_wait3A_1441, %dma_wait3A_1442] : memref<400x64xf32, #tpu.memory_space<vmem>> -> memref<50x64xf32, #tpu.memory_space<vmem>>
    %dma_wait3A_1444 = arith.constant 0 : i32
    %dma_wait3A_1445 = arith.constant 0 : i32
    %dma_wait3A_1446 = tpu.memref_slice %arg4[%add3A_1440, %dma_wait3A_1444, %dma_wait3A_1445] : memref<16384x50x64xf32, #tpu.memory_space<hbm>> -> memref<1x50x64xf32, #tpu.memory_space<hbm>>
    %dma_wait3A_1447 = tpu.memref_squeeze %dma_wait3A_1446 : memref<1x50x64xf32, #tpu.memory_space<hbm>> -> memref<50x64xf32, #tpu.memory_space<hbm>>
    %dma_wait3A_1448 = arith.constant 0 : i32
    %dma_wait3A_1449 = arith.constant 0 : i32
    %dma_wait3A_1450 = tpu.memref_slice %arg4[%add3A_1440, %dma_wait3A_1448, %dma_wait3A_1449] : memref<16384x50x64xf32, #tpu.memory_space<hbm>> -> memref<1x50x64xf32, #tpu.memory_space<hbm>>
    %dma_wait3A_1451 = tpu.memref_squeeze %dma_wait3A_1450 : memref<1x50x64xf32, #tpu.memory_space<hbm>> -> memref<50x64xf32, #tpu.memory_space<hbm>>
    %dma_wait3A_1452 = arith.constant 100 : i32
    %dma_wait3A_1453 = arith.constant 0 : i32
    %dma_wait3A_1454 = tpu.memref_slice %arg9[%dma_wait3A_1452, %dma_wait3A_1453] : memref<400x64xf32, #tpu.memory_space<vmem>> -> memref<50x64xf32, #tpu.memory_space<vmem>>
    tpu.wait_dma2 semaphore(%arg17 : memref<!tpu.dma_semaphore, #tpu.memory_space<semaphore_mem>>) src(%dma_wait3A_1454 : memref<50x64xf32, #tpu.memory_space<vmem>>) dst(%dma_wait3A_1451 : memref<50x64xf32, #tpu.memory_space<hbm>>)
    %add3A_1455 = arith.constant 3 : i32
    %add3A_1456 = arith.addi %mul3A_4, %add3A_1455 : i32
    %dma_wait3A_1457 = arith.constant 150 : i32
    %dma_wait3A_1458 = arith.constant 0 : i32
    %dma_wait3A_1459 = tpu.memref_slice %arg9[%dma_wait3A_1457, %dma_wait3A_1458] : memref<400x64xf32, #tpu.memory_space<vmem>> -> memref<50x64xf32, #tpu.memory_space<vmem>>
    %dma_wait3A_1460 = arith.constant 0 : i32
    %dma_wait3A_1461 = arith.constant 0 : i32
    %dma_wait3A_1462 = tpu.memref_slice %arg4[%add3A_1456, %dma_wait3A_1460, %dma_wait3A_1461] : memref<16384x50x64xf32, #tpu.memory_space<hbm>> -> memref<1x50x64xf32, #tpu.memory_space<hbm>>
    %dma_wait3A_1463 = tpu.memref_squeeze %dma_wait3A_1462 : memref<1x50x64xf32, #tpu.memory_space<hbm>> -> memref<50x64xf32, #tpu.memory_space<hbm>>
    %dma_wait3A_1464 = arith.constant 0 : i32
    %dma_wait3A_1465 = arith.constant 0 : i32
    %dma_wait3A_1466 = tpu.memref_slice %arg4[%add3A_1456, %dma_wait3A_1464, %dma_wait3A_1465] : memref<16384x50x64xf32, #tpu.memory_space<hbm>> -> memref<1x50x64xf32, #tpu.memory_space<hbm>>
    %dma_wait3A_1467 = tpu.memref_squeeze %dma_wait3A_1466 : memref<1x50x64xf32, #tpu.memory_space<hbm>> -> memref<50x64xf32, #tpu.memory_space<hbm>>
    %dma_wait3A_1468 = arith.constant 150 : i32
    %dma_wait3A_1469 = arith.constant 0 : i32
    %dma_wait3A_1470 = tpu.memref_slice %arg9[%dma_wait3A_1468, %dma_wait3A_1469] : memref<400x64xf32, #tpu.memory_space<vmem>> -> memref<50x64xf32, #tpu.memory_space<vmem>>
    tpu.wait_dma2 semaphore(%arg17 : memref<!tpu.dma_semaphore, #tpu.memory_space<semaphore_mem>>) src(%dma_wait3A_1470 : memref<50x64xf32, #tpu.memory_space<vmem>>) dst(%dma_wait3A_1467 : memref<50x64xf32, #tpu.memory_space<hbm>>)
    %add3A_1471 = arith.constant 4 : i32
    %add3A_1472 = arith.addi %mul3A_4, %add3A_1471 : i32
    %dma_wait3A_1473 = arith.constant 200 : i32
    %dma_wait3A_1474 = arith.constant 0 : i32
    %dma_wait3A_1475 = tpu.memref_slice %arg9[%dma_wait3A_1473, %dma_wait3A_1474] : memref<400x64xf32, #tpu.memory_space<vmem>> -> memref<50x64xf32, #tpu.memory_space<vmem>>
    %dma_wait3A_1476 = arith.constant 0 : i32
    %dma_wait3A_1477 = arith.constant 0 : i32
    %dma_wait3A_1478 = tpu.memref_slice %arg4[%add3A_1472, %dma_wait3A_1476, %dma_wait3A_1477] : memref<16384x50x64xf32, #tpu.memory_space<hbm>> -> memref<1x50x64xf32, #tpu.memory_space<hbm>>
    %dma_wait3A_1479 = tpu.memref_squeeze %dma_wait3A_1478 : memref<1x50x64xf32, #tpu.memory_space<hbm>> -> memref<50x64xf32, #tpu.memory_space<hbm>>
    %dma_wait3A_1480 = arith.constant 0 : i32
    %dma_wait3A_1481 = arith.constant 0 : i32
    %dma_wait3A_1482 = tpu.memref_slice %arg4[%add3A_1472, %dma_wait3A_1480, %dma_wait3A_1481] : memref<16384x50x64xf32, #tpu.memory_space<hbm>> -> memref<1x50x64xf32, #tpu.memory_space<hbm>>
    %dma_wait3A_1483 = tpu.memref_squeeze %dma_wait3A_1482 : memref<1x50x64xf32, #tpu.memory_space<hbm>> -> memref<50x64xf32, #tpu.memory_space<hbm>>
    %dma_wait3A_1484 = arith.constant 200 : i32
    %dma_wait3A_1485 = arith.constant 0 : i32
    %dma_wait3A_1486 = tpu.memref_slice %arg9[%dma_wait3A_1484, %dma_wait3A_1485] : memref<400x64xf32, #tpu.memory_space<vmem>> -> memref<50x64xf32, #tpu.memory_space<vmem>>
    tpu.wait_dma2 semaphore(%arg17 : memref<!tpu.dma_semaphore, #tpu.memory_space<semaphore_mem>>) src(%dma_wait3A_1486 : memref<50x64xf32, #tpu.memory_space<vmem>>) dst(%dma_wait3A_1483 : memref<50x64xf32, #tpu.memory_space<hbm>>)
    %add3A_1487 = arith.constant 5 : i32
    %add3A_1488 = arith.addi %mul3A_4, %add3A_1487 : i32
    %dma_wait3A_1489 = arith.constant 250 : i32
    %dma_wait3A_1490 = arith.constant 0 : i32
    %dma_wait3A_1491 = tpu.memref_slice %arg9[%dma_wait3A_1489, %dma_wait3A_1490] : memref<400x64xf32, #tpu.memory_space<vmem>> -> memref<50x64xf32, #tpu.memory_space<vmem>>
    %dma_wait3A_1492 = arith.constant 0 : i32
    %dma_wait3A_1493 = arith.constant 0 : i32
    %dma_wait3A_1494 = tpu.memref_slice %arg4[%add3A_1488, %dma_wait3A_1492, %dma_wait3A_1493] : memref<16384x50x64xf32, #tpu.memory_space<hbm>> -> memref<1x50x64xf32, #tpu.memory_space<hbm>>
    %dma_wait3A_1495 = tpu.memref_squeeze %dma_wait3A_1494 : memref<1x50x64xf32, #tpu.memory_space<hbm>> -> memref<50x64xf32, #tpu.memory_space<hbm>>
    %dma_wait3A_1496 = arith.constant 0 : i32
    %dma_wait3A_1497 = arith.constant 0 : i32
    %dma_wait3A_1498 = tpu.memref_slice %arg4[%add3A_1488, %dma_wait3A_1496, %dma_wait3A_1497] : memref<16384x50x64xf32, #tpu.memory_space<hbm>> -> memref<1x50x64xf32, #tpu.memory_space<hbm>>
    %dma_wait3A_1499 = tpu.memref_squeeze %dma_wait3A_1498 : memref<1x50x64xf32, #tpu.memory_space<hbm>> -> memref<50x64xf32, #tpu.memory_space<hbm>>
    %dma_wait3A_1500 = arith.constant 250 : i32
    %dma_wait3A_1501 = arith.constant 0 : i32
    %dma_wait3A_1502 = tpu.memref_slice %arg9[%dma_wait3A_1500, %dma_wait3A_1501] : memref<400x64xf32, #tpu.memory_space<vmem>> -> memref<50x64xf32, #tpu.memory_space<vmem>>
    tpu.wait_dma2 semaphore(%arg17 : memref<!tpu.dma_semaphore, #tpu.memory_space<semaphore_mem>>) src(%dma_wait3A_1502 : memref<50x64xf32, #tpu.memory_space<vmem>>) dst(%dma_wait3A_1499 : memref<50x64xf32, #tpu.memory_space<hbm>>)
    %add3A_1503 = arith.constant 6 : i32
    %add3A_1504 = arith.addi %mul3A_4, %add3A_1503 : i32
    %dma_wait3A_1505 = arith.constant 300 : i32
    %dma_wait3A_1506 = arith.constant 0 : i32
    %dma_wait3A_1507 = tpu.memref_slice %arg9[%dma_wait3A_1505, %dma_wait3A_1506] : memref<400x64xf32, #tpu.memory_space<vmem>> -> memref<50x64xf32, #tpu.memory_space<vmem>>
    %dma_wait3A_1508 = arith.constant 0 : i32
    %dma_wait3A_1509 = arith.constant 0 : i32
    %dma_wait3A_1510 = tpu.memref_slice %arg4[%add3A_1504, %dma_wait3A_1508, %dma_wait3A_1509] : memref<16384x50x64xf32, #tpu.memory_space<hbm>> -> memref<1x50x64xf32, #tpu.memory_space<hbm>>
    %dma_wait3A_1511 = tpu.memref_squeeze %dma_wait3A_1510 : memref<1x50x64xf32, #tpu.memory_space<hbm>> -> memref<50x64xf32, #tpu.memory_space<hbm>>
    %dma_wait3A_1512 = arith.constant 0 : i32
    %dma_wait3A_1513 = arith.constant 0 : i32
    %dma_wait3A_1514 = tpu.memref_slice %arg4[%add3A_1504, %dma_wait3A_1512, %dma_wait3A_1513] : memref<16384x50x64xf32, #tpu.memory_space<hbm>> -> memref<1x50x64xf32, #tpu.memory_space<hbm>>
    %dma_wait3A_1515 = tpu.memref_squeeze %dma_wait3A_1514 : memref<1x50x64xf32, #tpu.memory_space<hbm>> -> memref<50x64xf32, #tpu.memory_space<hbm>>
    %dma_wait3A_1516 = arith.constant 300 : i32
    %dma_wait3A_1517 = arith.constant 0 : i32
    %dma_wait3A_1518 = tpu.memref_slice %arg9[%dma_wait3A_1516, %dma_wait3A_1517] : memref<400x64xf32, #tpu.memory_space<vmem>> -> memref<50x64xf32, #tpu.memory_space<vmem>>
    tpu.wait_dma2 semaphore(%arg17 : memref<!tpu.dma_semaphore, #tpu.memory_space<semaphore_mem>>) src(%dma_wait3A_1518 : memref<50x64xf32, #tpu.memory_space<vmem>>) dst(%dma_wait3A_1515 : memref<50x64xf32, #tpu.memory_space<hbm>>)
    %add3A_1519 = arith.constant 7 : i32
    %add3A_1520 = arith.addi %mul3A_4, %add3A_1519 : i32
    %dma_wait3A_1521 = arith.constant 350 : i32
    %dma_wait3A_1522 = arith.constant 0 : i32
    %dma_wait3A_1523 = tpu.memref_slice %arg9[%dma_wait3A_1521, %dma_wait3A_1522] : memref<400x64xf32, #tpu.memory_space<vmem>> -> memref<50x64xf32, #tpu.memory_space<vmem>>
    %dma_wait3A_1524 = arith.constant 0 : i32
    %dma_wait3A_1525 = arith.constant 0 : i32
    %dma_wait3A_1526 = tpu.memref_slice %arg4[%add3A_1520, %dma_wait3A_1524, %dma_wait3A_1525] : memref<16384x50x64xf32, #tpu.memory_space<hbm>> -> memref<1x50x64xf32, #tpu.memory_space<hbm>>
    %dma_wait3A_1527 = tpu.memref_squeeze %dma_wait3A_1526 : memref<1x50x64xf32, #tpu.memory_space<hbm>> -> memref<50x64xf32, #tpu.memory_space<hbm>>
    %dma_wait3A_1528 = arith.constant 0 : i32
    %dma_wait3A_1529 = arith.constant 0 : i32
    %dma_wait3A_1530 = tpu.memref_slice %arg4[%add3A_1520, %dma_wait3A_1528, %dma_wait3A_1529] : memref<16384x50x64xf32, #tpu.memory_space<hbm>> -> memref<1x50x64xf32, #tpu.memory_space<hbm>>
    %dma_wait3A_1531 = tpu.memref_squeeze %dma_wait3A_1530 : memref<1x50x64xf32, #tpu.memory_space<hbm>> -> memref<50x64xf32, #tpu.memory_space<hbm>>
    %dma_wait3A_1532 = arith.constant 350 : i32
    %dma_wait3A_1533 = arith.constant 0 : i32
    %dma_wait3A_1534 = tpu.memref_slice %arg9[%dma_wait3A_1532, %dma_wait3A_1533] : memref<400x64xf32, #tpu.memory_space<vmem>> -> memref<50x64xf32, #tpu.memory_space<vmem>>
    tpu.wait_dma2 semaphore(%arg17 : memref<!tpu.dma_semaphore, #tpu.memory_space<semaphore_mem>>) src(%dma_wait3A_1534 : memref<50x64xf32, #tpu.memory_space<vmem>>) dst(%dma_wait3A_1531 : memref<50x64xf32, #tpu.memory_space<hbm>>)
    return
  }
}

</mosaic_0001>

<sc_bundles>
// kernel: kernel.3.cloned.1.call-start
scs
__scs_entry_jumppad:
0x0: {  	(pc) =	sbr.rel $0x88, $3  }
0x1: {  	(tag) =	ssettag $0x0;
	lr =	simm.s32 $0x1  }
0x2: {  	[smem:$0x3F9F] =	sst lr;
	_ =	strace $0xD0000000  }
0x3: {  	_ = 	snop  }
0x4: {  	_ = 	snop  }
0x5: {  	_ = 	snop  }
0x6: {  	_ = 	snop  }
0x7: {  	_ = 	snop  }
__scs_overlays_trampoline_lowered:
0x8: {  	[smem:$0x3FAE] =	sst s0  }
0x9: {  	[smem:$0x3FAF] =	sst s1  }
0xa: {  	[smem:$0x3FB0] =	sst s2  }
0xb: {  	[smem:$0x3FB1] =	sst s3  }
0xc: {  	[smem:$0x3FB2] =	sst s4  }
0xd: {  	[smem:$0x3FB3] =	sst s5  }
0xe: {  	[smem:$0x3FB4] =	sst s6  }
0xf: {  	[smem:$0x3FB5] =	sst s7  }
0x10: {  	[smem:$0x3FB6] =	sst s8  }
0x11: {  	[smem:$0x3FB7] =	sst s9;
	s0 =	simm.s32 @!p0 $0x0  }
0x12: {  	s1 =	sld [smem:$0x3F9D];
	s0 =	simm.s32 @p0 $0x1  }
0x13: {  	[smem:$0x3FB8] =	sst s0;
	s0 =	simm.s32 @!p1 $0x0  }
0x14: {  	s2 =	sld [smem:$0x3F9C];
	s0 =	simm.s32 @p1 $0x1  }
0x15: {  	[smem:$0x3FB9] =	sst s0;
	s0 =	simm.s32 @!p2 $0x0  }
0x16: {  	s3 =	sld [smem:$0x3FDB];
	s0 =	simm.s32 @p2 $0x1  }
0x17: {  	s4 =	simm.s32 $0x1BF5;
	[smem:$0x3FBB] =	sst s0  }
0x18: {  	s0 =	sld [smem:$0x3F9E];
	_ =	swait.ge [sflag:s4], $0x0  }
0x19: {  	s7 =	sld [smem:$0x3F9F]  }
0x1a: {  	s8 =	sadd.s32 $0xFFFFE003, lr  }
0x1b: {  	s9 =	sadd.s32 $0xFFFFFEF7, lr;
	s5 =	simm.s32 $0xFFFFFFFF;
	p2 =	slt.u32 s8, $0xFFFFF086  }
0x1c: {  	p1 =	slt.u32 s9, $0xF7A;
	s5 =	simm.s32 @!p2 $0x0  }
0x1d: {  	s5 =	simm.s32 @p1 $0x1;
	p0 =	seq.s32 s7, s2  }
0x1e: {  	s7 =	smul.u32 @!p0 $0xF7A, s2;
	p2 =	seq.s32 @!p0 s5, $0x0  }
0x1f: {  	s9 =	smul.u32 $0xF7A, s1;
	s8 =	simm.s32 @!p0 $0x1BF5;
	p2 =	por !p2, p0  }
0x20: {  	[sflag:s8] =	ssyncset.s32 @!p0 $0xFFFFF086;
	s6 =	sadd.s32 @!p0 s3, s7;
	s7 =	simm.s32 @!p0 $0x108  }
0x21: {  	s3 =	sadd.s32 s3, s9;
	s6 =	sadd.s32 @!p0 $0x88, s6;
	s7 =	simm.s32 @p2 $0x1082  }
0x22: {  	[simem:s7], [sflag:s8] =	dma.local @!p0 [hbm:s6], $0xF7A  }
0x23: {  	s9 =	sor.u32 $0xD0000000, s2;
	s6 =	simm.s32 $0x108;
	_ =	swait.ge @!p0 [sflag:s8], $0x0  }
0x24: {  	s3 =	sadd.s32 $0x88, s3;
	s6 =	simm.s32 @!p1 $0x1082;
	[sflag:s4] =	ssyncset.s32 $0xFFFFF086  }
0x25: {  	[simem:s6], [sflag:s4] =	dma.local [hbm:s3], $0xF7A  }
0x26: {  	[smem:$0x3F9F] =	sst s1;
	(tag) =	ssettag s2;
	_ =	strace s9  }
0x27: {  	s1 =	sld [smem:$0x3FAF]  }
0x28: {  	s2 =	sld [smem:$0x3FB0]  }
0x29: {  	s4 =	sld [smem:$0x3FB2]  }
0x2a: {  	p0 =	seq.s32 s5, $0x0;
	s5 =	sld [smem:$0x3FB3]  }
0x2b: {  	s6 =	sld [smem:$0x3FB4]  }
0x2c: {  	s7 =	sld [smem:$0x3FB5]  }
0x2d: {  	s3 =	simm.s32 $0x108;
	s8 =	sld [smem:$0x3FB6]  }
0x2e: {  	s3 =	simm.s32 @!p0 $0x1082;
	s9 =	sld [smem:$0x3FB7]  }
0x2f: {  	lr =	sadd.s32 s0, s3;
	s0 =	sld [smem:$0x3FAE]  }
0x30: {  	s3 =	sld [smem:$0x3FB1]  }
0x31: {  	[smem:$0x3FBA] =	sst s10  }
0x32: {  	s10 =	sld [smem:$0x3FB8];
	_ =	sdelay $0x3  }
0x33: {  	p0 =	seq.s32 s10, $0x1;
	s10 =	sld [smem:$0x3FBA];
	_ =	sdelay $0x3  }
0x34: {  	[smem:$0x3FBA] =	sst s10  }
0x35: {  	s10 =	sld [smem:$0x3FB9];
	_ =	sdelay $0x3  }
0x36: {  	p1 =	seq.s32 s10, $0x1;
	s10 =	sld [smem:$0x3FBA];
	_ =	sdelay $0x3  }
0x37: {  	[smem:$0x3FBA] =	sst s10  }
0x38: {  	s10 =	sld [smem:$0x3FBB]  }
0x39: {  	_ = 	snop;
	(pc) =	sbr.ind lr, $3  }
0x3a: {  	_ = 	snop  }
0x3b: {  	_ = 	snop  }
0x3c: {  	p2 =	seq.s32 s10, $0x1;
	s10 =	sld [smem:$0x3FBA]  }
0x3d: {  	_ =	shalt  }
0x3e: {  	_ =	shalt  }
0x3f: {  	_ =	shalt  }
0x40: {  	_ =	shalt  }
0x41: {  	_ =	shalt  }
0x42: {  	_ =	shalt  }
0x43: {  	_ =	shalt  }
0x44: {  	_ =	shalt  }
0x45: {  	_ =	shalt  }
0x46: {  	_ =	shalt  }
0x47: {  	_ =	shalt  }
0x48: {  	_ =	shalt  }
0x49: {  	_ =	shalt  }
0x4a: {  	_ =	shalt  }
0x4b: {  	_ =	shalt  }
0x4c: {  	_ =	shalt  }
0x4d: {  	_ =	shalt  }
0x4e: {  	_ =	shalt  }
0x4f: {  	_ =	shalt  }
0x50: {  	_ =	shalt  }
0x51: {  	_ =	shalt  }
0x52: {  	_ =	shalt  }
0x53: {  	_ =	shalt  }
0x54: {  	_ =	shalt  }
0x55: {  	_ =	shalt  }
0x56: {  	_ =	shalt  }
0x57: {  	_ =	shalt  }
0x58: {  	_ =	shalt  }
0x59: {  	_ =	shalt  }
0x5a: {  	_ =	shalt  }
0x5b: {  	_ =	shalt  }
0x5c: {  	_ =	shalt  }
0x5d: {  	_ =	shalt  }
0x5e: {  	_ =	shalt  }
0x5f: {  	_ =	shalt  }
0x60: {  	_ =	shalt  }
0x61: {  	_ =	shalt  }
0x62: {  	_ =	shalt  }
0x63: {  	_ =	shalt  }
0x64: {  	_ =	shalt  }
0x65: {  	_ =	shalt  }
0x66: {  	_ =	shalt  }
0x67: {  	_ =	shalt  }
0x68: {  	_ =	shalt  }
0x69: {  	_ =	shalt  }
0x6a: {  	_ =	shalt  }
0x6b: {  	_ =	shalt  }
0x6c: {  	_ =	shalt  }
0x6d: {  	_ =	shalt  }
0x6e: {  	_ =	shalt  }
0x6f: {  	_ =	shalt  }
0x70: {  	_ =	shalt  }
0x71: {  	_ =	shalt  }
0x72: {  	_ =	shalt  }
0x73: {  	_ =	shalt  }
0x74: {  	_ =	shalt  }
0x75: {  	_ =	shalt  }
0x76: {  	_ =	shalt  }
0x77: {  	_ =	shalt  }
0x78: {  	_ =	shalt  }
0x79: {  	_ =	shalt  }
0x7a: {  	_ =	shalt  }
0x7b: {  	_ =	shalt  }
0x7c: {  	_ =	shalt  }
0x7d: {  	_ =	shalt  }
0x7e: {  	_ =	shalt  }
0x7f: {  	_ =	shalt  }
0x80: {  	_ =	shalt  }
0x81: {  	_ =	shalt  }
0x82: {  	_ =	shalt  }
0x83: {  	_ =	shalt  }
0x84: {  	_ =	shalt  }
0x85: {  	_ =	shalt  }
0x86: {  	_ =	shalt  }
0x87: {  	_ =	shalt  }
.Lfunc_end0:
.L_simem_size_0:
called_computation.1_lowered:
.L_overlay_start_0:
0x88: {  	s2 =	sld [smem:$0x3FD9]  }
0x89: {  	s3 =	sld [smem:$0x3FFE];
	_ =	sdelay $0x1  }
0x8a: {  	s1 =	srdreg.scid  }
0x8b: {  	s0 =	sand.u32 $0x1, s1  }
0x8c: {  	s17 =	sshll.u32 s0, $0xA;
	s2 =	sadd.s32 s3, s2  }
0x8d: {  	s2 =	sadd.s32 s2, s17  }
0x8e: {  	[smem:$0x3FC6] =	sst s2  }
0x8f: {  	_ = 	snop  }
0x90: {  	s2 =	sld [smem:$0x3FD0];
	(tm) =	ssettm $0x1  }
0x91: {  	s18 =	sld [smem:$0x3FFB];
	_ =	sdelay $0x3  }
0x92: {  	_ =	strace s18  }
0x93: {  	s3 =	sld [smem:$0x3FFC];
	_ =	sdelay $0x3  }
0x94: {  	_ =	strace s3  }
0x95: {  	s3 =	sld [smem:$0x3FFD];
	_ =	sdelay $0x3  }
0x96: {  	_ =	strace s3  }
0x97: {  	_ =	strace $0x8FFFFFFF  }
0x98: {  	s19 =	sld [smem:$0x3FDB];
	_ =	sdelay $0x1  }
0x99: {  	s4 =	simm.s32 $_scs_section_size  }
0x9a: {  	s5 =	simm.s32 $_size__tile_overlayer_lowered;
	s6 =	simm.s32 $_tile_overlayer_lowered  }
0x9b: {  	s22 =	simm.s32 $0x1BFF;
	s21 =	sshll.u32 s6, $0x1;
	s3 =	sadd.s32 s4, s19  }
0x9c: {  	s7 =	simm.s32 $0x0;
	s20 =	sshll.u32 s5, $0x1;
	s5 =	sadd.s32 s21, s3  }
0x9d: {  	[timem:s7], [sflag:s22] =	dma.local [hbm:s5], s20  }
0x9e: {  	_ =	swait.ge [sflag:s22], s20  }
0x9f: {  	s4 =	ssub.s32 $0x0, s20;
	[sflag:s22] =	ssyncset.done $0x0  }
0xa0: {  	[sflag:s22] =	ssyncadd.s32 s4;
	_ =	sdelay $0x1  }
0xa1: {  	s23 =	simm.s32 $0x1B8B  }
0xa2: {  	_ =	swait.ge [sflag:s23], $0x1  }
0xa3: {  	[sflag:s23] =	ssyncset.done $0x0  }
0xa4: {  	s25 =	simm.s32 $0x1B8E;
	s24 =	sld [smem:$0x3FFE];
	[sflag:s23] =	ssyncadd.s32 $0xFFFFFFFF  }
0xa5: {  	s26 =	simm.s32 $execute0_lowered;
	[smem:$0x3FD2] =	sst s25  }
0xa6: {  	s5 =	sshll.u32 s26, $0x1;
	_ =	strace $0x80000046;
	[dreg:$0x1] =	wrdreg $0xFFFFFFFF  }
0xa7: {  	s28 =	simm.s32 $_size_execute0_lowered;
	s3 =	sadd.s32 s3, s5;
	[dreg:$0x0] =	wrdreg $0x0  }
0xa8: {  	s5 =	sshll.u32 s28, $0x1;
	[dreg:$0x2] =	wrdreg s3  }
0xa9: {  	[dreg:$0x3] =	wrdreg s5  }
0xaa: {  	[dreg:$0x4] =	wrdreg $0xC0  }
0xab: {  	_ =	task [dreg:s7], $0x5FFFF  }
0xac: {  	[dreg:$0x1] =	wrdreg $0xFFFFFFFF  }
0xad: {  	[dreg:$0x0] =	wrdreg $0x60  }
0xae: {  	[dreg:$0x2] =	wrdreg s24  }
0xaf: {  	[dreg:$0x3] =	wrdreg s2  }
0xb0: {  	[dreg:$0x4] =	wrdreg $0x9  }
0xb1: {  	_ =	task.clear_ibuf [dreg:s7], $0x5FFFF;
	_ =	strace $0x90000046  }
0xb2: {  	s29 =	simm.s32 $0x9;
	_ =	strace $0x80000048  }
0xb3: {  	_ =	swait.ge [sflag:s29], $0x1  }
0xb4: {  	[sflag:s29] =	ssyncadd.s32 $0xFFFFFFFF  }
0xb5: {  	_ =	strace $0x90000048  }
0xb6: {  	_ =	sfence  }
0xb7: {  	s30 =	sld [smem:$0x0];
	_ =	sdelay $0x2  }
0xb8: {  	s31 =	sshll.u32 s1, $0xD;
	s1 =	sshrl.u32 s1, $0x2  }
0xb9: {  	s3 =	sand.u32 $0x4000, s31;
	s1 =	sadd.s32 s1, s30  }
0xba: {  	s0 =	sor.u32 s3, s0;
	s1 =	sshll.u32 s1, $0x11  }
0xbb: {  	s0 =	sor.u32 s1, s0  }
0xbc: {  	s0 =	sadd.s32 $0x8F2B, s0  }
0xbd: {  	[sflag:s0] =	ssyncadd.remote.s32 $0x1  }
0xbe: {  	_ =	sfence.sel $0xFFFF  }
0xbf: {  	[dreg:$0x0] =	wrdreg $0xFFFFFFFF;
	(pc) =	sbr.abs _section_cstart, $3  }
0xc0: {  	[dreg:$0x1] =	wrdreg $0xFFFFFFFF  }
0xc1: {  	_ =	task.clear_ibuf [dreg:s7], $0x2FFFF;
	_ =	strace $0x9FFFFFFF  }
0xc2: {  	(tm) =	ssettm $0x7FFFFFFF  }
0xc3: {  	_ =	shalt  }
tec
execute0_lowered:
.L_overlay_start_1:
0x0: {  	(tag) =	ssettag $0x1  }
0x1: {  	s10 =	stileid.u32  }
0x2: {  	s0 =	srdreg.scid;
	s5 =	smul.u32 $0x320000, s10  }
0x3: {  	s6 =	sand.u32 $0x1, s0;
	s21 =	smul.u32 $0x64000, s10  }
0x4: {  	s11 =	sshll.u32 s10, $0x1;
	s7 =	smul.u32 $0x190000, s6  }
0x5: {  	s4 =	sor.u32 s6, s11;
	s2 =	ssub.s32 $0x2, s6;
	s6 =	smul.u32 $0x32000, s6  }
0x6: {  	s3 =	rddreg [dreg:$0x1];
	s1 =	simm.s32 $0x0;
	s0 =	smul.u32 $0xC80, s4  }
0x7: {  	[smem:$0x7FF] =	sst s1;
	s9 =	smul.u32 $0x32000, s4  }
0x8: {  	s8 =	sshrl.u32 s2, $0x1;
	s4 =	smul.u32 $0x190000, s4;
	s23 =	sadd.s32 s21, s3  }
0x9: {  	s2 =	ssub.s32 s2, s8;
	s5 =	sadd.s32 s7, s5;
	s6 =	sadd.s32 s6, s23  }
0xa: {  	s11 =	sadd.s32 s3, s9;
	s7 =	sadd.s32 $0x2AF80, s5;
	s12 =	sadd.s32 $0x2A300, s5  }
0xb: {  	s4 =	sshrl.u32 s4, $0x3;
	s14 =	sadd.s32 $0x29680, s5;
	s15 =	sadd.s32 $0x28A00, s5  }
0xc: {  	s16 =	sadd.s32 $0x27D80, s5;
	s19 =	sadd.s32 $0x27100, s5;
	s20 =	sadd.s32 $0x26480, s5  }
0xd: {  	[dreg:$0xb] =	wrdreg s6;
	s24 =	sadd.s32 $0x24B80, s5;
	s25 =	sadd.s32 $0x23F00, s5  }
0xe: {  	s26 =	sadd.s32 $0x23280, s5;
	s10 =	sadd.s32 $0x21980, s5;
	s21 =	sadd.s32 $0x1C200, s5  }
0xf: {  	s2 =	smax.u32 s2, $0x1;
	s7 =	sshrl.u32 s7, $0x3;
	s8 =	sshrl.u32 s12, $0x3  }
0x10: {  	s4 =	sadd.s32 s3, s4;
	s9 =	sshrl.u32 s16, $0x3;
	s6 =	sshrl.u32 s24, $0x3  }
0x11: {  	s12 =	sadd.s32 $0x20D00, s5;
	s16 =	sadd.s32 $0x1E780, s5;
	s24 =	sadd.s32 $0x1A900, s5  }
0x12: {  	s7 =	sadd.s32 s7, s3;
	s13 =	sadd.s32 s8, s3;
	s8 =	sshrl.u32 s15, $0x3  }
0x13: {  	s18 =	sadd.s32 s9, s3;
	s6 =	sadd.s32 s6, s3;
	[dreg:$0x4] =	wrdreg s7  }
0x14: {  	s9 =	sadd.s32 $0x22600, s5;
	s15 =	sadd.s32 $0x20080, s5;
	[dreg:$0x5] =	wrdreg s13  }
0x15: {  	s7 =	sshrl.u32 s14, $0x3;
	s17 =	sadd.s32 s8, s3;
	[dreg:$0x8] =	wrdreg s18  }
0x16: {  	s8 =	sshrl.u32 s20, $0x3;
	[dreg:$0xc] =	wrdreg s6;
	s14 =	sshrl.u32 s12, $0x3  }
0x17: {  	s20 =	sadd.s32 $0x1CE80, s5;
	s7 =	sadd.s32 s7, s3;
	[dreg:$0x7] =	wrdreg s17  }
0x18: {  	s22 =	sadd.s32 s8, s3;
	s8 =	sshrl.u32 s26, $0x3;
	s17 =	sadd.s32 $0x1DB00, s5  }
0x19: {  	s26 =	sadd.s32 $0x30700, s5;
	[dreg:$0x6] =	wrdreg s7;
	s7 =	sshrl.u32 s19, $0x3  }
0x1a: {  	[dreg:$0xa] =	wrdreg s22;
	s6 =	sadd.s32 s8, s3;
	s19 =	sshrl.u32 s17, $0x3  }
0x1b: {  	s22 =	sadd.s32 $0x1B580, s5;
	s8 =	sadd.s32 $0x2FA80, s5;
	s17 =	sadd.s32 $0x2260, s4  }
0x1c: {  	s7 =	sadd.s32 s7, s3;
	[dreg:$0xe] =	wrdreg s6;
	s6 =	sshrl.u32 s9, $0x3  }
0x1d: {  	s23 =	sshrl.u32 s22, $0x3;
	[dreg:$0x9] =	wrdreg s7;
	s6 =	sadd.s32 s6, s3  }
0x1e: {  	s9 =	sadd.s32 $0x2EE00, s5;
	s7 =	sshrl.u32 s25, $0x3;
	[dreg:$0xf] =	wrdreg s6  }
0x1f: {  	s7 =	sadd.s32 s7, s3;
	s6 =	sadd.s32 s14, s3;
	s14 =	rddreg [dreg:$0x0]  }
0x20: {  	s22 =	sadd.s32 s23, s3;
	s25 =	sadd.s32 $0x31380, s5;
	[dreg:$0xd] =	wrdreg s7  }
0x21: {  	s7 =	sshrl.u32 s10, $0x3;
	[dreg:$0x11] =	wrdreg s6;
	s6 =	sshrl.u32 s15, $0x3  }
0x22: {  	s10 =	sadd.s32 $0x2E180, s5;
	s15 =	sadd.s32 s0, s14;
	s13 =	sadd.s32 s7, s3  }
0x23: {  	s7 =	sshrl.u32 s16, $0x3;
	s6 =	sadd.s32 s6, s3;
	[dreg:$0x10] =	wrdreg s13  }
0x24: {  	s0 =	sadd.s32 $0xF42E00, s14;
	[smem:$0x7E9] =	sst s6;
	s18 =	sadd.s32 s7, s3  }
0x25: {  	s14 =	sadd.s32 $0x190, s11;
	s16 =	sadd.s32 $0x20D0, s4;
	[smem:$0x7EA] =	sst s18  }
0x26: {  	s12 =	sshrl.u32 s10, $0x3;
	_ =	strace $0x80000047;
	[dreg:$0x13] =	wrdreg s16  }
0x27: {  	s10 =	sadd.s32 $0x2D50, s4;
	s18 =	sadd.s32 $0x23F0, s4;
	[dreg:$0x14] =	wrdreg s17  }
0x28: {  	s6 =	sshrl.u32 s20, $0x3;
	s7 =	sshrl.u32 s21, $0x3;
	[dreg:$0x15] =	wrdreg s18  }
0x29: {  	s29 =	sadd.s32 s12, s3;
	s12 =	sadd.s32 $0x2EE0, s4;
	[dreg:$0x1b] =	wrdreg s10  }
0x2a: {  	s13 =	sadd.s32 $0x2D500, s5;
	s5 =	sadd.s32 $0x2C880, s5;
	[dreg:$0x1c] =	wrdreg s12  }
0x2b: {  	s20 =	sadd.s32 s6, s3;
	s6 =	sshrl.u32 s24, $0x3;
	[dreg:$0x1e] =	wrdreg s2  }
0x2c: {  	s5 =	sshrl.u32 s5, $0x3;
	s23 =	sadd.s32 s6, s3;
	[dreg:$0x1f] =	wrdreg s14  }
0x2d: {  	s30 =	sadd.s32 s5, s3;
	s5 =	sadd.s32 $0x2580, s4;
	[dreg:$0x3] =	wrdreg s11  }
0x2e: {  	s6 =	sshrl.u32 s8, $0x3;
	s8 =	sadd.s32 $0x2A30, s4;
	[dreg:$0x16] =	wrdreg s5  }
0x2f: {  	s21 =	sadd.s32 s7, s3;
	s16 =	sadd.s32 $0x4B0, s11;
	[dreg:$0x19] =	wrdreg s8  }
0x30: {  	s7 =	sshrl.u32 s25, $0x3;
	s17 =	sadd.s32 $0x640, s11;
	[smem:$0x7EC] =	sst s16  }
0x31: {  	s24 =	sadd.s32 s7, s3;
	s18 =	sadd.s32 $0x7D0, s11;
	[smem:$0x7ED] =	sst s17  }
0x32: {  	s7 =	sshrl.u32 s26, $0x3;
	s10 =	sadd.s32 $0x1450, s11;
	[smem:$0x7EE] =	sst s18  }
0x33: {  	s12 =	sadd.s32 $0x15E0, s11;
	s14 =	sadd.s32 $0x1900, s11;
	[smem:$0x7F6] =	sst s10  }
0x34: {  	s25 =	sadd.s32 s7, s3;
	s7 =	sshrl.u32 s9, $0x3;
	[smem:$0x7F7] =	sst s12  }
0x35: {  	s26 =	sadd.s32 s6, s3;
	s9 =	sadd.s32 $0x2BC0, s4;
	[smem:$0x7F9] =	sst s14  }
0x36: {  	s6 =	sshrl.u32 s13, $0x3;
	s13 =	sadd.s32 $0x3070, s4;
	[dreg:$0x1a] =	wrdreg s9  }
0x37: {  	s5 =	sadd.s32 $0xC80, s11;
	[dreg:$0x1d] =	wrdreg s13  }
0x38: {  	s8 =	sadd.s32 $0x1130, s11;
	[smem:$0x7F1] =	sst s5  }
0x39: {  	s16 =	sadd.s32 $0x1C20, s11;
	[smem:$0x7F4] =	sst s8  }
0x3a: {  	s19 =	sadd.s32 s19, s3;
	s17 =	sadd.s32 $0x1DB0, s11;
	[smem:$0x7FB] =	sst s16  }
0x3b: {  	s18 =	sadd.s32 $0x1F40, s11;
	s28 =	sadd.s32 s7, s3;
	[smem:$0x7FC] =	sst s17  }
0x3c: {  	s31 =	sadd.s32 s6, s3;
	s3 =	sadd.s32 $0xA00, s15;
	[smem:$0x7FD] =	sst s18  }
0x3d: {  	s2 =	simm.s32 $0x190;
	s6 =	sadd.s32 $0x2710, s4;
	[dreg:$0x12] =	wrdreg s3  }
0x3e: {  	s10 =	simm.s32 $0x8;
	s7 =	sadd.s32 $0x28A0, s4;
	[dreg:$0x17] =	wrdreg s6  }
0x3f: {  	s12 =	simm.s32 $0x0;
	s15 =	sadd.s32 $0x320, s11;
	[dreg:$0x18] =	wrdreg s7  }
0x40: {  	s4 =	sadd.s32 $0xAF0, s11;
	s9 =	sadd.s32 $0x12C0, s11;
	[smem:$0x7EB] =	sst s15  }
0x41: {  	s13 =	sadd.s32 $0x1770, s11;
	s5 =	simm.s32 $0x19000;
	[smem:$0x7F0] =	sst s4  }
0x42: {  	s16 =	simm.s32 $0x6;
	s8 =	simm.s32 $0x4;
	[smem:$0x7F5] =	sst s9  }
0x43: {  	s17 =	simm.s32 $0x6400;
	s3 =	sadd.s32 $0x960, s11;
	[smem:$0x7F8] =	sst s13  }
.Ltmp0:
0x44: {  	s6 =	sadd.s32 $0xE10, s11;
	[smem:$0x7EF] =	sst s3;
	(pc) =	sbr.rel .LBB2_1-.Ltmp0, $4  }
0x45: {  	s18 =	simm.s32 $0xC800;
	s7 =	sadd.s32 $0xFA0, s11;
	[smem:$0x7F2] =	sst s6  }
0x46: {  	s15 =	sadd.s32 $0x1A90, s11;
	s4 =	simm.s32 $0x1;
	[smem:$0x7F3] =	sst s7  }
0x47: {  	s9 =	simm.s32 $0x7;
	[smem:$0x7FA] =	sst s15;
	s3 =	simm.s32 $0x12C00  }
0x48: {  	s6 =	simm.s32 $0x2;
	s15 =	simm.s32 $0x5;
	s7 =	simm.s32 $0x3  }
.LBB2_4:
0x49: {  	s15 =	simm.s32 $0x5  }
0x4a: {  	_ =	swait.ge [sflag:s15], $0xC80  }
0x4b: {  	[sflag:s15] =	ssyncset.done $0x0  }
0x4c: {  	[sflag:s15] =	ssyncadd.s32 $0xFFFFF380  }
0x4d: {  	_ =	swait.ge [sflag:s15], $0xC80  }
0x4e: {  	[sflag:s15] =	ssyncset.done $0x0  }
0x4f: {  	[sflag:s15] =	ssyncadd.s32 $0xFFFFF380  }
0x50: {  	_ =	swait.ge [sflag:s15], $0xC80  }
0x51: {  	[sflag:s15] =	ssyncset.done $0x0  }
0x52: {  	[sflag:s15] =	ssyncadd.s32 $0xFFFFF380  }
0x53: {  	_ =	swait.ge [sflag:s15], $0xC80  }
0x54: {  	[sflag:s15] =	ssyncset.done $0x0  }
0x55: {  	[sflag:s15] =	ssyncadd.s32 $0xFFFFF380  }
0x56: {  	_ =	swait.ge [sflag:s15], $0xC80  }
0x57: {  	[sflag:s15] =	ssyncset.done $0x0  }
0x58: {  	[sflag:s15] =	ssyncadd.s32 $0xFFFFF380  }
0x59: {  	_ =	swait.ge [sflag:s15], $0xC80  }
0x5a: {  	[sflag:s15] =	ssyncset.done $0x0  }
0x5b: {  	[sflag:s15] =	ssyncadd.s32 $0xFFFFF380  }
0x5c: {  	_ =	swait.ge [sflag:s15], $0xC80  }
0x5d: {  	[sflag:s15] =	ssyncset.done $0x0  }
0x5e: {  	[sflag:s15] =	ssyncadd.s32 $0xFFFFF380  }
0x5f: {  	_ =	swait.ge [sflag:s15], $0xC80  }
0x60: {  	[sflag:s15] =	ssyncset.done $0x0  }
0x61: {  	s16 =	simm.s32 $0x6;
	[sflag:s15] =	ssyncadd.s32 $0xFFFFF380  }
0x62: {  	_ =	swait.ge [sflag:s16], $0xC80  }
0x63: {  	[sflag:s16] =	ssyncset.done $0x0  }
0x64: {  	[sflag:s16] =	ssyncadd.s32 $0xFFFFF380  }
0x65: {  	_ =	swait.ge [sflag:s16], $0xC80  }
0x66: {  	[sflag:s16] =	ssyncset.done $0x0  }
0x67: {  	[sflag:s16] =	ssyncadd.s32 $0xFFFFF380  }
0x68: {  	_ =	swait.ge [sflag:s16], $0xC80  }
0x69: {  	[sflag:s16] =	ssyncset.done $0x0  }
0x6a: {  	[sflag:s16] =	ssyncadd.s32 $0xFFFFF380  }
0x6b: {  	_ =	swait.ge [sflag:s16], $0xC80  }
0x6c: {  	[sflag:s16] =	ssyncset.done $0x0  }
0x6d: {  	[sflag:s16] =	ssyncadd.s32 $0xFFFFF380  }
0x6e: {  	_ =	swait.ge [sflag:s16], $0xC80  }
0x6f: {  	[sflag:s16] =	ssyncset.done $0x0  }
0x70: {  	[sflag:s16] =	ssyncadd.s32 $0xFFFFF380  }
0x71: {  	_ =	swait.ge [sflag:s16], $0xC80  }
0x72: {  	[sflag:s16] =	ssyncset.done $0x0  }
0x73: {  	[sflag:s16] =	ssyncadd.s32 $0xFFFFF380  }
0x74: {  	_ =	swait.ge [sflag:s16], $0xC80  }
0x75: {  	[sflag:s16] =	ssyncset.done $0x0  }
0x76: {  	[sflag:s16] =	ssyncadd.s32 $0xFFFFF380  }
0x77: {  	_ =	swait.ge [sflag:s16], $0xC80  }
0x78: {  	[sflag:s16] =	ssyncset.done $0x0  }
0x79: {  	[sflag:s16] =	ssyncadd.s32 $0xFFFFF380  }
0x7a: {  	_ =	swait.ge [sflag:s9], $0xC80  }
0x7b: {  	[sflag:s9] =	ssyncset.done $0x0  }
0x7c: {  	[sflag:s9] =	ssyncadd.s32 $0xFFFFF380  }
0x7d: {  	_ =	swait.ge [sflag:s9], $0xC80  }
0x7e: {  	[sflag:s9] =	ssyncset.done $0x0  }
0x7f: {  	[sflag:s9] =	ssyncadd.s32 $0xFFFFF380  }
0x80: {  	_ =	swait.ge [sflag:s9], $0xC80  }
0x81: {  	[sflag:s9] =	ssyncset.done $0x0  }
0x82: {  	[sflag:s9] =	ssyncadd.s32 $0xFFFFF380  }
0x83: {  	_ =	swait.ge [sflag:s9], $0xC80  }
0x84: {  	[sflag:s9] =	ssyncset.done $0x0  }
0x85: {  	[sflag:s9] =	ssyncadd.s32 $0xFFFFF380  }
0x86: {  	_ =	swait.ge [sflag:s9], $0xC80  }
0x87: {  	[sflag:s9] =	ssyncset.done $0x0  }
0x88: {  	[sflag:s9] =	ssyncadd.s32 $0xFFFFF380  }
0x89: {  	_ =	swait.ge [sflag:s9], $0xC80  }
0x8a: {  	[sflag:s9] =	ssyncset.done $0x0  }
0x8b: {  	[sflag:s9] =	ssyncadd.s32 $0xFFFFF380  }
0x8c: {  	_ =	swait.ge [sflag:s9], $0xC80  }
0x8d: {  	[sflag:s9] =	ssyncset.done $0x0  }
0x8e: {  	[sflag:s9] =	ssyncadd.s32 $0xFFFFF380  }
0x8f: {  	_ =	swait.ge [sflag:s9], $0xC80  }
0x90: {  	[sflag:s9] =	ssyncset.done $0x0  }
0x91: {  	[sflag:s9] =	ssyncadd.s32 $0xFFFFF380  }
0x92: {  	_ =	swait.ge [sflag:s10], $0xC80  }
0x93: {  	[sflag:s10] =	ssyncset.done $0x0  }
0x94: {  	[sflag:s10] =	ssyncadd.s32 $0xFFFFF380  }
0x95: {  	_ =	swait.ge [sflag:s10], $0xC80  }
0x96: {  	[sflag:s10] =	ssyncset.done $0x0  }
0x97: {  	[sflag:s10] =	ssyncadd.s32 $0xFFFFF380  }
0x98: {  	_ =	swait.ge [sflag:s10], $0xC80  }
0x99: {  	[sflag:s10] =	ssyncset.done $0x0  }
0x9a: {  	[sflag:s10] =	ssyncadd.s32 $0xFFFFF380  }
0x9b: {  	_ =	swait.ge [sflag:s10], $0xC80  }
0x9c: {  	[sflag:s10] =	ssyncset.done $0x0  }
0x9d: {  	[sflag:s10] =	ssyncadd.s32 $0xFFFFF380  }
0x9e: {  	_ =	swait.ge [sflag:s10], $0xC80  }
0x9f: {  	[sflag:s10] =	ssyncset.done $0x0  }
0xa0: {  	[sflag:s10] =	ssyncadd.s32 $0xFFFFF380  }
0xa1: {  	_ =	swait.ge [sflag:s10], $0xC80  }
0xa2: {  	[sflag:s10] =	ssyncset.done $0x0  }
0xa3: {  	[sflag:s10] =	ssyncadd.s32 $0xFFFFF380  }
0xa4: {  	_ =	swait.ge [sflag:s10], $0xC80  }
0xa5: {  	[sflag:s10] =	ssyncset.done $0x0  }
0xa6: {  	[sflag:s10] =	ssyncadd.s32 $0xFFFFF380  }
0xa7: {  	_ =	swait.ge [sflag:s10], $0xC80  }
0xa8: {  	s12 =	sld [smem:$0x7E8];
	_ =	sdelay $0x2  }
0xa9: {  	s11 =	rddreg [dreg:$0x1e];
	s12 =	sadd.s32 $0x1, s12  }
0xaa: {  	p0 =	sne.s32 s12, s11  }
.Ltmp1:
0xab: {  	_ = 	snop;
	(pc) =	sbr.rel @!p0 .LBB2_5-.Ltmp1, $3  }
0xac: {  	_ =	sdelay $0x1  }
0xad: {  	[sflag:s10] =	ssyncset.done $0x0  }
0xae: {  	[sflag:s10] =	ssyncadd.s32 $0xFFFFF380  }
.LBB2_1:
0xaf: {  	[smem:$0x7E8] =	sst s12  }
0xb0: {  	s11 =	rddreg [dreg:$0x12];
	s13 =	simm.s32 $0x9  }
0xb1: {  	[tilespmem:s1], [sflag:$0x9] =	stream.linear.gather [hbm4b:s11+s1], $0x6400, $0x38;
	[tilespmem:$0x1F400] =	vst v63  }
0xb2: {  	_ =	swait.ge [sflag:s13], $0x6400  }
0xb3: {  	[sflag:s13] =	ssyncset.done $0x0  }
0xb4: {  	s12 =	simm.s32 $0x6400;
	[sflag:s13] =	ssyncadd.s32 $0xFFFF9C00  }
0xb5: {  	[tilespmem:s12], [sflag:$0x1] =	stream.indirect.gather [hbm4b:s0+s2], $0x40, s1, s2, $0xb8;
	[tilespmem:$0x1F400] =	vst v63  }
0xb6: {  	s13 =	simm.s32 $0xC800  }
0xb7: {  	[tilespmem:s13], [sflag:$0x2] =	stream.indirect.gather [hbm4b:s0+s2], $0x40, s2, s2, $0xb8;
	[tilespmem:$0x1F400] =	vst v63  }
0xb8: {  	s14 =	simm.s32 $0x320  }
0xb9: {  	[tilespmem:s3], [sflag:$0x3] =	stream.indirect.gather [hbm4b:s0+s2], $0x40, s14, s2, $0xb8;
	[tilespmem:$0x1F400] =	vst v63  }
0xba: {  	_ =	swait.ge [sflag:s4], $0x6400  }
0xbb: {  	[sflag:s4] =	ssyncset.done $0x0  }
0xbc: {  	s14 =	rddreg [dreg:$0x3];
	[sflag:s4] =	ssyncadd.s32 $0xFFFF9C00  }
0xbd: {  	[hbm4b:s14+s1] =	stream.linear.scatter [tilespmem:s12], [sflag:$0x5], $0xC80, $0x38;
	[tilespmem:$0x1F400] =	vst v63  }
0xbe: {  	s11 =	rddreg [dreg:$0x1f];
	s14 =	simm.s32 $0x7080  }
0xbf: {  	[hbm4b:s11+s1] =	stream.linear.scatter [tilespmem:s14], [sflag:$0x5], $0xC80, $0x38;
	[tilespmem:$0x1F400] =	vst v63  }
0xc0: {  	s11 =	sld [smem:$0x7EB];
	_ =	sdelay $0x1  }
0xc1: {  	s14 =	simm.s32 $0x7D00  }
0xc2: {  	[hbm4b:s11+s1] =	stream.linear.scatter [tilespmem:s14], [sflag:$0x5], $0xC80, $0x38;
	[tilespmem:$0x1F400] =	vst v63  }
0xc3: {  	s11 =	sld [smem:$0x7EC];
	_ =	sdelay $0x1  }
0xc4: {  	s14 =	simm.s32 $0x8980  }
0xc5: {  	[hbm4b:s11+s1] =	stream.linear.scatter [tilespmem:s14], [sflag:$0x5], $0xC80, $0x38;
	[tilespmem:$0x1F400] =	vst v63  }
0xc6: {  	s11 =	sld [smem:$0x7ED];
	_ =	sdelay $0x1  }
0xc7: {  	s14 =	simm.s32 $0x9600  }
0xc8: {  	[hbm4b:s11+s1] =	stream.linear.scatter [tilespmem:s14], [sflag:$0x5], $0xC80, $0x38;
	[tilespmem:$0x1F400] =	vst v63  }
0xc9: {  	s11 =	sld [smem:$0x7EE];
	_ =	sdelay $0x1  }
0xca: {  	s14 =	simm.s32 $0xA280  }
0xcb: {  	[hbm4b:s11+s1] =	stream.linear.scatter [tilespmem:s14], [sflag:$0x5], $0xC80, $0x38;
	[tilespmem:$0x1F400] =	vst v63  }
0xcc: {  	s11 =	sld [smem:$0x7EF];
	_ =	sdelay $0x1  }
0xcd: {  	s14 =	simm.s32 $0xAF00  }
0xce: {  	[hbm4b:s11+s1] =	stream.linear.scatter [tilespmem:s14], [sflag:$0x5], $0xC80, $0x38;
	[tilespmem:$0x1F400] =	vst v63  }
0xcf: {  	s11 =	sld [smem:$0x7F0];
	_ =	sdelay $0x1  }
0xd0: {  	s14 =	simm.s32 $0xBB80  }
0xd1: {  	[hbm4b:s11+s1] =	stream.linear.scatter [tilespmem:s14], [sflag:$0x5], $0xC80, $0x38;
	[tilespmem:$0x1F400] =	vst v63  }
0xd2: {  	s14 =	simm.s32 $0x4B0  }
0xd3: {  	[tilespmem:s5], [sflag:$0x4] =	stream.indirect.gather [hbm4b:s0+s2], $0x40, s14, s2, $0xb8;
	[tilespmem:$0x1F400] =	vst v63  }
0xd4: {  	_ =	swait.ge [sflag:s6], $0x6400  }
0xd5: {  	s14 =	sld [smem:$0x7F1]  }
0xd6: {  	[sflag:s6] =	ssyncset.done $0x0  }
0xd7: {  	s11 =	sld [smem:$0x7F2];
	[sflag:s6] =	ssyncadd.s32 $0xFFFF9C00  }
0xd8: {  	[hbm4b:s14+s1] =	stream.linear.scatter [tilespmem:s13], [sflag:$0x6], $0xC80, $0x38;
	[tilespmem:$0x1F400] =	vst v63  }
0xd9: {  	s14 =	simm.s32 $0xD480  }
0xda: {  	[hbm4b:s11+s1] =	stream.linear.scatter [tilespmem:s14], [sflag:$0x6], $0xC80, $0x38;
	[tilespmem:$0x1F400] =	vst v63  }
0xdb: {  	s11 =	sld [smem:$0x7F3];
	_ =	sdelay $0x1  }
0xdc: {  	s14 =	simm.s32 $0xE100  }
0xdd: {  	[hbm4b:s11+s1] =	stream.linear.scatter [tilespmem:s14], [sflag:$0x6], $0xC80, $0x38;
	[tilespmem:$0x1F400] =	vst v63  }
0xde: {  	s11 =	sld [smem:$0x7F4];
	_ =	sdelay $0x1  }
0xdf: {  	s14 =	simm.s32 $0xED80  }
0xe0: {  	[hbm4b:s11+s1] =	stream.linear.scatter [tilespmem:s14], [sflag:$0x6], $0xC80, $0x38;
	[tilespmem:$0x1F400] =	vst v63  }
0xe1: {  	s11 =	sld [smem:$0x7F5];
	_ =	sdelay $0x1  }
0xe2: {  	s14 =	simm.s32 $0xFA00  }
0xe3: {  	[hbm4b:s11+s1] =	stream.linear.scatter [tilespmem:s14], [sflag:$0x6], $0xC80, $0x38;
	[tilespmem:$0x1F400] =	vst v63  }
0xe4: {  	s11 =	sld [smem:$0x7F6];
	_ =	sdelay $0x1  }
0xe5: {  	s14 =	simm.s32 $0x10680  }
0xe6: {  	[hbm4b:s11+s1] =	stream.linear.scatter [tilespmem:s14], [sflag:$0x6], $0xC80, $0x38;
	[tilespmem:$0x1F400] =	vst v63  }
0xe7: {  	s11 =	sld [smem:$0x7F7];
	_ =	sdelay $0x1  }
0xe8: {  	s14 =	simm.s32 $0x11300  }
0xe9: {  	[hbm4b:s11+s1] =	stream.linear.scatter [tilespmem:s14], [sflag:$0x6], $0xC80, $0x38;
	[tilespmem:$0x1F400] =	vst v63  }
0xea: {  	s11 =	sld [smem:$0x7F8];
	_ =	sdelay $0x1  }
0xeb: {  	s14 =	simm.s32 $0x11F80  }
0xec: {  	[hbm4b:s11+s1] =	stream.linear.scatter [tilespmem:s14], [sflag:$0x6], $0xC80, $0x38;
	[tilespmem:$0x1F400] =	vst v63  }
0xed: {  	_ =	swait.ge [sflag:s15], $0xC80  }
0xee: {  	[sflag:s15] =	ssyncset.done $0x0  }
0xef: {  	[sflag:s15] =	ssyncadd.s32 $0xFFFFF380  }
0xf0: {  	_ =	swait.ge [sflag:s15], $0xC80  }
0xf1: {  	[sflag:s15] =	ssyncset.done $0x0  }
0xf2: {  	[sflag:s15] =	ssyncadd.s32 $0xFFFFF380  }
0xf3: {  	_ =	swait.ge [sflag:s15], $0xC80  }
0xf4: {  	[sflag:s15] =	ssyncset.done $0x0  }
0xf5: {  	[sflag:s15] =	ssyncadd.s32 $0xFFFFF380  }
0xf6: {  	_ =	swait.ge [sflag:s15], $0xC80  }
0xf7: {  	[sflag:s15] =	ssyncset.done $0x0  }
0xf8: {  	[sflag:s15] =	ssyncadd.s32 $0xFFFFF380  }
0xf9: {  	_ =	swait.ge [sflag:s15], $0xC80  }
0xfa: {  	[sflag:s15] =	ssyncset.done $0x0  }
0xfb: {  	[sflag:s15] =	ssyncadd.s32 $0xFFFFF380  }
0xfc: {  	_ =	swait.ge [sflag:s15], $0xC80  }
0xfd: {  	[sflag:s15] =	ssyncset.done $0x0  }
0xfe: {  	[sflag:s15] =	ssyncadd.s32 $0xFFFFF380  }
0xff: {  	_ =	swait.ge [sflag:s15], $0xC80  }
0x100: {  	[sflag:s15] =	ssyncset.done $0x0  }
0x101: {  	[sflag:s15] =	ssyncadd.s32 $0xFFFFF380  }
0x102: {  	_ =	swait.ge [sflag:s15], $0xC80  }
0x103: {  	[sflag:s15] =	ssyncset.done $0x0  }
0x104: {  	[sflag:s15] =	ssyncadd.s32 $0xFFFFF380;
	s15 =	simm.s32 $0x640  }
0x105: {  	[tilespmem:s12], [sflag:$0x1] =	stream.indirect.gather [hbm4b:s0+s2], $0x40, s15, s2, $0xb8;
	[tilespmem:$0x1F400] =	vst v63  }
0x106: {  	_ =	swait.ge [sflag:s7], $0x6400  }
0x107: {  	s12 =	sld [smem:$0x7F9]  }
0x108: {  	[sflag:s7] =	ssyncset.done $0x0  }
0x109: {  	s14 =	sld [smem:$0x7FA];
	[sflag:s7] =	ssyncadd.s32 $0xFFFF9C00  }
0x10a: {  	[hbm4b:s12+s1] =	stream.linear.scatter [tilespmem:s3], [sflag:$0x7], $0xC80, $0x38;
	[tilespmem:$0x1F400] =	vst v63  }
0x10b: {  	s15 =	simm.s32 $0x13880  }
0x10c: {  	[hbm4b:s14+s1] =	stream.linear.scatter [tilespmem:s15], [sflag:$0x7], $0xC80, $0x38;
	[tilespmem:$0x1F400] =	vst v63  }
0x10d: {  	s14 =	sld [smem:$0x7FB];
	_ =	sdelay $0x1  }
0x10e: {  	s15 =	simm.s32 $0x14500  }
0x10f: {  	[hbm4b:s14+s1] =	stream.linear.scatter [tilespmem:s15], [sflag:$0x7], $0xC80, $0x38;
	[tilespmem:$0x1F400] =	vst v63  }
0x110: {  	s14 =	sld [smem:$0x7FC];
	_ =	sdelay $0x1  }
0x111: {  	s15 =	simm.s32 $0x15180  }
0x112: {  	[hbm4b:s14+s1] =	stream.linear.scatter [tilespmem:s15], [sflag:$0x7], $0xC80, $0x38;
	[tilespmem:$0x1F400] =	vst v63  }
0x113: {  	s14 =	sld [smem:$0x7FD];
	_ =	sdelay $0x1  }
0x114: {  	s15 =	simm.s32 $0x15E00  }
0x115: {  	[hbm4b:s14+s1] =	stream.linear.scatter [tilespmem:s15], [sflag:$0x7], $0xC80, $0x38;
	[tilespmem:$0x1F400] =	vst v63  }
0x116: {  	s14 =	rddreg [dreg:$0x13];
	s15 =	simm.s32 $0x16A80  }
0x117: {  	[hbm4b:s14+s1] =	stream.linear.scatter [tilespmem:s15], [sflag:$0x7], $0xC80, $0x38;
	[tilespmem:$0x1F400] =	vst v63  }
0x118: {  	s14 =	rddreg [dreg:$0x14];
	s15 =	simm.s32 $0x17700  }
0x119: {  	[hbm4b:s14+s1] =	stream.linear.scatter [tilespmem:s15], [sflag:$0x7], $0xC80, $0x38;
	[tilespmem:$0x1F400] =	vst v63  }
0x11a: {  	s14 =	rddreg [dreg:$0x15];
	s15 =	simm.s32 $0x18380  }
0x11b: {  	[hbm4b:s14+s1] =	stream.linear.scatter [tilespmem:s15], [sflag:$0x7], $0xC80, $0x38;
	[tilespmem:$0x1F400] =	vst v63  }
0x11c: {  	_ =	swait.ge [sflag:s16], $0xC80  }
0x11d: {  	[sflag:s16] =	ssyncset.done $0x0  }
0x11e: {  	[sflag:s16] =	ssyncadd.s32 $0xFFFFF380  }
0x11f: {  	_ =	swait.ge [sflag:s16], $0xC80  }
0x120: {  	[sflag:s16] =	ssyncset.done $0x0  }
0x121: {  	[sflag:s16] =	ssyncadd.s32 $0xFFFFF380  }
0x122: {  	_ =	swait.ge [sflag:s16], $0xC80  }
0x123: {  	[sflag:s16] =	ssyncset.done $0x0  }
0x124: {  	[sflag:s16] =	ssyncadd.s32 $0xFFFFF380  }
0x125: {  	_ =	swait.ge [sflag:s16], $0xC80  }
0x126: {  	[sflag:s16] =	ssyncset.done $0x0  }
0x127: {  	[sflag:s16] =	ssyncadd.s32 $0xFFFFF380  }
0x128: {  	_ =	swait.ge [sflag:s16], $0xC80  }
0x129: {  	[sflag:s16] =	ssyncset.done $0x0  }
0x12a: {  	[sflag:s16] =	ssyncadd.s32 $0xFFFFF380  }
0x12b: {  	_ =	swait.ge [sflag:s16], $0xC80  }
0x12c: {  	[sflag:s16] =	ssyncset.done $0x0  }
0x12d: {  	[sflag:s16] =	ssyncadd.s32 $0xFFFFF380  }
0x12e: {  	_ =	swait.ge [sflag:s16], $0xC80  }
0x12f: {  	[sflag:s16] =	ssyncset.done $0x0  }
0x130: {  	[sflag:s16] =	ssyncadd.s32 $0xFFFFF380  }
0x131: {  	_ =	swait.ge [sflag:s16], $0xC80  }
0x132: {  	[sflag:s16] =	ssyncset.done $0x0  }
0x133: {  	s12 =	simm.s32 $0x7D0;
	[sflag:s16] =	ssyncadd.s32 $0xFFFFF380  }
0x134: {  	[tilespmem:s13], [sflag:$0x2] =	stream.indirect.gather [hbm4b:s0+s2], $0x40, s12, s2, $0xb8;
	[tilespmem:$0x1F400] =	vst v63  }
0x135: {  	_ =	swait.ge [sflag:s8], $0x6400  }
0x136: {  	[sflag:s8] =	ssyncset.done $0x0  }
0x137: {  	s14 =	rddreg [dreg:$0x16];
	[sflag:s8] =	ssyncadd.s32 $0xFFFF9C00  }
0x138: {  	[hbm4b:s14+s1] =	stream.linear.scatter [tilespmem:s5], [sflag:$0x8], $0xC80, $0x38;
	[tilespmem:$0x1F400] =	vst v63  }
0x139: {  	s16 =	simm.s32 $0x19C80;
	s15 =	rddreg [dreg:$0x17]  }
0x13a: {  	[hbm4b:s15+s1] =	stream.linear.scatter [tilespmem:s16], [sflag:$0x8], $0xC80, $0x38;
	[tilespmem:$0x1F400] =	vst v63  }
0x13b: {  	s13 =	rddreg [dreg:$0x18];
	s14 =	simm.s32 $0x1A900  }
0x13c: {  	[hbm4b:s13+s1] =	stream.linear.scatter [tilespmem:s14], [sflag:$0x8], $0xC80, $0x38;
	[tilespmem:$0x1F400] =	vst v63  }
0x13d: {  	s15 =	rddreg [dreg:$0x19];
	s16 =	simm.s32 $0x1B580  }
0x13e: {  	[hbm4b:s15+s1] =	stream.linear.scatter [tilespmem:s16], [sflag:$0x8], $0xC80, $0x38;
	[tilespmem:$0x1F400] =	vst v63  }
0x13f: {  	s13 =	rddreg [dreg:$0x1a];
	s14 =	simm.s32 $0x1C200  }
0x140: {  	[hbm4b:s13+s1] =	stream.linear.scatter [tilespmem:s14], [sflag:$0x8], $0xC80, $0x38;
	[tilespmem:$0x1F400] =	vst v63  }
0x141: {  	s15 =	rddreg [dreg:$0x1b];
	s16 =	simm.s32 $0x1CE80  }
0x142: {  	[hbm4b:s15+s1] =	stream.linear.scatter [tilespmem:s16], [sflag:$0x8], $0xC80, $0x38;
	[tilespmem:$0x1F400] =	vst v63  }
0x143: {  	s12 =	rddreg [dreg:$0x1c];
	s13 =	simm.s32 $0x1DB00  }
0x144: {  	[hbm4b:s12+s1] =	stream.linear.scatter [tilespmem:s13], [sflag:$0x8], $0xC80, $0x38;
	[tilespmem:$0x1F400] =	vst v63  }
0x145: {  	s14 =	rddreg [dreg:$0x1d];
	s15 =	simm.s32 $0x1E780  }
0x146: {  	[hbm4b:s14+s1] =	stream.linear.scatter [tilespmem:s15], [sflag:$0x8], $0xC80, $0x38;
	[tilespmem:$0x1F400] =	vst v63  }
0x147: {  	_ =	swait.ge [sflag:s9], $0xC80  }
0x148: {  	[sflag:s9] =	ssyncset.done $0x0  }
0x149: {  	[sflag:s9] =	ssyncadd.s32 $0xFFFFF380  }
0x14a: {  	_ =	swait.ge [sflag:s9], $0xC80  }
0x14b: {  	[sflag:s9] =	ssyncset.done $0x0  }
0x14c: {  	[sflag:s9] =	ssyncadd.s32 $0xFFFFF380  }
0x14d: {  	_ =	swait.ge [sflag:s9], $0xC80  }
0x14e: {  	[sflag:s9] =	ssyncset.done $0x0  }
0x14f: {  	[sflag:s9] =	ssyncadd.s32 $0xFFFFF380  }
0x150: {  	_ =	swait.ge [sflag:s9], $0xC80  }
0x151: {  	[sflag:s9] =	ssyncset.done $0x0  }
0x152: {  	[sflag:s9] =	ssyncadd.s32 $0xFFFFF380  }
0x153: {  	_ =	swait.ge [sflag:s9], $0xC80  }
0x154: {  	[sflag:s9] =	ssyncset.done $0x0  }
0x155: {  	[sflag:s9] =	ssyncadd.s32 $0xFFFFF380  }
0x156: {  	_ =	swait.ge [sflag:s9], $0xC80  }
0x157: {  	[sflag:s9] =	ssyncset.done $0x0  }
0x158: {  	[sflag:s9] =	ssyncadd.s32 $0xFFFFF380  }
0x159: {  	_ =	swait.ge [sflag:s9], $0xC80  }
0x15a: {  	[sflag:s9] =	ssyncset.done $0x0  }
0x15b: {  	[sflag:s9] =	ssyncadd.s32 $0xFFFFF380  }
0x15c: {  	_ =	swait.ge [sflag:s9], $0xC80  }
0x15d: {  	s11 =	simm.s32 $0xFA0;
	[sflag:s9] =	ssyncset.done $0x0  }
0x15e: {  	s16 =	simm.s32 $0x960;
	s12 =	simm.s32 $0x0;
	[sflag:s9] =	ssyncadd.s32 $0xFFFFF380  }
0x15f: {  	[tilespmem:s3], [sflag:$0x3] =	stream.indirect.gather [hbm4b:s0+s2], $0x40, s16, s2, $0xb8;
	[tilespmem:$0x1F400] =	vst v63  }
.LBB2_2:
0x160: {  	_ =	swait.ge [sflag:s4], $0x6400  }
0x161: {  	s13 =	rddreg [dreg:$0xb]  }
0x162: {  	[sflag:s4] =	ssyncset.done $0x0;
	s13 =	sadd.s32 s12, s13  }
0x163: {  	[sflag:s4] =	ssyncadd.s32 $0xFFFF9C00;
	s14 =	sadd.s32 $0x3200, s13  }
0x164: {  	[hbm4b:s14+s1] =	stream.linear.scatter [tilespmem:s17], [sflag:$0x5], $0xC80, $0x38;
	[tilespmem:$0x1F400] =	vst v63  }
0x165: {  	s15 =	simm.s32 $0x7080;
	s16 =	sadd.s32 $0x3390, s13  }
0x166: {  	[hbm4b:s16+s1] =	stream.linear.scatter [tilespmem:s15], [sflag:$0x5], $0xC80, $0x38;
	[tilespmem:$0x1F400] =	vst v63  }
0x167: {  	s15 =	sadd.s32 s12, s23;
	s16 =	simm.s32 $0x7D00  }
0x168: {  	[hbm4b:s15+s1] =	stream.linear.scatter [tilespmem:s16], [sflag:$0x5], $0xC80, $0x38;
	[tilespmem:$0x1F400] =	vst v63  }
0x169: {  	s15 =	sadd.s32 s12, s22;
	s16 =	simm.s32 $0x8980  }
0x16a: {  	[hbm4b:s15+s1] =	stream.linear.scatter [tilespmem:s16], [sflag:$0x5], $0xC80, $0x38;
	[tilespmem:$0x1F400] =	vst v63  }
0x16b: {  	s15 =	sadd.s32 s12, s21;
	s16 =	simm.s32 $0x9600  }
0x16c: {  	[hbm4b:s15+s1] =	stream.linear.scatter [tilespmem:s16], [sflag:$0x5], $0xC80, $0x38;
	[tilespmem:$0x1F400] =	vst v63  }
0x16d: {  	s15 =	sadd.s32 s12, s20;
	s16 =	simm.s32 $0xA280  }
0x16e: {  	[hbm4b:s15+s1] =	stream.linear.scatter [tilespmem:s16], [sflag:$0x5], $0xC80, $0x38;
	[tilespmem:$0x1F400] =	vst v63  }
0x16f: {  	s15 =	sadd.s32 s12, s19;
	s16 =	simm.s32 $0xAF00  }
0x170: {  	[hbm4b:s15+s1] =	stream.linear.scatter [tilespmem:s16], [sflag:$0x5], $0xC80, $0x38;
	[tilespmem:$0x1F400] =	vst v63  }
0x171: {  	s15 =	sld [smem:$0x7EA];
	_ =	sdelay $0x2  }
0x172: {  	s16 =	simm.s32 $0xBB80;
	s14 =	sadd.s32 s12, s15  }
0x173: {  	[hbm4b:s14+s1] =	stream.linear.scatter [tilespmem:s16], [sflag:$0x5], $0xC80, $0x38;
	[tilespmem:$0x1F400] =	vst v63  }
0x174: {  	_ =	swait.ge [sflag:s10], $0xC80  }
0x175: {  	[sflag:s10] =	ssyncset.done $0x0  }
0x176: {  	[sflag:s10] =	ssyncadd.s32 $0xFFFFF380  }
0x177: {  	_ =	swait.ge [sflag:s10], $0xC80  }
0x178: {  	[sflag:s10] =	ssyncset.done $0x0  }
0x179: {  	[sflag:s10] =	ssyncadd.s32 $0xFFFFF380  }
0x17a: {  	_ =	swait.ge [sflag:s10], $0xC80  }
0x17b: {  	[sflag:s10] =	ssyncset.done $0x0  }
0x17c: {  	[sflag:s10] =	ssyncadd.s32 $0xFFFFF380  }
0x17d: {  	_ =	swait.ge [sflag:s10], $0xC80  }
0x17e: {  	[sflag:s10] =	ssyncset.done $0x0  }
0x17f: {  	[sflag:s10] =	ssyncadd.s32 $0xFFFFF380  }
0x180: {  	_ =	swait.ge [sflag:s10], $0xC80  }
0x181: {  	[sflag:s10] =	ssyncset.done $0x0  }
0x182: {  	[sflag:s10] =	ssyncadd.s32 $0xFFFFF380  }
0x183: {  	_ =	swait.ge [sflag:s10], $0xC80  }
0x184: {  	[sflag:s10] =	ssyncset.done $0x0  }
0x185: {  	[sflag:s10] =	ssyncadd.s32 $0xFFFFF380  }
0x186: {  	_ =	swait.ge [sflag:s10], $0xC80  }
0x187: {  	[sflag:s10] =	ssyncset.done $0x0  }
0x188: {  	[sflag:s10] =	ssyncadd.s32 $0xFFFFF380  }
0x189: {  	_ =	swait.ge [sflag:s10], $0xC80  }
0x18a: {  	[sflag:s10] =	ssyncset.done $0x0  }
0x18b: {  	s15 =	sadd.s32 $0xFFFFFB50, s11;
	[sflag:s10] =	ssyncadd.s32 $0xFFFFF380  }
0x18c: {  	[tilespmem:s5], [sflag:$0x4] =	stream.indirect.gather [hbm4b:s0+s2], $0x40, s15, s2, $0xb8;
	[tilespmem:$0x1F400] =	vst v63  }
0x18d: {  	_ =	swait.ge [sflag:s6], $0x6400  }
0x18e: {  	[sflag:s6] =	ssyncset.done $0x0;
	s15 =	sld [smem:$0x7E9]  }
0x18f: {  	s16 =	sadd.s32 $0x3E80, s13;
	[sflag:s6] =	ssyncadd.s32 $0xFFFF9C00  }
0x190: {  	[hbm4b:s16+s1] =	stream.linear.scatter [tilespmem:s18], [sflag:$0x6], $0xC80, $0x38;
	[tilespmem:$0x1F400] =	vst v63  }
0x191: {  	s16 =	simm.s32 $0xD480;
	s14 =	sadd.s32 s12, s15;
	s15 =	rddreg [dreg:$0x11]  }
0x192: {  	[hbm4b:s14+s1] =	stream.linear.scatter [tilespmem:s16], [sflag:$0x6], $0xC80, $0x38;
	[tilespmem:$0x1F400] =	vst v63  }
0x193: {  	s14 =	sadd.s32 s12, s15;
	s16 =	simm.s32 $0xE100;
	s15 =	rddreg [dreg:$0x10]  }
0x194: {  	[hbm4b:s14+s1] =	stream.linear.scatter [tilespmem:s16], [sflag:$0x6], $0xC80, $0x38;
	[tilespmem:$0x1F400] =	vst v63  }
0x195: {  	s14 =	sadd.s32 s12, s15;
	s16 =	simm.s32 $0xED80;
	s15 =	rddreg [dreg:$0xf]  }
0x196: {  	[hbm4b:s14+s1] =	stream.linear.scatter [tilespmem:s16], [sflag:$0x6], $0xC80, $0x38;
	[tilespmem:$0x1F400] =	vst v63  }
0x197: {  	s14 =	sadd.s32 s12, s15;
	s16 =	simm.s32 $0xFA00;
	s15 =	rddreg [dreg:$0xe]  }
0x198: {  	[hbm4b:s14+s1] =	stream.linear.scatter [tilespmem:s16], [sflag:$0x6], $0xC80, $0x38;
	[tilespmem:$0x1F400] =	vst v63  }
0x199: {  	s14 =	sadd.s32 s12, s15;
	s16 =	simm.s32 $0x10680;
	s15 =	rddreg [dreg:$0xd]  }
0x19a: {  	[hbm4b:s14+s1] =	stream.linear.scatter [tilespmem:s16], [sflag:$0x6], $0xC80, $0x38;
	[tilespmem:$0x1F400] =	vst v63  }
0x19b: {  	s14 =	sadd.s32 s12, s15;
	s16 =	simm.s32 $0x11300;
	s15 =	rddreg [dreg:$0xc]  }
0x19c: {  	[hbm4b:s14+s1] =	stream.linear.scatter [tilespmem:s16], [sflag:$0x6], $0xC80, $0x38;
	[tilespmem:$0x1F400] =	vst v63  }
0x19d: {  	p0 =	seq.s32 s12, $0x2BC00;
	s14 =	sadd.s32 s12, s15;
	s16 =	simm.s32 $0x11F80  }
0x19e: {  	[hbm4b:s14+s1] =	stream.linear.scatter [tilespmem:s16], [sflag:$0x6], $0xC80, $0x38;
	[tilespmem:$0x1F400] =	vst v63  }
0x19f: {  	s14 =	simm.s32 @!p0 $0x5  }
0x1a0: {  	_ =	swait.ge @!p0 [sflag:s14], $0xC80  }
0x1a1: {  	[sflag:s14] =	ssyncset.done @!p0 $0x0  }
0x1a2: {  	[sflag:s14] =	ssyncadd.s32 @!p0 $0xFFFFF380  }
0x1a3: {  	_ =	swait.ge @!p0 [sflag:s14], $0xC80  }
0x1a4: {  	[sflag:s14] =	ssyncset.done @!p0 $0x0  }
0x1a5: {  	[sflag:s14] =	ssyncadd.s32 @!p0 $0xFFFFF380  }
0x1a6: {  	_ =	swait.ge @!p0 [sflag:s14], $0xC80  }
0x1a7: {  	[sflag:s14] =	ssyncset.done @!p0 $0x0  }
0x1a8: {  	[sflag:s14] =	ssyncadd.s32 @!p0 $0xFFFFF380  }
0x1a9: {  	_ =	swait.ge @!p0 [sflag:s14], $0xC80  }
0x1aa: {  	[sflag:s14] =	ssyncset.done @!p0 $0x0  }
0x1ab: {  	[sflag:s14] =	ssyncadd.s32 @!p0 $0xFFFFF380  }
0x1ac: {  	_ =	swait.ge @!p0 [sflag:s14], $0xC80  }
0x1ad: {  	[sflag:s14] =	ssyncset.done @!p0 $0x0  }
0x1ae: {  	[sflag:s14] =	ssyncadd.s32 @!p0 $0xFFFFF380  }
0x1af: {  	_ =	swait.ge @!p0 [sflag:s14], $0xC80  }
0x1b0: {  	[sflag:s14] =	ssyncset.done @!p0 $0x0  }
0x1b1: {  	[sflag:s14] =	ssyncadd.s32 @!p0 $0xFFFFF380  }
0x1b2: {  	_ =	swait.ge @!p0 [sflag:s14], $0xC80  }
0x1b3: {  	[sflag:s14] =	ssyncset.done @!p0 $0x0  }
0x1b4: {  	[sflag:s14] =	ssyncadd.s32 @!p0 $0xFFFFF380  }
0x1b5: {  	_ =	swait.ge @!p0 [sflag:s14], $0xC80  }
0x1b6: {  	s15 =	simm.s32 @!p0 $0x190;
	[sflag:s14] =	ssyncset.done @!p0 $0x0  }
0x1b7: {  	s16 =	simm.s32 @!p0 $0x6400;
	[sflag:s14] =	ssyncadd.s32 @!p0 $0xFFFFF380;
	s14 =	sadd.s32 @!p0 $0xFFFFFCE0, s11  }
0x1b8: {  	[tilespmem:s16], [sflag:$0x1] =	stream.indirect.gather @!p0 [hbm4b:s0+s15], $0x40, s14, s15, $0xb8;
	[tilespmem:$0x1F400] =	vst v63  }
0x1b9: {  	_ =	swait.ge [sflag:s7], $0x6400  }
0x1ba: {  	[sflag:s7] =	ssyncset.done $0x0  }
0x1bb: {  	s16 =	sadd.s32 $0x4B00, s13;
	[sflag:s7] =	ssyncadd.s32 $0xFFFF9C00  }
0x1bc: {  	[hbm4b:s16+s1] =	stream.linear.scatter [tilespmem:s3], [sflag:$0x7], $0xC80, $0x38;
	[tilespmem:$0x1F400] =	vst v63  }
0x1bd: {  	s16 =	rddreg [dreg:$0xa]  }
0x1be: {  	s14 =	sadd.s32 s12, s16;
	s16 =	simm.s32 $0x13880  }
0x1bf: {  	[hbm4b:s14+s1] =	stream.linear.scatter [tilespmem:s16], [sflag:$0x7], $0xC80, $0x38;
	[tilespmem:$0x1F400] =	vst v63  }
0x1c0: {  	s16 =	rddreg [dreg:$0x9]  }
0x1c1: {  	s14 =	sadd.s32 s12, s16;
	s16 =	simm.s32 $0x14500  }
0x1c2: {  	[hbm4b:s14+s1] =	stream.linear.scatter [tilespmem:s16], [sflag:$0x7], $0xC80, $0x38;
	[tilespmem:$0x1F400] =	vst v63  }
0x1c3: {  	s16 =	rddreg [dreg:$0x8]  }
0x1c4: {  	s14 =	sadd.s32 s12, s16;
	s16 =	simm.s32 $0x15180  }
0x1c5: {  	[hbm4b:s14+s1] =	stream.linear.scatter [tilespmem:s16], [sflag:$0x7], $0xC80, $0x38;
	[tilespmem:$0x1F400] =	vst v63  }
0x1c6: {  	s16 =	rddreg [dreg:$0x7]  }
0x1c7: {  	s14 =	sadd.s32 s12, s16;
	s16 =	simm.s32 $0x15E00  }
0x1c8: {  	[hbm4b:s14+s1] =	stream.linear.scatter [tilespmem:s16], [sflag:$0x7], $0xC80, $0x38;
	[tilespmem:$0x1F400] =	vst v63  }
0x1c9: {  	s16 =	rddreg [dreg:$0x6]  }
0x1ca: {  	s14 =	sadd.s32 s12, s16;
	s16 =	simm.s32 $0x16A80  }
0x1cb: {  	[hbm4b:s14+s1] =	stream.linear.scatter [tilespmem:s16], [sflag:$0x7], $0xC80, $0x38;
	[tilespmem:$0x1F400] =	vst v63  }
0x1cc: {  	s16 =	rddreg [dreg:$0x5]  }
0x1cd: {  	s14 =	sadd.s32 s12, s16;
	s16 =	simm.s32 $0x17700  }
0x1ce: {  	[hbm4b:s14+s1] =	stream.linear.scatter [tilespmem:s16], [sflag:$0x7], $0xC80, $0x38;
	[tilespmem:$0x1F400] =	vst v63  }
0x1cf: {  	s16 =	rddreg [dreg:$0x4]  }
0x1d0: {  	s14 =	sadd.s32 s12, s16;
	s16 =	simm.s32 $0x18380  }
0x1d1: {  	[hbm4b:s14+s1] =	stream.linear.scatter [tilespmem:s16], [sflag:$0x7], $0xC80, $0x38;
	[tilespmem:$0x1F400] =	vst v63  }
0x1d2: {  	s14 =	simm.s32 @!p0 $0x6  }
0x1d3: {  	_ =	swait.ge @!p0 [sflag:s14], $0xC80  }
0x1d4: {  	[sflag:s14] =	ssyncset.done @!p0 $0x0  }
0x1d5: {  	[sflag:s14] =	ssyncadd.s32 @!p0 $0xFFFFF380  }
0x1d6: {  	_ =	swait.ge @!p0 [sflag:s14], $0xC80  }
0x1d7: {  	[sflag:s14] =	ssyncset.done @!p0 $0x0  }
0x1d8: {  	[sflag:s14] =	ssyncadd.s32 @!p0 $0xFFFFF380  }
0x1d9: {  	_ =	swait.ge @!p0 [sflag:s14], $0xC80  }
0x1da: {  	[sflag:s14] =	ssyncset.done @!p0 $0x0  }
0x1db: {  	[sflag:s14] =	ssyncadd.s32 @!p0 $0xFFFFF380  }
0x1dc: {  	_ =	swait.ge @!p0 [sflag:s14], $0xC80  }
0x1dd: {  	[sflag:s14] =	ssyncset.done @!p0 $0x0  }
0x1de: {  	[sflag:s14] =	ssyncadd.s32 @!p0 $0xFFFFF380  }
0x1df: {  	_ =	swait.ge @!p0 [sflag:s14], $0xC80  }
0x1e0: {  	[sflag:s14] =	ssyncset.done @!p0 $0x0  }
0x1e1: {  	[sflag:s14] =	ssyncadd.s32 @!p0 $0xFFFFF380  }
0x1e2: {  	_ =	swait.ge @!p0 [sflag:s14], $0xC80  }
0x1e3: {  	[sflag:s14] =	ssyncset.done @!p0 $0x0  }
0x1e4: {  	[sflag:s14] =	ssyncadd.s32 @!p0 $0xFFFFF380  }
0x1e5: {  	_ =	swait.ge @!p0 [sflag:s14], $0xC80  }
0x1e6: {  	[sflag:s14] =	ssyncset.done @!p0 $0x0  }
0x1e7: {  	[sflag:s14] =	ssyncadd.s32 @!p0 $0xFFFFF380  }
0x1e8: {  	_ =	swait.ge @!p0 [sflag:s14], $0xC80  }
0x1e9: {  	[sflag:s14] =	ssyncset.done @!p0 $0x0  }
0x1ea: {  	s16 =	simm.s32 @!p0 $0xC800;
	[sflag:s14] =	ssyncadd.s32 @!p0 $0xFFFFF380;
	s14 =	sadd.s32 @!p0 $0xFFFFFE70, s11  }
0x1eb: {  	[tilespmem:s16], [sflag:$0x2] =	stream.indirect.gather @!p0 [hbm4b:s0+s15], $0x40, s14, s15, $0xb8;
	[tilespmem:$0x1F400] =	vst v63  }
0x1ec: {  	_ =	swait.ge [sflag:s8], $0x6400  }
0x1ed: {  	[sflag:s8] =	ssyncset.done $0x0  }
0x1ee: {  	s13 =	sadd.s32 $0x5780, s13;
	[sflag:s8] =	ssyncadd.s32 $0xFFFF9C00  }
0x1ef: {  	[hbm4b:s13+s1] =	stream.linear.scatter [tilespmem:s5], [sflag:$0x8], $0xC80, $0x38;
	[tilespmem:$0x1F400] =	vst v63  }
0x1f0: {  	s15 =	sadd.s32 s12, s30;
	s16 =	simm.s32 $0x19C80  }
0x1f1: {  	[hbm4b:s15+s1] =	stream.linear.scatter [tilespmem:s16], [sflag:$0x8], $0xC80, $0x38;
	[tilespmem:$0x1F400] =	vst v63  }
0x1f2: {  	s15 =	sadd.s32 s12, s31;
	s16 =	simm.s32 $0x1A900  }
0x1f3: {  	[hbm4b:s15+s1] =	stream.linear.scatter [tilespmem:s16], [sflag:$0x8], $0xC80, $0x38;
	[tilespmem:$0x1F400] =	vst v63  }
0x1f4: {  	s15 =	sadd.s32 s12, s29;
	s16 =	simm.s32 $0x1B580  }
0x1f5: {  	[hbm4b:s15+s1] =	stream.linear.scatter [tilespmem:s16], [sflag:$0x8], $0xC80, $0x38;
	[tilespmem:$0x1F400] =	vst v63  }
0x1f6: {  	s15 =	sadd.s32 s12, s28;
	s16 =	simm.s32 $0x1C200  }
0x1f7: {  	[hbm4b:s15+s1] =	stream.linear.scatter [tilespmem:s16], [sflag:$0x8], $0xC80, $0x38;
	[tilespmem:$0x1F400] =	vst v63  }
0x1f8: {  	s15 =	sadd.s32 s12, s26;
	s16 =	simm.s32 $0x1CE80  }
0x1f9: {  	[hbm4b:s15+s1] =	stream.linear.scatter [tilespmem:s16], [sflag:$0x8], $0xC80, $0x38;
	[tilespmem:$0x1F400] =	vst v63  }
.Ltmp2:
0x1fa: {  	_ = 	snop;
	(pc) =	sbr.rel @p0 .LBB2_4-.Ltmp2, $4  }
0x1fb: {  	s15 =	sadd.s32 s12, s25;
	s16 =	simm.s32 $0x1DB00  }
0x1fc: {  	[hbm4b:s15+s1] =	stream.linear.scatter [tilespmem:s16], [sflag:$0x8], $0xC80, $0x38;
	[tilespmem:$0x1F400] =	vst v63  }
0x1fd: {  	s15 =	sadd.s32 s12, s24;
	s16 =	simm.s32 $0x1E780  }
0x1fe: {  	[hbm4b:s15+s1] =	stream.linear.scatter [tilespmem:s16], [sflag:$0x8], $0xC80, $0x38;
	[tilespmem:$0x1F400] =	vst v63  }
0x1ff: {  	_ =	swait.ge [sflag:s9], $0xC80  }
0x200: {  	[sflag:s9] =	ssyncset.done $0x0  }
0x201: {  	[sflag:s9] =	ssyncadd.s32 $0xFFFFF380  }
0x202: {  	_ =	swait.ge [sflag:s9], $0xC80  }
0x203: {  	[sflag:s9] =	ssyncset.done $0x0  }
0x204: {  	[sflag:s9] =	ssyncadd.s32 $0xFFFFF380  }
0x205: {  	_ =	swait.ge [sflag:s9], $0xC80  }
0x206: {  	[sflag:s9] =	ssyncset.done $0x0  }
0x207: {  	[sflag:s9] =	ssyncadd.s32 $0xFFFFF380  }
0x208: {  	_ =	swait.ge [sflag:s9], $0xC80  }
0x209: {  	[sflag:s9] =	ssyncset.done $0x0  }
0x20a: {  	[sflag:s9] =	ssyncadd.s32 $0xFFFFF380  }
0x20b: {  	_ =	swait.ge [sflag:s9], $0xC80  }
0x20c: {  	[sflag:s9] =	ssyncset.done $0x0  }
0x20d: {  	[sflag:s9] =	ssyncadd.s32 $0xFFFFF380  }
0x20e: {  	_ =	swait.ge [sflag:s9], $0xC80  }
0x20f: {  	[sflag:s9] =	ssyncset.done $0x0  }
0x210: {  	[sflag:s9] =	ssyncadd.s32 $0xFFFFF380  }
0x211: {  	_ =	swait.ge [sflag:s9], $0xC80  }
0x212: {  	[sflag:s9] =	ssyncset.done $0x0  }
0x213: {  	[sflag:s9] =	ssyncadd.s32 $0xFFFFF380  }
.Ltmp3:
0x214: {  	_ =	swait.ge [sflag:s9], $0xC80;
	(pc) =	sbr.rel .LBB2_2-.Ltmp3, $4  }
0x215: {  	[sflag:s9] =	ssyncset.done $0x0  }
0x216: {  	[sflag:s9] =	ssyncadd.s32 $0xFFFFF380  }
0x217: {  	[tilespmem:s3], [sflag:$0x3] =	stream.indirect.gather [hbm4b:s0+s2], $0x40, s11, s2, $0xb8;
	[tilespmem:$0x1F400] =	vst v63  }
0x218: {  	s12 =	sadd.s32 $0x3200, s12;
	s11 =	sadd.s32 $0x640, s11  }
.LBB2_5:
0x219: {  	_ =	sfence.sel $0x180000  }
0x21a: {  	[bflag:$0x0] =	sbarrier.arrive $0xFFFF  }
0x21b: {  	_ =	strace $0x90000047  }
0x21c: {  	s0 =	stileid.u32;
	[bflag:$0x2] =	sbarrier.arrive $0xFFFF  }
0x21d: {  	p0 =	sne.s32 s0, $0x0;
	s0 =	rddreg [dreg:$0x2]  }
0x21e: {  	s0 =	sadd.s32 @!p0 $0x100000, s0  }
0x21f: {  	[sflag:s0] =	ssyncadd.tile.s32 @!p0 $0x1;
	_ =	shalt  }
.Lfunc_end2:
_tile_overlayer_lowered:
.L_overlay_start_2:
0x220: {  	(tag) =	ssettag $0x2  }
0x221: {  	s0 =	rddreg [dreg:$0x0];
	s2 =	stileid.u32  }
0x222: {  	s1 =	rddreg [dreg:$0x1];
	p0 =	sne.s32 s2, $0x0  }
0x223: {  	s3 =	rddreg [dreg:$0x2];
	[bflag:$0x3] =	sbarrier.arrive $0xFFFF;
	s2 =	simm.s32 @!p0 $0x1C09  }
0x224: {  	[timem:s3], [sflag:s2] =	dma.local @!p0 [hbm:s0], s1  }
0x225: {  	s0 =	simm.s32 @!p0 $0x9  }
0x226: {  	_ =	swait.ge @!p0 [sflag:s0], s1  }
0x227: {  	s1 =	ssub.s32 @!p0 $0x0, s1;
	[sflag:s0] =	ssyncset.done @!p0 $0x0  }
0x228: {  	[sflag:s0] =	ssyncadd.s32 @!p0 s1  }
0x229: {  	[bflag:$0x3] =	sbarrier.arrive $0xFFFF  }
0x22a: {  	_ =	shalt  }

// kernel: sparse-core-data-format-call.cloned.1.call-start
scs
called_computation_lowered:
.L_overlay_start_0:
0x0: {  	s2 =	sld [smem:$0x3FD9]  }
0x1: {  	s3 =	sld [smem:$0x3FFE];
	_ =	sdelay $0x1  }
0x2: {  	s1 =	srdreg.scid  }
0x3: {  	s0 =	sand.u32 $0x1, s1  }
0x4: {  	s18 =	sshll.u32 s0, $0xA;
	s2 =	sadd.s32 s3, s2  }
0x5: {  	s2 =	sadd.s32 s2, s18  }
0x6: {  	[smem:$0x3FC6] =	sst s2  }
0x7: {  	_ = 	snop  }
0x8: {  	s2 =	sld [smem:$0x3FD0];
	(tm) =	ssettm $0x1  }
0x9: {  	s19 =	sld [smem:$0x3FFB];
	_ =	sdelay $0x3  }
0xa: {  	_ =	strace s19  }
0xb: {  	s3 =	sld [smem:$0x3FFC];
	_ =	sdelay $0x3  }
0xc: {  	_ =	strace s3  }
0xd: {  	s3 =	sld [smem:$0x3FFD];
	_ =	sdelay $0x3  }
0xe: {  	_ =	strace s3  }
0xf: {  	_ =	strace $0x8FFFFFFF  }
0x10: {  	s20 =	sld [smem:$0x3FDB];
	_ =	sdelay $0x1  }
0x11: {  	s4 =	simm.s32 $_scs_section_size  }
0x12: {  	s5 =	simm.s32 $_size__tile_overlayer_lowered;
	s6 =	simm.s32 $_tile_overlayer_lowered  }
0x13: {  	s23 =	simm.s32 $0x1BFF;
	s22 =	sshll.u32 s6, $0x1;
	s3 =	sadd.s32 s4, s20  }
0x14: {  	s7 =	simm.s32 $0x0;
	s21 =	sshll.u32 s5, $0x1;
	s5 =	sadd.s32 s22, s3  }
0x15: {  	[timem:s7], [sflag:s23] =	dma.local [hbm:s5], s21  }
0x16: {  	_ =	swait.ge [sflag:s23], s21  }
0x17: {  	s4 =	ssub.s32 $0x0, s21;
	[sflag:s23] =	ssyncset.done $0x0  }
0x18: {  	[sflag:s23] =	ssyncadd.s32 s4;
	_ =	sdelay $0x1  }
0x19: {  	s24 =	simm.s32 $0x1B8B  }
0x1a: {  	_ =	swait.ge [sflag:s24], $0x1  }
0x1b: {  	[sflag:s24] =	ssyncset.done $0x0  }
0x1c: {  	s26 =	simm.s32 $0x1B8E;
	s25 =	sld [smem:$0x3FFE];
	[sflag:s24] =	ssyncadd.s32 $0xFFFFFFFF  }
0x1d: {  	s27 =	simm.s32 $execute0_lowered;
	[smem:$0x3FD2] =	sst s26  }
0x1e: {  	s5 =	sshll.u32 s27, $0x1;
	_ =	strace $0x80000049;
	[dreg:$0x1] =	wrdreg $0xFFFFFFFF  }
0x1f: {  	s28 =	simm.s32 $_size_execute0_lowered;
	s3 =	sadd.s32 s3, s5;
	[dreg:$0x0] =	wrdreg $0x0  }
0x20: {  	s5 =	sshll.u32 s28, $0x1;
	[dreg:$0x2] =	wrdreg s3  }
0x21: {  	[dreg:$0x3] =	wrdreg s5  }
0x22: {  	[dreg:$0x4] =	wrdreg $0xC0  }
0x23: {  	_ =	task [dreg:s7], $0x5FFFF  }
0x24: {  	[dreg:$0x1] =	wrdreg $0xFFFFFFFF  }
0x25: {  	[dreg:$0x0] =	wrdreg $0x60  }
0x26: {  	[dreg:$0x2] =	wrdreg s25  }
0x27: {  	[dreg:$0x3] =	wrdreg s2  }
0x28: {  	[dreg:$0x4] =	wrdreg $0x9  }
0x29: {  	_ =	task.clear_ibuf [dreg:s7], $0x5FFFF;
	_ =	strace $0x90000049  }
0x2a: {  	s29 =	simm.s32 $0x9;
	_ =	strace $0x8000004B  }
0x2b: {  	_ =	swait.ge [sflag:s29], $0x1  }
0x2c: {  	[sflag:s29] =	ssyncadd.s32 $0xFFFFFFFF  }
0x2d: {  	_ =	strace $0x9000004B  }
0x2e: {  	_ =	sfence  }
0x2f: {  	s30 =	sld [smem:$0x0];
	_ =	sdelay $0x2  }
0x30: {  	s31 =	sshll.u32 s1, $0xD;
	s1 =	sshrl.u32 s1, $0x2  }
0x31: {  	s3 =	sand.u32 $0x4000, s31;
	s1 =	sadd.s32 s1, s30  }
0x32: {  	s0 =	sor.u32 s3, s0;
	s1 =	sshll.u32 s1, $0x11  }
0x33: {  	s0 =	sor.u32 s1, s0  }
0x34: {  	s0 =	sadd.s32 $0x8F2B, s0  }
0x35: {  	[sflag:s0] =	ssyncadd.remote.s32 $0x1  }
0x36: {  	_ =	sfence.sel $0xFFFF  }
0x37: {  	[dreg:$0x0] =	wrdreg $0xFFFFFFFF;
	(pc) =	sbr.abs _section_cstart, $3  }
0x38: {  	[dreg:$0x1] =	wrdreg $0xFFFFFFFF  }
0x39: {  	_ =	task.clear_ibuf [dreg:s7], $0x2FFFF;
	_ =	strace $0x9FFFFFFF  }
0x3a: {  	(tm) =	ssettm $0x7FFFFFFF  }
0x3b: {  	_ =	shalt  }
tec
execute0_lowered:
.L_overlay_start_1:
0x0: {  	(tag) =	ssettag $0x1  }
0x1: {  	s0 =	srdreg.scid  }
0x2: {  	s1 =	sshll.u32 s0, $0x4  }
0x3: {  	s0 =	stileid.u32;
	s1 =	sand.u32 $0x10, s1  }
0x4: {  	s1 =	sor.u32 s0, s1  }
0x5: {  	s6 =	rddreg [dreg:$0x0];
	s4 =	simm.s32 $0x1;
	s2 =	sshll.u32 s1, $0x7  }
0x6: {  	s7 =	simm.s32 $0x2;
	s12 =	simm.s32 $0x0;
	s1 =	ssub.s32 $0x4000, s2  }
0x7: {  	s8 =	simm.s32 $0x20000;
	s13 =	simm.s32 $0x0;
	s3 =	sand.u32 $0xF80, s1  }
0x8: {  	s9 =	simm.s32 $0x0;
	s5 =	sshrl.u32 s1, $0xC;
	p0 =	sne.s32 s3, $0x0  }
.Ltmp0:
0x9: {  	s1 =	rddreg [dreg:$0x2];
	s4 =	simm.s32 @!p0 $0x0;
	(pc) =	sbr.rel .LBB1_1-.Ltmp0, $4  }
0xa: {  	s11 =	simm.s32 $0x0;
	s3 =	rddreg [dreg:$0x1];
	s5 =	sadd.s32 s4, s5  }
0xb: {  	_ =	strace $0x8000004A;
	s4 =	simm.s32 $0x1;
	s5 =	smul.u32 $0x32, s5  }
0xc: {  	s6 =	sadd.s32 $0xA00, s6;
	s10 =	smov.u32 s2;
	[sflag:s4] =	ssyncpa.u1 $0x0  }
0xd: {  	p0 =	por $0x0, $0x0;
	[sflag:s7] =	ssyncpa.u1 $0x0;
	s7 =	sor.u32 $0x1, s5  }
.LBB1_4:
0xe: {  	s16 =	sshll.u32 s13, $0x3;
	s17 =	sand.u32 $0x78, s13  }
0xf: {  	s30 =	sand.u32 $0x1F800, s13;
	s12 =	sshll.u32 s12, $0x11;
	s16 =	sand.u32 $0x3C00, s16  }
0x10: {  	[tilespmem:s15+$0x810 ss:$0x81] =	vst.msk $0xffff, v2;
	s31 =	sand.u32 $0x7, s13;
	s16 =	sor.u32 s17, s16;
	s17 =	sadd.s32 s3, s30  }
0x11: {  	[tilespmem:s15+$0x1020 ss:$0x81] =	vst.msk $0xffff, v0;
	s13 =	sshll.u32 s31, $0x12;
	s12 =	sadd.s32 s12, s17;
	s16 =	sshrl.u32 s16, $0x3  }
0x12: {  	[tilespmem:s15+$0x0 ss:$0x81] =	vst.msk $0xffff, v1;
	s13 =	sor.u32 $0x400, s13;
	s12 =	sadd.s32 s16, s12  }
0x13: {  	[hbm4b:s12+s13] =	stream.strided.scatter [tilespmem:s14], [sflag:$0x2], $0x2000, s8, s13, $0x20;
	[tilespmem:$0x8080] =	vst v63  }
.LBB1_5:
0x14: {  	s14 =	sadd.s32 $0x1, s9  }
0x15: {  	s12 =	sadd.s32 $0x1000, s10;
	s16 =	smov.u32 s10;
	p2 =	sgt.s32 s14, $0x31  }
0x16: {  	s16 =	smov.u32 @p2 s12  }
0x17: {  	s14 =	simm.s32 @p2 $0x0;
	p2 =	sgt.s32 s16, $0x3FFF  }
0x18: {  	s16 =	smov.u32 @p2 s2;
	p2 =	sne.s32 s11, s7  }
.Ltmp1:
0x19: {  	p1 =	slt.u32 s11, $0x2;
	(pc) =	sbr.rel @!p2 .LBB1_6-.Ltmp1, $4  }
0x1a: {  	s15 =	simm.s32 @!p1 $0x2  }
0x1b: {  	s13 =	smov.u32 s10;
	p0 =	por !p0, !p0;
	_ =	swait.ge @!p1 [sflag:s15], $0x2000  }
0x1c: {  	s12 =	smov.u32 s9;
	[sflag:s15] =	ssyncset.done @!p1 $0x0;
	s9 =	smov.u32 s14  }
0x1d: {  	s11 =	sadd.s32 $0x1, s11;
	[sflag:s15] =	ssyncadd.s32 @!p1 $0xFFFFE000;
	s10 =	smov.u32 s16  }
.LBB1_1:
0x1e: {  	p1 =	sge.u32 s11, s5  }
0x1f: {  	s14 =	sand.u32 @!p1 $0x1FFFFFF, s9  }
0x20: {  	s15 =	smulhi.u32 @!p1 $0x4924925, s14;
	_ =	sdelay $0x1  }
0x21: {  	s15 =	smul.u32 @!p1 $0x38, s15  }
0x22: {  	s16 =	sxor.u32 @!p1 $0xFFFFFFFF, s11;
	s17 =	smul.u32 @!p1 $0x380, s10  }
0x23: {  	s31 =	sadd.s32 $0xFFFFFFFF, s11;
	s16 =	sshll.u32 @!p1 s16, $0xD;
	s14 =	ssub.s32 @!p1 s14, s15  }
0x24: {  	s15 =	sand.u32 @!p1 $0x2000, s16;
	s16 =	sadd.s32 @!p1 s6, s17;
	s14 =	sshll.u32 @!p1 s14, $0x4  }
0x25: {  	s17 =	simm.s32 @!p1 $0x1C00;
	s14 =	sadd.s32 @!p1 s14, s16;
	s16 =	simm.s32 @!p1 $0x40  }
0x26: {  	[tilespmem:s15], [sflag:$0x1] =	stream.strided.gather @!p1 [hbm4b:s14+s16], $0x2000, s17, s16, $0x38;
	[tilespmem:$0x8080] =	vst v63  }
0x27: {  	p1 =	sge.u32 s31, s5  }
.Ltmp2:
0x28: {  	_ = 	snop;
	(pc) =	sbr.rel @p1 .LBB1_5-.Ltmp2, $1  }
0x29: {  	_ =	sdelay $0x3  }
0x2a: {  	s14 =	simm.s32 $0x1  }
0x2b: {  	_ =	swait.ge [sflag:s4], $0x2000;
	s14 =	simm.s32 @!p0 $0x0  }
0x2c: {  	[sflag:s4] =	ssyncset.done $0x0;
	s15 =	sshll.u32 s14, $0xD  }
0x2d: {  	[sflag:s4] =	ssyncadd.s32 $0xFFFFE000;
	s18 =	sor.u32 $0x20, s15  }
0x2e: {  	s14 =	smul.u32 $0x8100, s14;
	v3 =	vld [tilespmem:s18+$0x10]  }
0x2f: {  	s30 =	sand.u32 $0x1, s11;
	v2 =	vld [tilespmem:s18+$0xFFFFFFF0]  }
0x30: {  	s15 =	smul.u32 $0x8100, s30;
	s14 =	sshrl.u32 s14, $0x2;
	v0 =	vld [tilespmem:s18+$0x0]  }
0x31: {  	v1 =	vld [tilespmem:s18+$0xFFFFFFE0];
	s16 =	sor.u32 $0x4000, s14  }
0x32: {  	s31 =	sshrl.u32 s15, $0x2;
	s15 =	sadd.s32 $0x0, s16  }
0x33: {  	s17 =	simm.s32 $0x4;
	s18 =	sadd.s32 $0x40, s18;
	s14 =	sor.u32 $0x4000, s31;
	[tilespmem:s15+$0x1830 ss:$0x81] =	vst.msk $0xffff, v3  }
.LBB1_3:
0x34: {  	v3 =	vld [tilespmem:s18+$0x10];
	p1 =	sne.s32 s17, $0x1FC;
	[tilespmem:s15+$0x810 ss:$0x81] =	vst.msk $0xffff, v2;
	s19 =	smov.u32 s17;
	s17 =	sadd.s32 $0x4, s17  }
.Ltmp3:
0x35: {  	v2 =	vld [tilespmem:s18+$0xFFFFFFF0];
	[tilespmem:s15+$0x1020 ss:$0x81] =	vst.msk $0xffff, v0;
	(pc) =	sbr.rel @p1 .LBB1_3-.Ltmp3, $4  }
0x36: {  	v0 =	vld [tilespmem:s18+$0x0];
	[tilespmem:s15+$0x0 ss:$0x81] =	vst.msk $0xffff, v1  }
0x37: {  	s15 =	sshra.s32 s19, $0x2;
	v1 =	vld [tilespmem:s18+$0xFFFFFFE0]  }
0x38: {  	s15 =	sadd.s32 s15, s16  }
0x39: {  	s18 =	sadd.s32 $0x40, s18;
	[tilespmem:s15+$0x1830 ss:$0x81] =	vst.msk $0xffff, v3  }
.Ltmp4:
0x3a: {  	_ = 	snop;
	(pc) =	sbr.rel .LBB1_4-.Ltmp4, $1  }
0x3b: {  	_ =	sdelay $0x3  }
.LBB1_6:
0x3c: {  	_ =	sfence.sel $0x180000  }
0x3d: {  	s2 =	simm.s32 $0x1;
	[bflag:$0x0] =	sbarrier.arrive $0xFFFF  }
0x3e: {  	s31 =	simm.s32 $0x2;
	[sflag:s2] =	ssyncpa.u1 $0x1  }
0x3f: {  	[sflag:s31] =	ssyncpa.u1 $0x1  }
0x40: {  	p0 =	sne.s32 s0, $0x0;
	_ =	strace $0x9000004A  }
0x41: {  	s0 =	sadd.s32 @!p0 $0x100000, s1;
	[bflag:$0x2] =	sbarrier.arrive $0xFFFF  }
0x42: {  	[sflag:s0] =	ssyncadd.tile.s32 @!p0 $0x1;
	_ =	shalt  }
.Lfunc_end1:
_tile_overlayer_lowered:
.L_overlay_start_2:
0x43: {  	(tag) =	ssettag $0x2  }
0x44: {  	s0 =	rddreg [dreg:$0x0];
	s2 =	stileid.u32  }
0x45: {  	s1 =	rddreg [dreg:$0x1];
	p0 =	sne.s32 s2, $0x0  }
0x46: {  	s3 =	rddreg [dreg:$0x2];
	[bflag:$0x3] =	sbarrier.arrive $0xFFFF;
	s2 =	simm.s32 @!p0 $0x1C01  }
0x47: {  	[timem:s3], [sflag:s2] =	dma.local @!p0 [hbm:s0], s1  }
0x48: {  	s0 =	simm.s32 @!p0 $0x1  }
0x49: {  	_ =	swait.ge @!p0 [sflag:s0], s1  }
0x4a: {  	s1 =	ssub.s32 @!p0 $0x0, s1;
	[sflag:s0] =	ssyncset.done @!p0 $0x0  }
0x4b: {  	[sflag:s0] =	ssyncadd.s32 @!p0 s1  }
0x4c: {  	[bflag:$0x3] =	sbarrier.arrive $0xFFFF  }
0x4d: {  	_ =	shalt  }

</sc_bundles>
